<compile_context>
chip_gen: v7x
topology: tpu7x:2x2x1
jax: 0.10.2.dev20260603
libtpu: 0.0.44.dev20260713+nightly
codegen_flags: <defaults>
</compile_context>

<pallas_src>
import functools

import jax
import jax.numpy as jnp
import numpy as np
from jax import lax
from jax.experimental import pallas as pl
from jax.experimental.pallas import tpu as pltpu
from jax.experimental.pallas import tpu_sc as plsc

B = 4
KTOP = 64
C = 16
N = 8192
F = 32
Q = KTOP * C
QTOT = B * Q
KNN = 32
ROW_OUT = KNN * (3 + F)

NW = 32
QPW = QTOT // NW
WPB = Q // QPW

_INF = np.float32(np.inf)



def _tc_d2_body(q_ref, t_ref, d2_ref):
    q = q_ref[0]
    t = t_ref[0]
    q2 = jnp.sum(q * q, axis=1)
    r2 = jnp.sum(t * t, axis=1)
    prod = lax.dot_general(q, t, (((1,), (1,)), ((), ())),
                           preferred_element_type=jnp.float32)
    d2_ref[0] = q2[:, None] + r2[None, :] - 2.0 * prod


def _tc_d2(qp, tp):
    NT = 512
    return pl.pallas_call(
        _tc_d2_body,
        grid=(B, N // NT),
        in_specs=[
            pl.BlockSpec((1, Q, 3), lambda b, n: (b, 0, 0)),
            pl.BlockSpec((1, NT, 3), lambda b, n: (b, n, 0)),
        ],
        out_specs=pl.BlockSpec((1, Q, NT), lambda b, n: (b, 0, n)),
        out_shape=jax.ShapeDtypeStruct((B, Q, N), jnp.float32),
    )(qp, tp)



def _any_below(v, m_splat):
    cnt = plsc.all_reduce_population_count(v < m_splat)
    return cnt[0] > 0


def _merge_topk(v, iv, carry):
    lo, hi, ilo, ihi, m = carry
    mask = v < m
    cv = jnp.where(mask, v, _INF)
    ci = jnp.where(mask, iv, 0)
    cv, ci = plsc.sort_key_val(cv, ci)
    rc = jnp.flip(cv)
    ric = jnp.flip(ci)
    le = lo <= rc
    a = jnp.minimum(lo, rc)
    ia = jnp.where(le, ilo, ric)
    bm = jnp.maximum(lo, rc)
    ib = jnp.where(le, ric, ilo)
    lo2, ilo2 = plsc.sort_key_val(a, ia)
    bs, ibs = plsc.sort_key_val(bm, ib)
    rb = jnp.flip(bs)
    rib = jnp.flip(ibs)
    le2 = hi <= rb
    c2 = jnp.minimum(hi, rb)
    ic2 = jnp.where(le2, ihi, rib)
    hi2, ihi2 = plsc.sort_key_val(c2, ic2)
    m2 = jnp.full((16,), hi2[15], jnp.float32)
    return (lo2, hi2, ilo2, ihi2, m2)


def _tie_fix(lo, hi, ilo, ihi, iota):
    even_mask = (iota & 1) == 0
    odd_mask = (iota & 1) == 1
    pe = iota ^ 1
    po = jnp.where((iota == 0) | (iota == 15), iota,
                   jnp.where(odd_mask, iota + 1, iota - 1))

    def fix(v, i, pv, pi, take_lower):
        eq = v == pv
        return jnp.where(eq, jnp.where(take_lower, jnp.minimum(i, pi),
                                       jnp.maximum(i, pi)), i)

    def g(x, p):
        return x.at[p].get(mode="promise_in_bounds")

    for _ in range(2):
        ilo = fix(lo, ilo, g(lo, pe), g(ilo, pe), even_mask)
        ihi = fix(hi, ihi, g(hi, pe), g(ihi, pe), even_mask)
        is15 = iota == 15
        is0 = iota == 0
        ilo_prev = ilo
        pv = jnp.where(is15, jnp.full((16,), hi[0], jnp.float32),
                       g(lo, po))
        pi = jnp.where(is15, jnp.full((16,), ihi[0], jnp.int32),
                       g(ilo, po))
        ilo = fix(lo, ilo, pv, pi, odd_mask)
        pv = jnp.where(is0, jnp.full((16,), lo[15], jnp.float32),
                       g(hi, po))
        pi = jnp.where(is0, jnp.full((16,), ilo_prev[15], jnp.int32),
                       g(ihi, po))
        ihi = fix(hi, ihi, pv, pi, odd_mask)
    return ilo, ihi


def _heron_sqrt(x):
    i = lax.bitcast_convert_type(x, jnp.int32)
    i = (i >> 1) + np.int32(0x1FBD1DF5)
    y = lax.bitcast_convert_type(i, jnp.float32)
    for _ in range(4):
        y = 0.5 * (y + x / y)
    return y


def _make_sc_kernel():
    mesh = plsc.VectorSubcoreMesh(core_axis_name="c", subcore_axis_name="s")

    @functools.partial(
        pl.kernel,
        out_type=jax.ShapeDtypeStruct((QTOT * ROW_OUT,), jnp.float32),
        mesh=mesh,
        compiler_params=pltpu.CompilerParams(needs_layout_passes=False,
                                             use_tc_tiling_on_sc=False),
        scratch_types=[
            pltpu.VMEM((N,), jnp.float32),
            pltpu.VMEM((N,), jnp.float32),
            pltpu.VMEM((N,), jnp.float32),
            pltpu.VMEM((N,), jnp.float32),
            pltpu.VMEM((N,), jnp.float32),
            pltpu.VMEM((QPW * 3 + 16,), jnp.float32),
            pltpu.VMEM((KNN, F), jnp.float32),
            pltpu.VMEM((ROW_OUT,), jnp.float32),
            pltpu.SemaphoreType.DMA,
            pltpu.SemaphoreType.DMA,
        ],
    )
    def sc_kernel(d2_hbm, x_hbm, y_hbm, z_hbm, q_hbm, feat_hbm, out_hbm,
                  rowbuf0, rowbuf1, xbuf, ybuf, zbuf, qbuf, featbuf, outbuf,
                  rsem, fsem):
        cid = lax.axis_index("c")
        sid = lax.axis_index("s")
        wid = cid * 16 + sid
        b = wid // WPB
        q0 = wid * QPW

        pltpu.sync_copy(x_hbm.at[pl.ds(b * N, N)], xbuf)
        pltpu.sync_copy(y_hbm.at[pl.ds(b * N, N)], ybuf)
        pltpu.sync_copy(z_hbm.at[pl.ds(b * N, N)], zbuf)
        pltpu.sync_copy(q_hbm.at[pl.ds(q0 * 3, QPW * 3)],
                        qbuf.at[pl.ds(0, QPW * 3)])

        iota = lax.iota(jnp.int32, 16)
        offs_lo = iota * (3 + F)
        offs_hi = offs_lo + 16 * (3 + F)

        pltpu.async_copy(d2_hbm.at[pl.ds(q0 * N, N)], rowbuf0, rsem)

        def process(iq, row, nextrow):
            gq = q0 + iq
            pltpu.make_async_copy(d2_hbm.at[pl.ds(gq * N, N)], row,
                                  rsem).wait()

            @pl.when(iq < QPW - 1)
            def _prefetch():
                pltpu.async_copy(d2_hbm.at[pl.ds((gq + 1) * N, N)],
                                 nextrow, rsem)

            zero_i = jnp.zeros((16,), jnp.int32)
            inf_v = jnp.full((16,), _INF, jnp.float32)

            @plsc.parallel_loop(0, N // 32, unroll=4,
                                carry=(inf_v, inf_v, zero_i, zero_i, inf_v))
            def selection(g, carry):
                base = g * 32
                vs = [row[pl.ds(base + 16 * j, 16)] for j in range(2)]
                gm = jnp.minimum(vs[0], vs[1])

                def hit(cr):
                    for j in range(2):
                        vj = vs[j]
                        ivj = iota + (base + 16 * j)

                        def do_merge(c2, vj=vj, ivj=ivj):
                            return _merge_topk(vj, ivj, c2)

                        cr = lax.cond(_any_below(vj, cr[4]), do_merge,
                                      lambda c2: c2, cr)
                    return cr

                return lax.cond(_any_below(gm, carry[4]), hit,
                                lambda c2: c2, carry)

            lo, hi, ilo, ihi, _m = selection
            ilo, ihi = _tie_fix(lo, hi, ilo, ihi, iota)

            dlo = _heron_sqrt(jnp.maximum(lo, 1e-12))
            dhi = _heron_sqrt(jnp.maximum(hi, 1e-12))
            dsum = dlo + dhi
            for k in (1, 2, 4, 8):
                dsum = dsum + dsum.at[iota ^ k].get(
                    mode="promise_in_bounds")
            wlo = dlo / dsum
            whi = dhi / dsum

            gidx_lo = ilo + b * N
            gidx_hi = ihi + b * N
            fcp1 = pltpu.async_copy(feat_hbm.at[gidx_lo],
                                    featbuf.at[pl.ds(0, 16)], fsem)
            fcp2 = pltpu.async_copy(feat_hbm.at[gidx_hi],
                                    featbuf.at[pl.ds(16, 16)], fsem)

            qv = qbuf[pl.ds(3 * iq, 16)]
            qx = qv[0]
            qy = qv[1]
            qz = qv[2]
            dxl = plsc.load_gather(xbuf, [ilo]) - qx
            dyl = plsc.load_gather(ybuf, [ilo]) - qy
            dzl = plsc.load_gather(zbuf, [ilo]) - qz
            dxh = plsc.load_gather(xbuf, [ihi]) - qx
            dyh = plsc.load_gather(ybuf, [ihi]) - qy
            dzh = plsc.load_gather(zbuf, [ihi]) - qz
            plsc.store_scatter(outbuf, [offs_lo], dxl)
            plsc.store_scatter(outbuf, [offs_lo + 1], dyl)
            plsc.store_scatter(outbuf, [offs_lo + 2], dzl)
            plsc.store_scatter(outbuf, [offs_hi], dxh)
            plsc.store_scatter(outbuf, [offs_hi + 1], dyh)
            plsc.store_scatter(outbuf, [offs_hi + 2], dzh)

            fcp1.wait()
            fcp2.wait()
            for j in range(KNN):
                fl = featbuf[j, pl.ds(0, 16)]
                fh = featbuf[j, pl.ds(16, 16)]
                o = j * (3 + F) + 3
                outbuf[pl.ds(o, 16)] = fl * wlo
                outbuf[pl.ds(o + 16, 16)] = fh * whi

            pltpu.sync_copy(outbuf, out_hbm.at[pl.ds(gq * ROW_OUT, ROW_OUT)])

        def pair_body(it, carry):
            process(it * 2, rowbuf0, rowbuf1)
            process(it * 2 + 1, rowbuf1, rowbuf0)
            return carry

        lax.fori_loop(0, QPW // 2, pair_body, 0)

    return sc_kernel


_sc_kernel = _make_sc_kernel()


def kernel(candidate_pts, src_keypts, tgt_pts_xyz, tgt_deep_feat_pts):
    del src_keypts
    d2 = _tc_d2(candidate_pts.reshape(B, Q, 3), tgt_pts_xyz)

    tt = tgt_pts_xyz.transpose(0, 2, 1)
    x = tt[:, 0, :].reshape(-1)
    y = tt[:, 1, :].reshape(-1)
    z = tt[:, 2, :].reshape(-1)
    q_flat = candidate_pts.reshape(-1)
    feat_flat = tgt_deep_feat_pts.reshape(B * N, F)

    out_flat = _sc_kernel(d2.reshape(-1), x, y, z, q_flat, feat_flat)
    return out_flat.reshape(B, KTOP, C, KNN, 3 + F)

# --- scband reference (transcript-rebuilt; emitter-appended) ---
"""Pipeline reference for scband-get-cat-feat-tgt-82669530513430 (READ-ONLY COPY).

The authoritative reference and input builder live on the scoring server;
editing this copy changes nothing except your own understanding.
"""

import jax, jax.numpy as jnp
import numpy as np


def setup_inputs(seed: int = 0) -> dict:
    key = jax.random.key(seed)
    k1, k2, k3, k4 = jax.random.split(key, 4)
    B, K_topk, C, N, F = 4, 64, 16, 8192, 32
    return {
        "candidate_pts": jax.random.normal(k1, (B, K_topk, C, 3), dtype=jnp.float32),
        "src_keypts": jax.random.normal(k2, (B, K_topk, 3), dtype=jnp.float32),
        "tgt_pts_xyz": jax.random.normal(k3, (B, N, 3), dtype=jnp.float32),
        "tgt_deep_feat_pts": jax.random.normal(k4, (B, N, F), dtype=jnp.float32),
    }


def reference(candidate_pts, src_keypts, tgt_pts_xyz, tgt_deep_feat_pts):
    B, K_topk, C, _ = candidate_pts.shape
    N = tgt_pts_xyz.shape[1]
    F = tgt_deep_feat_pts.shape[2]
    nsample = 32
    k_nn = 32
    # flatten candidates into query set (B, Q, 3)
    query_pts = candidate_pts.reshape(B, K_topk * C, 3)
    # brute-force KNN (replacing KNN_CUDA): pairwise squared distances
    q2 = jnp.sum(query_pts * query_pts, axis=-1, keepdims=True)          # (B, Q, 1)
    r2 = jnp.sum(tgt_pts_xyz * tgt_pts_xyz, axis=-1)[:, None, :]          # (B, 1, N)
    d2 = q2 + r2 - 2.0 * jnp.einsum('bqd,bnd->bqn', query_pts, tgt_pts_xyz)  # (B, Q, N)
    neg_d2, idx = jax.lax.top_k(-d2, k_nn)                                # k smallest distances
    dist = jnp.sqrt(jnp.maximum(-neg_d2, 1e-12))                          # (B, Q, k_nn) euclidean
    # candidate_pts.unsqueeze(3).repeat(1,1,1,nsample,1)
    candidate_pts_k = jnp.broadcast_to(candidate_pts[:, :, :, None, :], (B, K_topk, C, nsample, 3))
    dist_sum = jnp.sum(dist, axis=2, keepdims=True)
    dist_normalize = dist / dist_sum                                      # (B, Q, k_nn)
    # dist_normalize.unsqueeze(2).repeat(1,1,k_nn,1) -> (B, Q, k_nn, k_nn)
    feat_weight_map = jnp.broadcast_to(dist_normalize[:, :, None, :], (B, K_topk * C, k_nn, k_nn))
    # batched gather (intended semantics of the idx_1_mask / idx_2_mask indexing)
    batch_idx = jnp.arange(B)[:, None, None]                              # (B,1,1) broadcast vs idx (B,Q,k)
    tgt_feat_picked = tgt_deep_feat_pts[batch_idx, idx, :].reshape(B, K_topk, C, k_nn, F)
    tgt_pts_picked = tgt_pts_xyz[batch_idx, idx, :].reshape(B, K_topk, C, k_nn, 3)
    candidates_grouped_local = tgt_pts_picked - candidate_pts_k
    fwm = feat_weight_map.reshape(B, K_topk, C, k_nn, F)
    tgt_feat_norm = tgt_feat_picked * fwm
    tgt_keyfeats_cat = jnp.concatenate((candidates_grouped_local, tgt_feat_norm), axis=4)
    return tgt_keyfeats_cat

if __name__ == "__main__":
    import jax
    _d = setup_inputs()
    print(jax.jit(kernel)(*tuple(_d.values())))

</pallas_src>

<mosaic_0001>
#map = affine_map<(d0, d1) -> (0)>
#map1 = affine_map<(d0, d1) -> (0, 0)>
module attributes {stable_mosaic.version = 14 : i64} {
  func.func @sc_kernel(%arg0: i32, %arg1: i32, %arg2: memref<33554432xf32, #tpu.memory_space<hbm>>, %arg3: memref<32768xf32, #tpu.memory_space<hbm>>, %arg4: memref<32768xf32, #tpu.memory_space<hbm>>, %arg5: memref<32768xf32, #tpu.memory_space<hbm>>, %arg6: memref<12288xf32, #tpu.memory_space<hbm>>, %arg7: memref<32768x32xf32, #tpu.memory_space<hbm>>, %arg8: memref<4587520xf32, #tpu.memory_space<hbm>>, %arg9: memref<8192xf32, #tpu.memory_space<vmem>>, %arg10: memref<8192xf32, #tpu.memory_space<vmem>>, %arg11: memref<8192xf32, #tpu.memory_space<vmem>>, %arg12: memref<8192xf32, #tpu.memory_space<vmem>>, %arg13: memref<8192xf32, #tpu.memory_space<vmem>>, %arg14: memref<400xf32, #tpu.memory_space<vmem>>, %arg15: memref<32x32xf32, #tpu.memory_space<vmem>>, %arg16: memref<1120xf32, #tpu.memory_space<vmem>>, %arg17: memref<!tpu.dma_semaphore, #tpu.memory_space<semaphore_mem>>, %arg18: memref<!tpu.dma_semaphore, #tpu.memory_space<semaphore_mem>>) attributes {dimension_semantics = [#tpu.dimension_semantics<core_parallel>, #tpu.dimension_semantics<subcore_parallel>], iteration_bounds = array<i64: 2, 16>, scalar_prefetch = 0 : i64, scratch_operands = 10 : i64, tpu.core_type = #tpu.core_type<sc_vector_subcore>, window_params = [{transform_indices = #map}, {transform_indices = #map}, {transform_indices = #map}, {transform_indices = #map}, {transform_indices = #map}, {transform_indices = #map1}, {transform_indices = #map}]} {
    %mul3A = arith.constant 16 : i32
    %mul3A_0 = arith.muli %arg0, %mul3A : i32
    %add3A = arith.addi %mul3A_0, %arg1 : i32
    %jit3A = arith.constant 8 : i32
    %div3A = arith.divsi %add3A, %jit3A : i32
    %sign3A = arith.constant 0 : i32
    %sign3A_1 = arith.cmpi sgt, %add3A, %sign3A : i32
    %sign3A_2 = arith.extui %sign3A_1 : i1 to i32
    %sign3A_3 = arith.constant 0 : i32
    %sign3A_4 = arith.cmpi slt, %add3A, %sign3A_3 : i32
    %sign3A_5 = arith.extui %sign3A_4 : i1 to i32
    %sign3A_6 = arith.subi %sign3A_2, %sign3A_5 : i32
    %sign3A_7 = arith.constant 0 : i32
    %sign3A_8 = arith.cmpi sgt, %jit3A, %sign3A_7 : i32
    %sign3A_9 = arith.extui %sign3A_8 : i1 to i32
    %sign3A_10 = arith.constant 0 : i32
    %sign3A_11 = arith.cmpi slt, %jit3A, %sign3A_10 : i32
    %sign3A_12 = arith.extui %sign3A_11 : i1 to i32
    %sign3A_13 = arith.subi %sign3A_9, %sign3A_12 : i32
    %ne3A = arith.cmpi ne, %sign3A_6, %sign3A_13 : i32
    %rem3A = arith.remsi %add3A, %jit3A : i32
    %ne3A_14 = arith.constant 0 : i32
    %ne3A_15 = arith.cmpi ne, %rem3A, %ne3A_14 : i32
    %and3A = arith.andi %ne3A, %ne3A_15 : i1
    %sub3A = arith.constant 1 : i32
    %sub3A_16 = arith.subi %div3A, %sub3A : i32
    %select_n3A = arith.select %and3A, %sub3A_16, %div3A : i32
    %mul3A_17 = arith.constant 128 : i32
    %mul3A_18 = arith.muli %add3A, %mul3A_17 : i32
    %mul3A_19 = arith.constant 8192 : i32
    %mul3A_20 = arith.muli %select_n3A, %mul3A_19 : i32
    "tpu.region"() ({
      %run_scoped3A = tpu.sem_alloc : memref<!tpu.dma_semaphore, #tpu.memory_space<semaphore_mem>>
      %dma_start3A_41 = tpu.memref_slice %arg3[%mul3A_20] : memref<32768xf32, #tpu.memory_space<hbm>> -> memref<8192xf32, #tpu.memory_space<hbm>>
      %dma_start3A_42 = tpu.memref_slice %arg3[%mul3A_20] : memref<32768xf32, #tpu.memory_space<hbm>> -> memref<8192xf32, #tpu.memory_space<hbm>>
      tpu.enqueue_dma source(%dma_start3A_42 : memref<8192xf32, #tpu.memory_space<hbm>>) target(%arg11 : memref<8192xf32, #tpu.memory_space<vmem>>) target_semaphore(%run_scoped3A : memref<!tpu.dma_semaphore, #tpu.memory_space<semaphore_mem>>)
      %dma_wait3A = tpu.memref_slice %arg3[%mul3A_20] : memref<32768xf32, #tpu.memory_space<hbm>> -> memref<8192xf32, #tpu.memory_space<hbm>>
      %dma_wait3A_43 = tpu.memref_slice %arg3[%mul3A_20] : memref<32768xf32, #tpu.memory_space<hbm>> -> memref<8192xf32, #tpu.memory_space<hbm>>
      tpu.wait_dma2 semaphore(%run_scoped3A : memref<!tpu.dma_semaphore, #tpu.memory_space<semaphore_mem>>) src(%dma_wait3A_43 : memref<8192xf32, #tpu.memory_space<hbm>>) dst(%arg11 : memref<8192xf32, #tpu.memory_space<vmem>>)
      tpu.yield
    }) : () -> ()
    %mul3A_21 = arith.constant 8192 : i32
    %mul3A_22 = arith.muli %select_n3A, %mul3A_21 : i32
    "tpu.region"() ({
      %run_scoped3A = tpu.sem_alloc : memref<!tpu.dma_semaphore, #tpu.memory_space<semaphore_mem>>
      %dma_start3A_41 = tpu.memref_slice %arg4[%mul3A_22] : memref<32768xf32, #tpu.memory_space<hbm>> -> memref<8192xf32, #tpu.memory_space<hbm>>
      %dma_start3A_42 = tpu.memref_slice %arg4[%mul3A_22] : memref<32768xf32, #tpu.memory_space<hbm>> -> memref<8192xf32, #tpu.memory_space<hbm>>
      tpu.enqueue_dma source(%dma_start3A_42 : memref<8192xf32, #tpu.memory_space<hbm>>) target(%arg12 : memref<8192xf32, #tpu.memory_space<vmem>>) target_semaphore(%run_scoped3A : memref<!tpu.dma_semaphore, #tpu.memory_space<semaphore_mem>>)
      %dma_wait3A = tpu.memref_slice %arg4[%mul3A_22] : memref<32768xf32, #tpu.memory_space<hbm>> -> memref<8192xf32, #tpu.memory_space<hbm>>
      %dma_wait3A_43 = tpu.memref_slice %arg4[%mul3A_22] : memref<32768xf32, #tpu.memory_space<hbm>> -> memref<8192xf32, #tpu.memory_space<hbm>>
      tpu.wait_dma2 semaphore(%run_scoped3A : memref<!tpu.dma_semaphore, #tpu.memory_space<semaphore_mem>>) src(%dma_wait3A_43 : memref<8192xf32, #tpu.memory_space<hbm>>) dst(%arg12 : memref<8192xf32, #tpu.memory_space<vmem>>)
      tpu.yield
    }) : () -> ()
    %mul3A_23 = arith.constant 8192 : i32
    %mul3A_24 = arith.muli %select_n3A, %mul3A_23 : i32
    "tpu.region"() ({
      %run_scoped3A = tpu.sem_alloc : memref<!tpu.dma_semaphore, #tpu.memory_space<semaphore_mem>>
      %dma_start3A_41 = tpu.memref_slice %arg5[%mul3A_24] : memref<32768xf32, #tpu.memory_space<hbm>> -> memref<8192xf32, #tpu.memory_space<hbm>>
      %dma_start3A_42 = tpu.memref_slice %arg5[%mul3A_24] : memref<32768xf32, #tpu.memory_space<hbm>> -> memref<8192xf32, #tpu.memory_space<hbm>>
      tpu.enqueue_dma source(%dma_start3A_42 : memref<8192xf32, #tpu.memory_space<hbm>>) target(%arg13 : memref<8192xf32, #tpu.memory_space<vmem>>) target_semaphore(%run_scoped3A : memref<!tpu.dma_semaphore, #tpu.memory_space<semaphore_mem>>)
      %dma_wait3A = tpu.memref_slice %arg5[%mul3A_24] : memref<32768xf32, #tpu.memory_space<hbm>> -> memref<8192xf32, #tpu.memory_space<hbm>>
      %dma_wait3A_43 = tpu.memref_slice %arg5[%mul3A_24] : memref<32768xf32, #tpu.memory_space<hbm>> -> memref<8192xf32, #tpu.memory_space<hbm>>
      tpu.wait_dma2 semaphore(%run_scoped3A : memref<!tpu.dma_semaphore, #tpu.memory_space<semaphore_mem>>) src(%dma_wait3A_43 : memref<8192xf32, #tpu.memory_space<hbm>>) dst(%arg13 : memref<8192xf32, #tpu.memory_space<vmem>>)
      tpu.yield
    }) : () -> ()
    %mul3A_25 = arith.constant 3 : i32
    %mul3A_26 = arith.muli %mul3A_18, %mul3A_25 : i32
    "tpu.region"() ({
      %run_scoped3A = tpu.sem_alloc : memref<!tpu.dma_semaphore, #tpu.memory_space<semaphore_mem>>
      %dma_start3A_41 = arith.constant 0 : i32
      %dma_start3A_42 = tpu.memref_slice %arg14[%dma_start3A_41] : memref<400xf32, #tpu.memory_space<vmem>> -> memref<384xf32, #tpu.memory_space<vmem>>
      %dma_start3A_43 = tpu.memref_slice %arg6[%mul3A_26] : memref<12288xf32, #tpu.memory_space<hbm>> -> memref<384xf32, #tpu.memory_space<hbm>>
      %dma_start3A_44 = arith.constant 0 : i32
      %dma_start3A_45 = tpu.memref_slice %arg14[%dma_start3A_44] : memref<400xf32, #tpu.memory_space<vmem>> -> memref<384xf32, #tpu.memory_space<vmem>>
      %dma_start3A_46 = tpu.memref_slice %arg6[%mul3A_26] : memref<12288xf32, #tpu.memory_space<hbm>> -> memref<384xf32, #tpu.memory_space<hbm>>
      tpu.enqueue_dma source(%dma_start3A_46 : memref<384xf32, #tpu.memory_space<hbm>>) target(%dma_start3A_45 : memref<384xf32, #tpu.memory_space<vmem>>) target_semaphore(%run_scoped3A : memref<!tpu.dma_semaphore, #tpu.memory_space<semaphore_mem>>)
      %dma_wait3A = arith.constant 0 : i32
      %dma_wait3A_47 = tpu.memref_slice %arg14[%dma_wait3A] : memref<400xf32, #tpu.memory_space<vmem>> -> memref<384xf32, #tpu.memory_space<vmem>>
      %dma_wait3A_48 = tpu.memref_slice %arg6[%mul3A_26] : memref<12288xf32, #tpu.memory_space<hbm>> -> memref<384xf32, #tpu.memory_space<hbm>>
      %dma_wait3A_49 = arith.constant 0 : i32
      %dma_wait3A_50 = tpu.memref_slice %arg14[%dma_wait3A_49] : memref<400xf32, #tpu.memory_space<vmem>> -> memref<384xf32, #tpu.memory_space<vmem>>
      %dma_wait3A_51 = tpu.memref_slice %arg6[%mul3A_26] : memref<12288xf32, #tpu.memory_space<hbm>> -> memref<384xf32, #tpu.memory_space<hbm>>
      tpu.wait_dma2 semaphore(%run_scoped3A : memref<!tpu.dma_semaphore, #tpu.memory_space<semaphore_mem>>) src(%dma_wait3A_51 : memref<384xf32, #tpu.memory_space<hbm>>) dst(%dma_wait3A_50 : memref<384xf32, #tpu.memory_space<vmem>>)
      tpu.yield
    }) : () -> ()
    %iota3A = tpu.iota {dimensions = array<i32: 0>} : vector<16xi32>
    %mul3A_27 = arith.constant 35 : i32
    %mul3A_28 = vector.broadcast %mul3A_27 : i32 to vector<16xi32>
    %mul3A_29 = arith.muli %iota3A, %mul3A_28 : vector<16xi32>
    %add3A_30 = arith.constant 560 : i32
    %add3A_31 = vector.broadcast %add3A_30 : i32 to vector<16xi32>
    %add3A_32 = arith.addi %mul3A_29, %add3A_31 : vector<16xi32>
    %mul3A_33 = arith.constant 8192 : i32
    %mul3A_34 = arith.muli %mul3A_18, %mul3A_33 : i32
    %dma_start3A = tpu.memref_slice %arg2[%mul3A_34] : memref<33554432xf32, #tpu.memory_space<hbm>> -> memref<8192xf32, #tpu.memory_space<hbm>>
    %dma_start3A_35 = tpu.memref_slice %arg2[%mul3A_34] : memref<33554432xf32, #tpu.memory_space<hbm>> -> memref<8192xf32, #tpu.memory_space<hbm>>
    tpu.enqueue_dma source(%dma_start3A_35 : memref<8192xf32, #tpu.memory_space<hbm>>) target(%arg9 : memref<8192xf32, #tpu.memory_space<vmem>>) target_semaphore(%arg17 : memref<!tpu.dma_semaphore, #tpu.memory_space<semaphore_mem>>)
    %scan3A = arith.constant 0 : i32
    %scan3A_36 = arith.constant 0 : i32
    %scan3A_37 = arith.constant 64 : i32
    %scan3A_38 = arith.addi %scan3A_36, %scan3A_37 : i32
    %scan3A_39 = arith.constant 1 : i32
    scf.for %scan3A_41 = %scan3A_36 to %scan3A_38 step %scan3A_39  : i32 {
      %mul3A_42 = arith.constant 2 : i32
      %mul3A_43 = arith.muli %scan3A_41, %mul3A_42 : i32
      %add3A_44 = arith.addi %mul3A_18, %mul3A_43 : i32
      %mul3A_45 = arith.constant 8192 : i32
      %mul3A_46 = arith.muli %add3A_44, %mul3A_45 : i32
      %dma_wait3A = tpu.memref_slice %arg2[%mul3A_46] : memref<33554432xf32, #tpu.memory_space<hbm>> -> memref<8192xf32, #tpu.memory_space<hbm>>
      %dma_wait3A_47 = tpu.memref_slice %arg2[%mul3A_46] : memref<33554432xf32, #tpu.memory_space<hbm>> -> memref<8192xf32, #tpu.memory_space<hbm>>
      tpu.wait_dma2 semaphore(%arg17 : memref<!tpu.dma_semaphore, #tpu.memory_space<semaphore_mem>>) src(%dma_wait3A_47 : memref<8192xf32, #tpu.memory_space<hbm>>) dst(%arg9 : memref<8192xf32, #tpu.memory_space<vmem>>)
      %lt3A = arith.constant 127 : i32
      %lt3A_48 = arith.cmpi slt, %mul3A_43, %lt3A : i32
      %convert_element_type3A = arith.extui %lt3A_48 : i1 to i32
      %cond3A = arith.constant 0 : i32
      %cond3A_49 = arith.cmpi ne, %convert_element_type3A, %cond3A : i32
      scf.if %cond3A_49 {
        %add3A_1900 = arith.constant 1 : i32
        %add3A_1901 = arith.addi %add3A_44, %add3A_1900 : i32
        %mul3A_1902 = arith.constant 8192 : i32
        %mul3A_1903 = arith.muli %add3A_1901, %mul3A_1902 : i32
        %dma_start3A_1904 = tpu.memref_slice %arg2[%mul3A_1903] : memref<33554432xf32, #tpu.memory_space<hbm>> -> memref<8192xf32, #tpu.memory_space<hbm>>
        %dma_start3A_1905 = tpu.memref_slice %arg2[%mul3A_1903] : memref<33554432xf32, #tpu.memory_space<hbm>> -> memref<8192xf32, #tpu.memory_space<hbm>>
        tpu.enqueue_dma source(%dma_start3A_1905 : memref<8192xf32, #tpu.memory_space<hbm>>) target(%arg10 : memref<8192xf32, #tpu.memory_space<vmem>>) target_semaphore(%arg17 : memref<!tpu.dma_semaphore, #tpu.memory_space<semaphore_mem>>)
      } else {
      }
      %broadcast_in_dim3A = arith.constant 0 : i32
      %broadcast_in_dim3A_50 = vector.broadcast %broadcast_in_dim3A : i32 to vector<16xi32>
      %broadcast_in_dim3A_51 = arith.constant 0x7F800000 : f32
      %broadcast_in_dim3A_52 = vector.broadcast %broadcast_in_dim3A_51 : f32 to vector<16xf32>
      %parallel_loop3A = arith.constant 0 : i32
      %parallel_loop3A_53 = arith.constant 256 : i32
      %parallel_loop3A_54 = arith.constant 1 : i32
      %parallel_loop3A_55:5 = scf.for %parallel_loop3A_1900 = %parallel_loop3A to %parallel_loop3A_53 step %parallel_loop3A_54 iter_args(%parallel_loop3A_1901 = %broadcast_in_dim3A_52, %parallel_loop3A_1902 = %broadcast_in_dim3A_52, %parallel_loop3A_1903 = %broadcast_in_dim3A_50, %parallel_loop3A_1904 = %broadcast_in_dim3A_50, %parallel_loop3A_1905 = %broadcast_in_dim3A_52) -> (vector<16xf32>, vector<16xf32>, vector<16xi32>, vector<16xi32>, vector<16xf32>)  : i32 {
        %parallel_loop3A_1906 = arith.constant 32 : i32
        %parallel_loop3A_1907 = arith.muli %parallel_loop3A_1900, %parallel_loop3A_1906 : i32
        %parallel_loop3A_1908 = arith.constant 0 : i32
        %parallel_loop3A_1909 = arith.addi %parallel_loop3A_1907, %parallel_loop3A_1908 : i32
        %parallel_loop3A_1910 = arith.index_cast %parallel_loop3A_1909 : i32 to index
        %parallel_loop3A_1911 = tpu.vector_load %arg9[%parallel_loop3A_1910] {strides = array<i32>} : memref<8192xf32, #tpu.memory_space<vmem>>, vector<16xf32>,
        %parallel_loop3A_1912 = arith.constant 16 : i32
        %parallel_loop3A_1913 = arith.addi %parallel_loop3A_1907, %parallel_loop3A_1912 : i32
        %parallel_loop3A_1914 = arith.index_cast %parallel_loop3A_1913 : i32 to index
        %parallel_loop3A_1915 = tpu.vector_load %arg9[%parallel_loop3A_1914] {strides = array<i32>} : memref<8192xf32, #tpu.memory_space<vmem>>, vector<16xf32>,
        %parallel_loop3A_1916 = arith.minimumf %parallel_loop3A_1911, %parallel_loop3A_1915 : vector<16xf32>
        %parallel_loop3A_1917 = arith.cmpf olt, %parallel_loop3A_1916, %parallel_loop3A_1905 : vector<16xf32>
        %parallel_loop3A_1918 = tpu.all_reduce %parallel_loop3A_1917 {dim = 0 : i64, kind = #tpu.reduction_kind<sum>} : vector<16xi1> -> vector<16xi32>
        %parallel_loop3A_1919 = vector.extract_strided_slice %parallel_loop3A_1918 {offsets = [0], sizes = [1], strides = [1]} : vector<16xi32> to vector<1xi32>
        %parallel_loop3A_1920 = vector.extract %parallel_loop3A_1919[0] : i32 from vector<1xi32>
        %parallel_loop3A_1921 = arith.constant 0 : i32
        %parallel_loop3A_1922 = arith.cmpi sgt, %parallel_loop3A_1920, %parallel_loop3A_1921 : i32
        %parallel_loop3A_1923 = arith.extui %parallel_loop3A_1922 : i1 to i32
        %parallel_loop3A_1924 = arith.constant 0 : i32
        %parallel_loop3A_1925 = arith.cmpi ne, %parallel_loop3A_1923, %parallel_loop3A_1924 : i32
        %parallel_loop3A_1926:5 = scf.if %parallel_loop3A_1925 -> (vector<16xf32>, vector<16xf32>, vector<16xi32>, vector<16xi32>, vector<16xf32>) {
          %parallel_loop3A_1927 = arith.constant 0 : i32
          %parallel_loop3A_1928 = arith.addi %parallel_loop3A_1907, %parallel_loop3A_1927 : i32
          %parallel_loop3A_1929 = vector.broadcast %parallel_loop3A_1928 : i32 to vector<16xi32>
          %parallel_loop3A_1930 = arith.addi %iota3A, %parallel_loop3A_1929 : vector<16xi32>
          %parallel_loop3A_1931 = arith.cmpf olt, %parallel_loop3A_1911, %parallel_loop3A_1905 : vector<16xf32>
          %parallel_loop3A_1932 = tpu.all_reduce %parallel_loop3A_1931 {dim = 0 : i64, kind = #tpu.reduction_kind<sum>} : vector<16xi1> -> vector<16xi32>
          %parallel_loop3A_1933 = vector.extract_strided_slice %parallel_loop3A_1932 {offsets = [0], sizes = [1], strides = [1]} : vector<16xi32> to vector<1xi32>
          %parallel_loop3A_1934 = vector.extract %parallel_loop3A_1933[0] : i32 from vector<1xi32>
          %parallel_loop3A_1935 = arith.constant 0 : i32
          %parallel_loop3A_1936 = arith.cmpi sgt, %parallel_loop3A_1934, %parallel_loop3A_1935 : i32
          %parallel_loop3A_1937 = arith.extui %parallel_loop3A_1936 : i1 to i32
          %parallel_loop3A_1938 = arith.constant 0 : i32
          %parallel_loop3A_1939 = arith.cmpi ne, %parallel_loop3A_1937, %parallel_loop3A_1938 : i32
          %parallel_loop3A_1940:5 = scf.if %parallel_loop3A_1939 -> (vector<16xf32>, vector<16xf32>, vector<16xi32>, vector<16xi32>, vector<16xf32>) {
            %parallel_loop3A_1955 = arith.cmpf olt, %parallel_loop3A_1911, %parallel_loop3A_1905 : vector<16xf32>
            %parallel_loop3A_1956 = arith.constant 0x7F800000 : f32
            %parallel_loop3A_1957 = vector.broadcast %parallel_loop3A_1956 : f32 to vector<16xf32>
            %parallel_loop3A_1958 = arith.select %parallel_loop3A_1955, %parallel_loop3A_1911, %parallel_loop3A_1957 : vector<16xi1>, vector<16xf32>
            %parallel_loop3A_1959 = arith.constant 0 : i32
            %parallel_loop3A_1960 = vector.broadcast %parallel_loop3A_1959 : i32 to vector<16xi32>
            %parallel_loop3A_1961 = arith.select %parallel_loop3A_1955, %parallel_loop3A_1930, %parallel_loop3A_1960 : vector<16xi1>, vector<16xi32>
            %parallel_loop3A_1962 = arith.constant dense<true> : vector<16xi1>
            %parallel_loop3A_1963, %parallel_loop3A_1964, %parallel_loop3A_1965 = tpu.sort %parallel_loop3A_1958, %parallel_loop3A_1961 masked %parallel_loop3A_1962 : (vector<16xf32>, vector<16xi32>, vector<16xi1>) -> (vector<16xi1>, vector<16xf32>, vector<16xi32>)
            %parallel_loop3A_1966 = arith.constant 15 : i32
            %parallel_loop3A_1967 = vector.broadcast %parallel_loop3A_1966 : i32 to vector<16xi32>
            %parallel_loop3A_1968 = tpu.iota {dimensions = array<i32: 0>} : vector<16xi32>
            %parallel_loop3A_1969 = arith.subi %parallel_loop3A_1967, %parallel_loop3A_1968 : vector<16xi32>
            %parallel_loop3A_1970 = tpu.dynamic_gather %parallel_loop3A_1964[%parallel_loop3A_1969] in [0] : vector<16xf32>, vector<16xi32> -> vector<16xf32>
            %parallel_loop3A_1971 = arith.constant 15 : i32
            %parallel_loop3A_1972 = vector.broadcast %parallel_loop3A_1971 : i32 to vector<16xi32>
            %parallel_loop3A_1973 = tpu.iota {dimensions = array<i32: 0>} : vector<16xi32>
            %parallel_loop3A_1974 = arith.subi %parallel_loop3A_1972, %parallel_loop3A_1973 : vector<16xi32>
            %parallel_loop3A_1975 = tpu.dynamic_gather %parallel_loop3A_1965[%parallel_loop3A_1974] in [0] : vector<16xi32>, vector<16xi32> -> vector<16xi32>
            %parallel_loop3A_1976 = arith.cmpf ole, %parallel_loop3A_1901, %parallel_loop3A_1970 : vector<16xf32>
            %parallel_loop3A_1977 = arith.minimumf %parallel_loop3A_1901, %parallel_loop3A_1970 : vector<16xf32>
            %parallel_loop3A_1978 = arith.select %parallel_loop3A_1976, %parallel_loop3A_1903, %parallel_loop3A_1975 : vector<16xi1>, vector<16xi32>
            %parallel_loop3A_1979 = arith.maximumf %parallel_loop3A_1901, %parallel_loop3A_1970 : vector<16xf32>
            %parallel_loop3A_1980 = arith.select %parallel_loop3A_1976, %parallel_loop3A_1975, %parallel_loop3A_1903 : vector<16xi1>, vector<16xi32>
            %parallel_loop3A_1981 = arith.constant dense<true> : vector<16xi1>
            %parallel_loop3A_1982, %parallel_loop3A_1983, %parallel_loop3A_1984 = tpu.sort %parallel_loop3A_1977, %parallel_loop3A_1978 masked %parallel_loop3A_1981 : (vector<16xf32>, vector<16xi32>, vector<16xi1>) -> (vector<16xi1>, vector<16xf32>, vector<16xi32>)
            %parallel_loop3A_1985 = arith.constant dense<true> : vector<16xi1>
            %parallel_loop3A_1986, %parallel_loop3A_1987, %parallel_loop3A_1988 = tpu.sort %parallel_loop3A_1979, %parallel_loop3A_1980 masked %parallel_loop3A_1985 : (vector<16xf32>, vector<16xi32>, vector<16xi1>) -> (vector<16xi1>, vector<16xf32>, vector<16xi32>)
            %parallel_loop3A_1989 = arith.constant 15 : i32
            %parallel_loop3A_1990 = vector.broadcast %parallel_loop3A_1989 : i32 to vector<16xi32>
            %parallel_loop3A_1991 = tpu.iota {dimensions = array<i32: 0>} : vector<16xi32>
            %parallel_loop3A_1992 = arith.subi %parallel_loop3A_1990, %parallel_loop3A_1991 : vector<16xi32>
            %parallel_loop3A_1993 = tpu.dynamic_gather %parallel_loop3A_1987[%parallel_loop3A_1992] in [0] : vector<16xf32>, vector<16xi32> -> vector<16xf32>
            %parallel_loop3A_1994 = arith.constant 15 : i32
            %parallel_loop3A_1995 = vector.broadcast %parallel_loop3A_1994 : i32 to vector<16xi32>
            %parallel_loop3A_1996 = tpu.iota {dimensions = array<i32: 0>} : vector<16xi32>
            %parallel_loop3A_1997 = arith.subi %parallel_loop3A_1995, %parallel_loop3A_1996 : vector<16xi32>
            %parallel_loop3A_1998 = tpu.dynamic_gather %parallel_loop3A_1988[%parallel_loop3A_1997] in [0] : vector<16xi32>, vector<16xi32> -> vector<16xi32>
            %parallel_loop3A_1999 = arith.cmpf ole, %parallel_loop3A_1902, %parallel_loop3A_1993 : vector<16xf32>
            %parallel_loop3A_2000 = arith.minimumf %parallel_loop3A_1902, %parallel_loop3A_1993 : vector<16xf32>
            %parallel_loop3A_2001 = arith.select %parallel_loop3A_1999, %parallel_loop3A_1904, %parallel_loop3A_1998 : vector<16xi1>, vector<16xi32>
            %parallel_loop3A_2002 = arith.constant dense<true> : vector<16xi1>
            %parallel_loop3A_2003, %parallel_loop3A_2004, %parallel_loop3A_2005 = tpu.sort %parallel_loop3A_2000, %parallel_loop3A_2001 masked %parallel_loop3A_2002 : (vector<16xf32>, vector<16xi32>, vector<16xi1>) -> (vector<16xi1>, vector<16xf32>, vector<16xi32>)
            %parallel_loop3A_2006 = vector.extract_strided_slice %parallel_loop3A_2004 {offsets = [15], sizes = [1], strides = [1]} : vector<16xf32> to vector<1xf32>
            %parallel_loop3A_2007 = vector.extract %parallel_loop3A_2006[0] : f32 from vector<1xf32>
            %parallel_loop3A_2008 = vector.broadcast %parallel_loop3A_2007 : f32 to vector<16xf32>
            scf.yield %parallel_loop3A_1983, %parallel_loop3A_2004, %parallel_loop3A_1984, %parallel_loop3A_2005, %parallel_loop3A_2008 : vector<16xf32>, vector<16xf32>, vector<16xi32>, vector<16xi32>, vector<16xf32>
          } else {
            scf.yield %parallel_loop3A_1901, %parallel_loop3A_1902, %parallel_loop3A_1903, %parallel_loop3A_1904, %parallel_loop3A_1905 : vector<16xf32>, vector<16xf32>, vector<16xi32>, vector<16xi32>, vector<16xf32>
          }
          %parallel_loop3A_1941 = arith.constant 16 : i32
          %parallel_loop3A_1942 = arith.addi %parallel_loop3A_1907, %parallel_loop3A_1941 : i32
          %parallel_loop3A_1943 = vector.broadcast %parallel_loop3A_1942 : i32 to vector<16xi32>
          %parallel_loop3A_1944 = arith.addi %iota3A, %parallel_loop3A_1943 : vector<16xi32>
          %parallel_loop3A_1945 = arith.cmpf olt, %parallel_loop3A_1915, %parallel_loop3A_1940#4 : vector<16xf32>
          %parallel_loop3A_1946 = tpu.all_reduce %parallel_loop3A_1945 {dim = 0 : i64, kind = #tpu.reduction_kind<sum>} : vector<16xi1> -> vector<16xi32>
          %parallel_loop3A_1947 = vector.extract_strided_slice %parallel_loop3A_1946 {offsets = [0], sizes = [1], strides = [1]} : vector<16xi32> to vector<1xi32>
          %parallel_loop3A_1948 = vector.extract %parallel_loop3A_1947[0] : i32 from vector<1xi32>
          %parallel_loop3A_1949 = arith.constant 0 : i32
          %parallel_loop3A_1950 = arith.cmpi sgt, %parallel_loop3A_1948, %parallel_loop3A_1949 : i32
          %parallel_loop3A_1951 = arith.extui %parallel_loop3A_1950 : i1 to i32
          %parallel_loop3A_1952 = arith.constant 0 : i32
          %parallel_loop3A_1953 = arith.cmpi ne, %parallel_loop3A_1951, %parallel_loop3A_1952 : i32
          %parallel_loop3A_1954:5 = scf.if %parallel_loop3A_1953 -> (vector<16xf32>, vector<16xf32>, vector<16xi32>, vector<16xi32>, vector<16xf32>) {
            %parallel_loop3A_1955 = arith.cmpf olt, %parallel_loop3A_1915, %parallel_loop3A_1940#4 : vector<16xf32>
            %parallel_loop3A_1956 = arith.constant 0x7F800000 : f32
            %parallel_loop3A_1957 = vector.broadcast %parallel_loop3A_1956 : f32 to vector<16xf32>
            %parallel_loop3A_1958 = arith.select %parallel_loop3A_1955, %parallel_loop3A_1915, %parallel_loop3A_1957 : vector<16xi1>, vector<16xf32>
            %parallel_loop3A_1959 = arith.constant 0 : i32
            %parallel_loop3A_1960 = vector.broadcast %parallel_loop3A_1959 : i32 to vector<16xi32>
            %parallel_loop3A_1961 = arith.select %parallel_loop3A_1955, %parallel_loop3A_1944, %parallel_loop3A_1960 : vector<16xi1>, vector<16xi32>
            %parallel_loop3A_1962 = arith.constant dense<true> : vector<16xi1>
            %parallel_loop3A_1963, %parallel_loop3A_1964, %parallel_loop3A_1965 = tpu.sort %parallel_loop3A_1958, %parallel_loop3A_1961 masked %parallel_loop3A_1962 : (vector<16xf32>, vector<16xi32>, vector<16xi1>) -> (vector<16xi1>, vector<16xf32>, vector<16xi32>)
            %parallel_loop3A_1966 = arith.constant 15 : i32
            %parallel_loop3A_1967 = vector.broadcast %parallel_loop3A_1966 : i32 to vector<16xi32>
            %parallel_loop3A_1968 = tpu.iota {dimensions = array<i32: 0>} : vector<16xi32>
            %parallel_loop3A_1969 = arith.subi %parallel_loop3A_1967, %parallel_loop3A_1968 : vector<16xi32>
            %parallel_loop3A_1970 = tpu.dynamic_gather %parallel_loop3A_1964[%parallel_loop3A_1969] in [0] : vector<16xf32>, vector<16xi32> -> vector<16xf32>
            %parallel_loop3A_1971 = arith.constant 15 : i32
            %parallel_loop3A_1972 = vector.broadcast %parallel_loop3A_1971 : i32 to vector<16xi32>
            %parallel_loop3A_1973 = tpu.iota {dimensions = array<i32: 0>} : vector<16xi32>
            %parallel_loop3A_1974 = arith.subi %parallel_loop3A_1972, %parallel_loop3A_1973 : vector<16xi32>
            %parallel_loop3A_1975 = tpu.dynamic_gather %parallel_loop3A_1965[%parallel_loop3A_1974] in [0] : vector<16xi32>, vector<16xi32> -> vector<16xi32>
            %parallel_loop3A_1976 = arith.cmpf ole, %parallel_loop3A_1940#0, %parallel_loop3A_1970 : vector<16xf32>
            %parallel_loop3A_1977 = arith.minimumf %parallel_loop3A_1940#0, %parallel_loop3A_1970 : vector<16xf32>
            %parallel_loop3A_1978 = arith.select %parallel_loop3A_1976, %parallel_loop3A_1940#2, %parallel_loop3A_1975 : vector<16xi1>, vector<16xi32>
            %parallel_loop3A_1979 = arith.maximumf %parallel_loop3A_1940#0, %parallel_loop3A_1970 : vector<16xf32>
            %parallel_loop3A_1980 = arith.select %parallel_loop3A_1976, %parallel_loop3A_1975, %parallel_loop3A_1940#2 : vector<16xi1>, vector<16xi32>
            %parallel_loop3A_1981 = arith.constant dense<true> : vector<16xi1>
            %parallel_loop3A_1982, %parallel_loop3A_1983, %parallel_loop3A_1984 = tpu.sort %parallel_loop3A_1977, %parallel_loop3A_1978 masked %parallel_loop3A_1981 : (vector<16xf32>, vector<16xi32>, vector<16xi1>) -> (vector<16xi1>, vector<16xf32>, vector<16xi32>)
            %parallel_loop3A_1985 = arith.constant dense<true> : vector<16xi1>
            %parallel_loop3A_1986, %parallel_loop3A_1987, %parallel_loop3A_1988 = tpu.sort %parallel_loop3A_1979, %parallel_loop3A_1980 masked %parallel_loop3A_1985 : (vector<16xf32>, vector<16xi32>, vector<16xi1>) -> (vector<16xi1>, vector<16xf32>, vector<16xi32>)
            %parallel_loop3A_1989 = arith.constant 15 : i32
            %parallel_loop3A_1990 = vector.broadcast %parallel_loop3A_1989 : i32 to vector<16xi32>
            %parallel_loop3A_1991 = tpu.iota {dimensions = array<i32: 0>} : vector<16xi32>
            %parallel_loop3A_1992 = arith.subi %parallel_loop3A_1990, %parallel_loop3A_1991 : vector<16xi32>
            %parallel_loop3A_1993 = tpu.dynamic_gather %parallel_loop3A_1987[%parallel_loop3A_1992] in [0] : vector<16xf32>, vector<16xi32> -> vector<16xf32>
            %parallel_loop3A_1994 = arith.constant 15 : i32
            %parallel_loop3A_1995 = vector.broadcast %parallel_loop3A_1994 : i32 to vector<16xi32>
            %parallel_loop3A_1996 = tpu.iota {dimensions = array<i32: 0>} : vector<16xi32>
            %parallel_loop3A_1997 = arith.subi %parallel_loop3A_1995, %parallel_loop3A_1996 : vector<16xi32>
            %parallel_loop3A_1998 = tpu.dynamic_gather %parallel_loop3A_1988[%parallel_loop3A_1997] in [0] : vector<16xi32>, vector<16xi32> -> vector<16xi32>
            %parallel_loop3A_1999 = arith.cmpf ole, %parallel_loop3A_1940#1, %parallel_loop3A_1993 : vector<16xf32>
            %parallel_loop3A_2000 = arith.minimumf %parallel_loop3A_1940#1, %parallel_loop3A_1993 : vector<16xf32>
            %parallel_loop3A_2001 = arith.select %parallel_loop3A_1999, %parallel_loop3A_1940#3, %parallel_loop3A_1998 : vector<16xi1>, vector<16xi32>
            %parallel_loop3A_2002 = arith.constant dense<true> : vector<16xi1>
            %parallel_loop3A_2003, %parallel_loop3A_2004, %parallel_loop3A_2005 = tpu.sort %parallel_loop3A_2000, %parallel_loop3A_2001 masked %parallel_loop3A_2002 : (vector<16xf32>, vector<16xi32>, vector<16xi1>) -> (vector<16xi1>, vector<16xf32>, vector<16xi32>)
            %parallel_loop3A_2006 = vector.extract_strided_slice %parallel_loop3A_2004 {offsets = [15], sizes = [1], strides = [1]} : vector<16xf32> to vector<1xf32>
            %parallel_loop3A_2007 = vector.extract %parallel_loop3A_2006[0] : f32 from vector<1xf32>
            %parallel_loop3A_2008 = vector.broadcast %parallel_loop3A_2007 : f32 to vector<16xf32>
            scf.yield %parallel_loop3A_1983, %parallel_loop3A_2004, %parallel_loop3A_1984, %parallel_loop3A_2005, %parallel_loop3A_2008 : vector<16xf32>, vector<16xf32>, vector<16xi32>, vector<16xi32>, vector<16xf32>
          } else {
            scf.yield %parallel_loop3A_1940#0, %parallel_loop3A_1940#1, %parallel_loop3A_1940#2, %parallel_loop3A_1940#3, %parallel_loop3A_1940#4 : vector<16xf32>, vector<16xf32>, vector<16xi32>, vector<16xi32>, vector<16xf32>
          }
          scf.yield %parallel_loop3A_1954#0, %parallel_loop3A_1954#1, %parallel_loop3A_1954#2, %parallel_loop3A_1954#3, %parallel_loop3A_1954#4 : vector<16xf32>, vector<16xf32>, vector<16xi32>, vector<16xi32>, vector<16xf32>
        } else {
          scf.yield %parallel_loop3A_1901, %parallel_loop3A_1902, %parallel_loop3A_1903, %parallel_loop3A_1904, %parallel_loop3A_1905 : vector<16xf32>, vector<16xf32>, vector<16xi32>, vector<16xi32>, vector<16xf32>
        }
        scf.yield %parallel_loop3A_1926#0, %parallel_loop3A_1926#1, %parallel_loop3A_1926#2, %parallel_loop3A_1926#3, %parallel_loop3A_1926#4 : vector<16xf32>, vector<16xf32>, vector<16xi32>, vector<16xi32>, vector<16xf32>
      } {sc.loop_unroll_factor = 4 : i64, sc.parallel_access}
      %and3A_56 = arith.constant 1 : i32
      %and3A_57 = vector.broadcast %and3A_56 : i32 to vector<16xi32>
      %and3A_58 = arith.andi %iota3A, %and3A_57 : vector<16xi32>
      %eq3A = arith.constant 0 : i32
      %eq3A_59 = vector.broadcast %eq3A : i32 to vector<16xi32>
      %eq3A_60 = arith.cmpi eq, %and3A_58, %eq3A_59 : vector<16xi32>
      %and3A_61 = arith.constant 1 : i32
      %and3A_62 = vector.broadcast %and3A_61 : i32 to vector<16xi32>
      %and3A_63 = arith.andi %iota3A, %and3A_62 : vector<16xi32>
      %eq3A_64 = arith.constant 1 : i32
      %eq3A_65 = vector.broadcast %eq3A_64 : i32 to vector<16xi32>
      %eq3A_66 = arith.cmpi eq, %and3A_63, %eq3A_65 : vector<16xi32>
      %xor3A = arith.constant 1 : i32
      %xor3A_67 = vector.broadcast %xor3A : i32 to vector<16xi32>
      %xor3A_68 = arith.xori %iota3A, %xor3A_67 : vector<16xi32>
      %eq3A_69 = arith.constant 0 : i32
      %eq3A_70 = vector.broadcast %eq3A_69 : i32 to vector<16xi32>
      %eq3A_71 = arith.cmpi eq, %iota3A, %eq3A_70 : vector<16xi32>
      %eq3A_72 = arith.constant 15 : i32
      %eq3A_73 = vector.broadcast %eq3A_72 : i32 to vector<16xi32>
      %eq3A_74 = arith.cmpi eq, %iota3A, %eq3A_73 : vector<16xi32>
      %or3A = arith.ori %eq3A_71, %eq3A_74 : vector<16xi1>
      %add3A_75 = arith.constant 1 : i32
      %add3A_76 = vector.broadcast %add3A_75 : i32 to vector<16xi32>
      %add3A_77 = arith.addi %iota3A, %add3A_76 : vector<16xi32>
      %sub3A_78 = arith.constant 1 : i32
      %sub3A_79 = vector.broadcast %sub3A_78 : i32 to vector<16xi32>
      %sub3A_80 = arith.subi %iota3A, %sub3A_79 : vector<16xi32>
      %select_n3A_81 = arith.select %eq3A_66, %add3A_77, %sub3A_80 : vector<16xi1>, vector<16xi32>
      %select_n3A_82 = arith.select %or3A, %iota3A, %select_n3A_81 : vector<16xi1>, vector<16xi32>
      %lt3A_83 = arith.constant 0 : i32
      %lt3A_84 = vector.broadcast %lt3A_83 : i32 to vector<16xi32>
      %lt3A_85 = arith.cmpi slt, %xor3A_68, %lt3A_84 : vector<16xi32>
      %add3A_86 = arith.constant 16 : i32
      %add3A_87 = vector.broadcast %add3A_86 : i32 to vector<16xi32>
      %add3A_88 = arith.addi %xor3A_68, %add3A_87 : vector<16xi32>
      %select_n3A_89 = arith.select %lt3A_85, %add3A_88, %xor3A_68 : vector<16xi1>, vector<16xi32>
      %broadcast_in_dim3A_90 = vector.shape_cast %select_n3A_89 : vector<16xi32> to vector<16x1xi32>
      %gather3A = vector.shape_cast %broadcast_in_dim3A_90 : vector<16x1xi32> to vector<16xi32>
      %gather3A_91 = tpu.dynamic_gather %parallel_loop3A_55#0[%gather3A] in [0] : vector<16xf32>, vector<16xi32> -> vector<16xf32>
      %lt3A_92 = arith.constant 0 : i32
      %lt3A_93 = vector.broadcast %lt3A_92 : i32 to vector<16xi32>
      %lt3A_94 = arith.cmpi slt, %xor3A_68, %lt3A_93 : vector<16xi32>
      %add3A_95 = arith.constant 16 : i32
      %add3A_96 = vector.broadcast %add3A_95 : i32 to vector<16xi32>
      %add3A_97 = arith.addi %xor3A_68, %add3A_96 : vector<16xi32>
      %select_n3A_98 = arith.select %lt3A_94, %add3A_97, %xor3A_68 : vector<16xi1>, vector<16xi32>
      %broadcast_in_dim3A_99 = vector.shape_cast %select_n3A_98 : vector<16xi32> to vector<16x1xi32>
      %gather3A_100 = vector.shape_cast %broadcast_in_dim3A_99 : vector<16x1xi32> to vector<16xi32>
      %gather3A_101 = tpu.dynamic_gather %parallel_loop3A_55#2[%gather3A_100] in [0] : vector<16xi32>, vector<16xi32> -> vector<16xi32>
      %eq3A_102 = arith.cmpf oeq, %parallel_loop3A_55#0, %gather3A_91 : vector<16xf32>
      %min3A = arith.minsi %parallel_loop3A_55#2, %gather3A_101 : vector<16xi32>
      %max3A = arith.maxsi %parallel_loop3A_55#2, %gather3A_101 : vector<16xi32>
      %select_n3A_103 = arith.select %eq3A_60, %min3A, %max3A : vector<16xi1>, vector<16xi32>
      %select_n3A_104 = arith.select %eq3A_102, %select_n3A_103, %parallel_loop3A_55#2 : vector<16xi1>, vector<16xi32>
      %lt3A_105 = arith.constant 0 : i32
      %lt3A_106 = vector.broadcast %lt3A_105 : i32 to vector<16xi32>
      %lt3A_107 = arith.cmpi slt, %xor3A_68, %lt3A_106 : vector<16xi32>
      %add3A_108 = arith.constant 16 : i32
      %add3A_109 = vector.broadcast %add3A_108 : i32 to vector<16xi32>
      %add3A_110 = arith.addi %xor3A_68, %add3A_109 : vector<16xi32>
      %select_n3A_111 = arith.select %lt3A_107, %add3A_110, %xor3A_68 : vector<16xi1>, vector<16xi32>
      %broadcast_in_dim3A_112 = vector.shape_cast %select_n3A_111 : vector<16xi32> to vector<16x1xi32>
      %gather3A_113 = vector.shape_cast %broadcast_in_dim3A_112 : vector<16x1xi32> to vector<16xi32>
      %gather3A_114 = tpu.dynamic_gather %parallel_loop3A_55#1[%gather3A_113] in [0] : vector<16xf32>, vector<16xi32> -> vector<16xf32>
      %lt3A_115 = arith.constant 0 : i32
      %lt3A_116 = vector.broadcast %lt3A_115 : i32 to vector<16xi32>
      %lt3A_117 = arith.cmpi slt, %xor3A_68, %lt3A_116 : vector<16xi32>
      %add3A_118 = arith.constant 16 : i32
      %add3A_119 = vector.broadcast %add3A_118 : i32 to vector<16xi32>
      %add3A_120 = arith.addi %xor3A_68, %add3A_119 : vector<16xi32>
      %select_n3A_121 = arith.select %lt3A_117, %add3A_120, %xor3A_68 : vector<16xi1>, vector<16xi32>
      %broadcast_in_dim3A_122 = vector.shape_cast %select_n3A_121 : vector<16xi32> to vector<16x1xi32>
      %gather3A_123 = vector.shape_cast %broadcast_in_dim3A_122 : vector<16x1xi32> to vector<16xi32>
      %gather3A_124 = tpu.dynamic_gather %parallel_loop3A_55#3[%gather3A_123] in [0] : vector<16xi32>, vector<16xi32> -> vector<16xi32>
      %eq3A_125 = arith.cmpf oeq, %parallel_loop3A_55#1, %gather3A_114 : vector<16xf32>
      %min3A_126 = arith.minsi %parallel_loop3A_55#3, %gather3A_124 : vector<16xi32>
      %max3A_127 = arith.maxsi %parallel_loop3A_55#3, %gather3A_124 : vector<16xi32>
      %select_n3A_128 = arith.select %eq3A_60, %min3A_126, %max3A_127 : vector<16xi1>, vector<16xi32>
      %select_n3A_129 = arith.select %eq3A_125, %select_n3A_128, %parallel_loop3A_55#3 : vector<16xi1>, vector<16xi32>
      %eq3A_130 = arith.constant 15 : i32
      %eq3A_131 = vector.broadcast %eq3A_130 : i32 to vector<16xi32>
      %eq3A_132 = arith.cmpi eq, %iota3A, %eq3A_131 : vector<16xi32>
      %eq3A_133 = arith.constant 0 : i32
      %eq3A_134 = vector.broadcast %eq3A_133 : i32 to vector<16xi32>
      %eq3A_135 = arith.cmpi eq, %iota3A, %eq3A_134 : vector<16xi32>
      %slice3A = vector.extract_strided_slice %parallel_loop3A_55#1 {offsets = [0], sizes = [1], strides = [1]} : vector<16xf32> to vector<1xf32>
      %squeeze3A = vector.extract %slice3A[0] : f32 from vector<1xf32>
      %broadcast_in_dim3A_136 = vector.broadcast %squeeze3A : f32 to vector<16xf32>
      %lt3A_137 = arith.constant 0 : i32
      %lt3A_138 = vector.broadcast %lt3A_137 : i32 to vector<16xi32>
      %lt3A_139 = arith.cmpi slt, %select_n3A_82, %lt3A_138 : vector<16xi32>
      %add3A_140 = arith.constant 16 : i32
      %add3A_141 = vector.broadcast %add3A_140 : i32 to vector<16xi32>
      %add3A_142 = arith.addi %select_n3A_82, %add3A_141 : vector<16xi32>
      %select_n3A_143 = arith.select %lt3A_139, %add3A_142, %select_n3A_82 : vector<16xi1>, vector<16xi32>
      %broadcast_in_dim3A_144 = vector.shape_cast %select_n3A_143 : vector<16xi32> to vector<16x1xi32>
      %gather3A_145 = vector.shape_cast %broadcast_in_dim3A_144 : vector<16x1xi32> to vector<16xi32>
      %gather3A_146 = tpu.dynamic_gather %parallel_loop3A_55#0[%gather3A_145] in [0] : vector<16xf32>, vector<16xi32> -> vector<16xf32>
      %select_n3A_147 = arith.select %eq3A_132, %broadcast_in_dim3A_136, %gather3A_146 : vector<16xi1>, vector<16xf32>
      %slice3A_148 = vector.extract_strided_slice %select_n3A_129 {offsets = [0], sizes = [1], strides = [1]} : vector<16xi32> to vector<1xi32>
      %squeeze3A_149 = vector.extract %slice3A_148[0] : i32 from vector<1xi32>
      %broadcast_in_dim3A_150 = vector.broadcast %squeeze3A_149 : i32 to vector<16xi32>
      %lt3A_151 = arith.constant 0 : i32
      %lt3A_152 = vector.broadcast %lt3A_151 : i32 to vector<16xi32>
      %lt3A_153 = arith.cmpi slt, %select_n3A_82, %lt3A_152 : vector<16xi32>
      %add3A_154 = arith.constant 16 : i32
      %add3A_155 = vector.broadcast %add3A_154 : i32 to vector<16xi32>
      %add3A_156 = arith.addi %select_n3A_82, %add3A_155 : vector<16xi32>
      %select_n3A_157 = arith.select %lt3A_153, %add3A_156, %select_n3A_82 : vector<16xi1>, vector<16xi32>
      %broadcast_in_dim3A_158 = vector.shape_cast %select_n3A_157 : vector<16xi32> to vector<16x1xi32>
      %gather3A_159 = vector.shape_cast %broadcast_in_dim3A_158 : vector<16x1xi32> to vector<16xi32>
      %gather3A_160 = tpu.dynamic_gather %select_n3A_104[%gather3A_159] in [0] : vector<16xi32>, vector<16xi32> -> vector<16xi32>
      %select_n3A_161 = arith.select %eq3A_132, %broadcast_in_dim3A_150, %gather3A_160 : vector<16xi1>, vector<16xi32>
      %eq3A_162 = arith.cmpf oeq, %parallel_loop3A_55#0, %select_n3A_147 : vector<16xf32>
      %min3A_163 = arith.minsi %select_n3A_104, %select_n3A_161 : vector<16xi32>
      %max3A_164 = arith.maxsi %select_n3A_104, %select_n3A_161 : vector<16xi32>
      %select_n3A_165 = arith.select %eq3A_66, %min3A_163, %max3A_164 : vector<16xi1>, vector<16xi32>
      %select_n3A_166 = arith.select %eq3A_162, %select_n3A_165, %select_n3A_104 : vector<16xi1>, vector<16xi32>
      %slice3A_167 = vector.extract_strided_slice %parallel_loop3A_55#0 {offsets = [15], sizes = [1], strides = [1]} : vector<16xf32> to vector<1xf32>
      %squeeze3A_168 = vector.extract %slice3A_167[0] : f32 from vector<1xf32>
      %broadcast_in_dim3A_169 = vector.broadcast %squeeze3A_168 : f32 to vector<16xf32>
      %lt3A_170 = arith.constant 0 : i32
      %lt3A_171 = vector.broadcast %lt3A_170 : i32 to vector<16xi32>
      %lt3A_172 = arith.cmpi slt, %select_n3A_82, %lt3A_171 : vector<16xi32>
      %add3A_173 = arith.constant 16 : i32
      %add3A_174 = vector.broadcast %add3A_173 : i32 to vector<16xi32>
      %add3A_175 = arith.addi %select_n3A_82, %add3A_174 : vector<16xi32>
      %select_n3A_176 = arith.select %lt3A_172, %add3A_175, %select_n3A_82 : vector<16xi1>, vector<16xi32>
      %broadcast_in_dim3A_177 = vector.shape_cast %select_n3A_176 : vector<16xi32> to vector<16x1xi32>
      %gather3A_178 = vector.shape_cast %broadcast_in_dim3A_177 : vector<16x1xi32> to vector<16xi32>
      %gather3A_179 = tpu.dynamic_gather %parallel_loop3A_55#1[%gather3A_178] in [0] : vector<16xf32>, vector<16xi32> -> vector<16xf32>
      %select_n3A_180 = arith.select %eq3A_135, %broadcast_in_dim3A_169, %gather3A_179 : vector<16xi1>, vector<16xf32>
      %slice3A_181 = vector.extract_strided_slice %select_n3A_104 {offsets = [15], sizes = [1], strides = [1]} : vector<16xi32> to vector<1xi32>
      %squeeze3A_182 = vector.extract %slice3A_181[0] : i32 from vector<1xi32>
      %broadcast_in_dim3A_183 = vector.broadcast %squeeze3A_182 : i32 to vector<16xi32>
      %lt3A_184 = arith.constant 0 : i32
      %lt3A_185 = vector.broadcast %lt3A_184 : i32 to vector<16xi32>
      %lt3A_186 = arith.cmpi slt, %select_n3A_82, %lt3A_185 : vector<16xi32>
      %add3A_187 = arith.constant 16 : i32
      %add3A_188 = vector.broadcast %add3A_187 : i32 to vector<16xi32>
      %add3A_189 = arith.addi %select_n3A_82, %add3A_188 : vector<16xi32>
      %select_n3A_190 = arith.select %lt3A_186, %add3A_189, %select_n3A_82 : vector<16xi1>, vector<16xi32>
      %broadcast_in_dim3A_191 = vector.shape_cast %select_n3A_190 : vector<16xi32> to vector<16x1xi32>
      %gather3A_192 = vector.shape_cast %broadcast_in_dim3A_191 : vector<16x1xi32> to vector<16xi32>
      %gather3A_193 = tpu.dynamic_gather %select_n3A_129[%gather3A_192] in [0] : vector<16xi32>, vector<16xi32> -> vector<16xi32>
      %select_n3A_194 = arith.select %eq3A_135, %broadcast_in_dim3A_183, %gather3A_193 : vector<16xi1>, vector<16xi32>
      %eq3A_195 = arith.cmpf oeq, %parallel_loop3A_55#1, %select_n3A_180 : vector<16xf32>
      %min3A_196 = arith.minsi %select_n3A_129, %select_n3A_194 : vector<16xi32>
      %max3A_197 = arith.maxsi %select_n3A_129, %select_n3A_194 : vector<16xi32>
      %select_n3A_198 = arith.select %eq3A_66, %min3A_196, %max3A_197 : vector<16xi1>, vector<16xi32>
      %select_n3A_199 = arith.select %eq3A_195, %select_n3A_198, %select_n3A_129 : vector<16xi1>, vector<16xi32>
      %lt3A_200 = arith.constant 0 : i32
      %lt3A_201 = vector.broadcast %lt3A_200 : i32 to vector<16xi32>
      %lt3A_202 = arith.cmpi slt, %xor3A_68, %lt3A_201 : vector<16xi32>
      %add3A_203 = arith.constant 16 : i32
      %add3A_204 = vector.broadcast %add3A_203 : i32 to vector<16xi32>
      %add3A_205 = arith.addi %xor3A_68, %add3A_204 : vector<16xi32>
      %select_n3A_206 = arith.select %lt3A_202, %add3A_205, %xor3A_68 : vector<16xi1>, vector<16xi32>
      %broadcast_in_dim3A_207 = vector.shape_cast %select_n3A_206 : vector<16xi32> to vector<16x1xi32>
      %gather3A_208 = vector.shape_cast %broadcast_in_dim3A_207 : vector<16x1xi32> to vector<16xi32>
      %gather3A_209 = tpu.dynamic_gather %parallel_loop3A_55#0[%gather3A_208] in [0] : vector<16xf32>, vector<16xi32> -> vector<16xf32>
      %lt3A_210 = arith.constant 0 : i32
      %lt3A_211 = vector.broadcast %lt3A_210 : i32 to vector<16xi32>
      %lt3A_212 = arith.cmpi slt, %xor3A_68, %lt3A_211 : vector<16xi32>
      %add3A_213 = arith.constant 16 : i32
      %add3A_214 = vector.broadcast %add3A_213 : i32 to vector<16xi32>
      %add3A_215 = arith.addi %xor3A_68, %add3A_214 : vector<16xi32>
      %select_n3A_216 = arith.select %lt3A_212, %add3A_215, %xor3A_68 : vector<16xi1>, vector<16xi32>
      %broadcast_in_dim3A_217 = vector.shape_cast %select_n3A_216 : vector<16xi32> to vector<16x1xi32>
      %gather3A_218 = vector.shape_cast %broadcast_in_dim3A_217 : vector<16x1xi32> to vector<16xi32>
      %gather3A_219 = tpu.dynamic_gather %select_n3A_166[%gather3A_218] in [0] : vector<16xi32>, vector<16xi32> -> vector<16xi32>
      %eq3A_220 = arith.cmpf oeq, %parallel_loop3A_55#0, %gather3A_209 : vector<16xf32>
      %min3A_221 = arith.minsi %select_n3A_166, %gather3A_219 : vector<16xi32>
      %max3A_222 = arith.maxsi %select_n3A_166, %gather3A_219 : vector<16xi32>
      %select_n3A_223 = arith.select %eq3A_60, %min3A_221, %max3A_222 : vector<16xi1>, vector<16xi32>
      %select_n3A_224 = arith.select %eq3A_220, %select_n3A_223, %select_n3A_166 : vector<16xi1>, vector<16xi32>
      %lt3A_225 = arith.constant 0 : i32
      %lt3A_226 = vector.broadcast %lt3A_225 : i32 to vector<16xi32>
      %lt3A_227 = arith.cmpi slt, %xor3A_68, %lt3A_226 : vector<16xi32>
      %add3A_228 = arith.constant 16 : i32
      %add3A_229 = vector.broadcast %add3A_228 : i32 to vector<16xi32>
      %add3A_230 = arith.addi %xor3A_68, %add3A_229 : vector<16xi32>
      %select_n3A_231 = arith.select %lt3A_227, %add3A_230, %xor3A_68 : vector<16xi1>, vector<16xi32>
      %broadcast_in_dim3A_232 = vector.shape_cast %select_n3A_231 : vector<16xi32> to vector<16x1xi32>
      %gather3A_233 = vector.shape_cast %broadcast_in_dim3A_232 : vector<16x1xi32> to vector<16xi32>
      %gather3A_234 = tpu.dynamic_gather %parallel_loop3A_55#1[%gather3A_233] in [0] : vector<16xf32>, vector<16xi32> -> vector<16xf32>
      %lt3A_235 = arith.constant 0 : i32
      %lt3A_236 = vector.broadcast %lt3A_235 : i32 to vector<16xi32>
      %lt3A_237 = arith.cmpi slt, %xor3A_68, %lt3A_236 : vector<16xi32>
      %add3A_238 = arith.constant 16 : i32
      %add3A_239 = vector.broadcast %add3A_238 : i32 to vector<16xi32>
      %add3A_240 = arith.addi %xor3A_68, %add3A_239 : vector<16xi32>
      %select_n3A_241 = arith.select %lt3A_237, %add3A_240, %xor3A_68 : vector<16xi1>, vector<16xi32>
      %broadcast_in_dim3A_242 = vector.shape_cast %select_n3A_241 : vector<16xi32> to vector<16x1xi32>
      %gather3A_243 = vector.shape_cast %broadcast_in_dim3A_242 : vector<16x1xi32> to vector<16xi32>
      %gather3A_244 = tpu.dynamic_gather %select_n3A_199[%gather3A_243] in [0] : vector<16xi32>, vector<16xi32> -> vector<16xi32>
      %eq3A_245 = arith.cmpf oeq, %parallel_loop3A_55#1, %gather3A_234 : vector<16xf32>
      %min3A_246 = arith.minsi %select_n3A_199, %gather3A_244 : vector<16xi32>
      %max3A_247 = arith.maxsi %select_n3A_199, %gather3A_244 : vector<16xi32>
      %select_n3A_248 = arith.select %eq3A_60, %min3A_246, %max3A_247 : vector<16xi1>, vector<16xi32>
      %select_n3A_249 = arith.select %eq3A_245, %select_n3A_248, %select_n3A_199 : vector<16xi1>, vector<16xi32>
      %eq3A_250 = arith.constant 15 : i32
      %eq3A_251 = vector.broadcast %eq3A_250 : i32 to vector<16xi32>
      %eq3A_252 = arith.cmpi eq, %iota3A, %eq3A_251 : vector<16xi32>
      %eq3A_253 = arith.constant 0 : i32
      %eq3A_254 = vector.broadcast %eq3A_253 : i32 to vector<16xi32>
      %eq3A_255 = arith.cmpi eq, %iota3A, %eq3A_254 : vector<16xi32>
      %slice3A_256 = vector.extract_strided_slice %parallel_loop3A_55#1 {offsets = [0], sizes = [1], strides = [1]} : vector<16xf32> to vector<1xf32>
      %squeeze3A_257 = vector.extract %slice3A_256[0] : f32 from vector<1xf32>
      %broadcast_in_dim3A_258 = vector.broadcast %squeeze3A_257 : f32 to vector<16xf32>
      %lt3A_259 = arith.constant 0 : i32
      %lt3A_260 = vector.broadcast %lt3A_259 : i32 to vector<16xi32>
      %lt3A_261 = arith.cmpi slt, %select_n3A_82, %lt3A_260 : vector<16xi32>
      %add3A_262 = arith.constant 16 : i32
      %add3A_263 = vector.broadcast %add3A_262 : i32 to vector<16xi32>
      %add3A_264 = arith.addi %select_n3A_82, %add3A_263 : vector<16xi32>
      %select_n3A_265 = arith.select %lt3A_261, %add3A_264, %select_n3A_82 : vector<16xi1>, vector<16xi32>
      %broadcast_in_dim3A_266 = vector.shape_cast %select_n3A_265 : vector<16xi32> to vector<16x1xi32>
      %gather3A_267 = vector.shape_cast %broadcast_in_dim3A_266 : vector<16x1xi32> to vector<16xi32>
      %gather3A_268 = tpu.dynamic_gather %parallel_loop3A_55#0[%gather3A_267] in [0] : vector<16xf32>, vector<16xi32> -> vector<16xf32>
      %select_n3A_269 = arith.select %eq3A_252, %broadcast_in_dim3A_258, %gather3A_268 : vector<16xi1>, vector<16xf32>
      %slice3A_270 = vector.extract_strided_slice %select_n3A_249 {offsets = [0], sizes = [1], strides = [1]} : vector<16xi32> to vector<1xi32>
      %squeeze3A_271 = vector.extract %slice3A_270[0] : i32 from vector<1xi32>
      %broadcast_in_dim3A_272 = vector.broadcast %squeeze3A_271 : i32 to vector<16xi32>
      %lt3A_273 = arith.constant 0 : i32
      %lt3A_274 = vector.broadcast %lt3A_273 : i32 to vector<16xi32>
      %lt3A_275 = arith.cmpi slt, %select_n3A_82, %lt3A_274 : vector<16xi32>
      %add3A_276 = arith.constant 16 : i32
      %add3A_277 = vector.broadcast %add3A_276 : i32 to vector<16xi32>
      %add3A_278 = arith.addi %select_n3A_82, %add3A_277 : vector<16xi32>
      %select_n3A_279 = arith.select %lt3A_275, %add3A_278, %select_n3A_82 : vector<16xi1>, vector<16xi32>
      %broadcast_in_dim3A_280 = vector.shape_cast %select_n3A_279 : vector<16xi32> to vector<16x1xi32>
      %gather3A_281 = vector.shape_cast %broadcast_in_dim3A_280 : vector<16x1xi32> to vector<16xi32>
      %gather3A_282 = tpu.dynamic_gather %select_n3A_224[%gather3A_281] in [0] : vector<16xi32>, vector<16xi32> -> vector<16xi32>
      %select_n3A_283 = arith.select %eq3A_252, %broadcast_in_dim3A_272, %gather3A_282 : vector<16xi1>, vector<16xi32>
      %eq3A_284 = arith.cmpf oeq, %parallel_loop3A_55#0, %select_n3A_269 : vector<16xf32>
      %min3A_285 = arith.minsi %select_n3A_224, %select_n3A_283 : vector<16xi32>
      %max3A_286 = arith.maxsi %select_n3A_224, %select_n3A_283 : vector<16xi32>
      %select_n3A_287 = arith.select %eq3A_66, %min3A_285, %max3A_286 : vector<16xi1>, vector<16xi32>
      %select_n3A_288 = arith.select %eq3A_284, %select_n3A_287, %select_n3A_224 : vector<16xi1>, vector<16xi32>
      %slice3A_289 = vector.extract_strided_slice %parallel_loop3A_55#0 {offsets = [15], sizes = [1], strides = [1]} : vector<16xf32> to vector<1xf32>
      %squeeze3A_290 = vector.extract %slice3A_289[0] : f32 from vector<1xf32>
      %broadcast_in_dim3A_291 = vector.broadcast %squeeze3A_290 : f32 to vector<16xf32>
      %lt3A_292 = arith.constant 0 : i32
      %lt3A_293 = vector.broadcast %lt3A_292 : i32 to vector<16xi32>
      %lt3A_294 = arith.cmpi slt, %select_n3A_82, %lt3A_293 : vector<16xi32>
      %add3A_295 = arith.constant 16 : i32
      %add3A_296 = vector.broadcast %add3A_295 : i32 to vector<16xi32>
      %add3A_297 = arith.addi %select_n3A_82, %add3A_296 : vector<16xi32>
      %select_n3A_298 = arith.select %lt3A_294, %add3A_297, %select_n3A_82 : vector<16xi1>, vector<16xi32>
      %broadcast_in_dim3A_299 = vector.shape_cast %select_n3A_298 : vector<16xi32> to vector<16x1xi32>
      %gather3A_300 = vector.shape_cast %broadcast_in_dim3A_299 : vector<16x1xi32> to vector<16xi32>
      %gather3A_301 = tpu.dynamic_gather %parallel_loop3A_55#1[%gather3A_300] in [0] : vector<16xf32>, vector<16xi32> -> vector<16xf32>
      %select_n3A_302 = arith.select %eq3A_255, %broadcast_in_dim3A_291, %gather3A_301 : vector<16xi1>, vector<16xf32>
      %slice3A_303 = vector.extract_strided_slice %select_n3A_224 {offsets = [15], sizes = [1], strides = [1]} : vector<16xi32> to vector<1xi32>
      %squeeze3A_304 = vector.extract %slice3A_303[0] : i32 from vector<1xi32>
      %broadcast_in_dim3A_305 = vector.broadcast %squeeze3A_304 : i32 to vector<16xi32>
      %lt3A_306 = arith.constant 0 : i32
      %lt3A_307 = vector.broadcast %lt3A_306 : i32 to vector<16xi32>
      %lt3A_308 = arith.cmpi slt, %select_n3A_82, %lt3A_307 : vector<16xi32>
      %add3A_309 = arith.constant 16 : i32
      %add3A_310 = vector.broadcast %add3A_309 : i32 to vector<16xi32>
      %add3A_311 = arith.addi %select_n3A_82, %add3A_310 : vector<16xi32>
      %select_n3A_312 = arith.select %lt3A_308, %add3A_311, %select_n3A_82 : vector<16xi1>, vector<16xi32>
      %broadcast_in_dim3A_313 = vector.shape_cast %select_n3A_312 : vector<16xi32> to vector<16x1xi32>
      %gather3A_314 = vector.shape_cast %broadcast_in_dim3A_313 : vector<16x1xi32> to vector<16xi32>
      %gather3A_315 = tpu.dynamic_gather %select_n3A_249[%gather3A_314] in [0] : vector<16xi32>, vector<16xi32> -> vector<16xi32>
      %select_n3A_316 = arith.select %eq3A_255, %broadcast_in_dim3A_305, %gather3A_315 : vector<16xi1>, vector<16xi32>
      %eq3A_317 = arith.cmpf oeq, %parallel_loop3A_55#1, %select_n3A_302 : vector<16xf32>
      %min3A_318 = arith.minsi %select_n3A_249, %select_n3A_316 : vector<16xi32>
      %max3A_319 = arith.maxsi %select_n3A_249, %select_n3A_316 : vector<16xi32>
      %select_n3A_320 = arith.select %eq3A_66, %min3A_318, %max3A_319 : vector<16xi1>, vector<16xi32>
      %select_n3A_321 = arith.select %eq3A_317, %select_n3A_320, %select_n3A_249 : vector<16xi1>, vector<16xi32>
      %max3A_322 = arith.constant 9.99999996E-13 : f32
      %max3A_323 = vector.broadcast %max3A_322 : f32 to vector<16xf32>
      %max3A_324 = arith.maximumf %parallel_loop3A_55#0, %max3A_323 : vector<16xf32>
      %bitcast_convert_type3A = tpu.bitcast %max3A_324 : vector<16xf32> -> vector<16xi32>
      %shift_right_arithmetic3A = arith.constant 1 : i32
      %shift_right_arithmetic3A_325 = vector.broadcast %shift_right_arithmetic3A : i32 to vector<16xi32>
      %shift_right_arithmetic3A_326 = arith.shrsi %bitcast_convert_type3A, %shift_right_arithmetic3A_325 : vector<16xi32>
      %add3A_327 = arith.constant 532487669 : i32
      %add3A_328 = vector.broadcast %add3A_327 : i32 to vector<16xi32>
      %add3A_329 = arith.addi %shift_right_arithmetic3A_326, %add3A_328 : vector<16xi32>
      %bitcast_convert_type3A_330 = tpu.bitcast %add3A_329 : vector<16xi32> -> vector<16xf32>
      %div3A_331 = arith.divf %max3A_324, %bitcast_convert_type3A_330 : vector<16xf32>
      %add3A_332 = arith.addf %bitcast_convert_type3A_330, %div3A_331 : vector<16xf32>
      %mul3A_333 = arith.constant 5.000000e-01 : f32
      %mul3A_334 = vector.broadcast %mul3A_333 : f32 to vector<16xf32>
      %mul3A_335 = arith.mulf %mul3A_334, %add3A_332 : vector<16xf32>
      %div3A_336 = arith.divf %max3A_324, %mul3A_335 : vector<16xf32>
      %add3A_337 = arith.addf %mul3A_335, %div3A_336 : vector<16xf32>
      %mul3A_338 = arith.constant 5.000000e-01 : f32
      %mul3A_339 = vector.broadcast %mul3A_338 : f32 to vector<16xf32>
      %mul3A_340 = arith.mulf %mul3A_339, %add3A_337 : vector<16xf32>
      %div3A_341 = arith.divf %max3A_324, %mul3A_340 : vector<16xf32>
      %add3A_342 = arith.addf %mul3A_340, %div3A_341 : vector<16xf32>
      %mul3A_343 = arith.constant 5.000000e-01 : f32
      %mul3A_344 = vector.broadcast %mul3A_343 : f32 to vector<16xf32>
      %mul3A_345 = arith.mulf %mul3A_344, %add3A_342 : vector<16xf32>
      %div3A_346 = arith.divf %max3A_324, %mul3A_345 : vector<16xf32>
      %add3A_347 = arith.addf %mul3A_345, %div3A_346 : vector<16xf32>
      %mul3A_348 = arith.constant 5.000000e-01 : f32
      %mul3A_349 = vector.broadcast %mul3A_348 : f32 to vector<16xf32>
      %mul3A_350 = arith.mulf %mul3A_349, %add3A_347 : vector<16xf32>
      %max3A_351 = arith.constant 9.99999996E-13 : f32
      %max3A_352 = vector.broadcast %max3A_351 : f32 to vector<16xf32>
      %max3A_353 = arith.maximumf %parallel_loop3A_55#1, %max3A_352 : vector<16xf32>
      %bitcast_convert_type3A_354 = tpu.bitcast %max3A_353 : vector<16xf32> -> vector<16xi32>
      %shift_right_arithmetic3A_355 = arith.constant 1 : i32
      %shift_right_arithmetic3A_356 = vector.broadcast %shift_right_arithmetic3A_355 : i32 to vector<16xi32>
      %shift_right_arithmetic3A_357 = arith.shrsi %bitcast_convert_type3A_354, %shift_right_arithmetic3A_356 : vector<16xi32>
      %add3A_358 = arith.constant 532487669 : i32
      %add3A_359 = vector.broadcast %add3A_358 : i32 to vector<16xi32>
      %add3A_360 = arith.addi %shift_right_arithmetic3A_357, %add3A_359 : vector<16xi32>
      %bitcast_convert_type3A_361 = tpu.bitcast %add3A_360 : vector<16xi32> -> vector<16xf32>
      %div3A_362 = arith.divf %max3A_353, %bitcast_convert_type3A_361 : vector<16xf32>
      %add3A_363 = arith.addf %bitcast_convert_type3A_361, %div3A_362 : vector<16xf32>
      %mul3A_364 = arith.constant 5.000000e-01 : f32
      %mul3A_365 = vector.broadcast %mul3A_364 : f32 to vector<16xf32>
      %mul3A_366 = arith.mulf %mul3A_365, %add3A_363 : vector<16xf32>
      %div3A_367 = arith.divf %max3A_353, %mul3A_366 : vector<16xf32>
      %add3A_368 = arith.addf %mul3A_366, %div3A_367 : vector<16xf32>
      %mul3A_369 = arith.constant 5.000000e-01 : f32
      %mul3A_370 = vector.broadcast %mul3A_369 : f32 to vector<16xf32>
      %mul3A_371 = arith.mulf %mul3A_370, %add3A_368 : vector<16xf32>
      %div3A_372 = arith.divf %max3A_353, %mul3A_371 : vector<16xf32>
      %add3A_373 = arith.addf %mul3A_371, %div3A_372 : vector<16xf32>
      %mul3A_374 = arith.constant 5.000000e-01 : f32
      %mul3A_375 = vector.broadcast %mul3A_374 : f32 to vector<16xf32>
      %mul3A_376 = arith.mulf %mul3A_375, %add3A_373 : vector<16xf32>
      %div3A_377 = arith.divf %max3A_353, %mul3A_376 : vector<16xf32>
      %add3A_378 = arith.addf %mul3A_376, %div3A_377 : vector<16xf32>
      %mul3A_379 = arith.constant 5.000000e-01 : f32
      %mul3A_380 = vector.broadcast %mul3A_379 : f32 to vector<16xf32>
      %mul3A_381 = arith.mulf %mul3A_380, %add3A_378 : vector<16xf32>
      %add3A_382 = arith.addf %mul3A_350, %mul3A_381 : vector<16xf32>
      %xor3A_383 = arith.constant 1 : i32
      %xor3A_384 = vector.broadcast %xor3A_383 : i32 to vector<16xi32>
      %xor3A_385 = arith.xori %iota3A, %xor3A_384 : vector<16xi32>
      %lt3A_386 = arith.constant 0 : i32
      %lt3A_387 = vector.broadcast %lt3A_386 : i32 to vector<16xi32>
      %lt3A_388 = arith.cmpi slt, %xor3A_385, %lt3A_387 : vector<16xi32>
      %add3A_389 = arith.constant 16 : i32
      %add3A_390 = vector.broadcast %add3A_389 : i32 to vector<16xi32>
      %add3A_391 = arith.addi %xor3A_385, %add3A_390 : vector<16xi32>
      %select_n3A_392 = arith.select %lt3A_388, %add3A_391, %xor3A_385 : vector<16xi1>, vector<16xi32>
      %broadcast_in_dim3A_393 = vector.shape_cast %select_n3A_392 : vector<16xi32> to vector<16x1xi32>
      %gather3A_394 = vector.shape_cast %broadcast_in_dim3A_393 : vector<16x1xi32> to vector<16xi32>
      %gather3A_395 = tpu.dynamic_gather %add3A_382[%gather3A_394] in [0] : vector<16xf32>, vector<16xi32> -> vector<16xf32>
      %add3A_396 = arith.addf %add3A_382, %gather3A_395 : vector<16xf32>
      %xor3A_397 = arith.constant 2 : i32
      %xor3A_398 = vector.broadcast %xor3A_397 : i32 to vector<16xi32>
      %xor3A_399 = arith.xori %iota3A, %xor3A_398 : vector<16xi32>
      %lt3A_400 = arith.constant 0 : i32
      %lt3A_401 = vector.broadcast %lt3A_400 : i32 to vector<16xi32>
      %lt3A_402 = arith.cmpi slt, %xor3A_399, %lt3A_401 : vector<16xi32>
      %add3A_403 = arith.constant 16 : i32
      %add3A_404 = vector.broadcast %add3A_403 : i32 to vector<16xi32>
      %add3A_405 = arith.addi %xor3A_399, %add3A_404 : vector<16xi32>
      %select_n3A_406 = arith.select %lt3A_402, %add3A_405, %xor3A_399 : vector<16xi1>, vector<16xi32>
      %broadcast_in_dim3A_407 = vector.shape_cast %select_n3A_406 : vector<16xi32> to vector<16x1xi32>
      %gather3A_408 = vector.shape_cast %broadcast_in_dim3A_407 : vector<16x1xi32> to vector<16xi32>
      %gather3A_409 = tpu.dynamic_gather %add3A_396[%gather3A_408] in [0] : vector<16xf32>, vector<16xi32> -> vector<16xf32>
      %add3A_410 = arith.addf %add3A_396, %gather3A_409 : vector<16xf32>
      %xor3A_411 = arith.constant 4 : i32
      %xor3A_412 = vector.broadcast %xor3A_411 : i32 to vector<16xi32>
      %xor3A_413 = arith.xori %iota3A, %xor3A_412 : vector<16xi32>
      %lt3A_414 = arith.constant 0 : i32
      %lt3A_415 = vector.broadcast %lt3A_414 : i32 to vector<16xi32>
      %lt3A_416 = arith.cmpi slt, %xor3A_413, %lt3A_415 : vector<16xi32>
      %add3A_417 = arith.constant 16 : i32
      %add3A_418 = vector.broadcast %add3A_417 : i32 to vector<16xi32>
      %add3A_419 = arith.addi %xor3A_413, %add3A_418 : vector<16xi32>
      %select_n3A_420 = arith.select %lt3A_416, %add3A_419, %xor3A_413 : vector<16xi1>, vector<16xi32>
      %broadcast_in_dim3A_421 = vector.shape_cast %select_n3A_420 : vector<16xi32> to vector<16x1xi32>
      %gather3A_422 = vector.shape_cast %broadcast_in_dim3A_421 : vector<16x1xi32> to vector<16xi32>
      %gather3A_423 = tpu.dynamic_gather %add3A_410[%gather3A_422] in [0] : vector<16xf32>, vector<16xi32> -> vector<16xf32>
      %add3A_424 = arith.addf %add3A_410, %gather3A_423 : vector<16xf32>
      %xor3A_425 = arith.constant 8 : i32
      %xor3A_426 = vector.broadcast %xor3A_425 : i32 to vector<16xi32>
      %xor3A_427 = arith.xori %iota3A, %xor3A_426 : vector<16xi32>
      %lt3A_428 = arith.constant 0 : i32
      %lt3A_429 = vector.broadcast %lt3A_428 : i32 to vector<16xi32>
      %lt3A_430 = arith.cmpi slt, %xor3A_427, %lt3A_429 : vector<16xi32>
      %add3A_431 = arith.constant 16 : i32
      %add3A_432 = vector.broadcast %add3A_431 : i32 to vector<16xi32>
      %add3A_433 = arith.addi %xor3A_427, %add3A_432 : vector<16xi32>
      %select_n3A_434 = arith.select %lt3A_430, %add3A_433, %xor3A_427 : vector<16xi1>, vector<16xi32>
      %broadcast_in_dim3A_435 = vector.shape_cast %select_n3A_434 : vector<16xi32> to vector<16x1xi32>
      %gather3A_436 = vector.shape_cast %broadcast_in_dim3A_435 : vector<16x1xi32> to vector<16xi32>
      %gather3A_437 = tpu.dynamic_gather %add3A_424[%gather3A_436] in [0] : vector<16xf32>, vector<16xi32> -> vector<16xf32>
      %add3A_438 = arith.addf %add3A_424, %gather3A_437 : vector<16xf32>
      %div3A_439 = arith.divf %mul3A_350, %add3A_438 : vector<16xf32>
      %div3A_440 = arith.divf %mul3A_381, %add3A_438 : vector<16xf32>
      %mul3A_441 = arith.constant 8192 : i32
      %mul3A_442 = arith.muli %select_n3A, %mul3A_441 : i32
      %add3A_443 = vector.broadcast %mul3A_442 : i32 to vector<16xi32>
      %add3A_444 = arith.addi %select_n3A_288, %add3A_443 : vector<16xi32>
      %mul3A_445 = arith.constant 8192 : i32
      %mul3A_446 = arith.muli %select_n3A, %mul3A_445 : i32
      %add3A_447 = vector.broadcast %mul3A_446 : i32 to vector<16xi32>
      %add3A_448 = arith.addi %select_n3A_321, %add3A_447 : vector<16xi32>
      %dma_start3A_449 = arith.constant 0 : i32
      %dma_start3A_450 = arith.constant 0 : i32
      %dma_start3A_451 = tpu.memref_slice %arg15[%dma_start3A_449, %dma_start3A_450] : memref<32x32xf32, #tpu.memory_space<vmem>> -> memref<16x32xf32, #tpu.memory_space<vmem>>
      %dma_start3A_452 = arith.constant 0 : i32
      %dma_start3A_453 = arith.constant 0 : i32
      %dma_start3A_454 = tpu.memref_slice %arg7[%dma_start3A_452, %dma_start3A_453] : memref<32768x32xf32, #tpu.memory_space<hbm>> -> memref<32768x32xf32, #tpu.memory_space<hbm>>
      tpu.enqueue_indirect_dma source(%dma_start3A_454 : memref<32768x32xf32, #tpu.memory_space<hbm>>) target(%dma_start3A_451 : memref<16x32xf32, #tpu.memory_space<vmem>>) offsets(%add3A_444 : vector<16xi32>) semaphore(%arg18 : memref<!tpu.dma_semaphore, #tpu.memory_space<semaphore_mem>>)
      %dma_start3A_455 = arith.constant 16 : i32
      %dma_start3A_456 = arith.constant 0 : i32
      %dma_start3A_457 = tpu.memref_slice %arg15[%dma_start3A_455, %dma_start3A_456] : memref<32x32xf32, #tpu.memory_space<vmem>> -> memref<16x32xf32, #tpu.memory_space<vmem>>
      %dma_start3A_458 = arith.constant 0 : i32
      %dma_start3A_459 = arith.constant 0 : i32
      %dma_start3A_460 = tpu.memref_slice %arg7[%dma_start3A_458, %dma_start3A_459] : memref<32768x32xf32, #tpu.memory_space<hbm>> -> memref<32768x32xf32, #tpu.memory_space<hbm>>
      tpu.enqueue_indirect_dma source(%dma_start3A_460 : memref<32768x32xf32, #tpu.memory_space<hbm>>) target(%dma_start3A_457 : memref<16x32xf32, #tpu.memory_space<vmem>>) offsets(%add3A_448 : vector<16xi32>) semaphore(%arg18 : memref<!tpu.dma_semaphore, #tpu.memory_space<semaphore_mem>>)
      %mul3A_461 = arith.constant 3 : i32
      %mul3A_462 = arith.muli %mul3A_461, %mul3A_43 : i32
      %get3A = arith.index_cast %mul3A_462 : i32 to index
      %get3A_463 = tpu.vector_load %arg14[%get3A] {strides = array<i32>} : memref<400xf32, #tpu.memory_space<vmem>>, vector<16xf32>,
      %slice3A_464 = vector.extract_strided_slice %get3A_463 {offsets = [0], sizes = [1], strides = [1]} : vector<16xf32> to vector<1xf32>
      %squeeze3A_465 = vector.extract %slice3A_464[0] : f32 from vector<1xf32>
      %slice3A_466 = vector.extract_strided_slice %get3A_463 {offsets = [1], sizes = [1], strides = [1]} : vector<16xf32> to vector<1xf32>
      %squeeze3A_467 = vector.extract %slice3A_466[0] : f32 from vector<1xf32>
      %slice3A_468 = vector.extract_strided_slice %get3A_463 {offsets = [2], sizes = [1], strides = [1]} : vector<16xf32> to vector<1xf32>
      %squeeze3A_469 = vector.extract %slice3A_468[0] : f32 from vector<1xf32>
      %gather3A_470 = tpu.vector_load_idx %arg11[%select_n3A_288] : memref<8192xf32, #tpu.memory_space<vmem>>[vector<16xi32>], vector<16xf32>,
      %sub3A_471 = vector.broadcast %squeeze3A_465 : f32 to vector<16xf32>
      %sub3A_472 = arith.subf %gather3A_470, %sub3A_471 : vector<16xf32>
      %gather3A_473 = tpu.vector_load_idx %arg12[%select_n3A_288] : memref<8192xf32, #tpu.memory_space<vmem>>[vector<16xi32>], vector<16xf32>,
      %sub3A_474 = vector.broadcast %squeeze3A_467 : f32 to vector<16xf32>
      %sub3A_475 = arith.subf %gather3A_473, %sub3A_474 : vector<16xf32>
      %gather3A_476 = tpu.vector_load_idx %arg13[%select_n3A_288] : memref<8192xf32, #tpu.memory_space<vmem>>[vector<16xi32>], vector<16xf32>,
      %sub3A_477 = vector.broadcast %squeeze3A_469 : f32 to vector<16xf32>
      %sub3A_478 = arith.subf %gather3A_476, %sub3A_477 : vector<16xf32>
      %gather3A_479 = tpu.vector_load_idx %arg11[%select_n3A_321] : memref<8192xf32, #tpu.memory_space<vmem>>[vector<16xi32>], vector<16xf32>,
      %sub3A_480 = vector.broadcast %squeeze3A_465 : f32 to vector<16xf32>
      %sub3A_481 = arith.subf %gather3A_479, %sub3A_480 : vector<16xf32>
      %gather3A_482 = tpu.vector_load_idx %arg12[%select_n3A_321] : memref<8192xf32, #tpu.memory_space<vmem>>[vector<16xi32>], vector<16xf32>,
      %sub3A_483 = vector.broadcast %squeeze3A_467 : f32 to vector<16xf32>
      %sub3A_484 = arith.subf %gather3A_482, %sub3A_483 : vector<16xf32>
      %gather3A_485 = tpu.vector_load_idx %arg13[%select_n3A_321] : memref<8192xf32, #tpu.memory_space<vmem>>[vector<16xi32>], vector<16xf32>,
      %sub3A_486 = vector.broadcast %squeeze3A_469 : f32 to vector<16xf32>
      %sub3A_487 = arith.subf %gather3A_485, %sub3A_486 : vector<16xf32>
      tpu.vector_store_idx %arg16[%mul3A_29], %sub3A_472 : memref<1120xf32, #tpu.memory_space<vmem>>[vector<16xi32>], vector<16xf32>,
      %add3A_488 = arith.constant 1 : i32
      %add3A_489 = vector.broadcast %add3A_488 : i32 to vector<16xi32>
      %add3A_490 = arith.addi %mul3A_29, %add3A_489 : vector<16xi32>
      tpu.vector_store_idx %arg16[%add3A_490], %sub3A_475 : memref<1120xf32, #tpu.memory_space<vmem>>[vector<16xi32>], vector<16xf32>,
      %add3A_491 = arith.constant 2 : i32
      %add3A_492 = vector.broadcast %add3A_491 : i32 to vector<16xi32>
      %add3A_493 = arith.addi %mul3A_29, %add3A_492 : vector<16xi32>
      tpu.vector_store_idx %arg16[%add3A_493], %sub3A_478 : memref<1120xf32, #tpu.memory_space<vmem>>[vector<16xi32>], vector<16xf32>,
      tpu.vector_store_idx %arg16[%add3A_32], %sub3A_481 : memref<1120xf32, #tpu.memory_space<vmem>>[vector<16xi32>], vector<16xf32>,
      %add3A_494 = arith.constant 1 : i32
      %add3A_495 = vector.broadcast %add3A_494 : i32 to vector<16xi32>
      %add3A_496 = arith.addi %add3A_32, %add3A_495 : vector<16xi32>
      tpu.vector_store_idx %arg16[%add3A_496], %sub3A_484 : memref<1120xf32, #tpu.memory_space<vmem>>[vector<16xi32>], vector<16xf32>,
      %add3A_497 = arith.constant 2 : i32
      %add3A_498 = vector.broadcast %add3A_497 : i32 to vector<16xi32>
      %add3A_499 = arith.addi %add3A_32, %add3A_498 : vector<16xi32>
      tpu.vector_store_idx %arg16[%add3A_499], %sub3A_487 : memref<1120xf32, #tpu.memory_space<vmem>>[vector<16xi32>], vector<16xf32>,
      %dma_wait3A_500 = arith.constant 0 : i32
      %dma_wait3A_501 = arith.constant 0 : i32
      %dma_wait3A_502 = tpu.memref_slice %arg15[%dma_wait3A_500, %dma_wait3A_501] : memref<32x32xf32, #tpu.memory_space<vmem>> -> memref<16x32xf32, #tpu.memory_space<vmem>>
      %dma_wait3A_503 = arith.constant 0 : i32
      %dma_wait3A_504 = arith.constant 0 : i32
      %dma_wait3A_505 = tpu.memref_slice %arg7[%dma_wait3A_503, %dma_wait3A_504] : memref<32768x32xf32, #tpu.memory_space<hbm>> -> memref<32768x32xf32, #tpu.memory_space<hbm>>
      tpu.wait_indirect_dma semaphore(%arg18 : memref<!tpu.dma_semaphore, #tpu.memory_space<semaphore_mem>>) src(%dma_wait3A_505 : memref<32768x32xf32, #tpu.memory_space<hbm>>) dst(%dma_wait3A_502 : memref<16x32xf32, #tpu.memory_space<vmem>>)
      %dma_wait3A_506 = arith.constant 16 : i32
      %dma_wait3A_507 = arith.constant 0 : i32
      %dma_wait3A_508 = tpu.memref_slice %arg15[%dma_wait3A_506, %dma_wait3A_507] : memref<32x32xf32, #tpu.memory_space<vmem>> -> memref<16x32xf32, #tpu.memory_space<vmem>>
      %dma_wait3A_509 = arith.constant 0 : i32
      %dma_wait3A_510 = arith.constant 0 : i32
      %dma_wait3A_511 = tpu.memref_slice %arg7[%dma_wait3A_509, %dma_wait3A_510] : memref<32768x32xf32, #tpu.memory_space<hbm>> -> memref<32768x32xf32, #tpu.memory_space<hbm>>
      tpu.wait_indirect_dma semaphore(%arg18 : memref<!tpu.dma_semaphore, #tpu.memory_space<semaphore_mem>>) src(%dma_wait3A_511 : memref<32768x32xf32, #tpu.memory_space<hbm>>) dst(%dma_wait3A_508 : memref<16x32xf32, #tpu.memory_space<vmem>>)
      %get3A_512 = arith.constant 0 : i32
      %get3A_513 = arith.index_cast %get3A_512 : i32 to index
      %get3A_514 = arith.constant 0 : index
      %get3A_515 = tpu.vector_load %arg15[%get3A_513, %get3A_514] {strides = array<i32>} : memref<32x32xf32, #tpu.memory_space<vmem>>, vector<16xf32>,
      %get3A_516 = arith.constant 0 : i32
      %get3A_517 = arith.index_cast %get3A_516 : i32 to index
      %get3A_518 = arith.constant 16 : index
      %get3A_519 = tpu.vector_load %arg15[%get3A_517, %get3A_518] {strides = array<i32>} : memref<32x32xf32, #tpu.memory_space<vmem>>, vector<16xf32>,
      %mul3A_520 = arith.mulf %get3A_515, %div3A_439 : vector<16xf32>
      %swap3A = arith.constant 3 : index
      %swap3A_521 = tpu.vector_load %arg16[%swap3A] {strides = array<i32>} : memref<1120xf32, #tpu.memory_space<vmem>>, vector<16xf32>,
      tpu.vector_store %arg16[%swap3A], %mul3A_520 {strides = array<i32>} : memref<1120xf32, #tpu.memory_space<vmem>>, vector<16xf32>,
      %mul3A_522 = arith.mulf %get3A_519, %div3A_440 : vector<16xf32>
      %swap3A_523 = arith.constant 19 : index
      %swap3A_524 = tpu.vector_load %arg16[%swap3A_523] {strides = array<i32>} : memref<1120xf32, #tpu.memory_space<vmem>>, vector<16xf32>,
      tpu.vector_store %arg16[%swap3A_523], %mul3A_522 {strides = array<i32>} : memref<1120xf32, #tpu.memory_space<vmem>>, vector<16xf32>,
      %get3A_525 = arith.constant 1 : i32
      %get3A_526 = arith.index_cast %get3A_525 : i32 to index
      %get3A_527 = arith.constant 0 : index
      %get3A_528 = tpu.vector_load %arg15[%get3A_526, %get3A_527] {strides = array<i32>} : memref<32x32xf32, #tpu.memory_space<vmem>>, vector<16xf32>,
      %get3A_529 = arith.constant 1 : i32
      %get3A_530 = arith.index_cast %get3A_529 : i32 to index
      %get3A_531 = arith.constant 16 : index
      %get3A_532 = tpu.vector_load %arg15[%get3A_530, %get3A_531] {strides = array<i32>} : memref<32x32xf32, #tpu.memory_space<vmem>>, vector<16xf32>,
      %mul3A_533 = arith.mulf %get3A_528, %div3A_439 : vector<16xf32>
      %swap3A_534 = arith.constant 38 : index
      %swap3A_535 = tpu.vector_load %arg16[%swap3A_534] {strides = array<i32>} : memref<1120xf32, #tpu.memory_space<vmem>>, vector<16xf32>,
      tpu.vector_store %arg16[%swap3A_534], %mul3A_533 {strides = array<i32>} : memref<1120xf32, #tpu.memory_space<vmem>>, vector<16xf32>,
      %mul3A_536 = arith.mulf %get3A_532, %div3A_440 : vector<16xf32>
      %swap3A_537 = arith.constant 54 : index
      %swap3A_538 = tpu.vector_load %arg16[%swap3A_537] {strides = array<i32>} : memref<1120xf32, #tpu.memory_space<vmem>>, vector<16xf32>,
      tpu.vector_store %arg16[%swap3A_537], %mul3A_536 {strides = array<i32>} : memref<1120xf32, #tpu.memory_space<vmem>>, vector<16xf32>,
      %get3A_539 = arith.constant 2 : i32
      %get3A_540 = arith.index_cast %get3A_539 : i32 to index
      %get3A_541 = arith.constant 0 : index
      %get3A_542 = tpu.vector_load %arg15[%get3A_540, %get3A_541] {strides = array<i32>} : memref<32x32xf32, #tpu.memory_space<vmem>>, vector<16xf32>,
      %get3A_543 = arith.constant 2 : i32
      %get3A_544 = arith.index_cast %get3A_543 : i32 to index
      %get3A_545 = arith.constant 16 : index
      %get3A_546 = tpu.vector_load %arg15[%get3A_544, %get3A_545] {strides = array<i32>} : memref<32x32xf32, #tpu.memory_space<vmem>>, vector<16xf32>,
      %mul3A_547 = arith.mulf %get3A_542, %div3A_439 : vector<16xf32>
      %swap3A_548 = arith.constant 73 : index
      %swap3A_549 = tpu.vector_load %arg16[%swap3A_548] {strides = array<i32>} : memref<1120xf32, #tpu.memory_space<vmem>>, vector<16xf32>,
      tpu.vector_store %arg16[%swap3A_548], %mul3A_547 {strides = array<i32>} : memref<1120xf32, #tpu.memory_space<vmem>>, vector<16xf32>,
      %mul3A_550 = arith.mulf %get3A_546, %div3A_440 : vector<16xf32>
      %swap3A_551 = arith.constant 89 : index
      %swap3A_552 = tpu.vector_load %arg16[%swap3A_551] {strides = array<i32>} : memref<1120xf32, #tpu.memory_space<vmem>>, vector<16xf32>,
      tpu.vector_store %arg16[%swap3A_551], %mul3A_550 {strides = array<i32>} : memref<1120xf32, #tpu.memory_space<vmem>>, vector<16xf32>,
      %get3A_553 = arith.constant 3 : i32
      %get3A_554 = arith.index_cast %get3A_553 : i32 to index
      %get3A_555 = arith.constant 0 : index
      %get3A_556 = tpu.vector_load %arg15[%get3A_554, %get3A_555] {strides = array<i32>} : memref<32x32xf32, #tpu.memory_space<vmem>>, vector<16xf32>,
      %get3A_557 = arith.constant 3 : i32
      %get3A_558 = arith.index_cast %get3A_557 : i32 to index
      %get3A_559 = arith.constant 16 : index
      %get3A_560 = tpu.vector_load %arg15[%get3A_558, %get3A_559] {strides = array<i32>} : memref<32x32xf32, #tpu.memory_space<vmem>>, vector<16xf32>,
      %mul3A_561 = arith.mulf %get3A_556, %div3A_439 : vector<16xf32>
      %swap3A_562 = arith.constant 108 : index
      %swap3A_563 = tpu.vector_load %arg16[%swap3A_562] {strides = array<i32>} : memref<1120xf32, #tpu.memory_space<vmem>>, vector<16xf32>,
      tpu.vector_store %arg16[%swap3A_562], %mul3A_561 {strides = array<i32>} : memref<1120xf32, #tpu.memory_space<vmem>>, vector<16xf32>,
      %mul3A_564 = arith.mulf %get3A_560, %div3A_440 : vector<16xf32>
      %swap3A_565 = arith.constant 124 : index
      %swap3A_566 = tpu.vector_load %arg16[%swap3A_565] {strides = array<i32>} : memref<1120xf32, #tpu.memory_space<vmem>>, vector<16xf32>,
      tpu.vector_store %arg16[%swap3A_565], %mul3A_564 {strides = array<i32>} : memref<1120xf32, #tpu.memory_space<vmem>>, vector<16xf32>,
      %get3A_567 = arith.constant 4 : i32
      %get3A_568 = arith.index_cast %get3A_567 : i32 to index
      %get3A_569 = arith.constant 0 : index
      %get3A_570 = tpu.vector_load %arg15[%get3A_568, %get3A_569] {strides = array<i32>} : memref<32x32xf32, #tpu.memory_space<vmem>>, vector<16xf32>,
      %get3A_571 = arith.constant 4 : i32
      %get3A_572 = arith.index_cast %get3A_571 : i32 to index
      %get3A_573 = arith.constant 16 : index
      %get3A_574 = tpu.vector_load %arg15[%get3A_572, %get3A_573] {strides = array<i32>} : memref<32x32xf32, #tpu.memory_space<vmem>>, vector<16xf32>,
      %mul3A_575 = arith.mulf %get3A_570, %div3A_439 : vector<16xf32>
      %swap3A_576 = arith.constant 143 : index
      %swap3A_577 = tpu.vector_load %arg16[%swap3A_576] {strides = array<i32>} : memref<1120xf32, #tpu.memory_space<vmem>>, vector<16xf32>,
      tpu.vector_store %arg16[%swap3A_576], %mul3A_575 {strides = array<i32>} : memref<1120xf32, #tpu.memory_space<vmem>>, vector<16xf32>,
      %mul3A_578 = arith.mulf %get3A_574, %div3A_440 : vector<16xf32>
      %swap3A_579 = arith.constant 159 : index
      %swap3A_580 = tpu.vector_load %arg16[%swap3A_579] {strides = array<i32>} : memref<1120xf32, #tpu.memory_space<vmem>>, vector<16xf32>,
      tpu.vector_store %arg16[%swap3A_579], %mul3A_578 {strides = array<i32>} : memref<1120xf32, #tpu.memory_space<vmem>>, vector<16xf32>,
      %get3A_581 = arith.constant 5 : i32
      %get3A_582 = arith.index_cast %get3A_581 : i32 to index
      %get3A_583 = arith.constant 0 : index
      %get3A_584 = tpu.vector_load %arg15[%get3A_582, %get3A_583] {strides = array<i32>} : memref<32x32xf32, #tpu.memory_space<vmem>>, vector<16xf32>,
      %get3A_585 = arith.constant 5 : i32
      %get3A_586 = arith.index_cast %get3A_585 : i32 to index
      %get3A_587 = arith.constant 16 : index
      %get3A_588 = tpu.vector_load %arg15[%get3A_586, %get3A_587] {strides = array<i32>} : memref<32x32xf32, #tpu.memory_space<vmem>>, vector<16xf32>,
      %mul3A_589 = arith.mulf %get3A_584, %div3A_439 : vector<16xf32>
      %swap3A_590 = arith.constant 178 : index
      %swap3A_591 = tpu.vector_load %arg16[%swap3A_590] {strides = array<i32>} : memref<1120xf32, #tpu.memory_space<vmem>>, vector<16xf32>,
      tpu.vector_store %arg16[%swap3A_590], %mul3A_589 {strides = array<i32>} : memref<1120xf32, #tpu.memory_space<vmem>>, vector<16xf32>,
      %mul3A_592 = arith.mulf %get3A_588, %div3A_440 : vector<16xf32>
      %swap3A_593 = arith.constant 194 : index
      %swap3A_594 = tpu.vector_load %arg16[%swap3A_593] {strides = array<i32>} : memref<1120xf32, #tpu.memory_space<vmem>>, vector<16xf32>,
      tpu.vector_store %arg16[%swap3A_593], %mul3A_592 {strides = array<i32>} : memref<1120xf32, #tpu.memory_space<vmem>>, vector<16xf32>,
      %get3A_595 = arith.constant 6 : i32
      %get3A_596 = arith.index_cast %get3A_595 : i32 to index
      %get3A_597 = arith.constant 0 : index
      %get3A_598 = tpu.vector_load %arg15[%get3A_596, %get3A_597] {strides = array<i32>} : memref<32x32xf32, #tpu.memory_space<vmem>>, vector<16xf32>,
      %get3A_599 = arith.constant 6 : i32
      %get3A_600 = arith.index_cast %get3A_599 : i32 to index
      %get3A_601 = arith.constant 16 : index
      %get3A_602 = tpu.vector_load %arg15[%get3A_600, %get3A_601] {strides = array<i32>} : memref<32x32xf32, #tpu.memory_space<vmem>>, vector<16xf32>,
      %mul3A_603 = arith.mulf %get3A_598, %div3A_439 : vector<16xf32>
      %swap3A_604 = arith.constant 213 : index
      %swap3A_605 = tpu.vector_load %arg16[%swap3A_604] {strides = array<i32>} : memref<1120xf32, #tpu.memory_space<vmem>>, vector<16xf32>,
      tpu.vector_store %arg16[%swap3A_604], %mul3A_603 {strides = array<i32>} : memref<1120xf32, #tpu.memory_space<vmem>>, vector<16xf32>,
      %mul3A_606 = arith.mulf %get3A_602, %div3A_440 : vector<16xf32>
      %swap3A_607 = arith.constant 229 : index
      %swap3A_608 = tpu.vector_load %arg16[%swap3A_607] {strides = array<i32>} : memref<1120xf32, #tpu.memory_space<vmem>>, vector<16xf32>,
      tpu.vector_store %arg16[%swap3A_607], %mul3A_606 {strides = array<i32>} : memref<1120xf32, #tpu.memory_space<vmem>>, vector<16xf32>,
      %get3A_609 = arith.constant 7 : i32
      %get3A_610 = arith.index_cast %get3A_609 : i32 to index
      %get3A_611 = arith.constant 0 : index
      %get3A_612 = tpu.vector_load %arg15[%get3A_610, %get3A_611] {strides = array<i32>} : memref<32x32xf32, #tpu.memory_space<vmem>>, vector<16xf32>,
      %get3A_613 = arith.constant 7 : i32
      %get3A_614 = arith.index_cast %get3A_613 : i32 to index
      %get3A_615 = arith.constant 16 : index
      %get3A_616 = tpu.vector_load %arg15[%get3A_614, %get3A_615] {strides = array<i32>} : memref<32x32xf32, #tpu.memory_space<vmem>>, vector<16xf32>,
      %mul3A_617 = arith.mulf %get3A_612, %div3A_439 : vector<16xf32>
      %swap3A_618 = arith.constant 248 : index
      %swap3A_619 = tpu.vector_load %arg16[%swap3A_618] {strides = array<i32>} : memref<1120xf32, #tpu.memory_space<vmem>>, vector<16xf32>,
      tpu.vector_store %arg16[%swap3A_618], %mul3A_617 {strides = array<i32>} : memref<1120xf32, #tpu.memory_space<vmem>>, vector<16xf32>,
      %mul3A_620 = arith.mulf %get3A_616, %div3A_440 : vector<16xf32>
      %swap3A_621 = arith.constant 264 : index
      %swap3A_622 = tpu.vector_load %arg16[%swap3A_621] {strides = array<i32>} : memref<1120xf32, #tpu.memory_space<vmem>>, vector<16xf32>,
      tpu.vector_store %arg16[%swap3A_621], %mul3A_620 {strides = array<i32>} : memref<1120xf32, #tpu.memory_space<vmem>>, vector<16xf32>,
      %get3A_623 = arith.constant 8 : i32
      %get3A_624 = arith.index_cast %get3A_623 : i32 to index
      %get3A_625 = arith.constant 0 : index
      %get3A_626 = tpu.vector_load %arg15[%get3A_624, %get3A_625] {strides = array<i32>} : memref<32x32xf32, #tpu.memory_space<vmem>>, vector<16xf32>,
      %get3A_627 = arith.constant 8 : i32
      %get3A_628 = arith.index_cast %get3A_627 : i32 to index
      %get3A_629 = arith.constant 16 : index
      %get3A_630 = tpu.vector_load %arg15[%get3A_628, %get3A_629] {strides = array<i32>} : memref<32x32xf32, #tpu.memory_space<vmem>>, vector<16xf32>,
      %mul3A_631 = arith.mulf %get3A_626, %div3A_439 : vector<16xf32>
      %swap3A_632 = arith.constant 283 : index
      %swap3A_633 = tpu.vector_load %arg16[%swap3A_632] {strides = array<i32>} : memref<1120xf32, #tpu.memory_space<vmem>>, vector<16xf32>,
      tpu.vector_store %arg16[%swap3A_632], %mul3A_631 {strides = array<i32>} : memref<1120xf32, #tpu.memory_space<vmem>>, vector<16xf32>,
      %mul3A_634 = arith.mulf %get3A_630, %div3A_440 : vector<16xf32>
      %swap3A_635 = arith.constant 299 : index
      %swap3A_636 = tpu.vector_load %arg16[%swap3A_635] {strides = array<i32>} : memref<1120xf32, #tpu.memory_space<vmem>>, vector<16xf32>,
      tpu.vector_store %arg16[%swap3A_635], %mul3A_634 {strides = array<i32>} : memref<1120xf32, #tpu.memory_space<vmem>>, vector<16xf32>,
      %get3A_637 = arith.constant 9 : i32
      %get3A_638 = arith.index_cast %get3A_637 : i32 to index
      %get3A_639 = arith.constant 0 : index
      %get3A_640 = tpu.vector_load %arg15[%get3A_638, %get3A_639] {strides = array<i32>} : memref<32x32xf32, #tpu.memory_space<vmem>>, vector<16xf32>,
      %get3A_641 = arith.constant 9 : i32
      %get3A_642 = arith.index_cast %get3A_641 : i32 to index
      %get3A_643 = arith.constant 16 : index
      %get3A_644 = tpu.vector_load %arg15[%get3A_642, %get3A_643] {strides = array<i32>} : memref<32x32xf32, #tpu.memory_space<vmem>>, vector<16xf32>,
      %mul3A_645 = arith.mulf %get3A_640, %div3A_439 : vector<16xf32>
      %swap3A_646 = arith.constant 318 : index
      %swap3A_647 = tpu.vector_load %arg16[%swap3A_646] {strides = array<i32>} : memref<1120xf32, #tpu.memory_space<vmem>>, vector<16xf32>,
      tpu.vector_store %arg16[%swap3A_646], %mul3A_645 {strides = array<i32>} : memref<1120xf32, #tpu.memory_space<vmem>>, vector<16xf32>,
      %mul3A_648 = arith.mulf %get3A_644, %div3A_440 : vector<16xf32>
      %swap3A_649 = arith.constant 334 : index
      %swap3A_650 = tpu.vector_load %arg16[%swap3A_649] {strides = array<i32>} : memref<1120xf32, #tpu.memory_space<vmem>>, vector<16xf32>,
      tpu.vector_store %arg16[%swap3A_649], %mul3A_648 {strides = array<i32>} : memref<1120xf32, #tpu.memory_space<vmem>>, vector<16xf32>,
      %get3A_651 = arith.constant 10 : i32
      %get3A_652 = arith.index_cast %get3A_651 : i32 to index
      %get3A_653 = arith.constant 0 : index
      %get3A_654 = tpu.vector_load %arg15[%get3A_652, %get3A_653] {strides = array<i32>} : memref<32x32xf32, #tpu.memory_space<vmem>>, vector<16xf32>,
      %get3A_655 = arith.constant 10 : i32
      %get3A_656 = arith.index_cast %get3A_655 : i32 to index
      %get3A_657 = arith.constant 16 : index
      %get3A_658 = tpu.vector_load %arg15[%get3A_656, %get3A_657] {strides = array<i32>} : memref<32x32xf32, #tpu.memory_space<vmem>>, vector<16xf32>,
      %mul3A_659 = arith.mulf %get3A_654, %div3A_439 : vector<16xf32>
      %swap3A_660 = arith.constant 353 : index
      %swap3A_661 = tpu.vector_load %arg16[%swap3A_660] {strides = array<i32>} : memref<1120xf32, #tpu.memory_space<vmem>>, vector<16xf32>,
      tpu.vector_store %arg16[%swap3A_660], %mul3A_659 {strides = array<i32>} : memref<1120xf32, #tpu.memory_space<vmem>>, vector<16xf32>,
      %mul3A_662 = arith.mulf %get3A_658, %div3A_440 : vector<16xf32>
      %swap3A_663 = arith.constant 369 : index
      %swap3A_664 = tpu.vector_load %arg16[%swap3A_663] {strides = array<i32>} : memref<1120xf32, #tpu.memory_space<vmem>>, vector<16xf32>,
      tpu.vector_store %arg16[%swap3A_663], %mul3A_662 {strides = array<i32>} : memref<1120xf32, #tpu.memory_space<vmem>>, vector<16xf32>,
      %get3A_665 = arith.constant 11 : i32
      %get3A_666 = arith.index_cast %get3A_665 : i32 to index
      %get3A_667 = arith.constant 0 : index
      %get3A_668 = tpu.vector_load %arg15[%get3A_666, %get3A_667] {strides = array<i32>} : memref<32x32xf32, #tpu.memory_space<vmem>>, vector<16xf32>,
      %get3A_669 = arith.constant 11 : i32
      %get3A_670 = arith.index_cast %get3A_669 : i32 to index
      %get3A_671 = arith.constant 16 : index
      %get3A_672 = tpu.vector_load %arg15[%get3A_670, %get3A_671] {strides = array<i32>} : memref<32x32xf32, #tpu.memory_space<vmem>>, vector<16xf32>,
      %mul3A_673 = arith.mulf %get3A_668, %div3A_439 : vector<16xf32>
      %swap3A_674 = arith.constant 388 : index
      %swap3A_675 = tpu.vector_load %arg16[%swap3A_674] {strides = array<i32>} : memref<1120xf32, #tpu.memory_space<vmem>>, vector<16xf32>,
      tpu.vector_store %arg16[%swap3A_674], %mul3A_673 {strides = array<i32>} : memref<1120xf32, #tpu.memory_space<vmem>>, vector<16xf32>,
      %mul3A_676 = arith.mulf %get3A_672, %div3A_440 : vector<16xf32>
      %swap3A_677 = arith.constant 404 : index
      %swap3A_678 = tpu.vector_load %arg16[%swap3A_677] {strides = array<i32>} : memref<1120xf32, #tpu.memory_space<vmem>>, vector<16xf32>,
      tpu.vector_store %arg16[%swap3A_677], %mul3A_676 {strides = array<i32>} : memref<1120xf32, #tpu.memory_space<vmem>>, vector<16xf32>,
      %get3A_679 = arith.constant 12 : i32
      %get3A_680 = arith.index_cast %get3A_679 : i32 to index
      %get3A_681 = arith.constant 0 : index
      %get3A_682 = tpu.vector_load %arg15[%get3A_680, %get3A_681] {strides = array<i32>} : memref<32x32xf32, #tpu.memory_space<vmem>>, vector<16xf32>,
      %get3A_683 = arith.constant 12 : i32
      %get3A_684 = arith.index_cast %get3A_683 : i32 to index
      %get3A_685 = arith.constant 16 : index
      %get3A_686 = tpu.vector_load %arg15[%get3A_684, %get3A_685] {strides = array<i32>} : memref<32x32xf32, #tpu.memory_space<vmem>>, vector<16xf32>,
      %mul3A_687 = arith.mulf %get3A_682, %div3A_439 : vector<16xf32>
      %swap3A_688 = arith.constant 423 : index
      %swap3A_689 = tpu.vector_load %arg16[%swap3A_688] {strides = array<i32>} : memref<1120xf32, #tpu.memory_space<vmem>>, vector<16xf32>,
      tpu.vector_store %arg16[%swap3A_688], %mul3A_687 {strides = array<i32>} : memref<1120xf32, #tpu.memory_space<vmem>>, vector<16xf32>,
      %mul3A_690 = arith.mulf %get3A_686, %div3A_440 : vector<16xf32>
      %swap3A_691 = arith.constant 439 : index
      %swap3A_692 = tpu.vector_load %arg16[%swap3A_691] {strides = array<i32>} : memref<1120xf32, #tpu.memory_space<vmem>>, vector<16xf32>,
      tpu.vector_store %arg16[%swap3A_691], %mul3A_690 {strides = array<i32>} : memref<1120xf32, #tpu.memory_space<vmem>>, vector<16xf32>,
      %get3A_693 = arith.constant 13 : i32
      %get3A_694 = arith.index_cast %get3A_693 : i32 to index
      %get3A_695 = arith.constant 0 : index
      %get3A_696 = tpu.vector_load %arg15[%get3A_694, %get3A_695] {strides = array<i32>} : memref<32x32xf32, #tpu.memory_space<vmem>>, vector<16xf32>,
      %get3A_697 = arith.constant 13 : i32
      %get3A_698 = arith.index_cast %get3A_697 : i32 to index
      %get3A_699 = arith.constant 16 : index
      %get3A_700 = tpu.vector_load %arg15[%get3A_698, %get3A_699] {strides = array<i32>} : memref<32x32xf32, #tpu.memory_space<vmem>>, vector<16xf32>,
      %mul3A_701 = arith.mulf %get3A_696, %div3A_439 : vector<16xf32>
      %swap3A_702 = arith.constant 458 : index
      %swap3A_703 = tpu.vector_load %arg16[%swap3A_702] {strides = array<i32>} : memref<1120xf32, #tpu.memory_space<vmem>>, vector<16xf32>,
      tpu.vector_store %arg16[%swap3A_702], %mul3A_701 {strides = array<i32>} : memref<1120xf32, #tpu.memory_space<vmem>>, vector<16xf32>,
      %mul3A_704 = arith.mulf %get3A_700, %div3A_440 : vector<16xf32>
      %swap3A_705 = arith.constant 474 : index
      %swap3A_706 = tpu.vector_load %arg16[%swap3A_705] {strides = array<i32>} : memref<1120xf32, #tpu.memory_space<vmem>>, vector<16xf32>,
      tpu.vector_store %arg16[%swap3A_705], %mul3A_704 {strides = array<i32>} : memref<1120xf32, #tpu.memory_space<vmem>>, vector<16xf32>,
      %get3A_707 = arith.constant 14 : i32
      %get3A_708 = arith.index_cast %get3A_707 : i32 to index
      %get3A_709 = arith.constant 0 : index
      %get3A_710 = tpu.vector_load %arg15[%get3A_708, %get3A_709] {strides = array<i32>} : memref<32x32xf32, #tpu.memory_space<vmem>>, vector<16xf32>,
      %get3A_711 = arith.constant 14 : i32
      %get3A_712 = arith.index_cast %get3A_711 : i32 to index
      %get3A_713 = arith.constant 16 : index
      %get3A_714 = tpu.vector_load %arg15[%get3A_712, %get3A_713] {strides = array<i32>} : memref<32x32xf32, #tpu.memory_space<vmem>>, vector<16xf32>,
      %mul3A_715 = arith.mulf %get3A_710, %div3A_439 : vector<16xf32>
      %swap3A_716 = arith.constant 493 : index
      %swap3A_717 = tpu.vector_load %arg16[%swap3A_716] {strides = array<i32>} : memref<1120xf32, #tpu.memory_space<vmem>>, vector<16xf32>,
      tpu.vector_store %arg16[%swap3A_716], %mul3A_715 {strides = array<i32>} : memref<1120xf32, #tpu.memory_space<vmem>>, vector<16xf32>,
      %mul3A_718 = arith.mulf %get3A_714, %div3A_440 : vector<16xf32>
      %swap3A_719 = arith.constant 509 : index
      %swap3A_720 = tpu.vector_load %arg16[%swap3A_719] {strides = array<i32>} : memref<1120xf32, #tpu.memory_space<vmem>>, vector<16xf32>,
      tpu.vector_store %arg16[%swap3A_719], %mul3A_718 {strides = array<i32>} : memref<1120xf32, #tpu.memory_space<vmem>>, vector<16xf32>,
      %get3A_721 = arith.constant 15 : i32
      %get3A_722 = arith.index_cast %get3A_721 : i32 to index
      %get3A_723 = arith.constant 0 : index
      %get3A_724 = tpu.vector_load %arg15[%get3A_722, %get3A_723] {strides = array<i32>} : memref<32x32xf32, #tpu.memory_space<vmem>>, vector<16xf32>,
      %get3A_725 = arith.constant 15 : i32
      %get3A_726 = arith.index_cast %get3A_725 : i32 to index
      %get3A_727 = arith.constant 16 : index
      %get3A_728 = tpu.vector_load %arg15[%get3A_726, %get3A_727] {strides = array<i32>} : memref<32x32xf32, #tpu.memory_space<vmem>>, vector<16xf32>,
      %mul3A_729 = arith.mulf %get3A_724, %div3A_439 : vector<16xf32>
      %swap3A_730 = arith.constant 528 : index
      %swap3A_731 = tpu.vector_load %arg16[%swap3A_730] {strides = array<i32>} : memref<1120xf32, #tpu.memory_space<vmem>>, vector<16xf32>,
      tpu.vector_store %arg16[%swap3A_730], %mul3A_729 {strides = array<i32>} : memref<1120xf32, #tpu.memory_space<vmem>>, vector<16xf32>,
      %mul3A_732 = arith.mulf %get3A_728, %div3A_440 : vector<16xf32>
      %swap3A_733 = arith.constant 544 : index
      %swap3A_734 = tpu.vector_load %arg16[%swap3A_733] {strides = array<i32>} : memref<1120xf32, #tpu.memory_space<vmem>>, vector<16xf32>,
      tpu.vector_store %arg16[%swap3A_733], %mul3A_732 {strides = array<i32>} : memref<1120xf32, #tpu.memory_space<vmem>>, vector<16xf32>,
      %get3A_735 = arith.constant 16 : i32
      %get3A_736 = arith.index_cast %get3A_735 : i32 to index
      %get3A_737 = arith.constant 0 : index
      %get3A_738 = tpu.vector_load %arg15[%get3A_736, %get3A_737] {strides = array<i32>} : memref<32x32xf32, #tpu.memory_space<vmem>>, vector<16xf32>,
      %get3A_739 = arith.constant 16 : i32
      %get3A_740 = arith.index_cast %get3A_739 : i32 to index
      %get3A_741 = arith.constant 16 : index
      %get3A_742 = tpu.vector_load %arg15[%get3A_740, %get3A_741] {strides = array<i32>} : memref<32x32xf32, #tpu.memory_space<vmem>>, vector<16xf32>,
      %mul3A_743 = arith.mulf %get3A_738, %div3A_439 : vector<16xf32>
      %swap3A_744 = arith.constant 563 : index
      %swap3A_745 = tpu.vector_load %arg16[%swap3A_744] {strides = array<i32>} : memref<1120xf32, #tpu.memory_space<vmem>>, vector<16xf32>,
      tpu.vector_store %arg16[%swap3A_744], %mul3A_743 {strides = array<i32>} : memref<1120xf32, #tpu.memory_space<vmem>>, vector<16xf32>,
      %mul3A_746 = arith.mulf %get3A_742, %div3A_440 : vector<16xf32>
      %swap3A_747 = arith.constant 579 : index
      %swap3A_748 = tpu.vector_load %arg16[%swap3A_747] {strides = array<i32>} : memref<1120xf32, #tpu.memory_space<vmem>>, vector<16xf32>,
      tpu.vector_store %arg16[%swap3A_747], %mul3A_746 {strides = array<i32>} : memref<1120xf32, #tpu.memory_space<vmem>>, vector<16xf32>,
      %get3A_749 = arith.constant 17 : i32
      %get3A_750 = arith.index_cast %get3A_749 : i32 to index
      %get3A_751 = arith.constant 0 : index
      %get3A_752 = tpu.vector_load %arg15[%get3A_750, %get3A_751] {strides = array<i32>} : memref<32x32xf32, #tpu.memory_space<vmem>>, vector<16xf32>,
      %get3A_753 = arith.constant 17 : i32
      %get3A_754 = arith.index_cast %get3A_753 : i32 to index
      %get3A_755 = arith.constant 16 : index
      %get3A_756 = tpu.vector_load %arg15[%get3A_754, %get3A_755] {strides = array<i32>} : memref<32x32xf32, #tpu.memory_space<vmem>>, vector<16xf32>,
      %mul3A_757 = arith.mulf %get3A_752, %div3A_439 : vector<16xf32>
      %swap3A_758 = arith.constant 598 : index
      %swap3A_759 = tpu.vector_load %arg16[%swap3A_758] {strides = array<i32>} : memref<1120xf32, #tpu.memory_space<vmem>>, vector<16xf32>,
      tpu.vector_store %arg16[%swap3A_758], %mul3A_757 {strides = array<i32>} : memref<1120xf32, #tpu.memory_space<vmem>>, vector<16xf32>,
      %mul3A_760 = arith.mulf %get3A_756, %div3A_440 : vector<16xf32>
      %swap3A_761 = arith.constant 614 : index
      %swap3A_762 = tpu.vector_load %arg16[%swap3A_761] {strides = array<i32>} : memref<1120xf32, #tpu.memory_space<vmem>>, vector<16xf32>,
      tpu.vector_store %arg16[%swap3A_761], %mul3A_760 {strides = array<i32>} : memref<1120xf32, #tpu.memory_space<vmem>>, vector<16xf32>,
      %get3A_763 = arith.constant 18 : i32
      %get3A_764 = arith.index_cast %get3A_763 : i32 to index
      %get3A_765 = arith.constant 0 : index
      %get3A_766 = tpu.vector_load %arg15[%get3A_764, %get3A_765] {strides = array<i32>} : memref<32x32xf32, #tpu.memory_space<vmem>>, vector<16xf32>,
      %get3A_767 = arith.constant 18 : i32
      %get3A_768 = arith.index_cast %get3A_767 : i32 to index
      %get3A_769 = arith.constant 16 : index
      %get3A_770 = tpu.vector_load %arg15[%get3A_768, %get3A_769] {strides = array<i32>} : memref<32x32xf32, #tpu.memory_space<vmem>>, vector<16xf32>,
      %mul3A_771 = arith.mulf %get3A_766, %div3A_439 : vector<16xf32>
      %swap3A_772 = arith.constant 633 : index
      %swap3A_773 = tpu.vector_load %arg16[%swap3A_772] {strides = array<i32>} : memref<1120xf32, #tpu.memory_space<vmem>>, vector<16xf32>,
      tpu.vector_store %arg16[%swap3A_772], %mul3A_771 {strides = array<i32>} : memref<1120xf32, #tpu.memory_space<vmem>>, vector<16xf32>,
      %mul3A_774 = arith.mulf %get3A_770, %div3A_440 : vector<16xf32>
      %swap3A_775 = arith.constant 649 : index
      %swap3A_776 = tpu.vector_load %arg16[%swap3A_775] {strides = array<i32>} : memref<1120xf32, #tpu.memory_space<vmem>>, vector<16xf32>,
      tpu.vector_store %arg16[%swap3A_775], %mul3A_774 {strides = array<i32>} : memref<1120xf32, #tpu.memory_space<vmem>>, vector<16xf32>,
      %get3A_777 = arith.constant 19 : i32
      %get3A_778 = arith.index_cast %get3A_777 : i32 to index
      %get3A_779 = arith.constant 0 : index
      %get3A_780 = tpu.vector_load %arg15[%get3A_778, %get3A_779] {strides = array<i32>} : memref<32x32xf32, #tpu.memory_space<vmem>>, vector<16xf32>,
      %get3A_781 = arith.constant 19 : i32
      %get3A_782 = arith.index_cast %get3A_781 : i32 to index
      %get3A_783 = arith.constant 16 : index
      %get3A_784 = tpu.vector_load %arg15[%get3A_782, %get3A_783] {strides = array<i32>} : memref<32x32xf32, #tpu.memory_space<vmem>>, vector<16xf32>,
      %mul3A_785 = arith.mulf %get3A_780, %div3A_439 : vector<16xf32>
      %swap3A_786 = arith.constant 668 : index
      %swap3A_787 = tpu.vector_load %arg16[%swap3A_786] {strides = array<i32>} : memref<1120xf32, #tpu.memory_space<vmem>>, vector<16xf32>,
      tpu.vector_store %arg16[%swap3A_786], %mul3A_785 {strides = array<i32>} : memref<1120xf32, #tpu.memory_space<vmem>>, vector<16xf32>,
      %mul3A_788 = arith.mulf %get3A_784, %div3A_440 : vector<16xf32>
      %swap3A_789 = arith.constant 684 : index
      %swap3A_790 = tpu.vector_load %arg16[%swap3A_789] {strides = array<i32>} : memref<1120xf32, #tpu.memory_space<vmem>>, vector<16xf32>,
      tpu.vector_store %arg16[%swap3A_789], %mul3A_788 {strides = array<i32>} : memref<1120xf32, #tpu.memory_space<vmem>>, vector<16xf32>,
      %get3A_791 = arith.constant 20 : i32
      %get3A_792 = arith.index_cast %get3A_791 : i32 to index
      %get3A_793 = arith.constant 0 : index
      %get3A_794 = tpu.vector_load %arg15[%get3A_792, %get3A_793] {strides = array<i32>} : memref<32x32xf32, #tpu.memory_space<vmem>>, vector<16xf32>,
      %get3A_795 = arith.constant 20 : i32
      %get3A_796 = arith.index_cast %get3A_795 : i32 to index
      %get3A_797 = arith.constant 16 : index
      %get3A_798 = tpu.vector_load %arg15[%get3A_796, %get3A_797] {strides = array<i32>} : memref<32x32xf32, #tpu.memory_space<vmem>>, vector<16xf32>,
      %mul3A_799 = arith.mulf %get3A_794, %div3A_439 : vector<16xf32>
      %swap3A_800 = arith.constant 703 : index
      %swap3A_801 = tpu.vector_load %arg16[%swap3A_800] {strides = array<i32>} : memref<1120xf32, #tpu.memory_space<vmem>>, vector<16xf32>,
      tpu.vector_store %arg16[%swap3A_800], %mul3A_799 {strides = array<i32>} : memref<1120xf32, #tpu.memory_space<vmem>>, vector<16xf32>,
      %mul3A_802 = arith.mulf %get3A_798, %div3A_440 : vector<16xf32>
      %swap3A_803 = arith.constant 719 : index
      %swap3A_804 = tpu.vector_load %arg16[%swap3A_803] {strides = array<i32>} : memref<1120xf32, #tpu.memory_space<vmem>>, vector<16xf32>,
      tpu.vector_store %arg16[%swap3A_803], %mul3A_802 {strides = array<i32>} : memref<1120xf32, #tpu.memory_space<vmem>>, vector<16xf32>,
      %get3A_805 = arith.constant 21 : i32
      %get3A_806 = arith.index_cast %get3A_805 : i32 to index
      %get3A_807 = arith.constant 0 : index
      %get3A_808 = tpu.vector_load %arg15[%get3A_806, %get3A_807] {strides = array<i32>} : memref<32x32xf32, #tpu.memory_space<vmem>>, vector<16xf32>,
      %get3A_809 = arith.constant 21 : i32
      %get3A_810 = arith.index_cast %get3A_809 : i32 to index
      %get3A_811 = arith.constant 16 : index
      %get3A_812 = tpu.vector_load %arg15[%get3A_810, %get3A_811] {strides = array<i32>} : memref<32x32xf32, #tpu.memory_space<vmem>>, vector<16xf32>,
      %mul3A_813 = arith.mulf %get3A_808, %div3A_439 : vector<16xf32>
      %swap3A_814 = arith.constant 738 : index
      %swap3A_815 = tpu.vector_load %arg16[%swap3A_814] {strides = array<i32>} : memref<1120xf32, #tpu.memory_space<vmem>>, vector<16xf32>,
      tpu.vector_store %arg16[%swap3A_814], %mul3A_813 {strides = array<i32>} : memref<1120xf32, #tpu.memory_space<vmem>>, vector<16xf32>,
      %mul3A_816 = arith.mulf %get3A_812, %div3A_440 : vector<16xf32>
      %swap3A_817 = arith.constant 754 : index
      %swap3A_818 = tpu.vector_load %arg16[%swap3A_817] {strides = array<i32>} : memref<1120xf32, #tpu.memory_space<vmem>>, vector<16xf32>,
      tpu.vector_store %arg16[%swap3A_817], %mul3A_816 {strides = array<i32>} : memref<1120xf32, #tpu.memory_space<vmem>>, vector<16xf32>,
      %get3A_819 = arith.constant 22 : i32
      %get3A_820 = arith.index_cast %get3A_819 : i32 to index
      %get3A_821 = arith.constant 0 : index
      %get3A_822 = tpu.vector_load %arg15[%get3A_820, %get3A_821] {strides = array<i32>} : memref<32x32xf32, #tpu.memory_space<vmem>>, vector<16xf32>,
      %get3A_823 = arith.constant 22 : i32
      %get3A_824 = arith.index_cast %get3A_823 : i32 to index
      %get3A_825 = arith.constant 16 : index
      %get3A_826 = tpu.vector_load %arg15[%get3A_824, %get3A_825] {strides = array<i32>} : memref<32x32xf32, #tpu.memory_space<vmem>>, vector<16xf32>,
      %mul3A_827 = arith.mulf %get3A_822, %div3A_439 : vector<16xf32>
      %swap3A_828 = arith.constant 773 : index
      %swap3A_829 = tpu.vector_load %arg16[%swap3A_828] {strides = array<i32>} : memref<1120xf32, #tpu.memory_space<vmem>>, vector<16xf32>,
      tpu.vector_store %arg16[%swap3A_828], %mul3A_827 {strides = array<i32>} : memref<1120xf32, #tpu.memory_space<vmem>>, vector<16xf32>,
      %mul3A_830 = arith.mulf %get3A_826, %div3A_440 : vector<16xf32>
      %swap3A_831 = arith.constant 789 : index
      %swap3A_832 = tpu.vector_load %arg16[%swap3A_831] {strides = array<i32>} : memref<1120xf32, #tpu.memory_space<vmem>>, vector<16xf32>,
      tpu.vector_store %arg16[%swap3A_831], %mul3A_830 {strides = array<i32>} : memref<1120xf32, #tpu.memory_space<vmem>>, vector<16xf32>,
      %get3A_833 = arith.constant 23 : i32
      %get3A_834 = arith.index_cast %get3A_833 : i32 to index
      %get3A_835 = arith.constant 0 : index
      %get3A_836 = tpu.vector_load %arg15[%get3A_834, %get3A_835] {strides = array<i32>} : memref<32x32xf32, #tpu.memory_space<vmem>>, vector<16xf32>,
      %get3A_837 = arith.constant 23 : i32
      %get3A_838 = arith.index_cast %get3A_837 : i32 to index
      %get3A_839 = arith.constant 16 : index
      %get3A_840 = tpu.vector_load %arg15[%get3A_838, %get3A_839] {strides = array<i32>} : memref<32x32xf32, #tpu.memory_space<vmem>>, vector<16xf32>,
      %mul3A_841 = arith.mulf %get3A_836, %div3A_439 : vector<16xf32>
      %swap3A_842 = arith.constant 808 : index
      %swap3A_843 = tpu.vector_load %arg16[%swap3A_842] {strides = array<i32>} : memref<1120xf32, #tpu.memory_space<vmem>>, vector<16xf32>,
      tpu.vector_store %arg16[%swap3A_842], %mul3A_841 {strides = array<i32>} : memref<1120xf32, #tpu.memory_space<vmem>>, vector<16xf32>,
      %mul3A_844 = arith.mulf %get3A_840, %div3A_440 : vector<16xf32>
      %swap3A_845 = arith.constant 824 : index
      %swap3A_846 = tpu.vector_load %arg16[%swap3A_845] {strides = array<i32>} : memref<1120xf32, #tpu.memory_space<vmem>>, vector<16xf32>,
      tpu.vector_store %arg16[%swap3A_845], %mul3A_844 {strides = array<i32>} : memref<1120xf32, #tpu.memory_space<vmem>>, vector<16xf32>,
      %get3A_847 = arith.constant 24 : i32
      %get3A_848 = arith.index_cast %get3A_847 : i32 to index
      %get3A_849 = arith.constant 0 : index
      %get3A_850 = tpu.vector_load %arg15[%get3A_848, %get3A_849] {strides = array<i32>} : memref<32x32xf32, #tpu.memory_space<vmem>>, vector<16xf32>,
      %get3A_851 = arith.constant 24 : i32
      %get3A_852 = arith.index_cast %get3A_851 : i32 to index
      %get3A_853 = arith.constant 16 : index
      %get3A_854 = tpu.vector_load %arg15[%get3A_852, %get3A_853] {strides = array<i32>} : memref<32x32xf32, #tpu.memory_space<vmem>>, vector<16xf32>,
      %mul3A_855 = arith.mulf %get3A_850, %div3A_439 : vector<16xf32>
      %swap3A_856 = arith.constant 843 : index
      %swap3A_857 = tpu.vector_load %arg16[%swap3A_856] {strides = array<i32>} : memref<1120xf32, #tpu.memory_space<vmem>>, vector<16xf32>,
      tpu.vector_store %arg16[%swap3A_856], %mul3A_855 {strides = array<i32>} : memref<1120xf32, #tpu.memory_space<vmem>>, vector<16xf32>,
      %mul3A_858 = arith.mulf %get3A_854, %div3A_440 : vector<16xf32>
      %swap3A_859 = arith.constant 859 : index
      %swap3A_860 = tpu.vector_load %arg16[%swap3A_859] {strides = array<i32>} : memref<1120xf32, #tpu.memory_space<vmem>>, vector<16xf32>,
      tpu.vector_store %arg16[%swap3A_859], %mul3A_858 {strides = array<i32>} : memref<1120xf32, #tpu.memory_space<vmem>>, vector<16xf32>,
      %get3A_861 = arith.constant 25 : i32
      %get3A_862 = arith.index_cast %get3A_861 : i32 to index
      %get3A_863 = arith.constant 0 : index
      %get3A_864 = tpu.vector_load %arg15[%get3A_862, %get3A_863] {strides = array<i32>} : memref<32x32xf32, #tpu.memory_space<vmem>>, vector<16xf32>,
      %get3A_865 = arith.constant 25 : i32
      %get3A_866 = arith.index_cast %get3A_865 : i32 to index
      %get3A_867 = arith.constant 16 : index
      %get3A_868 = tpu.vector_load %arg15[%get3A_866, %get3A_867] {strides = array<i32>} : memref<32x32xf32, #tpu.memory_space<vmem>>, vector<16xf32>,
      %mul3A_869 = arith.mulf %get3A_864, %div3A_439 : vector<16xf32>
      %swap3A_870 = arith.constant 878 : index
      %swap3A_871 = tpu.vector_load %arg16[%swap3A_870] {strides = array<i32>} : memref<1120xf32, #tpu.memory_space<vmem>>, vector<16xf32>,
      tpu.vector_store %arg16[%swap3A_870], %mul3A_869 {strides = array<i32>} : memref<1120xf32, #tpu.memory_space<vmem>>, vector<16xf32>,
      %mul3A_872 = arith.mulf %get3A_868, %div3A_440 : vector<16xf32>
      %swap3A_873 = arith.constant 894 : index
      %swap3A_874 = tpu.vector_load %arg16[%swap3A_873] {strides = array<i32>} : memref<1120xf32, #tpu.memory_space<vmem>>, vector<16xf32>,
      tpu.vector_store %arg16[%swap3A_873], %mul3A_872 {strides = array<i32>} : memref<1120xf32, #tpu.memory_space<vmem>>, vector<16xf32>,
      %get3A_875 = arith.constant 26 : i32
      %get3A_876 = arith.index_cast %get3A_875 : i32 to index
      %get3A_877 = arith.constant 0 : index
      %get3A_878 = tpu.vector_load %arg15[%get3A_876, %get3A_877] {strides = array<i32>} : memref<32x32xf32, #tpu.memory_space<vmem>>, vector<16xf32>,
      %get3A_879 = arith.constant 26 : i32
      %get3A_880 = arith.index_cast %get3A_879 : i32 to index
      %get3A_881 = arith.constant 16 : index
      %get3A_882 = tpu.vector_load %arg15[%get3A_880, %get3A_881] {strides = array<i32>} : memref<32x32xf32, #tpu.memory_space<vmem>>, vector<16xf32>,
      %mul3A_883 = arith.mulf %get3A_878, %div3A_439 : vector<16xf32>
      %swap3A_884 = arith.constant 913 : index
      %swap3A_885 = tpu.vector_load %arg16[%swap3A_884] {strides = array<i32>} : memref<1120xf32, #tpu.memory_space<vmem>>, vector<16xf32>,
      tpu.vector_store %arg16[%swap3A_884], %mul3A_883 {strides = array<i32>} : memref<1120xf32, #tpu.memory_space<vmem>>, vector<16xf32>,
      %mul3A_886 = arith.mulf %get3A_882, %div3A_440 : vector<16xf32>
      %swap3A_887 = arith.constant 929 : index
      %swap3A_888 = tpu.vector_load %arg16[%swap3A_887] {strides = array<i32>} : memref<1120xf32, #tpu.memory_space<vmem>>, vector<16xf32>,
      tpu.vector_store %arg16[%swap3A_887], %mul3A_886 {strides = array<i32>} : memref<1120xf32, #tpu.memory_space<vmem>>, vector<16xf32>,
      %get3A_889 = arith.constant 27 : i32
      %get3A_890 = arith.index_cast %get3A_889 : i32 to index
      %get3A_891 = arith.constant 0 : index
      %get3A_892 = tpu.vector_load %arg15[%get3A_890, %get3A_891] {strides = array<i32>} : memref<32x32xf32, #tpu.memory_space<vmem>>, vector<16xf32>,
      %get3A_893 = arith.constant 27 : i32
      %get3A_894 = arith.index_cast %get3A_893 : i32 to index
      %get3A_895 = arith.constant 16 : index
      %get3A_896 = tpu.vector_load %arg15[%get3A_894, %get3A_895] {strides = array<i32>} : memref<32x32xf32, #tpu.memory_space<vmem>>, vector<16xf32>,
      %mul3A_897 = arith.mulf %get3A_892, %div3A_439 : vector<16xf32>
      %swap3A_898 = arith.constant 948 : index
      %swap3A_899 = tpu.vector_load %arg16[%swap3A_898] {strides = array<i32>} : memref<1120xf32, #tpu.memory_space<vmem>>, vector<16xf32>,
      tpu.vector_store %arg16[%swap3A_898], %mul3A_897 {strides = array<i32>} : memref<1120xf32, #tpu.memory_space<vmem>>, vector<16xf32>,
      %mul3A_900 = arith.mulf %get3A_896, %div3A_440 : vector<16xf32>
      %swap3A_901 = arith.constant 964 : index
      %swap3A_902 = tpu.vector_load %arg16[%swap3A_901] {strides = array<i32>} : memref<1120xf32, #tpu.memory_space<vmem>>, vector<16xf32>,
      tpu.vector_store %arg16[%swap3A_901], %mul3A_900 {strides = array<i32>} : memref<1120xf32, #tpu.memory_space<vmem>>, vector<16xf32>,
      %get3A_903 = arith.constant 28 : i32
      %get3A_904 = arith.index_cast %get3A_903 : i32 to index
      %get3A_905 = arith.constant 0 : index
      %get3A_906 = tpu.vector_load %arg15[%get3A_904, %get3A_905] {strides = array<i32>} : memref<32x32xf32, #tpu.memory_space<vmem>>, vector<16xf32>,
      %get3A_907 = arith.constant 28 : i32
      %get3A_908 = arith.index_cast %get3A_907 : i32 to index
      %get3A_909 = arith.constant 16 : index
      %get3A_910 = tpu.vector_load %arg15[%get3A_908, %get3A_909] {strides = array<i32>} : memref<32x32xf32, #tpu.memory_space<vmem>>, vector<16xf32>,
      %mul3A_911 = arith.mulf %get3A_906, %div3A_439 : vector<16xf32>
      %swap3A_912 = arith.constant 983 : index
      %swap3A_913 = tpu.vector_load %arg16[%swap3A_912] {strides = array<i32>} : memref<1120xf32, #tpu.memory_space<vmem>>, vector<16xf32>,
      tpu.vector_store %arg16[%swap3A_912], %mul3A_911 {strides = array<i32>} : memref<1120xf32, #tpu.memory_space<vmem>>, vector<16xf32>,
      %mul3A_914 = arith.mulf %get3A_910, %div3A_440 : vector<16xf32>
      %swap3A_915 = arith.constant 999 : index
      %swap3A_916 = tpu.vector_load %arg16[%swap3A_915] {strides = array<i32>} : memref<1120xf32, #tpu.memory_space<vmem>>, vector<16xf32>,
      tpu.vector_store %arg16[%swap3A_915], %mul3A_914 {strides = array<i32>} : memref<1120xf32, #tpu.memory_space<vmem>>, vector<16xf32>,
      %get3A_917 = arith.constant 29 : i32
      %get3A_918 = arith.index_cast %get3A_917 : i32 to index
      %get3A_919 = arith.constant 0 : index
      %get3A_920 = tpu.vector_load %arg15[%get3A_918, %get3A_919] {strides = array<i32>} : memref<32x32xf32, #tpu.memory_space<vmem>>, vector<16xf32>,
      %get3A_921 = arith.constant 29 : i32
      %get3A_922 = arith.index_cast %get3A_921 : i32 to index
      %get3A_923 = arith.constant 16 : index
      %get3A_924 = tpu.vector_load %arg15[%get3A_922, %get3A_923] {strides = array<i32>} : memref<32x32xf32, #tpu.memory_space<vmem>>, vector<16xf32>,
      %mul3A_925 = arith.mulf %get3A_920, %div3A_439 : vector<16xf32>
      %swap3A_926 = arith.constant 1018 : index
      %swap3A_927 = tpu.vector_load %arg16[%swap3A_926] {strides = array<i32>} : memref<1120xf32, #tpu.memory_space<vmem>>, vector<16xf32>,
      tpu.vector_store %arg16[%swap3A_926], %mul3A_925 {strides = array<i32>} : memref<1120xf32, #tpu.memory_space<vmem>>, vector<16xf32>,
      %mul3A_928 = arith.mulf %get3A_924, %div3A_440 : vector<16xf32>
      %swap3A_929 = arith.constant 1034 : index
      %swap3A_930 = tpu.vector_load %arg16[%swap3A_929] {strides = array<i32>} : memref<1120xf32, #tpu.memory_space<vmem>>, vector<16xf32>,
      tpu.vector_store %arg16[%swap3A_929], %mul3A_928 {strides = array<i32>} : memref<1120xf32, #tpu.memory_space<vmem>>, vector<16xf32>,
      %get3A_931 = arith.constant 30 : i32
      %get3A_932 = arith.index_cast %get3A_931 : i32 to index
      %get3A_933 = arith.constant 0 : index
      %get3A_934 = tpu.vector_load %arg15[%get3A_932, %get3A_933] {strides = array<i32>} : memref<32x32xf32, #tpu.memory_space<vmem>>, vector<16xf32>,
      %get3A_935 = arith.constant 30 : i32
      %get3A_936 = arith.index_cast %get3A_935 : i32 to index
      %get3A_937 = arith.constant 16 : index
      %get3A_938 = tpu.vector_load %arg15[%get3A_936, %get3A_937] {strides = array<i32>} : memref<32x32xf32, #tpu.memory_space<vmem>>, vector<16xf32>,
      %mul3A_939 = arith.mulf %get3A_934, %div3A_439 : vector<16xf32>
      %swap3A_940 = arith.constant 1053 : index
      %swap3A_941 = tpu.vector_load %arg16[%swap3A_940] {strides = array<i32>} : memref<1120xf32, #tpu.memory_space<vmem>>, vector<16xf32>,
      tpu.vector_store %arg16[%swap3A_940], %mul3A_939 {strides = array<i32>} : memref<1120xf32, #tpu.memory_space<vmem>>, vector<16xf32>,
      %mul3A_942 = arith.mulf %get3A_938, %div3A_440 : vector<16xf32>
      %swap3A_943 = arith.constant 1069 : index
      %swap3A_944 = tpu.vector_load %arg16[%swap3A_943] {strides = array<i32>} : memref<1120xf32, #tpu.memory_space<vmem>>, vector<16xf32>,
      tpu.vector_store %arg16[%swap3A_943], %mul3A_942 {strides = array<i32>} : memref<1120xf32, #tpu.memory_space<vmem>>, vector<16xf32>,
      %get3A_945 = arith.constant 31 : i32
      %get3A_946 = arith.index_cast %get3A_945 : i32 to index
      %get3A_947 = arith.constant 0 : index
      %get3A_948 = tpu.vector_load %arg15[%get3A_946, %get3A_947] {strides = array<i32>} : memref<32x32xf32, #tpu.memory_space<vmem>>, vector<16xf32>,
      %get3A_949 = arith.constant 31 : i32
      %get3A_950 = arith.index_cast %get3A_949 : i32 to index
      %get3A_951 = arith.constant 16 : index
      %get3A_952 = tpu.vector_load %arg15[%get3A_950, %get3A_951] {strides = array<i32>} : memref<32x32xf32, #tpu.memory_space<vmem>>, vector<16xf32>,
      %mul3A_953 = arith.mulf %get3A_948, %div3A_439 : vector<16xf32>
      %swap3A_954 = arith.constant 1088 : index
      %swap3A_955 = tpu.vector_load %arg16[%swap3A_954] {strides = array<i32>} : memref<1120xf32, #tpu.memory_space<vmem>>, vector<16xf32>,
      tpu.vector_store %arg16[%swap3A_954], %mul3A_953 {strides = array<i32>} : memref<1120xf32, #tpu.memory_space<vmem>>, vector<16xf32>,
      %mul3A_956 = arith.mulf %get3A_952, %div3A_440 : vector<16xf32>
      %swap3A_957 = arith.constant 1104 : index
      %swap3A_958 = tpu.vector_load %arg16[%swap3A_957] {strides = array<i32>} : memref<1120xf32, #tpu.memory_space<vmem>>, vector<16xf32>,
      tpu.vector_store %arg16[%swap3A_957], %mul3A_956 {strides = array<i32>} : memref<1120xf32, #tpu.memory_space<vmem>>, vector<16xf32>,
      %mul3A_959 = arith.constant 1120 : i32
      %mul3A_960 = arith.muli %add3A_44, %mul3A_959 : i32
      "tpu.region"() ({
        %run_scoped3A = tpu.sem_alloc : memref<!tpu.dma_semaphore, #tpu.memory_space<semaphore_mem>>
        %dma_start3A_1900 = tpu.memref_slice %arg8[%mul3A_960] : memref<4587520xf32, #tpu.memory_space<hbm>> -> memref<1120xf32, #tpu.memory_space<hbm>>
        %dma_start3A_1901 = tpu.memref_slice %arg8[%mul3A_960] : memref<4587520xf32, #tpu.memory_space<hbm>> -> memref<1120xf32, #tpu.memory_space<hbm>>
        tpu.enqueue_dma source(%arg16 : memref<1120xf32, #tpu.memory_space<vmem>>) target(%dma_start3A_1901 : memref<1120xf32, #tpu.memory_space<hbm>>) target_semaphore(%run_scoped3A : memref<!tpu.dma_semaphore, #tpu.memory_space<semaphore_mem>>)
        %dma_wait3A_1902 = tpu.memref_slice %arg8[%mul3A_960] : memref<4587520xf32, #tpu.memory_space<hbm>> -> memref<1120xf32, #tpu.memory_space<hbm>>
        %dma_wait3A_1903 = tpu.memref_slice %arg8[%mul3A_960] : memref<4587520xf32, #tpu.memory_space<hbm>> -> memref<1120xf32, #tpu.memory_space<hbm>>
        tpu.wait_dma2 semaphore(%run_scoped3A : memref<!tpu.dma_semaphore, #tpu.memory_space<semaphore_mem>>) src(%arg16 : memref<1120xf32, #tpu.memory_space<vmem>>) dst(%dma_wait3A_1903 : memref<1120xf32, #tpu.memory_space<hbm>>)
        tpu.yield
      }) : () -> ()
      %mul3A_961 = arith.constant 2 : i32
      %mul3A_962 = arith.muli %scan3A_41, %mul3A_961 : i32
      %add3A_963 = arith.constant 1 : i32
      %add3A_964 = arith.addi %mul3A_962, %add3A_963 : i32
      %add3A_965 = arith.addi %mul3A_18, %add3A_964 : i32
      %mul3A_966 = arith.constant 8192 : i32
      %mul3A_967 = arith.muli %add3A_965, %mul3A_966 : i32
      %dma_wait3A_968 = tpu.memref_slice %arg2[%mul3A_967] : memref<33554432xf32, #tpu.memory_space<hbm>> -> memref<8192xf32, #tpu.memory_space<hbm>>
      %dma_wait3A_969 = tpu.memref_slice %arg2[%mul3A_967] : memref<33554432xf32, #tpu.memory_space<hbm>> -> memref<8192xf32, #tpu.memory_space<hbm>>
      tpu.wait_dma2 semaphore(%arg17 : memref<!tpu.dma_semaphore, #tpu.memory_space<semaphore_mem>>) src(%dma_wait3A_969 : memref<8192xf32, #tpu.memory_space<hbm>>) dst(%arg10 : memref<8192xf32, #tpu.memory_space<vmem>>)
      %lt3A_970 = arith.constant 127 : i32
      %lt3A_971 = arith.cmpi slt, %add3A_964, %lt3A_970 : i32
      %convert_element_type3A_972 = arith.extui %lt3A_971 : i1 to i32
      %cond3A_973 = arith.constant 0 : i32
      %cond3A_974 = arith.cmpi ne, %convert_element_type3A_972, %cond3A_973 : i32
      scf.if %cond3A_974 {
        %add3A_1900 = arith.constant 1 : i32
        %add3A_1901 = arith.addi %add3A_965, %add3A_1900 : i32
        %mul3A_1902 = arith.constant 8192 : i32
        %mul3A_1903 = arith.muli %add3A_1901, %mul3A_1902 : i32
        %dma_start3A_1904 = tpu.memref_slice %arg2[%mul3A_1903] : memref<33554432xf32, #tpu.memory_space<hbm>> -> memref<8192xf32, #tpu.memory_space<hbm>>
        %dma_start3A_1905 = tpu.memref_slice %arg2[%mul3A_1903] : memref<33554432xf32, #tpu.memory_space<hbm>> -> memref<8192xf32, #tpu.memory_space<hbm>>
        tpu.enqueue_dma source(%dma_start3A_1905 : memref<8192xf32, #tpu.memory_space<hbm>>) target(%arg9 : memref<8192xf32, #tpu.memory_space<vmem>>) target_semaphore(%arg17 : memref<!tpu.dma_semaphore, #tpu.memory_space<semaphore_mem>>)
      } else {
      }
      %broadcast_in_dim3A_975 = arith.constant 0 : i32
      %broadcast_in_dim3A_976 = vector.broadcast %broadcast_in_dim3A_975 : i32 to vector<16xi32>
      %broadcast_in_dim3A_977 = arith.constant 0x7F800000 : f32
      %broadcast_in_dim3A_978 = vector.broadcast %broadcast_in_dim3A_977 : f32 to vector<16xf32>
      %parallel_loop3A_979 = arith.constant 0 : i32
      %parallel_loop3A_980 = arith.constant 256 : i32
      %parallel_loop3A_981 = arith.constant 1 : i32
      %parallel_loop3A_982:5 = scf.for %parallel_loop3A_1900 = %parallel_loop3A_979 to %parallel_loop3A_980 step %parallel_loop3A_981 iter_args(%parallel_loop3A_1901 = %broadcast_in_dim3A_978, %parallel_loop3A_1902 = %broadcast_in_dim3A_978, %parallel_loop3A_1903 = %broadcast_in_dim3A_976, %parallel_loop3A_1904 = %broadcast_in_dim3A_976, %parallel_loop3A_1905 = %broadcast_in_dim3A_978) -> (vector<16xf32>, vector<16xf32>, vector<16xi32>, vector<16xi32>, vector<16xf32>)  : i32 {
        %parallel_loop3A_1906 = arith.constant 32 : i32
        %parallel_loop3A_1907 = arith.muli %parallel_loop3A_1900, %parallel_loop3A_1906 : i32
        %parallel_loop3A_1908 = arith.constant 0 : i32
        %parallel_loop3A_1909 = arith.addi %parallel_loop3A_1907, %parallel_loop3A_1908 : i32
        %parallel_loop3A_1910 = arith.index_cast %parallel_loop3A_1909 : i32 to index
        %parallel_loop3A_1911 = tpu.vector_load %arg10[%parallel_loop3A_1910] {strides = array<i32>} : memref<8192xf32, #tpu.memory_space<vmem>>, vector<16xf32>,
        %parallel_loop3A_1912 = arith.constant 16 : i32
        %parallel_loop3A_1913 = arith.addi %parallel_loop3A_1907, %parallel_loop3A_1912 : i32
        %parallel_loop3A_1914 = arith.index_cast %parallel_loop3A_1913 : i32 to index
        %parallel_loop3A_1915 = tpu.vector_load %arg10[%parallel_loop3A_1914] {strides = array<i32>} : memref<8192xf32, #tpu.memory_space<vmem>>, vector<16xf32>,
        %parallel_loop3A_1916 = arith.minimumf %parallel_loop3A_1911, %parallel_loop3A_1915 : vector<16xf32>
        %parallel_loop3A_1917 = arith.cmpf olt, %parallel_loop3A_1916, %parallel_loop3A_1905 : vector<16xf32>
        %parallel_loop3A_1918 = tpu.all_reduce %parallel_loop3A_1917 {dim = 0 : i64, kind = #tpu.reduction_kind<sum>} : vector<16xi1> -> vector<16xi32>
        %parallel_loop3A_1919 = vector.extract_strided_slice %parallel_loop3A_1918 {offsets = [0], sizes = [1], strides = [1]} : vector<16xi32> to vector<1xi32>
        %parallel_loop3A_1920 = vector.extract %parallel_loop3A_1919[0] : i32 from vector<1xi32>
        %parallel_loop3A_1921 = arith.constant 0 : i32
        %parallel_loop3A_1922 = arith.cmpi sgt, %parallel_loop3A_1920, %parallel_loop3A_1921 : i32
        %parallel_loop3A_1923 = arith.extui %parallel_loop3A_1922 : i1 to i32
        %parallel_loop3A_1924 = arith.constant 0 : i32
        %parallel_loop3A_1925 = arith.cmpi ne, %parallel_loop3A_1923, %parallel_loop3A_1924 : i32
        %parallel_loop3A_1926:5 = scf.if %parallel_loop3A_1925 -> (vector<16xf32>, vector<16xf32>, vector<16xi32>, vector<16xi32>, vector<16xf32>) {
          %parallel_loop3A_1927 = arith.constant 0 : i32
          %parallel_loop3A_1928 = arith.addi %parallel_loop3A_1907, %parallel_loop3A_1927 : i32
          %parallel_loop3A_1929 = vector.broadcast %parallel_loop3A_1928 : i32 to vector<16xi32>
          %parallel_loop3A_1930 = arith.addi %iota3A, %parallel_loop3A_1929 : vector<16xi32>
          %parallel_loop3A_1931 = arith.cmpf olt, %parallel_loop3A_1911, %parallel_loop3A_1905 : vector<16xf32>
          %parallel_loop3A_1932 = tpu.all_reduce %parallel_loop3A_1931 {dim = 0 : i64, kind = #tpu.reduction_kind<sum>} : vector<16xi1> -> vector<16xi32>
          %parallel_loop3A_1933 = vector.extract_strided_slice %parallel_loop3A_1932 {offsets = [0], sizes = [1], strides = [1]} : vector<16xi32> to vector<1xi32>
          %parallel_loop3A_1934 = vector.extract %parallel_loop3A_1933[0] : i32 from vector<1xi32>
          %parallel_loop3A_1935 = arith.constant 0 : i32
          %parallel_loop3A_1936 = arith.cmpi sgt, %parallel_loop3A_1934, %parallel_loop3A_1935 : i32
          %parallel_loop3A_1937 = arith.extui %parallel_loop3A_1936 : i1 to i32
          %parallel_loop3A_1938 = arith.constant 0 : i32
          %parallel_loop3A_1939 = arith.cmpi ne, %parallel_loop3A_1937, %parallel_loop3A_1938 : i32
          %parallel_loop3A_1940:5 = scf.if %parallel_loop3A_1939 -> (vector<16xf32>, vector<16xf32>, vector<16xi32>, vector<16xi32>, vector<16xf32>) {
            %parallel_loop3A_1955 = arith.cmpf olt, %parallel_loop3A_1911, %parallel_loop3A_1905 : vector<16xf32>
            %parallel_loop3A_1956 = arith.constant 0x7F800000 : f32
            %parallel_loop3A_1957 = vector.broadcast %parallel_loop3A_1956 : f32 to vector<16xf32>
            %parallel_loop3A_1958 = arith.select %parallel_loop3A_1955, %parallel_loop3A_1911, %parallel_loop3A_1957 : vector<16xi1>, vector<16xf32>
            %parallel_loop3A_1959 = arith.constant 0 : i32
            %parallel_loop3A_1960 = vector.broadcast %parallel_loop3A_1959 : i32 to vector<16xi32>
            %parallel_loop3A_1961 = arith.select %parallel_loop3A_1955, %parallel_loop3A_1930, %parallel_loop3A_1960 : vector<16xi1>, vector<16xi32>
            %parallel_loop3A_1962 = arith.constant dense<true> : vector<16xi1>
            %parallel_loop3A_1963, %parallel_loop3A_1964, %parallel_loop3A_1965 = tpu.sort %parallel_loop3A_1958, %parallel_loop3A_1961 masked %parallel_loop3A_1962 : (vector<16xf32>, vector<16xi32>, vector<16xi1>) -> (vector<16xi1>, vector<16xf32>, vector<16xi32>)
            %parallel_loop3A_1966 = arith.constant 15 : i32
            %parallel_loop3A_1967 = vector.broadcast %parallel_loop3A_1966 : i32 to vector<16xi32>
            %parallel_loop3A_1968 = tpu.iota {dimensions = array<i32: 0>} : vector<16xi32>
            %parallel_loop3A_1969 = arith.subi %parallel_loop3A_1967, %parallel_loop3A_1968 : vector<16xi32>
            %parallel_loop3A_1970 = tpu.dynamic_gather %parallel_loop3A_1964[%parallel_loop3A_1969] in [0] : vector<16xf32>, vector<16xi32> -> vector<16xf32>
            %parallel_loop3A_1971 = arith.constant 15 : i32
            %parallel_loop3A_1972 = vector.broadcast %parallel_loop3A_1971 : i32 to vector<16xi32>
            %parallel_loop3A_1973 = tpu.iota {dimensions = array<i32: 0>} : vector<16xi32>
            %parallel_loop3A_1974 = arith.subi %parallel_loop3A_1972, %parallel_loop3A_1973 : vector<16xi32>
            %parallel_loop3A_1975 = tpu.dynamic_gather %parallel_loop3A_1965[%parallel_loop3A_1974] in [0] : vector<16xi32>, vector<16xi32> -> vector<16xi32>
            %parallel_loop3A_1976 = arith.cmpf ole, %parallel_loop3A_1901, %parallel_loop3A_1970 : vector<16xf32>
            %parallel_loop3A_1977 = arith.minimumf %parallel_loop3A_1901, %parallel_loop3A_1970 : vector<16xf32>
            %parallel_loop3A_1978 = arith.select %parallel_loop3A_1976, %parallel_loop3A_1903, %parallel_loop3A_1975 : vector<16xi1>, vector<16xi32>
            %parallel_loop3A_1979 = arith.maximumf %parallel_loop3A_1901, %parallel_loop3A_1970 : vector<16xf32>
            %parallel_loop3A_1980 = arith.select %parallel_loop3A_1976, %parallel_loop3A_1975, %parallel_loop3A_1903 : vector<16xi1>, vector<16xi32>
            %parallel_loop3A_1981 = arith.constant dense<true> : vector<16xi1>
            %parallel_loop3A_1982, %parallel_loop3A_1983, %parallel_loop3A_1984 = tpu.sort %parallel_loop3A_1977, %parallel_loop3A_1978 masked %parallel_loop3A_1981 : (vector<16xf32>, vector<16xi32>, vector<16xi1>) -> (vector<16xi1>, vector<16xf32>, vector<16xi32>)
            %parallel_loop3A_1985 = arith.constant dense<true> : vector<16xi1>
            %parallel_loop3A_1986, %parallel_loop3A_1987, %parallel_loop3A_1988 = tpu.sort %parallel_loop3A_1979, %parallel_loop3A_1980 masked %parallel_loop3A_1985 : (vector<16xf32>, vector<16xi32>, vector<16xi1>) -> (vector<16xi1>, vector<16xf32>, vector<16xi32>)
            %parallel_loop3A_1989 = arith.constant 15 : i32
            %parallel_loop3A_1990 = vector.broadcast %parallel_loop3A_1989 : i32 to vector<16xi32>
            %parallel_loop3A_1991 = tpu.iota {dimensions = array<i32: 0>} : vector<16xi32>
            %parallel_loop3A_1992 = arith.subi %parallel_loop3A_1990, %parallel_loop3A_1991 : vector<16xi32>
            %parallel_loop3A_1993 = tpu.dynamic_gather %parallel_loop3A_1987[%parallel_loop3A_1992] in [0] : vector<16xf32>, vector<16xi32> -> vector<16xf32>
            %parallel_loop3A_1994 = arith.constant 15 : i32
            %parallel_loop3A_1995 = vector.broadcast %parallel_loop3A_1994 : i32 to vector<16xi32>
            %parallel_loop3A_1996 = tpu.iota {dimensions = array<i32: 0>} : vector<16xi32>
            %parallel_loop3A_1997 = arith.subi %parallel_loop3A_1995, %parallel_loop3A_1996 : vector<16xi32>
            %parallel_loop3A_1998 = tpu.dynamic_gather %parallel_loop3A_1988[%parallel_loop3A_1997] in [0] : vector<16xi32>, vector<16xi32> -> vector<16xi32>
            %parallel_loop3A_1999 = arith.cmpf ole, %parallel_loop3A_1902, %parallel_loop3A_1993 : vector<16xf32>
            %parallel_loop3A_2000 = arith.minimumf %parallel_loop3A_1902, %parallel_loop3A_1993 : vector<16xf32>
            %parallel_loop3A_2001 = arith.select %parallel_loop3A_1999, %parallel_loop3A_1904, %parallel_loop3A_1998 : vector<16xi1>, vector<16xi32>
            %parallel_loop3A_2002 = arith.constant dense<true> : vector<16xi1>
            %parallel_loop3A_2003, %parallel_loop3A_2004, %parallel_loop3A_2005 = tpu.sort %parallel_loop3A_2000, %parallel_loop3A_2001 masked %parallel_loop3A_2002 : (vector<16xf32>, vector<16xi32>, vector<16xi1>) -> (vector<16xi1>, vector<16xf32>, vector<16xi32>)
            %parallel_loop3A_2006 = vector.extract_strided_slice %parallel_loop3A_2004 {offsets = [15], sizes = [1], strides = [1]} : vector<16xf32> to vector<1xf32>
            %parallel_loop3A_2007 = vector.extract %parallel_loop3A_2006[0] : f32 from vector<1xf32>
            %parallel_loop3A_2008 = vector.broadcast %parallel_loop3A_2007 : f32 to vector<16xf32>
            scf.yield %parallel_loop3A_1983, %parallel_loop3A_2004, %parallel_loop3A_1984, %parallel_loop3A_2005, %parallel_loop3A_2008 : vector<16xf32>, vector<16xf32>, vector<16xi32>, vector<16xi32>, vector<16xf32>
          } else {
            scf.yield %parallel_loop3A_1901, %parallel_loop3A_1902, %parallel_loop3A_1903, %parallel_loop3A_1904, %parallel_loop3A_1905 : vector<16xf32>, vector<16xf32>, vector<16xi32>, vector<16xi32>, vector<16xf32>
          }
          %parallel_loop3A_1941 = arith.constant 16 : i32
          %parallel_loop3A_1942 = arith.addi %parallel_loop3A_1907, %parallel_loop3A_1941 : i32
          %parallel_loop3A_1943 = vector.broadcast %parallel_loop3A_1942 : i32 to vector<16xi32>
          %parallel_loop3A_1944 = arith.addi %iota3A, %parallel_loop3A_1943 : vector<16xi32>
          %parallel_loop3A_1945 = arith.cmpf olt, %parallel_loop3A_1915, %parallel_loop3A_1940#4 : vector<16xf32>
          %parallel_loop3A_1946 = tpu.all_reduce %parallel_loop3A_1945 {dim = 0 : i64, kind = #tpu.reduction_kind<sum>} : vector<16xi1> -> vector<16xi32>
          %parallel_loop3A_1947 = vector.extract_strided_slice %parallel_loop3A_1946 {offsets = [0], sizes = [1], strides = [1]} : vector<16xi32> to vector<1xi32>
          %parallel_loop3A_1948 = vector.extract %parallel_loop3A_1947[0] : i32 from vector<1xi32>
          %parallel_loop3A_1949 = arith.constant 0 : i32
          %parallel_loop3A_1950 = arith.cmpi sgt, %parallel_loop3A_1948, %parallel_loop3A_1949 : i32
          %parallel_loop3A_1951 = arith.extui %parallel_loop3A_1950 : i1 to i32
          %parallel_loop3A_1952 = arith.constant 0 : i32
          %parallel_loop3A_1953 = arith.cmpi ne, %parallel_loop3A_1951, %parallel_loop3A_1952 : i32
          %parallel_loop3A_1954:5 = scf.if %parallel_loop3A_1953 -> (vector<16xf32>, vector<16xf32>, vector<16xi32>, vector<16xi32>, vector<16xf32>) {
            %parallel_loop3A_1955 = arith.cmpf olt, %parallel_loop3A_1915, %parallel_loop3A_1940#4 : vector<16xf32>
            %parallel_loop3A_1956 = arith.constant 0x7F800000 : f32
            %parallel_loop3A_1957 = vector.broadcast %parallel_loop3A_1956 : f32 to vector<16xf32>
            %parallel_loop3A_1958 = arith.select %parallel_loop3A_1955, %parallel_loop3A_1915, %parallel_loop3A_1957 : vector<16xi1>, vector<16xf32>
            %parallel_loop3A_1959 = arith.constant 0 : i32
            %parallel_loop3A_1960 = vector.broadcast %parallel_loop3A_1959 : i32 to vector<16xi32>
            %parallel_loop3A_1961 = arith.select %parallel_loop3A_1955, %parallel_loop3A_1944, %parallel_loop3A_1960 : vector<16xi1>, vector<16xi32>
            %parallel_loop3A_1962 = arith.constant dense<true> : vector<16xi1>
            %parallel_loop3A_1963, %parallel_loop3A_1964, %parallel_loop3A_1965 = tpu.sort %parallel_loop3A_1958, %parallel_loop3A_1961 masked %parallel_loop3A_1962 : (vector<16xf32>, vector<16xi32>, vector<16xi1>) -> (vector<16xi1>, vector<16xf32>, vector<16xi32>)
            %parallel_loop3A_1966 = arith.constant 15 : i32
            %parallel_loop3A_1967 = vector.broadcast %parallel_loop3A_1966 : i32 to vector<16xi32>
            %parallel_loop3A_1968 = tpu.iota {dimensions = array<i32: 0>} : vector<16xi32>
            %parallel_loop3A_1969 = arith.subi %parallel_loop3A_1967, %parallel_loop3A_1968 : vector<16xi32>
            %parallel_loop3A_1970 = tpu.dynamic_gather %parallel_loop3A_1964[%parallel_loop3A_1969] in [0] : vector<16xf32>, vector<16xi32> -> vector<16xf32>
            %parallel_loop3A_1971 = arith.constant 15 : i32
            %parallel_loop3A_1972 = vector.broadcast %parallel_loop3A_1971 : i32 to vector<16xi32>
            %parallel_loop3A_1973 = tpu.iota {dimensions = array<i32: 0>} : vector<16xi32>
            %parallel_loop3A_1974 = arith.subi %parallel_loop3A_1972, %parallel_loop3A_1973 : vector<16xi32>
            %parallel_loop3A_1975 = tpu.dynamic_gather %parallel_loop3A_1965[%parallel_loop3A_1974] in [0] : vector<16xi32>, vector<16xi32> -> vector<16xi32>
            %parallel_loop3A_1976 = arith.cmpf ole, %parallel_loop3A_1940#0, %parallel_loop3A_1970 : vector<16xf32>
            %parallel_loop3A_1977 = arith.minimumf %parallel_loop3A_1940#0, %parallel_loop3A_1970 : vector<16xf32>
            %parallel_loop3A_1978 = arith.select %parallel_loop3A_1976, %parallel_loop3A_1940#2, %parallel_loop3A_1975 : vector<16xi1>, vector<16xi32>
            %parallel_loop3A_1979 = arith.maximumf %parallel_loop3A_1940#0, %parallel_loop3A_1970 : vector<16xf32>
            %parallel_loop3A_1980 = arith.select %parallel_loop3A_1976, %parallel_loop3A_1975, %parallel_loop3A_1940#2 : vector<16xi1>, vector<16xi32>
            %parallel_loop3A_1981 = arith.constant dense<true> : vector<16xi1>
            %parallel_loop3A_1982, %parallel_loop3A_1983, %parallel_loop3A_1984 = tpu.sort %parallel_loop3A_1977, %parallel_loop3A_1978 masked %parallel_loop3A_1981 : (vector<16xf32>, vector<16xi32>, vector<16xi1>) -> (vector<16xi1>, vector<16xf32>, vector<16xi32>)
            %parallel_loop3A_1985 = arith.constant dense<true> : vector<16xi1>
            %parallel_loop3A_1986, %parallel_loop3A_1987, %parallel_loop3A_1988 = tpu.sort %parallel_loop3A_1979, %parallel_loop3A_1980 masked %parallel_loop3A_1985 : (vector<16xf32>, vector<16xi32>, vector<16xi1>) -> (vector<16xi1>, vector<16xf32>, vector<16xi32>)
            %parallel_loop3A_1989 = arith.constant 15 : i32
            %parallel_loop3A_1990 = vector.broadcast %parallel_loop3A_1989 : i32 to vector<16xi32>
            %parallel_loop3A_1991 = tpu.iota {dimensions = array<i32: 0>} : vector<16xi32>
            %parallel_loop3A_1992 = arith.subi %parallel_loop3A_1990, %parallel_loop3A_1991 : vector<16xi32>
            %parallel_loop3A_1993 = tpu.dynamic_gather %parallel_loop3A_1987[%parallel_loop3A_1992] in [0] : vector<16xf32>, vector<16xi32> -> vector<16xf32>
            %parallel_loop3A_1994 = arith.constant 15 : i32
            %parallel_loop3A_1995 = vector.broadcast %parallel_loop3A_1994 : i32 to vector<16xi32>
            %parallel_loop3A_1996 = tpu.iota {dimensions = array<i32: 0>} : vector<16xi32>
            %parallel_loop3A_1997 = arith.subi %parallel_loop3A_1995, %parallel_loop3A_1996 : vector<16xi32>
            %parallel_loop3A_1998 = tpu.dynamic_gather %parallel_loop3A_1988[%parallel_loop3A_1997] in [0] : vector<16xi32>, vector<16xi32> -> vector<16xi32>
            %parallel_loop3A_1999 = arith.cmpf ole, %parallel_loop3A_1940#1, %parallel_loop3A_1993 : vector<16xf32>
            %parallel_loop3A_2000 = arith.minimumf %parallel_loop3A_1940#1, %parallel_loop3A_1993 : vector<16xf32>
            %parallel_loop3A_2001 = arith.select %parallel_loop3A_1999, %parallel_loop3A_1940#3, %parallel_loop3A_1998 : vector<16xi1>, vector<16xi32>
            %parallel_loop3A_2002 = arith.constant dense<true> : vector<16xi1>
            %parallel_loop3A_2003, %parallel_loop3A_2004, %parallel_loop3A_2005 = tpu.sort %parallel_loop3A_2000, %parallel_loop3A_2001 masked %parallel_loop3A_2002 : (vector<16xf32>, vector<16xi32>, vector<16xi1>) -> (vector<16xi1>, vector<16xf32>, vector<16xi32>)
            %parallel_loop3A_2006 = vector.extract_strided_slice %parallel_loop3A_2004 {offsets = [15], sizes = [1], strides = [1]} : vector<16xf32> to vector<1xf32>
            %parallel_loop3A_2007 = vector.extract %parallel_loop3A_2006[0] : f32 from vector<1xf32>
            %parallel_loop3A_2008 = vector.broadcast %parallel_loop3A_2007 : f32 to vector<16xf32>
            scf.yield %parallel_loop3A_1983, %parallel_loop3A_2004, %parallel_loop3A_1984, %parallel_loop3A_2005, %parallel_loop3A_2008 : vector<16xf32>, vector<16xf32>, vector<16xi32>, vector<16xi32>, vector<16xf32>
          } else {
            scf.yield %parallel_loop3A_1940#0, %parallel_loop3A_1940#1, %parallel_loop3A_1940#2, %parallel_loop3A_1940#3, %parallel_loop3A_1940#4 : vector<16xf32>, vector<16xf32>, vector<16xi32>, vector<16xi32>, vector<16xf32>
          }
          scf.yield %parallel_loop3A_1954#0, %parallel_loop3A_1954#1, %parallel_loop3A_1954#2, %parallel_loop3A_1954#3, %parallel_loop3A_1954#4 : vector<16xf32>, vector<16xf32>, vector<16xi32>, vector<16xi32>, vector<16xf32>
        } else {
          scf.yield %parallel_loop3A_1901, %parallel_loop3A_1902, %parallel_loop3A_1903, %parallel_loop3A_1904, %parallel_loop3A_1905 : vector<16xf32>, vector<16xf32>, vector<16xi32>, vector<16xi32>, vector<16xf32>
        }
        scf.yield %parallel_loop3A_1926#0, %parallel_loop3A_1926#1, %parallel_loop3A_1926#2, %parallel_loop3A_1926#3, %parallel_loop3A_1926#4 : vector<16xf32>, vector<16xf32>, vector<16xi32>, vector<16xi32>, vector<16xf32>
      } {sc.loop_unroll_factor = 4 : i64, sc.parallel_access}
      %and3A_983 = arith.constant 1 : i32
      %and3A_984 = vector.broadcast %and3A_983 : i32 to vector<16xi32>
      %and3A_985 = arith.andi %iota3A, %and3A_984 : vector<16xi32>
      %eq3A_986 = arith.constant 0 : i32
      %eq3A_987 = vector.broadcast %eq3A_986 : i32 to vector<16xi32>
      %eq3A_988 = arith.cmpi eq, %and3A_985, %eq3A_987 : vector<16xi32>
      %and3A_989 = arith.constant 1 : i32
      %and3A_990 = vector.broadcast %and3A_989 : i32 to vector<16xi32>
      %and3A_991 = arith.andi %iota3A, %and3A_990 : vector<16xi32>
      %eq3A_992 = arith.constant 1 : i32
      %eq3A_993 = vector.broadcast %eq3A_992 : i32 to vector<16xi32>
      %eq3A_994 = arith.cmpi eq, %and3A_991, %eq3A_993 : vector<16xi32>
      %xor3A_995 = arith.constant 1 : i32
      %xor3A_996 = vector.broadcast %xor3A_995 : i32 to vector<16xi32>
      %xor3A_997 = arith.xori %iota3A, %xor3A_996 : vector<16xi32>
      %eq3A_998 = arith.constant 0 : i32
      %eq3A_999 = vector.broadcast %eq3A_998 : i32 to vector<16xi32>
      %eq3A_1000 = arith.cmpi eq, %iota3A, %eq3A_999 : vector<16xi32>
      %eq3A_1001 = arith.constant 15 : i32
      %eq3A_1002 = vector.broadcast %eq3A_1001 : i32 to vector<16xi32>
      %eq3A_1003 = arith.cmpi eq, %iota3A, %eq3A_1002 : vector<16xi32>
      %or3A_1004 = arith.ori %eq3A_1000, %eq3A_1003 : vector<16xi1>
      %add3A_1005 = arith.constant 1 : i32
      %add3A_1006 = vector.broadcast %add3A_1005 : i32 to vector<16xi32>
      %add3A_1007 = arith.addi %iota3A, %add3A_1006 : vector<16xi32>
      %sub3A_1008 = arith.constant 1 : i32
      %sub3A_1009 = vector.broadcast %sub3A_1008 : i32 to vector<16xi32>
      %sub3A_1010 = arith.subi %iota3A, %sub3A_1009 : vector<16xi32>
      %select_n3A_1011 = arith.select %eq3A_994, %add3A_1007, %sub3A_1010 : vector<16xi1>, vector<16xi32>
      %select_n3A_1012 = arith.select %or3A_1004, %iota3A, %select_n3A_1011 : vector<16xi1>, vector<16xi32>
      %lt3A_1013 = arith.constant 0 : i32
      %lt3A_1014 = vector.broadcast %lt3A_1013 : i32 to vector<16xi32>
      %lt3A_1015 = arith.cmpi slt, %xor3A_997, %lt3A_1014 : vector<16xi32>
      %add3A_1016 = arith.constant 16 : i32
      %add3A_1017 = vector.broadcast %add3A_1016 : i32 to vector<16xi32>
      %add3A_1018 = arith.addi %xor3A_997, %add3A_1017 : vector<16xi32>
      %select_n3A_1019 = arith.select %lt3A_1015, %add3A_1018, %xor3A_997 : vector<16xi1>, vector<16xi32>
      %broadcast_in_dim3A_1020 = vector.shape_cast %select_n3A_1019 : vector<16xi32> to vector<16x1xi32>
      %gather3A_1021 = vector.shape_cast %broadcast_in_dim3A_1020 : vector<16x1xi32> to vector<16xi32>
      %gather3A_1022 = tpu.dynamic_gather %parallel_loop3A_982#0[%gather3A_1021] in [0] : vector<16xf32>, vector<16xi32> -> vector<16xf32>
      %lt3A_1023 = arith.constant 0 : i32
      %lt3A_1024 = vector.broadcast %lt3A_1023 : i32 to vector<16xi32>
      %lt3A_1025 = arith.cmpi slt, %xor3A_997, %lt3A_1024 : vector<16xi32>
      %add3A_1026 = arith.constant 16 : i32
      %add3A_1027 = vector.broadcast %add3A_1026 : i32 to vector<16xi32>
      %add3A_1028 = arith.addi %xor3A_997, %add3A_1027 : vector<16xi32>
      %select_n3A_1029 = arith.select %lt3A_1025, %add3A_1028, %xor3A_997 : vector<16xi1>, vector<16xi32>
      %broadcast_in_dim3A_1030 = vector.shape_cast %select_n3A_1029 : vector<16xi32> to vector<16x1xi32>
      %gather3A_1031 = vector.shape_cast %broadcast_in_dim3A_1030 : vector<16x1xi32> to vector<16xi32>
      %gather3A_1032 = tpu.dynamic_gather %parallel_loop3A_982#2[%gather3A_1031] in [0] : vector<16xi32>, vector<16xi32> -> vector<16xi32>
      %eq3A_1033 = arith.cmpf oeq, %parallel_loop3A_982#0, %gather3A_1022 : vector<16xf32>
      %min3A_1034 = arith.minsi %parallel_loop3A_982#2, %gather3A_1032 : vector<16xi32>
      %max3A_1035 = arith.maxsi %parallel_loop3A_982#2, %gather3A_1032 : vector<16xi32>
      %select_n3A_1036 = arith.select %eq3A_988, %min3A_1034, %max3A_1035 : vector<16xi1>, vector<16xi32>
      %select_n3A_1037 = arith.select %eq3A_1033, %select_n3A_1036, %parallel_loop3A_982#2 : vector<16xi1>, vector<16xi32>
      %lt3A_1038 = arith.constant 0 : i32
      %lt3A_1039 = vector.broadcast %lt3A_1038 : i32 to vector<16xi32>
      %lt3A_1040 = arith.cmpi slt, %xor3A_997, %lt3A_1039 : vector<16xi32>
      %add3A_1041 = arith.constant 16 : i32
      %add3A_1042 = vector.broadcast %add3A_1041 : i32 to vector<16xi32>
      %add3A_1043 = arith.addi %xor3A_997, %add3A_1042 : vector<16xi32>
      %select_n3A_1044 = arith.select %lt3A_1040, %add3A_1043, %xor3A_997 : vector<16xi1>, vector<16xi32>
      %broadcast_in_dim3A_1045 = vector.shape_cast %select_n3A_1044 : vector<16xi32> to vector<16x1xi32>
      %gather3A_1046 = vector.shape_cast %broadcast_in_dim3A_1045 : vector<16x1xi32> to vector<16xi32>
      %gather3A_1047 = tpu.dynamic_gather %parallel_loop3A_982#1[%gather3A_1046] in [0] : vector<16xf32>, vector<16xi32> -> vector<16xf32>
      %lt3A_1048 = arith.constant 0 : i32
      %lt3A_1049 = vector.broadcast %lt3A_1048 : i32 to vector<16xi32>
      %lt3A_1050 = arith.cmpi slt, %xor3A_997, %lt3A_1049 : vector<16xi32>
      %add3A_1051 = arith.constant 16 : i32
      %add3A_1052 = vector.broadcast %add3A_1051 : i32 to vector<16xi32>
      %add3A_1053 = arith.addi %xor3A_997, %add3A_1052 : vector<16xi32>
      %select_n3A_1054 = arith.select %lt3A_1050, %add3A_1053, %xor3A_997 : vector<16xi1>, vector<16xi32>
      %broadcast_in_dim3A_1055 = vector.shape_cast %select_n3A_1054 : vector<16xi32> to vector<16x1xi32>
      %gather3A_1056 = vector.shape_cast %broadcast_in_dim3A_1055 : vector<16x1xi32> to vector<16xi32>
      %gather3A_1057 = tpu.dynamic_gather %parallel_loop3A_982#3[%gather3A_1056] in [0] : vector<16xi32>, vector<16xi32> -> vector<16xi32>
      %eq3A_1058 = arith.cmpf oeq, %parallel_loop3A_982#1, %gather3A_1047 : vector<16xf32>
      %min3A_1059 = arith.minsi %parallel_loop3A_982#3, %gather3A_1057 : vector<16xi32>
      %max3A_1060 = arith.maxsi %parallel_loop3A_982#3, %gather3A_1057 : vector<16xi32>
      %select_n3A_1061 = arith.select %eq3A_988, %min3A_1059, %max3A_1060 : vector<16xi1>, vector<16xi32>
      %select_n3A_1062 = arith.select %eq3A_1058, %select_n3A_1061, %parallel_loop3A_982#3 : vector<16xi1>, vector<16xi32>
      %eq3A_1063 = arith.constant 15 : i32
      %eq3A_1064 = vector.broadcast %eq3A_1063 : i32 to vector<16xi32>
      %eq3A_1065 = arith.cmpi eq, %iota3A, %eq3A_1064 : vector<16xi32>
      %eq3A_1066 = arith.constant 0 : i32
      %eq3A_1067 = vector.broadcast %eq3A_1066 : i32 to vector<16xi32>
      %eq3A_1068 = arith.cmpi eq, %iota3A, %eq3A_1067 : vector<16xi32>
      %slice3A_1069 = vector.extract_strided_slice %parallel_loop3A_982#1 {offsets = [0], sizes = [1], strides = [1]} : vector<16xf32> to vector<1xf32>
      %squeeze3A_1070 = vector.extract %slice3A_1069[0] : f32 from vector<1xf32>
      %broadcast_in_dim3A_1071 = vector.broadcast %squeeze3A_1070 : f32 to vector<16xf32>
      %lt3A_1072 = arith.constant 0 : i32
      %lt3A_1073 = vector.broadcast %lt3A_1072 : i32 to vector<16xi32>
      %lt3A_1074 = arith.cmpi slt, %select_n3A_1012, %lt3A_1073 : vector<16xi32>
      %add3A_1075 = arith.constant 16 : i32
      %add3A_1076 = vector.broadcast %add3A_1075 : i32 to vector<16xi32>
      %add3A_1077 = arith.addi %select_n3A_1012, %add3A_1076 : vector<16xi32>
      %select_n3A_1078 = arith.select %lt3A_1074, %add3A_1077, %select_n3A_1012 : vector<16xi1>, vector<16xi32>
      %broadcast_in_dim3A_1079 = vector.shape_cast %select_n3A_1078 : vector<16xi32> to vector<16x1xi32>
      %gather3A_1080 = vector.shape_cast %broadcast_in_dim3A_1079 : vector<16x1xi32> to vector<16xi32>
      %gather3A_1081 = tpu.dynamic_gather %parallel_loop3A_982#0[%gather3A_1080] in [0] : vector<16xf32>, vector<16xi32> -> vector<16xf32>
      %select_n3A_1082 = arith.select %eq3A_1065, %broadcast_in_dim3A_1071, %gather3A_1081 : vector<16xi1>, vector<16xf32>
      %slice3A_1083 = vector.extract_strided_slice %select_n3A_1062 {offsets = [0], sizes = [1], strides = [1]} : vector<16xi32> to vector<1xi32>
      %squeeze3A_1084 = vector.extract %slice3A_1083[0] : i32 from vector<1xi32>
      %broadcast_in_dim3A_1085 = vector.broadcast %squeeze3A_1084 : i32 to vector<16xi32>
      %lt3A_1086 = arith.constant 0 : i32
      %lt3A_1087 = vector.broadcast %lt3A_1086 : i32 to vector<16xi32>
      %lt3A_1088 = arith.cmpi slt, %select_n3A_1012, %lt3A_1087 : vector<16xi32>
      %add3A_1089 = arith.constant 16 : i32
      %add3A_1090 = vector.broadcast %add3A_1089 : i32 to vector<16xi32>
      %add3A_1091 = arith.addi %select_n3A_1012, %add3A_1090 : vector<16xi32>
      %select_n3A_1092 = arith.select %lt3A_1088, %add3A_1091, %select_n3A_1012 : vector<16xi1>, vector<16xi32>
      %broadcast_in_dim3A_1093 = vector.shape_cast %select_n3A_1092 : vector<16xi32> to vector<16x1xi32>
      %gather3A_1094 = vector.shape_cast %broadcast_in_dim3A_1093 : vector<16x1xi32> to vector<16xi32>
      %gather3A_1095 = tpu.dynamic_gather %select_n3A_1037[%gather3A_1094] in [0] : vector<16xi32>, vector<16xi32> -> vector<16xi32>
      %select_n3A_1096 = arith.select %eq3A_1065, %broadcast_in_dim3A_1085, %gather3A_1095 : vector<16xi1>, vector<16xi32>
      %eq3A_1097 = arith.cmpf oeq, %parallel_loop3A_982#0, %select_n3A_1082 : vector<16xf32>
      %min3A_1098 = arith.minsi %select_n3A_1037, %select_n3A_1096 : vector<16xi32>
      %max3A_1099 = arith.maxsi %select_n3A_1037, %select_n3A_1096 : vector<16xi32>
      %select_n3A_1100 = arith.select %eq3A_994, %min3A_1098, %max3A_1099 : vector<16xi1>, vector<16xi32>
      %select_n3A_1101 = arith.select %eq3A_1097, %select_n3A_1100, %select_n3A_1037 : vector<16xi1>, vector<16xi32>
      %slice3A_1102 = vector.extract_strided_slice %parallel_loop3A_982#0 {offsets = [15], sizes = [1], strides = [1]} : vector<16xf32> to vector<1xf32>
      %squeeze3A_1103 = vector.extract %slice3A_1102[0] : f32 from vector<1xf32>
      %broadcast_in_dim3A_1104 = vector.broadcast %squeeze3A_1103 : f32 to vector<16xf32>
      %lt3A_1105 = arith.constant 0 : i32
      %lt3A_1106 = vector.broadcast %lt3A_1105 : i32 to vector<16xi32>
      %lt3A_1107 = arith.cmpi slt, %select_n3A_1012, %lt3A_1106 : vector<16xi32>
      %add3A_1108 = arith.constant 16 : i32
      %add3A_1109 = vector.broadcast %add3A_1108 : i32 to vector<16xi32>
      %add3A_1110 = arith.addi %select_n3A_1012, %add3A_1109 : vector<16xi32>
      %select_n3A_1111 = arith.select %lt3A_1107, %add3A_1110, %select_n3A_1012 : vector<16xi1>, vector<16xi32>
      %broadcast_in_dim3A_1112 = vector.shape_cast %select_n3A_1111 : vector<16xi32> to vector<16x1xi32>
      %gather3A_1113 = vector.shape_cast %broadcast_in_dim3A_1112 : vector<16x1xi32> to vector<16xi32>
      %gather3A_1114 = tpu.dynamic_gather %parallel_loop3A_982#1[%gather3A_1113] in [0] : vector<16xf32>, vector<16xi32> -> vector<16xf32>
      %select_n3A_1115 = arith.select %eq3A_1068, %broadcast_in_dim3A_1104, %gather3A_1114 : vector<16xi1>, vector<16xf32>
      %slice3A_1116 = vector.extract_strided_slice %select_n3A_1037 {offsets = [15], sizes = [1], strides = [1]} : vector<16xi32> to vector<1xi32>
      %squeeze3A_1117 = vector.extract %slice3A_1116[0] : i32 from vector<1xi32>
      %broadcast_in_dim3A_1118 = vector.broadcast %squeeze3A_1117 : i32 to vector<16xi32>
      %lt3A_1119 = arith.constant 0 : i32
      %lt3A_1120 = vector.broadcast %lt3A_1119 : i32 to vector<16xi32>
      %lt3A_1121 = arith.cmpi slt, %select_n3A_1012, %lt3A_1120 : vector<16xi32>
      %add3A_1122 = arith.constant 16 : i32
      %add3A_1123 = vector.broadcast %add3A_1122 : i32 to vector<16xi32>
      %add3A_1124 = arith.addi %select_n3A_1012, %add3A_1123 : vector<16xi32>
      %select_n3A_1125 = arith.select %lt3A_1121, %add3A_1124, %select_n3A_1012 : vector<16xi1>, vector<16xi32>
      %broadcast_in_dim3A_1126 = vector.shape_cast %select_n3A_1125 : vector<16xi32> to vector<16x1xi32>
      %gather3A_1127 = vector.shape_cast %broadcast_in_dim3A_1126 : vector<16x1xi32> to vector<16xi32>
      %gather3A_1128 = tpu.dynamic_gather %select_n3A_1062[%gather3A_1127] in [0] : vector<16xi32>, vector<16xi32> -> vector<16xi32>
      %select_n3A_1129 = arith.select %eq3A_1068, %broadcast_in_dim3A_1118, %gather3A_1128 : vector<16xi1>, vector<16xi32>
      %eq3A_1130 = arith.cmpf oeq, %parallel_loop3A_982#1, %select_n3A_1115 : vector<16xf32>
      %min3A_1131 = arith.minsi %select_n3A_1062, %select_n3A_1129 : vector<16xi32>
      %max3A_1132 = arith.maxsi %select_n3A_1062, %select_n3A_1129 : vector<16xi32>
      %select_n3A_1133 = arith.select %eq3A_994, %min3A_1131, %max3A_1132 : vector<16xi1>, vector<16xi32>
      %select_n3A_1134 = arith.select %eq3A_1130, %select_n3A_1133, %select_n3A_1062 : vector<16xi1>, vector<16xi32>
      %lt3A_1135 = arith.constant 0 : i32
      %lt3A_1136 = vector.broadcast %lt3A_1135 : i32 to vector<16xi32>
      %lt3A_1137 = arith.cmpi slt, %xor3A_997, %lt3A_1136 : vector<16xi32>
      %add3A_1138 = arith.constant 16 : i32
      %add3A_1139 = vector.broadcast %add3A_1138 : i32 to vector<16xi32>
      %add3A_1140 = arith.addi %xor3A_997, %add3A_1139 : vector<16xi32>
      %select_n3A_1141 = arith.select %lt3A_1137, %add3A_1140, %xor3A_997 : vector<16xi1>, vector<16xi32>
      %broadcast_in_dim3A_1142 = vector.shape_cast %select_n3A_1141 : vector<16xi32> to vector<16x1xi32>
      %gather3A_1143 = vector.shape_cast %broadcast_in_dim3A_1142 : vector<16x1xi32> to vector<16xi32>
      %gather3A_1144 = tpu.dynamic_gather %parallel_loop3A_982#0[%gather3A_1143] in [0] : vector<16xf32>, vector<16xi32> -> vector<16xf32>
      %lt3A_1145 = arith.constant 0 : i32
      %lt3A_1146 = vector.broadcast %lt3A_1145 : i32 to vector<16xi32>
      %lt3A_1147 = arith.cmpi slt, %xor3A_997, %lt3A_1146 : vector<16xi32>
      %add3A_1148 = arith.constant 16 : i32
      %add3A_1149 = vector.broadcast %add3A_1148 : i32 to vector<16xi32>
      %add3A_1150 = arith.addi %xor3A_997, %add3A_1149 : vector<16xi32>
      %select_n3A_1151 = arith.select %lt3A_1147, %add3A_1150, %xor3A_997 : vector<16xi1>, vector<16xi32>
      %broadcast_in_dim3A_1152 = vector.shape_cast %select_n3A_1151 : vector<16xi32> to vector<16x1xi32>
      %gather3A_1153 = vector.shape_cast %broadcast_in_dim3A_1152 : vector<16x1xi32> to vector<16xi32>
      %gather3A_1154 = tpu.dynamic_gather %select_n3A_1101[%gather3A_1153] in [0] : vector<16xi32>, vector<16xi32> -> vector<16xi32>
      %eq3A_1155 = arith.cmpf oeq, %parallel_loop3A_982#0, %gather3A_1144 : vector<16xf32>
      %min3A_1156 = arith.minsi %select_n3A_1101, %gather3A_1154 : vector<16xi32>
      %max3A_1157 = arith.maxsi %select_n3A_1101, %gather3A_1154 : vector<16xi32>
      %select_n3A_1158 = arith.select %eq3A_988, %min3A_1156, %max3A_1157 : vector<16xi1>, vector<16xi32>
      %select_n3A_1159 = arith.select %eq3A_1155, %select_n3A_1158, %select_n3A_1101 : vector<16xi1>, vector<16xi32>
      %lt3A_1160 = arith.constant 0 : i32
      %lt3A_1161 = vector.broadcast %lt3A_1160 : i32 to vector<16xi32>
      %lt3A_1162 = arith.cmpi slt, %xor3A_997, %lt3A_1161 : vector<16xi32>
      %add3A_1163 = arith.constant 16 : i32
      %add3A_1164 = vector.broadcast %add3A_1163 : i32 to vector<16xi32>
      %add3A_1165 = arith.addi %xor3A_997, %add3A_1164 : vector<16xi32>
      %select_n3A_1166 = arith.select %lt3A_1162, %add3A_1165, %xor3A_997 : vector<16xi1>, vector<16xi32>
      %broadcast_in_dim3A_1167 = vector.shape_cast %select_n3A_1166 : vector<16xi32> to vector<16x1xi32>
      %gather3A_1168 = vector.shape_cast %broadcast_in_dim3A_1167 : vector<16x1xi32> to vector<16xi32>
      %gather3A_1169 = tpu.dynamic_gather %parallel_loop3A_982#1[%gather3A_1168] in [0] : vector<16xf32>, vector<16xi32> -> vector<16xf32>
      %lt3A_1170 = arith.constant 0 : i32
      %lt3A_1171 = vector.broadcast %lt3A_1170 : i32 to vector<16xi32>
      %lt3A_1172 = arith.cmpi slt, %xor3A_997, %lt3A_1171 : vector<16xi32>
      %add3A_1173 = arith.constant 16 : i32
      %add3A_1174 = vector.broadcast %add3A_1173 : i32 to vector<16xi32>
      %add3A_1175 = arith.addi %xor3A_997, %add3A_1174 : vector<16xi32>
      %select_n3A_1176 = arith.select %lt3A_1172, %add3A_1175, %xor3A_997 : vector<16xi1>, vector<16xi32>
      %broadcast_in_dim3A_1177 = vector.shape_cast %select_n3A_1176 : vector<16xi32> to vector<16x1xi32>
      %gather3A_1178 = vector.shape_cast %broadcast_in_dim3A_1177 : vector<16x1xi32> to vector<16xi32>
      %gather3A_1179 = tpu.dynamic_gather %select_n3A_1134[%gather3A_1178] in [0] : vector<16xi32>, vector<16xi32> -> vector<16xi32>
      %eq3A_1180 = arith.cmpf oeq, %parallel_loop3A_982#1, %gather3A_1169 : vector<16xf32>
      %min3A_1181 = arith.minsi %select_n3A_1134, %gather3A_1179 : vector<16xi32>
      %max3A_1182 = arith.maxsi %select_n3A_1134, %gather3A_1179 : vector<16xi32>
      %select_n3A_1183 = arith.select %eq3A_988, %min3A_1181, %max3A_1182 : vector<16xi1>, vector<16xi32>
      %select_n3A_1184 = arith.select %eq3A_1180, %select_n3A_1183, %select_n3A_1134 : vector<16xi1>, vector<16xi32>
      %eq3A_1185 = arith.constant 15 : i32
      %eq3A_1186 = vector.broadcast %eq3A_1185 : i32 to vector<16xi32>
      %eq3A_1187 = arith.cmpi eq, %iota3A, %eq3A_1186 : vector<16xi32>
      %eq3A_1188 = arith.constant 0 : i32
      %eq3A_1189 = vector.broadcast %eq3A_1188 : i32 to vector<16xi32>
      %eq3A_1190 = arith.cmpi eq, %iota3A, %eq3A_1189 : vector<16xi32>
      %slice3A_1191 = vector.extract_strided_slice %parallel_loop3A_982#1 {offsets = [0], sizes = [1], strides = [1]} : vector<16xf32> to vector<1xf32>
      %squeeze3A_1192 = vector.extract %slice3A_1191[0] : f32 from vector<1xf32>
      %broadcast_in_dim3A_1193 = vector.broadcast %squeeze3A_1192 : f32 to vector<16xf32>
      %lt3A_1194 = arith.constant 0 : i32
      %lt3A_1195 = vector.broadcast %lt3A_1194 : i32 to vector<16xi32>
      %lt3A_1196 = arith.cmpi slt, %select_n3A_1012, %lt3A_1195 : vector<16xi32>
      %add3A_1197 = arith.constant 16 : i32
      %add3A_1198 = vector.broadcast %add3A_1197 : i32 to vector<16xi32>
      %add3A_1199 = arith.addi %select_n3A_1012, %add3A_1198 : vector<16xi32>
      %select_n3A_1200 = arith.select %lt3A_1196, %add3A_1199, %select_n3A_1012 : vector<16xi1>, vector<16xi32>
      %broadcast_in_dim3A_1201 = vector.shape_cast %select_n3A_1200 : vector<16xi32> to vector<16x1xi32>
      %gather3A_1202 = vector.shape_cast %broadcast_in_dim3A_1201 : vector<16x1xi32> to vector<16xi32>
      %gather3A_1203 = tpu.dynamic_gather %parallel_loop3A_982#0[%gather3A_1202] in [0] : vector<16xf32>, vector<16xi32> -> vector<16xf32>
      %select_n3A_1204 = arith.select %eq3A_1187, %broadcast_in_dim3A_1193, %gather3A_1203 : vector<16xi1>, vector<16xf32>
      %slice3A_1205 = vector.extract_strided_slice %select_n3A_1184 {offsets = [0], sizes = [1], strides = [1]} : vector<16xi32> to vector<1xi32>
      %squeeze3A_1206 = vector.extract %slice3A_1205[0] : i32 from vector<1xi32>
      %broadcast_in_dim3A_1207 = vector.broadcast %squeeze3A_1206 : i32 to vector<16xi32>
      %lt3A_1208 = arith.constant 0 : i32
      %lt3A_1209 = vector.broadcast %lt3A_1208 : i32 to vector<16xi32>
      %lt3A_1210 = arith.cmpi slt, %select_n3A_1012, %lt3A_1209 : vector<16xi32>
      %add3A_1211 = arith.constant 16 : i32
      %add3A_1212 = vector.broadcast %add3A_1211 : i32 to vector<16xi32>
      %add3A_1213 = arith.addi %select_n3A_1012, %add3A_1212 : vector<16xi32>
      %select_n3A_1214 = arith.select %lt3A_1210, %add3A_1213, %select_n3A_1012 : vector<16xi1>, vector<16xi32>
      %broadcast_in_dim3A_1215 = vector.shape_cast %select_n3A_1214 : vector<16xi32> to vector<16x1xi32>
      %gather3A_1216 = vector.shape_cast %broadcast_in_dim3A_1215 : vector<16x1xi32> to vector<16xi32>
      %gather3A_1217 = tpu.dynamic_gather %select_n3A_1159[%gather3A_1216] in [0] : vector<16xi32>, vector<16xi32> -> vector<16xi32>
      %select_n3A_1218 = arith.select %eq3A_1187, %broadcast_in_dim3A_1207, %gather3A_1217 : vector<16xi1>, vector<16xi32>
      %eq3A_1219 = arith.cmpf oeq, %parallel_loop3A_982#0, %select_n3A_1204 : vector<16xf32>
      %min3A_1220 = arith.minsi %select_n3A_1159, %select_n3A_1218 : vector<16xi32>
      %max3A_1221 = arith.maxsi %select_n3A_1159, %select_n3A_1218 : vector<16xi32>
      %select_n3A_1222 = arith.select %eq3A_994, %min3A_1220, %max3A_1221 : vector<16xi1>, vector<16xi32>
      %select_n3A_1223 = arith.select %eq3A_1219, %select_n3A_1222, %select_n3A_1159 : vector<16xi1>, vector<16xi32>
      %slice3A_1224 = vector.extract_strided_slice %parallel_loop3A_982#0 {offsets = [15], sizes = [1], strides = [1]} : vector<16xf32> to vector<1xf32>
      %squeeze3A_1225 = vector.extract %slice3A_1224[0] : f32 from vector<1xf32>
      %broadcast_in_dim3A_1226 = vector.broadcast %squeeze3A_1225 : f32 to vector<16xf32>
      %lt3A_1227 = arith.constant 0 : i32
      %lt3A_1228 = vector.broadcast %lt3A_1227 : i32 to vector<16xi32>
      %lt3A_1229 = arith.cmpi slt, %select_n3A_1012, %lt3A_1228 : vector<16xi32>
      %add3A_1230 = arith.constant 16 : i32
      %add3A_1231 = vector.broadcast %add3A_1230 : i32 to vector<16xi32>
      %add3A_1232 = arith.addi %select_n3A_1012, %add3A_1231 : vector<16xi32>
      %select_n3A_1233 = arith.select %lt3A_1229, %add3A_1232, %select_n3A_1012 : vector<16xi1>, vector<16xi32>
      %broadcast_in_dim3A_1234 = vector.shape_cast %select_n3A_1233 : vector<16xi32> to vector<16x1xi32>
      %gather3A_1235 = vector.shape_cast %broadcast_in_dim3A_1234 : vector<16x1xi32> to vector<16xi32>
      %gather3A_1236 = tpu.dynamic_gather %parallel_loop3A_982#1[%gather3A_1235] in [0] : vector<16xf32>, vector<16xi32> -> vector<16xf32>
      %select_n3A_1237 = arith.select %eq3A_1190, %broadcast_in_dim3A_1226, %gather3A_1236 : vector<16xi1>, vector<16xf32>
      %slice3A_1238 = vector.extract_strided_slice %select_n3A_1159 {offsets = [15], sizes = [1], strides = [1]} : vector<16xi32> to vector<1xi32>
      %squeeze3A_1239 = vector.extract %slice3A_1238[0] : i32 from vector<1xi32>
      %broadcast_in_dim3A_1240 = vector.broadcast %squeeze3A_1239 : i32 to vector<16xi32>
      %lt3A_1241 = arith.constant 0 : i32
      %lt3A_1242 = vector.broadcast %lt3A_1241 : i32 to vector<16xi32>
      %lt3A_1243 = arith.cmpi slt, %select_n3A_1012, %lt3A_1242 : vector<16xi32>
      %add3A_1244 = arith.constant 16 : i32
      %add3A_1245 = vector.broadcast %add3A_1244 : i32 to vector<16xi32>
      %add3A_1246 = arith.addi %select_n3A_1012, %add3A_1245 : vector<16xi32>
      %select_n3A_1247 = arith.select %lt3A_1243, %add3A_1246, %select_n3A_1012 : vector<16xi1>, vector<16xi32>
      %broadcast_in_dim3A_1248 = vector.shape_cast %select_n3A_1247 : vector<16xi32> to vector<16x1xi32>
      %gather3A_1249 = vector.shape_cast %broadcast_in_dim3A_1248 : vector<16x1xi32> to vector<16xi32>
      %gather3A_1250 = tpu.dynamic_gather %select_n3A_1184[%gather3A_1249] in [0] : vector<16xi32>, vector<16xi32> -> vector<16xi32>
      %select_n3A_1251 = arith.select %eq3A_1190, %broadcast_in_dim3A_1240, %gather3A_1250 : vector<16xi1>, vector<16xi32>
      %eq3A_1252 = arith.cmpf oeq, %parallel_loop3A_982#1, %select_n3A_1237 : vector<16xf32>
      %min3A_1253 = arith.minsi %select_n3A_1184, %select_n3A_1251 : vector<16xi32>
      %max3A_1254 = arith.maxsi %select_n3A_1184, %select_n3A_1251 : vector<16xi32>
      %select_n3A_1255 = arith.select %eq3A_994, %min3A_1253, %max3A_1254 : vector<16xi1>, vector<16xi32>
      %select_n3A_1256 = arith.select %eq3A_1252, %select_n3A_1255, %select_n3A_1184 : vector<16xi1>, vector<16xi32>
      %max3A_1257 = arith.constant 9.99999996E-13 : f32
      %max3A_1258 = vector.broadcast %max3A_1257 : f32 to vector<16xf32>
      %max3A_1259 = arith.maximumf %parallel_loop3A_982#0, %max3A_1258 : vector<16xf32>
      %bitcast_convert_type3A_1260 = tpu.bitcast %max3A_1259 : vector<16xf32> -> vector<16xi32>
      %shift_right_arithmetic3A_1261 = arith.constant 1 : i32
      %shift_right_arithmetic3A_1262 = vector.broadcast %shift_right_arithmetic3A_1261 : i32 to vector<16xi32>
      %shift_right_arithmetic3A_1263 = arith.shrsi %bitcast_convert_type3A_1260, %shift_right_arithmetic3A_1262 : vector<16xi32>
      %add3A_1264 = arith.constant 532487669 : i32
      %add3A_1265 = vector.broadcast %add3A_1264 : i32 to vector<16xi32>
      %add3A_1266 = arith.addi %shift_right_arithmetic3A_1263, %add3A_1265 : vector<16xi32>
      %bitcast_convert_type3A_1267 = tpu.bitcast %add3A_1266 : vector<16xi32> -> vector<16xf32>
      %div3A_1268 = arith.divf %max3A_1259, %bitcast_convert_type3A_1267 : vector<16xf32>
      %add3A_1269 = arith.addf %bitcast_convert_type3A_1267, %div3A_1268 : vector<16xf32>
      %mul3A_1270 = arith.constant 5.000000e-01 : f32
      %mul3A_1271 = vector.broadcast %mul3A_1270 : f32 to vector<16xf32>
      %mul3A_1272 = arith.mulf %mul3A_1271, %add3A_1269 : vector<16xf32>
      %div3A_1273 = arith.divf %max3A_1259, %mul3A_1272 : vector<16xf32>
      %add3A_1274 = arith.addf %mul3A_1272, %div3A_1273 : vector<16xf32>
      %mul3A_1275 = arith.constant 5.000000e-01 : f32
      %mul3A_1276 = vector.broadcast %mul3A_1275 : f32 to vector<16xf32>
      %mul3A_1277 = arith.mulf %mul3A_1276, %add3A_1274 : vector<16xf32>
      %div3A_1278 = arith.divf %max3A_1259, %mul3A_1277 : vector<16xf32>
      %add3A_1279 = arith.addf %mul3A_1277, %div3A_1278 : vector<16xf32>
      %mul3A_1280 = arith.constant 5.000000e-01 : f32
      %mul3A_1281 = vector.broadcast %mul3A_1280 : f32 to vector<16xf32>
      %mul3A_1282 = arith.mulf %mul3A_1281, %add3A_1279 : vector<16xf32>
      %div3A_1283 = arith.divf %max3A_1259, %mul3A_1282 : vector<16xf32>
      %add3A_1284 = arith.addf %mul3A_1282, %div3A_1283 : vector<16xf32>
      %mul3A_1285 = arith.constant 5.000000e-01 : f32
      %mul3A_1286 = vector.broadcast %mul3A_1285 : f32 to vector<16xf32>
      %mul3A_1287 = arith.mulf %mul3A_1286, %add3A_1284 : vector<16xf32>
      %max3A_1288 = arith.constant 9.99999996E-13 : f32
      %max3A_1289 = vector.broadcast %max3A_1288 : f32 to vector<16xf32>
      %max3A_1290 = arith.maximumf %parallel_loop3A_982#1, %max3A_1289 : vector<16xf32>
      %bitcast_convert_type3A_1291 = tpu.bitcast %max3A_1290 : vector<16xf32> -> vector<16xi32>
      %shift_right_arithmetic3A_1292 = arith.constant 1 : i32
      %shift_right_arithmetic3A_1293 = vector.broadcast %shift_right_arithmetic3A_1292 : i32 to vector<16xi32>
      %shift_right_arithmetic3A_1294 = arith.shrsi %bitcast_convert_type3A_1291, %shift_right_arithmetic3A_1293 : vector<16xi32>
      %add3A_1295 = arith.constant 532487669 : i32
      %add3A_1296 = vector.broadcast %add3A_1295 : i32 to vector<16xi32>
      %add3A_1297 = arith.addi %shift_right_arithmetic3A_1294, %add3A_1296 : vector<16xi32>
      %bitcast_convert_type3A_1298 = tpu.bitcast %add3A_1297 : vector<16xi32> -> vector<16xf32>
      %div3A_1299 = arith.divf %max3A_1290, %bitcast_convert_type3A_1298 : vector<16xf32>
      %add3A_1300 = arith.addf %bitcast_convert_type3A_1298, %div3A_1299 : vector<16xf32>
      %mul3A_1301 = arith.constant 5.000000e-01 : f32
      %mul3A_1302 = vector.broadcast %mul3A_1301 : f32 to vector<16xf32>
      %mul3A_1303 = arith.mulf %mul3A_1302, %add3A_1300 : vector<16xf32>
      %div3A_1304 = arith.divf %max3A_1290, %mul3A_1303 : vector<16xf32>
      %add3A_1305 = arith.addf %mul3A_1303, %div3A_1304 : vector<16xf32>
      %mul3A_1306 = arith.constant 5.000000e-01 : f32
      %mul3A_1307 = vector.broadcast %mul3A_1306 : f32 to vector<16xf32>
      %mul3A_1308 = arith.mulf %mul3A_1307, %add3A_1305 : vector<16xf32>
      %div3A_1309 = arith.divf %max3A_1290, %mul3A_1308 : vector<16xf32>
      %add3A_1310 = arith.addf %mul3A_1308, %div3A_1309 : vector<16xf32>
      %mul3A_1311 = arith.constant 5.000000e-01 : f32
      %mul3A_1312 = vector.broadcast %mul3A_1311 : f32 to vector<16xf32>
      %mul3A_1313 = arith.mulf %mul3A_1312, %add3A_1310 : vector<16xf32>
      %div3A_1314 = arith.divf %max3A_1290, %mul3A_1313 : vector<16xf32>
      %add3A_1315 = arith.addf %mul3A_1313, %div3A_1314 : vector<16xf32>
      %mul3A_1316 = arith.constant 5.000000e-01 : f32
      %mul3A_1317 = vector.broadcast %mul3A_1316 : f32 to vector<16xf32>
      %mul3A_1318 = arith.mulf %mul3A_1317, %add3A_1315 : vector<16xf32>
      %add3A_1319 = arith.addf %mul3A_1287, %mul3A_1318 : vector<16xf32>
      %xor3A_1320 = arith.constant 1 : i32
      %xor3A_1321 = vector.broadcast %xor3A_1320 : i32 to vector<16xi32>
      %xor3A_1322 = arith.xori %iota3A, %xor3A_1321 : vector<16xi32>
      %lt3A_1323 = arith.constant 0 : i32
      %lt3A_1324 = vector.broadcast %lt3A_1323 : i32 to vector<16xi32>
      %lt3A_1325 = arith.cmpi slt, %xor3A_1322, %lt3A_1324 : vector<16xi32>
      %add3A_1326 = arith.constant 16 : i32
      %add3A_1327 = vector.broadcast %add3A_1326 : i32 to vector<16xi32>
      %add3A_1328 = arith.addi %xor3A_1322, %add3A_1327 : vector<16xi32>
      %select_n3A_1329 = arith.select %lt3A_1325, %add3A_1328, %xor3A_1322 : vector<16xi1>, vector<16xi32>
      %broadcast_in_dim3A_1330 = vector.shape_cast %select_n3A_1329 : vector<16xi32> to vector<16x1xi32>
      %gather3A_1331 = vector.shape_cast %broadcast_in_dim3A_1330 : vector<16x1xi32> to vector<16xi32>
      %gather3A_1332 = tpu.dynamic_gather %add3A_1319[%gather3A_1331] in [0] : vector<16xf32>, vector<16xi32> -> vector<16xf32>
      %add3A_1333 = arith.addf %add3A_1319, %gather3A_1332 : vector<16xf32>
      %xor3A_1334 = arith.constant 2 : i32
      %xor3A_1335 = vector.broadcast %xor3A_1334 : i32 to vector<16xi32>
      %xor3A_1336 = arith.xori %iota3A, %xor3A_1335 : vector<16xi32>
      %lt3A_1337 = arith.constant 0 : i32
      %lt3A_1338 = vector.broadcast %lt3A_1337 : i32 to vector<16xi32>
      %lt3A_1339 = arith.cmpi slt, %xor3A_1336, %lt3A_1338 : vector<16xi32>
      %add3A_1340 = arith.constant 16 : i32
      %add3A_1341 = vector.broadcast %add3A_1340 : i32 to vector<16xi32>
      %add3A_1342 = arith.addi %xor3A_1336, %add3A_1341 : vector<16xi32>
      %select_n3A_1343 = arith.select %lt3A_1339, %add3A_1342, %xor3A_1336 : vector<16xi1>, vector<16xi32>
      %broadcast_in_dim3A_1344 = vector.shape_cast %select_n3A_1343 : vector<16xi32> to vector<16x1xi32>
      %gather3A_1345 = vector.shape_cast %broadcast_in_dim3A_1344 : vector<16x1xi32> to vector<16xi32>
      %gather3A_1346 = tpu.dynamic_gather %add3A_1333[%gather3A_1345] in [0] : vector<16xf32>, vector<16xi32> -> vector<16xf32>
      %add3A_1347 = arith.addf %add3A_1333, %gather3A_1346 : vector<16xf32>
      %xor3A_1348 = arith.constant 4 : i32
      %xor3A_1349 = vector.broadcast %xor3A_1348 : i32 to vector<16xi32>
      %xor3A_1350 = arith.xori %iota3A, %xor3A_1349 : vector<16xi32>
      %lt3A_1351 = arith.constant 0 : i32
      %lt3A_1352 = vector.broadcast %lt3A_1351 : i32 to vector<16xi32>
      %lt3A_1353 = arith.cmpi slt, %xor3A_1350, %lt3A_1352 : vector<16xi32>
      %add3A_1354 = arith.constant 16 : i32
      %add3A_1355 = vector.broadcast %add3A_1354 : i32 to vector<16xi32>
      %add3A_1356 = arith.addi %xor3A_1350, %add3A_1355 : vector<16xi32>
      %select_n3A_1357 = arith.select %lt3A_1353, %add3A_1356, %xor3A_1350 : vector<16xi1>, vector<16xi32>
      %broadcast_in_dim3A_1358 = vector.shape_cast %select_n3A_1357 : vector<16xi32> to vector<16x1xi32>
      %gather3A_1359 = vector.shape_cast %broadcast_in_dim3A_1358 : vector<16x1xi32> to vector<16xi32>
      %gather3A_1360 = tpu.dynamic_gather %add3A_1347[%gather3A_1359] in [0] : vector<16xf32>, vector<16xi32> -> vector<16xf32>
      %add3A_1361 = arith.addf %add3A_1347, %gather3A_1360 : vector<16xf32>
      %xor3A_1362 = arith.constant 8 : i32
      %xor3A_1363 = vector.broadcast %xor3A_1362 : i32 to vector<16xi32>
      %xor3A_1364 = arith.xori %iota3A, %xor3A_1363 : vector<16xi32>
      %lt3A_1365 = arith.constant 0 : i32
      %lt3A_1366 = vector.broadcast %lt3A_1365 : i32 to vector<16xi32>
      %lt3A_1367 = arith.cmpi slt, %xor3A_1364, %lt3A_1366 : vector<16xi32>
      %add3A_1368 = arith.constant 16 : i32
      %add3A_1369 = vector.broadcast %add3A_1368 : i32 to vector<16xi32>
      %add3A_1370 = arith.addi %xor3A_1364, %add3A_1369 : vector<16xi32>
      %select_n3A_1371 = arith.select %lt3A_1367, %add3A_1370, %xor3A_1364 : vector<16xi1>, vector<16xi32>
      %broadcast_in_dim3A_1372 = vector.shape_cast %select_n3A_1371 : vector<16xi32> to vector<16x1xi32>
      %gather3A_1373 = vector.shape_cast %broadcast_in_dim3A_1372 : vector<16x1xi32> to vector<16xi32>
      %gather3A_1374 = tpu.dynamic_gather %add3A_1361[%gather3A_1373] in [0] : vector<16xf32>, vector<16xi32> -> vector<16xf32>
      %add3A_1375 = arith.addf %add3A_1361, %gather3A_1374 : vector<16xf32>
      %div3A_1376 = arith.divf %mul3A_1287, %add3A_1375 : vector<16xf32>
      %div3A_1377 = arith.divf %mul3A_1318, %add3A_1375 : vector<16xf32>
      %mul3A_1378 = arith.constant 8192 : i32
      %mul3A_1379 = arith.muli %select_n3A, %mul3A_1378 : i32
      %add3A_1380 = vector.broadcast %mul3A_1379 : i32 to vector<16xi32>
      %add3A_1381 = arith.addi %select_n3A_1223, %add3A_1380 : vector<16xi32>
      %mul3A_1382 = arith.constant 8192 : i32
      %mul3A_1383 = arith.muli %select_n3A, %mul3A_1382 : i32
      %add3A_1384 = vector.broadcast %mul3A_1383 : i32 to vector<16xi32>
      %add3A_1385 = arith.addi %select_n3A_1256, %add3A_1384 : vector<16xi32>
      %dma_start3A_1386 = arith.constant 0 : i32
      %dma_start3A_1387 = arith.constant 0 : i32
      %dma_start3A_1388 = tpu.memref_slice %arg15[%dma_start3A_1386, %dma_start3A_1387] : memref<32x32xf32, #tpu.memory_space<vmem>> -> memref<16x32xf32, #tpu.memory_space<vmem>>
      %dma_start3A_1389 = arith.constant 0 : i32
      %dma_start3A_1390 = arith.constant 0 : i32
      %dma_start3A_1391 = tpu.memref_slice %arg7[%dma_start3A_1389, %dma_start3A_1390] : memref<32768x32xf32, #tpu.memory_space<hbm>> -> memref<32768x32xf32, #tpu.memory_space<hbm>>
      tpu.enqueue_indirect_dma source(%dma_start3A_1391 : memref<32768x32xf32, #tpu.memory_space<hbm>>) target(%dma_start3A_1388 : memref<16x32xf32, #tpu.memory_space<vmem>>) offsets(%add3A_1381 : vector<16xi32>) semaphore(%arg18 : memref<!tpu.dma_semaphore, #tpu.memory_space<semaphore_mem>>)
      %dma_start3A_1392 = arith.constant 16 : i32
      %dma_start3A_1393 = arith.constant 0 : i32
      %dma_start3A_1394 = tpu.memref_slice %arg15[%dma_start3A_1392, %dma_start3A_1393] : memref<32x32xf32, #tpu.memory_space<vmem>> -> memref<16x32xf32, #tpu.memory_space<vmem>>
      %dma_start3A_1395 = arith.constant 0 : i32
      %dma_start3A_1396 = arith.constant 0 : i32
      %dma_start3A_1397 = tpu.memref_slice %arg7[%dma_start3A_1395, %dma_start3A_1396] : memref<32768x32xf32, #tpu.memory_space<hbm>> -> memref<32768x32xf32, #tpu.memory_space<hbm>>
      tpu.enqueue_indirect_dma source(%dma_start3A_1397 : memref<32768x32xf32, #tpu.memory_space<hbm>>) target(%dma_start3A_1394 : memref<16x32xf32, #tpu.memory_space<vmem>>) offsets(%add3A_1385 : vector<16xi32>) semaphore(%arg18 : memref<!tpu.dma_semaphore, #tpu.memory_space<semaphore_mem>>)
      %mul3A_1398 = arith.constant 3 : i32
      %mul3A_1399 = arith.muli %mul3A_1398, %add3A_964 : i32
      %get3A_1400 = arith.index_cast %mul3A_1399 : i32 to index
      %get3A_1401 = tpu.vector_load %arg14[%get3A_1400] {strides = array<i32>} : memref<400xf32, #tpu.memory_space<vmem>>, vector<16xf32>,
      %slice3A_1402 = vector.extract_strided_slice %get3A_1401 {offsets = [0], sizes = [1], strides = [1]} : vector<16xf32> to vector<1xf32>
      %squeeze3A_1403 = vector.extract %slice3A_1402[0] : f32 from vector<1xf32>
      %slice3A_1404 = vector.extract_strided_slice %get3A_1401 {offsets = [1], sizes = [1], strides = [1]} : vector<16xf32> to vector<1xf32>
      %squeeze3A_1405 = vector.extract %slice3A_1404[0] : f32 from vector<1xf32>
      %slice3A_1406 = vector.extract_strided_slice %get3A_1401 {offsets = [2], sizes = [1], strides = [1]} : vector<16xf32> to vector<1xf32>
      %squeeze3A_1407 = vector.extract %slice3A_1406[0] : f32 from vector<1xf32>
      %gather3A_1408 = tpu.vector_load_idx %arg11[%select_n3A_1223] : memref<8192xf32, #tpu.memory_space<vmem>>[vector<16xi32>], vector<16xf32>,
      %sub3A_1409 = vector.broadcast %squeeze3A_1403 : f32 to vector<16xf32>
      %sub3A_1410 = arith.subf %gather3A_1408, %sub3A_1409 : vector<16xf32>
      %gather3A_1411 = tpu.vector_load_idx %arg12[%select_n3A_1223] : memref<8192xf32, #tpu.memory_space<vmem>>[vector<16xi32>], vector<16xf32>,
      %sub3A_1412 = vector.broadcast %squeeze3A_1405 : f32 to vector<16xf32>
      %sub3A_1413 = arith.subf %gather3A_1411, %sub3A_1412 : vector<16xf32>
      %gather3A_1414 = tpu.vector_load_idx %arg13[%select_n3A_1223] : memref<8192xf32, #tpu.memory_space<vmem>>[vector<16xi32>], vector<16xf32>,
      %sub3A_1415 = vector.broadcast %squeeze3A_1407 : f32 to vector<16xf32>
      %sub3A_1416 = arith.subf %gather3A_1414, %sub3A_1415 : vector<16xf32>
      %gather3A_1417 = tpu.vector_load_idx %arg11[%select_n3A_1256] : memref<8192xf32, #tpu.memory_space<vmem>>[vector<16xi32>], vector<16xf32>,
      %sub3A_1418 = vector.broadcast %squeeze3A_1403 : f32 to vector<16xf32>
      %sub3A_1419 = arith.subf %gather3A_1417, %sub3A_1418 : vector<16xf32>
      %gather3A_1420 = tpu.vector_load_idx %arg12[%select_n3A_1256] : memref<8192xf32, #tpu.memory_space<vmem>>[vector<16xi32>], vector<16xf32>,
      %sub3A_1421 = vector.broadcast %squeeze3A_1405 : f32 to vector<16xf32>
      %sub3A_1422 = arith.subf %gather3A_1420, %sub3A_1421 : vector<16xf32>
      %gather3A_1423 = tpu.vector_load_idx %arg13[%select_n3A_1256] : memref<8192xf32, #tpu.memory_space<vmem>>[vector<16xi32>], vector<16xf32>,
      %sub3A_1424 = vector.broadcast %squeeze3A_1407 : f32 to vector<16xf32>
      %sub3A_1425 = arith.subf %gather3A_1423, %sub3A_1424 : vector<16xf32>
      tpu.vector_store_idx %arg16[%mul3A_29], %sub3A_1410 : memref<1120xf32, #tpu.memory_space<vmem>>[vector<16xi32>], vector<16xf32>,
      %add3A_1426 = arith.constant 1 : i32
      %add3A_1427 = vector.broadcast %add3A_1426 : i32 to vector<16xi32>
      %add3A_1428 = arith.addi %mul3A_29, %add3A_1427 : vector<16xi32>
      tpu.vector_store_idx %arg16[%add3A_1428], %sub3A_1413 : memref<1120xf32, #tpu.memory_space<vmem>>[vector<16xi32>], vector<16xf32>,
      %add3A_1429 = arith.constant 2 : i32
      %add3A_1430 = vector.broadcast %add3A_1429 : i32 to vector<16xi32>
      %add3A_1431 = arith.addi %mul3A_29, %add3A_1430 : vector<16xi32>
      tpu.vector_store_idx %arg16[%add3A_1431], %sub3A_1416 : memref<1120xf32, #tpu.memory_space<vmem>>[vector<16xi32>], vector<16xf32>,
      tpu.vector_store_idx %arg16[%add3A_32], %sub3A_1419 : memref<1120xf32, #tpu.memory_space<vmem>>[vector<16xi32>], vector<16xf32>,
      %add3A_1432 = arith.constant 1 : i32
      %add3A_1433 = vector.broadcast %add3A_1432 : i32 to vector<16xi32>
      %add3A_1434 = arith.addi %add3A_32, %add3A_1433 : vector<16xi32>
      tpu.vector_store_idx %arg16[%add3A_1434], %sub3A_1422 : memref<1120xf32, #tpu.memory_space<vmem>>[vector<16xi32>], vector<16xf32>,
      %add3A_1435 = arith.constant 2 : i32
      %add3A_1436 = vector.broadcast %add3A_1435 : i32 to vector<16xi32>
      %add3A_1437 = arith.addi %add3A_32, %add3A_1436 : vector<16xi32>
      tpu.vector_store_idx %arg16[%add3A_1437], %sub3A_1425 : memref<1120xf32, #tpu.memory_space<vmem>>[vector<16xi32>], vector<16xf32>,
      %dma_wait3A_1438 = arith.constant 0 : i32
      %dma_wait3A_1439 = arith.constant 0 : i32
      %dma_wait3A_1440 = tpu.memref_slice %arg15[%dma_wait3A_1438, %dma_wait3A_1439] : memref<32x32xf32, #tpu.memory_space<vmem>> -> memref<16x32xf32, #tpu.memory_space<vmem>>
      %dma_wait3A_1441 = arith.constant 0 : i32
      %dma_wait3A_1442 = arith.constant 0 : i32
      %dma_wait3A_1443 = tpu.memref_slice %arg7[%dma_wait3A_1441, %dma_wait3A_1442] : memref<32768x32xf32, #tpu.memory_space<hbm>> -> memref<32768x32xf32, #tpu.memory_space<hbm>>
      tpu.wait_indirect_dma semaphore(%arg18 : memref<!tpu.dma_semaphore, #tpu.memory_space<semaphore_mem>>) src(%dma_wait3A_1443 : memref<32768x32xf32, #tpu.memory_space<hbm>>) dst(%dma_wait3A_1440 : memref<16x32xf32, #tpu.memory_space<vmem>>)
      %dma_wait3A_1444 = arith.constant 16 : i32
      %dma_wait3A_1445 = arith.constant 0 : i32
      %dma_wait3A_1446 = tpu.memref_slice %arg15[%dma_wait3A_1444, %dma_wait3A_1445] : memref<32x32xf32, #tpu.memory_space<vmem>> -> memref<16x32xf32, #tpu.memory_space<vmem>>
      %dma_wait3A_1447 = arith.constant 0 : i32
      %dma_wait3A_1448 = arith.constant 0 : i32
      %dma_wait3A_1449 = tpu.memref_slice %arg7[%dma_wait3A_1447, %dma_wait3A_1448] : memref<32768x32xf32, #tpu.memory_space<hbm>> -> memref<32768x32xf32, #tpu.memory_space<hbm>>
      tpu.wait_indirect_dma semaphore(%arg18 : memref<!tpu.dma_semaphore, #tpu.memory_space<semaphore_mem>>) src(%dma_wait3A_1449 : memref<32768x32xf32, #tpu.memory_space<hbm>>) dst(%dma_wait3A_1446 : memref<16x32xf32, #tpu.memory_space<vmem>>)
      %get3A_1450 = arith.constant 0 : i32
      %get3A_1451 = arith.index_cast %get3A_1450 : i32 to index
      %get3A_1452 = arith.constant 0 : index
      %get3A_1453 = tpu.vector_load %arg15[%get3A_1451, %get3A_1452] {strides = array<i32>} : memref<32x32xf32, #tpu.memory_space<vmem>>, vector<16xf32>,
      %get3A_1454 = arith.constant 0 : i32
      %get3A_1455 = arith.index_cast %get3A_1454 : i32 to index
      %get3A_1456 = arith.constant 16 : index
      %get3A_1457 = tpu.vector_load %arg15[%get3A_1455, %get3A_1456] {strides = array<i32>} : memref<32x32xf32, #tpu.memory_space<vmem>>, vector<16xf32>,
      %mul3A_1458 = arith.mulf %get3A_1453, %div3A_1376 : vector<16xf32>
      %swap3A_1459 = arith.constant 3 : index
      %swap3A_1460 = tpu.vector_load %arg16[%swap3A_1459] {strides = array<i32>} : memref<1120xf32, #tpu.memory_space<vmem>>, vector<16xf32>,
      tpu.vector_store %arg16[%swap3A_1459], %mul3A_1458 {strides = array<i32>} : memref<1120xf32, #tpu.memory_space<vmem>>, vector<16xf32>,
      %mul3A_1461 = arith.mulf %get3A_1457, %div3A_1377 : vector<16xf32>
      %swap3A_1462 = arith.constant 19 : index
      %swap3A_1463 = tpu.vector_load %arg16[%swap3A_1462] {strides = array<i32>} : memref<1120xf32, #tpu.memory_space<vmem>>, vector<16xf32>,
      tpu.vector_store %arg16[%swap3A_1462], %mul3A_1461 {strides = array<i32>} : memref<1120xf32, #tpu.memory_space<vmem>>, vector<16xf32>,
      %get3A_1464 = arith.constant 1 : i32
      %get3A_1465 = arith.index_cast %get3A_1464 : i32 to index
      %get3A_1466 = arith.constant 0 : index
      %get3A_1467 = tpu.vector_load %arg15[%get3A_1465, %get3A_1466] {strides = array<i32>} : memref<32x32xf32, #tpu.memory_space<vmem>>, vector<16xf32>,
      %get3A_1468 = arith.constant 1 : i32
      %get3A_1469 = arith.index_cast %get3A_1468 : i32 to index
      %get3A_1470 = arith.constant 16 : index
      %get3A_1471 = tpu.vector_load %arg15[%get3A_1469, %get3A_1470] {strides = array<i32>} : memref<32x32xf32, #tpu.memory_space<vmem>>, vector<16xf32>,
      %mul3A_1472 = arith.mulf %get3A_1467, %div3A_1376 : vector<16xf32>
      %swap3A_1473 = arith.constant 38 : index
      %swap3A_1474 = tpu.vector_load %arg16[%swap3A_1473] {strides = array<i32>} : memref<1120xf32, #tpu.memory_space<vmem>>, vector<16xf32>,
      tpu.vector_store %arg16[%swap3A_1473], %mul3A_1472 {strides = array<i32>} : memref<1120xf32, #tpu.memory_space<vmem>>, vector<16xf32>,
      %mul3A_1475 = arith.mulf %get3A_1471, %div3A_1377 : vector<16xf32>
      %swap3A_1476 = arith.constant 54 : index
      %swap3A_1477 = tpu.vector_load %arg16[%swap3A_1476] {strides = array<i32>} : memref<1120xf32, #tpu.memory_space<vmem>>, vector<16xf32>,
      tpu.vector_store %arg16[%swap3A_1476], %mul3A_1475 {strides = array<i32>} : memref<1120xf32, #tpu.memory_space<vmem>>, vector<16xf32>,
      %get3A_1478 = arith.constant 2 : i32
      %get3A_1479 = arith.index_cast %get3A_1478 : i32 to index
      %get3A_1480 = arith.constant 0 : index
      %get3A_1481 = tpu.vector_load %arg15[%get3A_1479, %get3A_1480] {strides = array<i32>} : memref<32x32xf32, #tpu.memory_space<vmem>>, vector<16xf32>,
      %get3A_1482 = arith.constant 2 : i32
      %get3A_1483 = arith.index_cast %get3A_1482 : i32 to index
      %get3A_1484 = arith.constant 16 : index
      %get3A_1485 = tpu.vector_load %arg15[%get3A_1483, %get3A_1484] {strides = array<i32>} : memref<32x32xf32, #tpu.memory_space<vmem>>, vector<16xf32>,
      %mul3A_1486 = arith.mulf %get3A_1481, %div3A_1376 : vector<16xf32>
      %swap3A_1487 = arith.constant 73 : index
      %swap3A_1488 = tpu.vector_load %arg16[%swap3A_1487] {strides = array<i32>} : memref<1120xf32, #tpu.memory_space<vmem>>, vector<16xf32>,
      tpu.vector_store %arg16[%swap3A_1487], %mul3A_1486 {strides = array<i32>} : memref<1120xf32, #tpu.memory_space<vmem>>, vector<16xf32>,
      %mul3A_1489 = arith.mulf %get3A_1485, %div3A_1377 : vector<16xf32>
      %swap3A_1490 = arith.constant 89 : index
      %swap3A_1491 = tpu.vector_load %arg16[%swap3A_1490] {strides = array<i32>} : memref<1120xf32, #tpu.memory_space<vmem>>, vector<16xf32>,
      tpu.vector_store %arg16[%swap3A_1490], %mul3A_1489 {strides = array<i32>} : memref<1120xf32, #tpu.memory_space<vmem>>, vector<16xf32>,
      %get3A_1492 = arith.constant 3 : i32
      %get3A_1493 = arith.index_cast %get3A_1492 : i32 to index
      %get3A_1494 = arith.constant 0 : index
      %get3A_1495 = tpu.vector_load %arg15[%get3A_1493, %get3A_1494] {strides = array<i32>} : memref<32x32xf32, #tpu.memory_space<vmem>>, vector<16xf32>,
      %get3A_1496 = arith.constant 3 : i32
      %get3A_1497 = arith.index_cast %get3A_1496 : i32 to index
      %get3A_1498 = arith.constant 16 : index
      %get3A_1499 = tpu.vector_load %arg15[%get3A_1497, %get3A_1498] {strides = array<i32>} : memref<32x32xf32, #tpu.memory_space<vmem>>, vector<16xf32>,
      %mul3A_1500 = arith.mulf %get3A_1495, %div3A_1376 : vector<16xf32>
      %swap3A_1501 = arith.constant 108 : index
      %swap3A_1502 = tpu.vector_load %arg16[%swap3A_1501] {strides = array<i32>} : memref<1120xf32, #tpu.memory_space<vmem>>, vector<16xf32>,
      tpu.vector_store %arg16[%swap3A_1501], %mul3A_1500 {strides = array<i32>} : memref<1120xf32, #tpu.memory_space<vmem>>, vector<16xf32>,
      %mul3A_1503 = arith.mulf %get3A_1499, %div3A_1377 : vector<16xf32>
      %swap3A_1504 = arith.constant 124 : index
      %swap3A_1505 = tpu.vector_load %arg16[%swap3A_1504] {strides = array<i32>} : memref<1120xf32, #tpu.memory_space<vmem>>, vector<16xf32>,
      tpu.vector_store %arg16[%swap3A_1504], %mul3A_1503 {strides = array<i32>} : memref<1120xf32, #tpu.memory_space<vmem>>, vector<16xf32>,
      %get3A_1506 = arith.constant 4 : i32
      %get3A_1507 = arith.index_cast %get3A_1506 : i32 to index
      %get3A_1508 = arith.constant 0 : index
      %get3A_1509 = tpu.vector_load %arg15[%get3A_1507, %get3A_1508] {strides = array<i32>} : memref<32x32xf32, #tpu.memory_space<vmem>>, vector<16xf32>,
      %get3A_1510 = arith.constant 4 : i32
      %get3A_1511 = arith.index_cast %get3A_1510 : i32 to index
      %get3A_1512 = arith.constant 16 : index
      %get3A_1513 = tpu.vector_load %arg15[%get3A_1511, %get3A_1512] {strides = array<i32>} : memref<32x32xf32, #tpu.memory_space<vmem>>, vector<16xf32>,
      %mul3A_1514 = arith.mulf %get3A_1509, %div3A_1376 : vector<16xf32>
      %swap3A_1515 = arith.constant 143 : index
      %swap3A_1516 = tpu.vector_load %arg16[%swap3A_1515] {strides = array<i32>} : memref<1120xf32, #tpu.memory_space<vmem>>, vector<16xf32>,
      tpu.vector_store %arg16[%swap3A_1515], %mul3A_1514 {strides = array<i32>} : memref<1120xf32, #tpu.memory_space<vmem>>, vector<16xf32>,
      %mul3A_1517 = arith.mulf %get3A_1513, %div3A_1377 : vector<16xf32>
      %swap3A_1518 = arith.constant 159 : index
      %swap3A_1519 = tpu.vector_load %arg16[%swap3A_1518] {strides = array<i32>} : memref<1120xf32, #tpu.memory_space<vmem>>, vector<16xf32>,
      tpu.vector_store %arg16[%swap3A_1518], %mul3A_1517 {strides = array<i32>} : memref<1120xf32, #tpu.memory_space<vmem>>, vector<16xf32>,
      %get3A_1520 = arith.constant 5 : i32
      %get3A_1521 = arith.index_cast %get3A_1520 : i32 to index
      %get3A_1522 = arith.constant 0 : index
      %get3A_1523 = tpu.vector_load %arg15[%get3A_1521, %get3A_1522] {strides = array<i32>} : memref<32x32xf32, #tpu.memory_space<vmem>>, vector<16xf32>,
      %get3A_1524 = arith.constant 5 : i32
      %get3A_1525 = arith.index_cast %get3A_1524 : i32 to index
      %get3A_1526 = arith.constant 16 : index
      %get3A_1527 = tpu.vector_load %arg15[%get3A_1525, %get3A_1526] {strides = array<i32>} : memref<32x32xf32, #tpu.memory_space<vmem>>, vector<16xf32>,
      %mul3A_1528 = arith.mulf %get3A_1523, %div3A_1376 : vector<16xf32>
      %swap3A_1529 = arith.constant 178 : index
      %swap3A_1530 = tpu.vector_load %arg16[%swap3A_1529] {strides = array<i32>} : memref<1120xf32, #tpu.memory_space<vmem>>, vector<16xf32>,
      tpu.vector_store %arg16[%swap3A_1529], %mul3A_1528 {strides = array<i32>} : memref<1120xf32, #tpu.memory_space<vmem>>, vector<16xf32>,
      %mul3A_1531 = arith.mulf %get3A_1527, %div3A_1377 : vector<16xf32>
      %swap3A_1532 = arith.constant 194 : index
      %swap3A_1533 = tpu.vector_load %arg16[%swap3A_1532] {strides = array<i32>} : memref<1120xf32, #tpu.memory_space<vmem>>, vector<16xf32>,
      tpu.vector_store %arg16[%swap3A_1532], %mul3A_1531 {strides = array<i32>} : memref<1120xf32, #tpu.memory_space<vmem>>, vector<16xf32>,
      %get3A_1534 = arith.constant 6 : i32
      %get3A_1535 = arith.index_cast %get3A_1534 : i32 to index
      %get3A_1536 = arith.constant 0 : index
      %get3A_1537 = tpu.vector_load %arg15[%get3A_1535, %get3A_1536] {strides = array<i32>} : memref<32x32xf32, #tpu.memory_space<vmem>>, vector<16xf32>,
      %get3A_1538 = arith.constant 6 : i32
      %get3A_1539 = arith.index_cast %get3A_1538 : i32 to index
      %get3A_1540 = arith.constant 16 : index
      %get3A_1541 = tpu.vector_load %arg15[%get3A_1539, %get3A_1540] {strides = array<i32>} : memref<32x32xf32, #tpu.memory_space<vmem>>, vector<16xf32>,
      %mul3A_1542 = arith.mulf %get3A_1537, %div3A_1376 : vector<16xf32>
      %swap3A_1543 = arith.constant 213 : index
      %swap3A_1544 = tpu.vector_load %arg16[%swap3A_1543] {strides = array<i32>} : memref<1120xf32, #tpu.memory_space<vmem>>, vector<16xf32>,
      tpu.vector_store %arg16[%swap3A_1543], %mul3A_1542 {strides = array<i32>} : memref<1120xf32, #tpu.memory_space<vmem>>, vector<16xf32>,
      %mul3A_1545 = arith.mulf %get3A_1541, %div3A_1377 : vector<16xf32>
      %swap3A_1546 = arith.constant 229 : index
      %swap3A_1547 = tpu.vector_load %arg16[%swap3A_1546] {strides = array<i32>} : memref<1120xf32, #tpu.memory_space<vmem>>, vector<16xf32>,
      tpu.vector_store %arg16[%swap3A_1546], %mul3A_1545 {strides = array<i32>} : memref<1120xf32, #tpu.memory_space<vmem>>, vector<16xf32>,
      %get3A_1548 = arith.constant 7 : i32
      %get3A_1549 = arith.index_cast %get3A_1548 : i32 to index
      %get3A_1550 = arith.constant 0 : index
      %get3A_1551 = tpu.vector_load %arg15[%get3A_1549, %get3A_1550] {strides = array<i32>} : memref<32x32xf32, #tpu.memory_space<vmem>>, vector<16xf32>,
      %get3A_1552 = arith.constant 7 : i32
      %get3A_1553 = arith.index_cast %get3A_1552 : i32 to index
      %get3A_1554 = arith.constant 16 : index
      %get3A_1555 = tpu.vector_load %arg15[%get3A_1553, %get3A_1554] {strides = array<i32>} : memref<32x32xf32, #tpu.memory_space<vmem>>, vector<16xf32>,
      %mul3A_1556 = arith.mulf %get3A_1551, %div3A_1376 : vector<16xf32>
      %swap3A_1557 = arith.constant 248 : index
      %swap3A_1558 = tpu.vector_load %arg16[%swap3A_1557] {strides = array<i32>} : memref<1120xf32, #tpu.memory_space<vmem>>, vector<16xf32>,
      tpu.vector_store %arg16[%swap3A_1557], %mul3A_1556 {strides = array<i32>} : memref<1120xf32, #tpu.memory_space<vmem>>, vector<16xf32>,
      %mul3A_1559 = arith.mulf %get3A_1555, %div3A_1377 : vector<16xf32>
      %swap3A_1560 = arith.constant 264 : index
      %swap3A_1561 = tpu.vector_load %arg16[%swap3A_1560] {strides = array<i32>} : memref<1120xf32, #tpu.memory_space<vmem>>, vector<16xf32>,
      tpu.vector_store %arg16[%swap3A_1560], %mul3A_1559 {strides = array<i32>} : memref<1120xf32, #tpu.memory_space<vmem>>, vector<16xf32>,
      %get3A_1562 = arith.constant 8 : i32
      %get3A_1563 = arith.index_cast %get3A_1562 : i32 to index
      %get3A_1564 = arith.constant 0 : index
      %get3A_1565 = tpu.vector_load %arg15[%get3A_1563, %get3A_1564] {strides = array<i32>} : memref<32x32xf32, #tpu.memory_space<vmem>>, vector<16xf32>,
      %get3A_1566 = arith.constant 8 : i32
      %get3A_1567 = arith.index_cast %get3A_1566 : i32 to index
      %get3A_1568 = arith.constant 16 : index
      %get3A_1569 = tpu.vector_load %arg15[%get3A_1567, %get3A_1568] {strides = array<i32>} : memref<32x32xf32, #tpu.memory_space<vmem>>, vector<16xf32>,
      %mul3A_1570 = arith.mulf %get3A_1565, %div3A_1376 : vector<16xf32>
      %swap3A_1571 = arith.constant 283 : index
      %swap3A_1572 = tpu.vector_load %arg16[%swap3A_1571] {strides = array<i32>} : memref<1120xf32, #tpu.memory_space<vmem>>, vector<16xf32>,
      tpu.vector_store %arg16[%swap3A_1571], %mul3A_1570 {strides = array<i32>} : memref<1120xf32, #tpu.memory_space<vmem>>, vector<16xf32>,
      %mul3A_1573 = arith.mulf %get3A_1569, %div3A_1377 : vector<16xf32>
      %swap3A_1574 = arith.constant 299 : index
      %swap3A_1575 = tpu.vector_load %arg16[%swap3A_1574] {strides = array<i32>} : memref<1120xf32, #tpu.memory_space<vmem>>, vector<16xf32>,
      tpu.vector_store %arg16[%swap3A_1574], %mul3A_1573 {strides = array<i32>} : memref<1120xf32, #tpu.memory_space<vmem>>, vector<16xf32>,
      %get3A_1576 = arith.constant 9 : i32
      %get3A_1577 = arith.index_cast %get3A_1576 : i32 to index
      %get3A_1578 = arith.constant 0 : index
      %get3A_1579 = tpu.vector_load %arg15[%get3A_1577, %get3A_1578] {strides = array<i32>} : memref<32x32xf32, #tpu.memory_space<vmem>>, vector<16xf32>,
      %get3A_1580 = arith.constant 9 : i32
      %get3A_1581 = arith.index_cast %get3A_1580 : i32 to index
      %get3A_1582 = arith.constant 16 : index
      %get3A_1583 = tpu.vector_load %arg15[%get3A_1581, %get3A_1582] {strides = array<i32>} : memref<32x32xf32, #tpu.memory_space<vmem>>, vector<16xf32>,
      %mul3A_1584 = arith.mulf %get3A_1579, %div3A_1376 : vector<16xf32>
      %swap3A_1585 = arith.constant 318 : index
      %swap3A_1586 = tpu.vector_load %arg16[%swap3A_1585] {strides = array<i32>} : memref<1120xf32, #tpu.memory_space<vmem>>, vector<16xf32>,
      tpu.vector_store %arg16[%swap3A_1585], %mul3A_1584 {strides = array<i32>} : memref<1120xf32, #tpu.memory_space<vmem>>, vector<16xf32>,
      %mul3A_1587 = arith.mulf %get3A_1583, %div3A_1377 : vector<16xf32>
      %swap3A_1588 = arith.constant 334 : index
      %swap3A_1589 = tpu.vector_load %arg16[%swap3A_1588] {strides = array<i32>} : memref<1120xf32, #tpu.memory_space<vmem>>, vector<16xf32>,
      tpu.vector_store %arg16[%swap3A_1588], %mul3A_1587 {strides = array<i32>} : memref<1120xf32, #tpu.memory_space<vmem>>, vector<16xf32>,
      %get3A_1590 = arith.constant 10 : i32
      %get3A_1591 = arith.index_cast %get3A_1590 : i32 to index
      %get3A_1592 = arith.constant 0 : index
      %get3A_1593 = tpu.vector_load %arg15[%get3A_1591, %get3A_1592] {strides = array<i32>} : memref<32x32xf32, #tpu.memory_space<vmem>>, vector<16xf32>,
      %get3A_1594 = arith.constant 10 : i32
      %get3A_1595 = arith.index_cast %get3A_1594 : i32 to index
      %get3A_1596 = arith.constant 16 : index
      %get3A_1597 = tpu.vector_load %arg15[%get3A_1595, %get3A_1596] {strides = array<i32>} : memref<32x32xf32, #tpu.memory_space<vmem>>, vector<16xf32>,
      %mul3A_1598 = arith.mulf %get3A_1593, %div3A_1376 : vector<16xf32>
      %swap3A_1599 = arith.constant 353 : index
      %swap3A_1600 = tpu.vector_load %arg16[%swap3A_1599] {strides = array<i32>} : memref<1120xf32, #tpu.memory_space<vmem>>, vector<16xf32>,
      tpu.vector_store %arg16[%swap3A_1599], %mul3A_1598 {strides = array<i32>} : memref<1120xf32, #tpu.memory_space<vmem>>, vector<16xf32>,
      %mul3A_1601 = arith.mulf %get3A_1597, %div3A_1377 : vector<16xf32>
      %swap3A_1602 = arith.constant 369 : index
      %swap3A_1603 = tpu.vector_load %arg16[%swap3A_1602] {strides = array<i32>} : memref<1120xf32, #tpu.memory_space<vmem>>, vector<16xf32>,
      tpu.vector_store %arg16[%swap3A_1602], %mul3A_1601 {strides = array<i32>} : memref<1120xf32, #tpu.memory_space<vmem>>, vector<16xf32>,
      %get3A_1604 = arith.constant 11 : i32
      %get3A_1605 = arith.index_cast %get3A_1604 : i32 to index
      %get3A_1606 = arith.constant 0 : index
      %get3A_1607 = tpu.vector_load %arg15[%get3A_1605, %get3A_1606] {strides = array<i32>} : memref<32x32xf32, #tpu.memory_space<vmem>>, vector<16xf32>,
      %get3A_1608 = arith.constant 11 : i32
      %get3A_1609 = arith.index_cast %get3A_1608 : i32 to index
      %get3A_1610 = arith.constant 16 : index
      %get3A_1611 = tpu.vector_load %arg15[%get3A_1609, %get3A_1610] {strides = array<i32>} : memref<32x32xf32, #tpu.memory_space<vmem>>, vector<16xf32>,
      %mul3A_1612 = arith.mulf %get3A_1607, %div3A_1376 : vector<16xf32>
      %swap3A_1613 = arith.constant 388 : index
      %swap3A_1614 = tpu.vector_load %arg16[%swap3A_1613] {strides = array<i32>} : memref<1120xf32, #tpu.memory_space<vmem>>, vector<16xf32>,
      tpu.vector_store %arg16[%swap3A_1613], %mul3A_1612 {strides = array<i32>} : memref<1120xf32, #tpu.memory_space<vmem>>, vector<16xf32>,
      %mul3A_1615 = arith.mulf %get3A_1611, %div3A_1377 : vector<16xf32>
      %swap3A_1616 = arith.constant 404 : index
      %swap3A_1617 = tpu.vector_load %arg16[%swap3A_1616] {strides = array<i32>} : memref<1120xf32, #tpu.memory_space<vmem>>, vector<16xf32>,
      tpu.vector_store %arg16[%swap3A_1616], %mul3A_1615 {strides = array<i32>} : memref<1120xf32, #tpu.memory_space<vmem>>, vector<16xf32>,
      %get3A_1618 = arith.constant 12 : i32
      %get3A_1619 = arith.index_cast %get3A_1618 : i32 to index
      %get3A_1620 = arith.constant 0 : index
      %get3A_1621 = tpu.vector_load %arg15[%get3A_1619, %get3A_1620] {strides = array<i32>} : memref<32x32xf32, #tpu.memory_space<vmem>>, vector<16xf32>,
      %get3A_1622 = arith.constant 12 : i32
      %get3A_1623 = arith.index_cast %get3A_1622 : i32 to index
      %get3A_1624 = arith.constant 16 : index
      %get3A_1625 = tpu.vector_load %arg15[%get3A_1623, %get3A_1624] {strides = array<i32>} : memref<32x32xf32, #tpu.memory_space<vmem>>, vector<16xf32>,
      %mul3A_1626 = arith.mulf %get3A_1621, %div3A_1376 : vector<16xf32>
      %swap3A_1627 = arith.constant 423 : index
      %swap3A_1628 = tpu.vector_load %arg16[%swap3A_1627] {strides = array<i32>} : memref<1120xf32, #tpu.memory_space<vmem>>, vector<16xf32>,
      tpu.vector_store %arg16[%swap3A_1627], %mul3A_1626 {strides = array<i32>} : memref<1120xf32, #tpu.memory_space<vmem>>, vector<16xf32>,
      %mul3A_1629 = arith.mulf %get3A_1625, %div3A_1377 : vector<16xf32>
      %swap3A_1630 = arith.constant 439 : index
      %swap3A_1631 = tpu.vector_load %arg16[%swap3A_1630] {strides = array<i32>} : memref<1120xf32, #tpu.memory_space<vmem>>, vector<16xf32>,
      tpu.vector_store %arg16[%swap3A_1630], %mul3A_1629 {strides = array<i32>} : memref<1120xf32, #tpu.memory_space<vmem>>, vector<16xf32>,
      %get3A_1632 = arith.constant 13 : i32
      %get3A_1633 = arith.index_cast %get3A_1632 : i32 to index
      %get3A_1634 = arith.constant 0 : index
      %get3A_1635 = tpu.vector_load %arg15[%get3A_1633, %get3A_1634] {strides = array<i32>} : memref<32x32xf32, #tpu.memory_space<vmem>>, vector<16xf32>,
      %get3A_1636 = arith.constant 13 : i32
      %get3A_1637 = arith.index_cast %get3A_1636 : i32 to index
      %get3A_1638 = arith.constant 16 : index
      %get3A_1639 = tpu.vector_load %arg15[%get3A_1637, %get3A_1638] {strides = array<i32>} : memref<32x32xf32, #tpu.memory_space<vmem>>, vector<16xf32>,
      %mul3A_1640 = arith.mulf %get3A_1635, %div3A_1376 : vector<16xf32>
      %swap3A_1641 = arith.constant 458 : index
      %swap3A_1642 = tpu.vector_load %arg16[%swap3A_1641] {strides = array<i32>} : memref<1120xf32, #tpu.memory_space<vmem>>, vector<16xf32>,
      tpu.vector_store %arg16[%swap3A_1641], %mul3A_1640 {strides = array<i32>} : memref<1120xf32, #tpu.memory_space<vmem>>, vector<16xf32>,
      %mul3A_1643 = arith.mulf %get3A_1639, %div3A_1377 : vector<16xf32>
      %swap3A_1644 = arith.constant 474 : index
      %swap3A_1645 = tpu.vector_load %arg16[%swap3A_1644] {strides = array<i32>} : memref<1120xf32, #tpu.memory_space<vmem>>, vector<16xf32>,
      tpu.vector_store %arg16[%swap3A_1644], %mul3A_1643 {strides = array<i32>} : memref<1120xf32, #tpu.memory_space<vmem>>, vector<16xf32>,
      %get3A_1646 = arith.constant 14 : i32
      %get3A_1647 = arith.index_cast %get3A_1646 : i32 to index
      %get3A_1648 = arith.constant 0 : index
      %get3A_1649 = tpu.vector_load %arg15[%get3A_1647, %get3A_1648] {strides = array<i32>} : memref<32x32xf32, #tpu.memory_space<vmem>>, vector<16xf32>,
      %get3A_1650 = arith.constant 14 : i32
      %get3A_1651 = arith.index_cast %get3A_1650 : i32 to index
      %get3A_1652 = arith.constant 16 : index
      %get3A_1653 = tpu.vector_load %arg15[%get3A_1651, %get3A_1652] {strides = array<i32>} : memref<32x32xf32, #tpu.memory_space<vmem>>, vector<16xf32>,
      %mul3A_1654 = arith.mulf %get3A_1649, %div3A_1376 : vector<16xf32>
      %swap3A_1655 = arith.constant 493 : index
      %swap3A_1656 = tpu.vector_load %arg16[%swap3A_1655] {strides = array<i32>} : memref<1120xf32, #tpu.memory_space<vmem>>, vector<16xf32>,
      tpu.vector_store %arg16[%swap3A_1655], %mul3A_1654 {strides = array<i32>} : memref<1120xf32, #tpu.memory_space<vmem>>, vector<16xf32>,
      %mul3A_1657 = arith.mulf %get3A_1653, %div3A_1377 : vector<16xf32>
      %swap3A_1658 = arith.constant 509 : index
      %swap3A_1659 = tpu.vector_load %arg16[%swap3A_1658] {strides = array<i32>} : memref<1120xf32, #tpu.memory_space<vmem>>, vector<16xf32>,
      tpu.vector_store %arg16[%swap3A_1658], %mul3A_1657 {strides = array<i32>} : memref<1120xf32, #tpu.memory_space<vmem>>, vector<16xf32>,
      %get3A_1660 = arith.constant 15 : i32
      %get3A_1661 = arith.index_cast %get3A_1660 : i32 to index
      %get3A_1662 = arith.constant 0 : index
      %get3A_1663 = tpu.vector_load %arg15[%get3A_1661, %get3A_1662] {strides = array<i32>} : memref<32x32xf32, #tpu.memory_space<vmem>>, vector<16xf32>,
      %get3A_1664 = arith.constant 15 : i32
      %get3A_1665 = arith.index_cast %get3A_1664 : i32 to index
      %get3A_1666 = arith.constant 16 : index
      %get3A_1667 = tpu.vector_load %arg15[%get3A_1665, %get3A_1666] {strides = array<i32>} : memref<32x32xf32, #tpu.memory_space<vmem>>, vector<16xf32>,
      %mul3A_1668 = arith.mulf %get3A_1663, %div3A_1376 : vector<16xf32>
      %swap3A_1669 = arith.constant 528 : index
      %swap3A_1670 = tpu.vector_load %arg16[%swap3A_1669] {strides = array<i32>} : memref<1120xf32, #tpu.memory_space<vmem>>, vector<16xf32>,
      tpu.vector_store %arg16[%swap3A_1669], %mul3A_1668 {strides = array<i32>} : memref<1120xf32, #tpu.memory_space<vmem>>, vector<16xf32>,
      %mul3A_1671 = arith.mulf %get3A_1667, %div3A_1377 : vector<16xf32>
      %swap3A_1672 = arith.constant 544 : index
      %swap3A_1673 = tpu.vector_load %arg16[%swap3A_1672] {strides = array<i32>} : memref<1120xf32, #tpu.memory_space<vmem>>, vector<16xf32>,
      tpu.vector_store %arg16[%swap3A_1672], %mul3A_1671 {strides = array<i32>} : memref<1120xf32, #tpu.memory_space<vmem>>, vector<16xf32>,
      %get3A_1674 = arith.constant 16 : i32
      %get3A_1675 = arith.index_cast %get3A_1674 : i32 to index
      %get3A_1676 = arith.constant 0 : index
      %get3A_1677 = tpu.vector_load %arg15[%get3A_1675, %get3A_1676] {strides = array<i32>} : memref<32x32xf32, #tpu.memory_space<vmem>>, vector<16xf32>,
      %get3A_1678 = arith.constant 16 : i32
      %get3A_1679 = arith.index_cast %get3A_1678 : i32 to index
      %get3A_1680 = arith.constant 16 : index
      %get3A_1681 = tpu.vector_load %arg15[%get3A_1679, %get3A_1680] {strides = array<i32>} : memref<32x32xf32, #tpu.memory_space<vmem>>, vector<16xf32>,
      %mul3A_1682 = arith.mulf %get3A_1677, %div3A_1376 : vector<16xf32>
      %swap3A_1683 = arith.constant 563 : index
      %swap3A_1684 = tpu.vector_load %arg16[%swap3A_1683] {strides = array<i32>} : memref<1120xf32, #tpu.memory_space<vmem>>, vector<16xf32>,
      tpu.vector_store %arg16[%swap3A_1683], %mul3A_1682 {strides = array<i32>} : memref<1120xf32, #tpu.memory_space<vmem>>, vector<16xf32>,
      %mul3A_1685 = arith.mulf %get3A_1681, %div3A_1377 : vector<16xf32>
      %swap3A_1686 = arith.constant 579 : index
      %swap3A_1687 = tpu.vector_load %arg16[%swap3A_1686] {strides = array<i32>} : memref<1120xf32, #tpu.memory_space<vmem>>, vector<16xf32>,
      tpu.vector_store %arg16[%swap3A_1686], %mul3A_1685 {strides = array<i32>} : memref<1120xf32, #tpu.memory_space<vmem>>, vector<16xf32>,
      %get3A_1688 = arith.constant 17 : i32
      %get3A_1689 = arith.index_cast %get3A_1688 : i32 to index
      %get3A_1690 = arith.constant 0 : index
      %get3A_1691 = tpu.vector_load %arg15[%get3A_1689, %get3A_1690] {strides = array<i32>} : memref<32x32xf32, #tpu.memory_space<vmem>>, vector<16xf32>,
      %get3A_1692 = arith.constant 17 : i32
      %get3A_1693 = arith.index_cast %get3A_1692 : i32 to index
      %get3A_1694 = arith.constant 16 : index
      %get3A_1695 = tpu.vector_load %arg15[%get3A_1693, %get3A_1694] {strides = array<i32>} : memref<32x32xf32, #tpu.memory_space<vmem>>, vector<16xf32>,
      %mul3A_1696 = arith.mulf %get3A_1691, %div3A_1376 : vector<16xf32>
      %swap3A_1697 = arith.constant 598 : index
      %swap3A_1698 = tpu.vector_load %arg16[%swap3A_1697] {strides = array<i32>} : memref<1120xf32, #tpu.memory_space<vmem>>, vector<16xf32>,
      tpu.vector_store %arg16[%swap3A_1697], %mul3A_1696 {strides = array<i32>} : memref<1120xf32, #tpu.memory_space<vmem>>, vector<16xf32>,
      %mul3A_1699 = arith.mulf %get3A_1695, %div3A_1377 : vector<16xf32>
      %swap3A_1700 = arith.constant 614 : index
      %swap3A_1701 = tpu.vector_load %arg16[%swap3A_1700] {strides = array<i32>} : memref<1120xf32, #tpu.memory_space<vmem>>, vector<16xf32>,
      tpu.vector_store %arg16[%swap3A_1700], %mul3A_1699 {strides = array<i32>} : memref<1120xf32, #tpu.memory_space<vmem>>, vector<16xf32>,
      %get3A_1702 = arith.constant 18 : i32
      %get3A_1703 = arith.index_cast %get3A_1702 : i32 to index
      %get3A_1704 = arith.constant 0 : index
      %get3A_1705 = tpu.vector_load %arg15[%get3A_1703, %get3A_1704] {strides = array<i32>} : memref<32x32xf32, #tpu.memory_space<vmem>>, vector<16xf32>,
      %get3A_1706 = arith.constant 18 : i32
      %get3A_1707 = arith.index_cast %get3A_1706 : i32 to index
      %get3A_1708 = arith.constant 16 : index
      %get3A_1709 = tpu.vector_load %arg15[%get3A_1707, %get3A_1708] {strides = array<i32>} : memref<32x32xf32, #tpu.memory_space<vmem>>, vector<16xf32>,
      %mul3A_1710 = arith.mulf %get3A_1705, %div3A_1376 : vector<16xf32>
      %swap3A_1711 = arith.constant 633 : index
      %swap3A_1712 = tpu.vector_load %arg16[%swap3A_1711] {strides = array<i32>} : memref<1120xf32, #tpu.memory_space<vmem>>, vector<16xf32>,
      tpu.vector_store %arg16[%swap3A_1711], %mul3A_1710 {strides = array<i32>} : memref<1120xf32, #tpu.memory_space<vmem>>, vector<16xf32>,
      %mul3A_1713 = arith.mulf %get3A_1709, %div3A_1377 : vector<16xf32>
      %swap3A_1714 = arith.constant 649 : index
      %swap3A_1715 = tpu.vector_load %arg16[%swap3A_1714] {strides = array<i32>} : memref<1120xf32, #tpu.memory_space<vmem>>, vector<16xf32>,
      tpu.vector_store %arg16[%swap3A_1714], %mul3A_1713 {strides = array<i32>} : memref<1120xf32, #tpu.memory_space<vmem>>, vector<16xf32>,
      %get3A_1716 = arith.constant 19 : i32
      %get3A_1717 = arith.index_cast %get3A_1716 : i32 to index
      %get3A_1718 = arith.constant 0 : index
      %get3A_1719 = tpu.vector_load %arg15[%get3A_1717, %get3A_1718] {strides = array<i32>} : memref<32x32xf32, #tpu.memory_space<vmem>>, vector<16xf32>,
      %get3A_1720 = arith.constant 19 : i32
      %get3A_1721 = arith.index_cast %get3A_1720 : i32 to index
      %get3A_1722 = arith.constant 16 : index
      %get3A_1723 = tpu.vector_load %arg15[%get3A_1721, %get3A_1722] {strides = array<i32>} : memref<32x32xf32, #tpu.memory_space<vmem>>, vector<16xf32>,
      %mul3A_1724 = arith.mulf %get3A_1719, %div3A_1376 : vector<16xf32>
      %swap3A_1725 = arith.constant 668 : index
      %swap3A_1726 = tpu.vector_load %arg16[%swap3A_1725] {strides = array<i32>} : memref<1120xf32, #tpu.memory_space<vmem>>, vector<16xf32>,
      tpu.vector_store %arg16[%swap3A_1725], %mul3A_1724 {strides = array<i32>} : memref<1120xf32, #tpu.memory_space<vmem>>, vector<16xf32>,
      %mul3A_1727 = arith.mulf %get3A_1723, %div3A_1377 : vector<16xf32>
      %swap3A_1728 = arith.constant 684 : index
      %swap3A_1729 = tpu.vector_load %arg16[%swap3A_1728] {strides = array<i32>} : memref<1120xf32, #tpu.memory_space<vmem>>, vector<16xf32>,
      tpu.vector_store %arg16[%swap3A_1728], %mul3A_1727 {strides = array<i32>} : memref<1120xf32, #tpu.memory_space<vmem>>, vector<16xf32>,
      %get3A_1730 = arith.constant 20 : i32
      %get3A_1731 = arith.index_cast %get3A_1730 : i32 to index
      %get3A_1732 = arith.constant 0 : index
      %get3A_1733 = tpu.vector_load %arg15[%get3A_1731, %get3A_1732] {strides = array<i32>} : memref<32x32xf32, #tpu.memory_space<vmem>>, vector<16xf32>,
      %get3A_1734 = arith.constant 20 : i32
      %get3A_1735 = arith.index_cast %get3A_1734 : i32 to index
      %get3A_1736 = arith.constant 16 : index
      %get3A_1737 = tpu.vector_load %arg15[%get3A_1735, %get3A_1736] {strides = array<i32>} : memref<32x32xf32, #tpu.memory_space<vmem>>, vector<16xf32>,
      %mul3A_1738 = arith.mulf %get3A_1733, %div3A_1376 : vector<16xf32>
      %swap3A_1739 = arith.constant 703 : index
      %swap3A_1740 = tpu.vector_load %arg16[%swap3A_1739] {strides = array<i32>} : memref<1120xf32, #tpu.memory_space<vmem>>, vector<16xf32>,
      tpu.vector_store %arg16[%swap3A_1739], %mul3A_1738 {strides = array<i32>} : memref<1120xf32, #tpu.memory_space<vmem>>, vector<16xf32>,
      %mul3A_1741 = arith.mulf %get3A_1737, %div3A_1377 : vector<16xf32>
      %swap3A_1742 = arith.constant 719 : index
      %swap3A_1743 = tpu.vector_load %arg16[%swap3A_1742] {strides = array<i32>} : memref<1120xf32, #tpu.memory_space<vmem>>, vector<16xf32>,
      tpu.vector_store %arg16[%swap3A_1742], %mul3A_1741 {strides = array<i32>} : memref<1120xf32, #tpu.memory_space<vmem>>, vector<16xf32>,
      %get3A_1744 = arith.constant 21 : i32
      %get3A_1745 = arith.index_cast %get3A_1744 : i32 to index
      %get3A_1746 = arith.constant 0 : index
      %get3A_1747 = tpu.vector_load %arg15[%get3A_1745, %get3A_1746] {strides = array<i32>} : memref<32x32xf32, #tpu.memory_space<vmem>>, vector<16xf32>,
      %get3A_1748 = arith.constant 21 : i32
      %get3A_1749 = arith.index_cast %get3A_1748 : i32 to index
      %get3A_1750 = arith.constant 16 : index
      %get3A_1751 = tpu.vector_load %arg15[%get3A_1749, %get3A_1750] {strides = array<i32>} : memref<32x32xf32, #tpu.memory_space<vmem>>, vector<16xf32>,
      %mul3A_1752 = arith.mulf %get3A_1747, %div3A_1376 : vector<16xf32>
      %swap3A_1753 = arith.constant 738 : index
      %swap3A_1754 = tpu.vector_load %arg16[%swap3A_1753] {strides = array<i32>} : memref<1120xf32, #tpu.memory_space<vmem>>, vector<16xf32>,
      tpu.vector_store %arg16[%swap3A_1753], %mul3A_1752 {strides = array<i32>} : memref<1120xf32, #tpu.memory_space<vmem>>, vector<16xf32>,
      %mul3A_1755 = arith.mulf %get3A_1751, %div3A_1377 : vector<16xf32>
      %swap3A_1756 = arith.constant 754 : index
      %swap3A_1757 = tpu.vector_load %arg16[%swap3A_1756] {strides = array<i32>} : memref<1120xf32, #tpu.memory_space<vmem>>, vector<16xf32>,
      tpu.vector_store %arg16[%swap3A_1756], %mul3A_1755 {strides = array<i32>} : memref<1120xf32, #tpu.memory_space<vmem>>, vector<16xf32>,
      %get3A_1758 = arith.constant 22 : i32
      %get3A_1759 = arith.index_cast %get3A_1758 : i32 to index
      %get3A_1760 = arith.constant 0 : index
      %get3A_1761 = tpu.vector_load %arg15[%get3A_1759, %get3A_1760] {strides = array<i32>} : memref<32x32xf32, #tpu.memory_space<vmem>>, vector<16xf32>,
      %get3A_1762 = arith.constant 22 : i32
      %get3A_1763 = arith.index_cast %get3A_1762 : i32 to index
      %get3A_1764 = arith.constant 16 : index
      %get3A_1765 = tpu.vector_load %arg15[%get3A_1763, %get3A_1764] {strides = array<i32>} : memref<32x32xf32, #tpu.memory_space<vmem>>, vector<16xf32>,
      %mul3A_1766 = arith.mulf %get3A_1761, %div3A_1376 : vector<16xf32>
      %swap3A_1767 = arith.constant 773 : index
      %swap3A_1768 = tpu.vector_load %arg16[%swap3A_1767] {strides = array<i32>} : memref<1120xf32, #tpu.memory_space<vmem>>, vector<16xf32>,
      tpu.vector_store %arg16[%swap3A_1767], %mul3A_1766 {strides = array<i32>} : memref<1120xf32, #tpu.memory_space<vmem>>, vector<16xf32>,
      %mul3A_1769 = arith.mulf %get3A_1765, %div3A_1377 : vector<16xf32>
      %swap3A_1770 = arith.constant 789 : index
      %swap3A_1771 = tpu.vector_load %arg16[%swap3A_1770] {strides = array<i32>} : memref<1120xf32, #tpu.memory_space<vmem>>, vector<16xf32>,
      tpu.vector_store %arg16[%swap3A_1770], %mul3A_1769 {strides = array<i32>} : memref<1120xf32, #tpu.memory_space<vmem>>, vector<16xf32>,
      %get3A_1772 = arith.constant 23 : i32
      %get3A_1773 = arith.index_cast %get3A_1772 : i32 to index
      %get3A_1774 = arith.constant 0 : index
      %get3A_1775 = tpu.vector_load %arg15[%get3A_1773, %get3A_1774] {strides = array<i32>} : memref<32x32xf32, #tpu.memory_space<vmem>>, vector<16xf32>,
      %get3A_1776 = arith.constant 23 : i32
      %get3A_1777 = arith.index_cast %get3A_1776 : i32 to index
      %get3A_1778 = arith.constant 16 : index
      %get3A_1779 = tpu.vector_load %arg15[%get3A_1777, %get3A_1778] {strides = array<i32>} : memref<32x32xf32, #tpu.memory_space<vmem>>, vector<16xf32>,
      %mul3A_1780 = arith.mulf %get3A_1775, %div3A_1376 : vector<16xf32>
      %swap3A_1781 = arith.constant 808 : index
      %swap3A_1782 = tpu.vector_load %arg16[%swap3A_1781] {strides = array<i32>} : memref<1120xf32, #tpu.memory_space<vmem>>, vector<16xf32>,
      tpu.vector_store %arg16[%swap3A_1781], %mul3A_1780 {strides = array<i32>} : memref<1120xf32, #tpu.memory_space<vmem>>, vector<16xf32>,
      %mul3A_1783 = arith.mulf %get3A_1779, %div3A_1377 : vector<16xf32>
      %swap3A_1784 = arith.constant 824 : index
      %swap3A_1785 = tpu.vector_load %arg16[%swap3A_1784] {strides = array<i32>} : memref<1120xf32, #tpu.memory_space<vmem>>, vector<16xf32>,
      tpu.vector_store %arg16[%swap3A_1784], %mul3A_1783 {strides = array<i32>} : memref<1120xf32, #tpu.memory_space<vmem>>, vector<16xf32>,
      %get3A_1786 = arith.constant 24 : i32
      %get3A_1787 = arith.index_cast %get3A_1786 : i32 to index
      %get3A_1788 = arith.constant 0 : index
      %get3A_1789 = tpu.vector_load %arg15[%get3A_1787, %get3A_1788] {strides = array<i32>} : memref<32x32xf32, #tpu.memory_space<vmem>>, vector<16xf32>,
      %get3A_1790 = arith.constant 24 : i32
      %get3A_1791 = arith.index_cast %get3A_1790 : i32 to index
      %get3A_1792 = arith.constant 16 : index
      %get3A_1793 = tpu.vector_load %arg15[%get3A_1791, %get3A_1792] {strides = array<i32>} : memref<32x32xf32, #tpu.memory_space<vmem>>, vector<16xf32>,
      %mul3A_1794 = arith.mulf %get3A_1789, %div3A_1376 : vector<16xf32>
      %swap3A_1795 = arith.constant 843 : index
      %swap3A_1796 = tpu.vector_load %arg16[%swap3A_1795] {strides = array<i32>} : memref<1120xf32, #tpu.memory_space<vmem>>, vector<16xf32>,
      tpu.vector_store %arg16[%swap3A_1795], %mul3A_1794 {strides = array<i32>} : memref<1120xf32, #tpu.memory_space<vmem>>, vector<16xf32>,
      %mul3A_1797 = arith.mulf %get3A_1793, %div3A_1377 : vector<16xf32>
      %swap3A_1798 = arith.constant 859 : index
      %swap3A_1799 = tpu.vector_load %arg16[%swap3A_1798] {strides = array<i32>} : memref<1120xf32, #tpu.memory_space<vmem>>, vector<16xf32>,
      tpu.vector_store %arg16[%swap3A_1798], %mul3A_1797 {strides = array<i32>} : memref<1120xf32, #tpu.memory_space<vmem>>, vector<16xf32>,
      %get3A_1800 = arith.constant 25 : i32
      %get3A_1801 = arith.index_cast %get3A_1800 : i32 to index
      %get3A_1802 = arith.constant 0 : index
      %get3A_1803 = tpu.vector_load %arg15[%get3A_1801, %get3A_1802] {strides = array<i32>} : memref<32x32xf32, #tpu.memory_space<vmem>>, vector<16xf32>,
      %get3A_1804 = arith.constant 25 : i32
      %get3A_1805 = arith.index_cast %get3A_1804 : i32 to index
      %get3A_1806 = arith.constant 16 : index
      %get3A_1807 = tpu.vector_load %arg15[%get3A_1805, %get3A_1806] {strides = array<i32>} : memref<32x32xf32, #tpu.memory_space<vmem>>, vector<16xf32>,
      %mul3A_1808 = arith.mulf %get3A_1803, %div3A_1376 : vector<16xf32>
      %swap3A_1809 = arith.constant 878 : index
      %swap3A_1810 = tpu.vector_load %arg16[%swap3A_1809] {strides = array<i32>} : memref<1120xf32, #tpu.memory_space<vmem>>, vector<16xf32>,
      tpu.vector_store %arg16[%swap3A_1809], %mul3A_1808 {strides = array<i32>} : memref<1120xf32, #tpu.memory_space<vmem>>, vector<16xf32>,
      %mul3A_1811 = arith.mulf %get3A_1807, %div3A_1377 : vector<16xf32>
      %swap3A_1812 = arith.constant 894 : index
      %swap3A_1813 = tpu.vector_load %arg16[%swap3A_1812] {strides = array<i32>} : memref<1120xf32, #tpu.memory_space<vmem>>, vector<16xf32>,
      tpu.vector_store %arg16[%swap3A_1812], %mul3A_1811 {strides = array<i32>} : memref<1120xf32, #tpu.memory_space<vmem>>, vector<16xf32>,
      %get3A_1814 = arith.constant 26 : i32
      %get3A_1815 = arith.index_cast %get3A_1814 : i32 to index
      %get3A_1816 = arith.constant 0 : index
      %get3A_1817 = tpu.vector_load %arg15[%get3A_1815, %get3A_1816] {strides = array<i32>} : memref<32x32xf32, #tpu.memory_space<vmem>>, vector<16xf32>,
      %get3A_1818 = arith.constant 26 : i32
      %get3A_1819 = arith.index_cast %get3A_1818 : i32 to index
      %get3A_1820 = arith.constant 16 : index
      %get3A_1821 = tpu.vector_load %arg15[%get3A_1819, %get3A_1820] {strides = array<i32>} : memref<32x32xf32, #tpu.memory_space<vmem>>, vector<16xf32>,
      %mul3A_1822 = arith.mulf %get3A_1817, %div3A_1376 : vector<16xf32>
      %swap3A_1823 = arith.constant 913 : index
      %swap3A_1824 = tpu.vector_load %arg16[%swap3A_1823] {strides = array<i32>} : memref<1120xf32, #tpu.memory_space<vmem>>, vector<16xf32>,
      tpu.vector_store %arg16[%swap3A_1823], %mul3A_1822 {strides = array<i32>} : memref<1120xf32, #tpu.memory_space<vmem>>, vector<16xf32>,
      %mul3A_1825 = arith.mulf %get3A_1821, %div3A_1377 : vector<16xf32>
      %swap3A_1826 = arith.constant 929 : index
      %swap3A_1827 = tpu.vector_load %arg16[%swap3A_1826] {strides = array<i32>} : memref<1120xf32, #tpu.memory_space<vmem>>, vector<16xf32>,
      tpu.vector_store %arg16[%swap3A_1826], %mul3A_1825 {strides = array<i32>} : memref<1120xf32, #tpu.memory_space<vmem>>, vector<16xf32>,
      %get3A_1828 = arith.constant 27 : i32
      %get3A_1829 = arith.index_cast %get3A_1828 : i32 to index
      %get3A_1830 = arith.constant 0 : index
      %get3A_1831 = tpu.vector_load %arg15[%get3A_1829, %get3A_1830] {strides = array<i32>} : memref<32x32xf32, #tpu.memory_space<vmem>>, vector<16xf32>,
      %get3A_1832 = arith.constant 27 : i32
      %get3A_1833 = arith.index_cast %get3A_1832 : i32 to index
      %get3A_1834 = arith.constant 16 : index
      %get3A_1835 = tpu.vector_load %arg15[%get3A_1833, %get3A_1834] {strides = array<i32>} : memref<32x32xf32, #tpu.memory_space<vmem>>, vector<16xf32>,
      %mul3A_1836 = arith.mulf %get3A_1831, %div3A_1376 : vector<16xf32>
      %swap3A_1837 = arith.constant 948 : index
      %swap3A_1838 = tpu.vector_load %arg16[%swap3A_1837] {strides = array<i32>} : memref<1120xf32, #tpu.memory_space<vmem>>, vector<16xf32>,
      tpu.vector_store %arg16[%swap3A_1837], %mul3A_1836 {strides = array<i32>} : memref<1120xf32, #tpu.memory_space<vmem>>, vector<16xf32>,
      %mul3A_1839 = arith.mulf %get3A_1835, %div3A_1377 : vector<16xf32>
      %swap3A_1840 = arith.constant 964 : index
      %swap3A_1841 = tpu.vector_load %arg16[%swap3A_1840] {strides = array<i32>} : memref<1120xf32, #tpu.memory_space<vmem>>, vector<16xf32>,
      tpu.vector_store %arg16[%swap3A_1840], %mul3A_1839 {strides = array<i32>} : memref<1120xf32, #tpu.memory_space<vmem>>, vector<16xf32>,
      %get3A_1842 = arith.constant 28 : i32
      %get3A_1843 = arith.index_cast %get3A_1842 : i32 to index
      %get3A_1844 = arith.constant 0 : index
      %get3A_1845 = tpu.vector_load %arg15[%get3A_1843, %get3A_1844] {strides = array<i32>} : memref<32x32xf32, #tpu.memory_space<vmem>>, vector<16xf32>,
      %get3A_1846 = arith.constant 28 : i32
      %get3A_1847 = arith.index_cast %get3A_1846 : i32 to index
      %get3A_1848 = arith.constant 16 : index
      %get3A_1849 = tpu.vector_load %arg15[%get3A_1847, %get3A_1848] {strides = array<i32>} : memref<32x32xf32, #tpu.memory_space<vmem>>, vector<16xf32>,
      %mul3A_1850 = arith.mulf %get3A_1845, %div3A_1376 : vector<16xf32>
      %swap3A_1851 = arith.constant 983 : index
      %swap3A_1852 = tpu.vector_load %arg16[%swap3A_1851] {strides = array<i32>} : memref<1120xf32, #tpu.memory_space<vmem>>, vector<16xf32>,
      tpu.vector_store %arg16[%swap3A_1851], %mul3A_1850 {strides = array<i32>} : memref<1120xf32, #tpu.memory_space<vmem>>, vector<16xf32>,
      %mul3A_1853 = arith.mulf %get3A_1849, %div3A_1377 : vector<16xf32>
      %swap3A_1854 = arith.constant 999 : index
      %swap3A_1855 = tpu.vector_load %arg16[%swap3A_1854] {strides = array<i32>} : memref<1120xf32, #tpu.memory_space<vmem>>, vector<16xf32>,
      tpu.vector_store %arg16[%swap3A_1854], %mul3A_1853 {strides = array<i32>} : memref<1120xf32, #tpu.memory_space<vmem>>, vector<16xf32>,
      %get3A_1856 = arith.constant 29 : i32
      %get3A_1857 = arith.index_cast %get3A_1856 : i32 to index
      %get3A_1858 = arith.constant 0 : index
      %get3A_1859 = tpu.vector_load %arg15[%get3A_1857, %get3A_1858] {strides = array<i32>} : memref<32x32xf32, #tpu.memory_space<vmem>>, vector<16xf32>,
      %get3A_1860 = arith.constant 29 : i32
      %get3A_1861 = arith.index_cast %get3A_1860 : i32 to index
      %get3A_1862 = arith.constant 16 : index
      %get3A_1863 = tpu.vector_load %arg15[%get3A_1861, %get3A_1862] {strides = array<i32>} : memref<32x32xf32, #tpu.memory_space<vmem>>, vector<16xf32>,
      %mul3A_1864 = arith.mulf %get3A_1859, %div3A_1376 : vector<16xf32>
      %swap3A_1865 = arith.constant 1018 : index
      %swap3A_1866 = tpu.vector_load %arg16[%swap3A_1865] {strides = array<i32>} : memref<1120xf32, #tpu.memory_space<vmem>>, vector<16xf32>,
      tpu.vector_store %arg16[%swap3A_1865], %mul3A_1864 {strides = array<i32>} : memref<1120xf32, #tpu.memory_space<vmem>>, vector<16xf32>,
      %mul3A_1867 = arith.mulf %get3A_1863, %div3A_1377 : vector<16xf32>
      %swap3A_1868 = arith.constant 1034 : index
      %swap3A_1869 = tpu.vector_load %arg16[%swap3A_1868] {strides = array<i32>} : memref<1120xf32, #tpu.memory_space<vmem>>, vector<16xf32>,
      tpu.vector_store %arg16[%swap3A_1868], %mul3A_1867 {strides = array<i32>} : memref<1120xf32, #tpu.memory_space<vmem>>, vector<16xf32>,
      %get3A_1870 = arith.constant 30 : i32
      %get3A_1871 = arith.index_cast %get3A_1870 : i32 to index
      %get3A_1872 = arith.constant 0 : index
      %get3A_1873 = tpu.vector_load %arg15[%get3A_1871, %get3A_1872] {strides = array<i32>} : memref<32x32xf32, #tpu.memory_space<vmem>>, vector<16xf32>,
      %get3A_1874 = arith.constant 30 : i32
      %get3A_1875 = arith.index_cast %get3A_1874 : i32 to index
      %get3A_1876 = arith.constant 16 : index
      %get3A_1877 = tpu.vector_load %arg15[%get3A_1875, %get3A_1876] {strides = array<i32>} : memref<32x32xf32, #tpu.memory_space<vmem>>, vector<16xf32>,
      %mul3A_1878 = arith.mulf %get3A_1873, %div3A_1376 : vector<16xf32>
      %swap3A_1879 = arith.constant 1053 : index
      %swap3A_1880 = tpu.vector_load %arg16[%swap3A_1879] {strides = array<i32>} : memref<1120xf32, #tpu.memory_space<vmem>>, vector<16xf32>,
      tpu.vector_store %arg16[%swap3A_1879], %mul3A_1878 {strides = array<i32>} : memref<1120xf32, #tpu.memory_space<vmem>>, vector<16xf32>,
      %mul3A_1881 = arith.mulf %get3A_1877, %div3A_1377 : vector<16xf32>
      %swap3A_1882 = arith.constant 1069 : index
      %swap3A_1883 = tpu.vector_load %arg16[%swap3A_1882] {strides = array<i32>} : memref<1120xf32, #tpu.memory_space<vmem>>, vector<16xf32>,
      tpu.vector_store %arg16[%swap3A_1882], %mul3A_1881 {strides = array<i32>} : memref<1120xf32, #tpu.memory_space<vmem>>, vector<16xf32>,
      %get3A_1884 = arith.constant 31 : i32
      %get3A_1885 = arith.index_cast %get3A_1884 : i32 to index
      %get3A_1886 = arith.constant 0 : index
      %get3A_1887 = tpu.vector_load %arg15[%get3A_1885, %get3A_1886] {strides = array<i32>} : memref<32x32xf32, #tpu.memory_space<vmem>>, vector<16xf32>,
      %get3A_1888 = arith.constant 31 : i32
      %get3A_1889 = arith.index_cast %get3A_1888 : i32 to index
      %get3A_1890 = arith.constant 16 : index
      %get3A_1891 = tpu.vector_load %arg15[%get3A_1889, %get3A_1890] {strides = array<i32>} : memref<32x32xf32, #tpu.memory_space<vmem>>, vector<16xf32>,
      %mul3A_1892 = arith.mulf %get3A_1887, %div3A_1376 : vector<16xf32>
      %swap3A_1893 = arith.constant 1088 : index
      %swap3A_1894 = tpu.vector_load %arg16[%swap3A_1893] {strides = array<i32>} : memref<1120xf32, #tpu.memory_space<vmem>>, vector<16xf32>,
      tpu.vector_store %arg16[%swap3A_1893], %mul3A_1892 {strides = array<i32>} : memref<1120xf32, #tpu.memory_space<vmem>>, vector<16xf32>,
      %mul3A_1895 = arith.mulf %get3A_1891, %div3A_1377 : vector<16xf32>
      %swap3A_1896 = arith.constant 1104 : index
      %swap3A_1897 = tpu.vector_load %arg16[%swap3A_1896] {strides = array<i32>} : memref<1120xf32, #tpu.memory_space<vmem>>, vector<16xf32>,
      tpu.vector_store %arg16[%swap3A_1896], %mul3A_1895 {strides = array<i32>} : memref<1120xf32, #tpu.memory_space<vmem>>, vector<16xf32>,
      %mul3A_1898 = arith.constant 1120 : i32
      %mul3A_1899 = arith.muli %add3A_965, %mul3A_1898 : i32
      "tpu.region"() ({
        %run_scoped3A = tpu.sem_alloc : memref<!tpu.dma_semaphore, #tpu.memory_space<semaphore_mem>>
        %dma_start3A_1900 = tpu.memref_slice %arg8[%mul3A_1899] : memref<4587520xf32, #tpu.memory_space<hbm>> -> memref<1120xf32, #tpu.memory_space<hbm>>
        %dma_start3A_1901 = tpu.memref_slice %arg8[%mul3A_1899] : memref<4587520xf32, #tpu.memory_space<hbm>> -> memref<1120xf32, #tpu.memory_space<hbm>>
        tpu.enqueue_dma source(%arg16 : memref<1120xf32, #tpu.memory_space<vmem>>) target(%dma_start3A_1901 : memref<1120xf32, #tpu.memory_space<hbm>>) target_semaphore(%run_scoped3A : memref<!tpu.dma_semaphore, #tpu.memory_space<semaphore_mem>>)
        %dma_wait3A_1902 = tpu.memref_slice %arg8[%mul3A_1899] : memref<4587520xf32, #tpu.memory_space<hbm>> -> memref<1120xf32, #tpu.memory_space<hbm>>
        %dma_wait3A_1903 = tpu.memref_slice %arg8[%mul3A_1899] : memref<4587520xf32, #tpu.memory_space<hbm>> -> memref<1120xf32, #tpu.memory_space<hbm>>
        tpu.wait_dma2 semaphore(%run_scoped3A : memref<!tpu.dma_semaphore, #tpu.memory_space<semaphore_mem>>) src(%arg16 : memref<1120xf32, #tpu.memory_space<vmem>>) dst(%dma_wait3A_1903 : memref<1120xf32, #tpu.memory_space<hbm>>)
        tpu.yield
      }) : () -> ()
    }
    %scan3A_40 = arith.constant 64 : i32
    return
  }
}

module attributes {stable_mosaic.version = 14 : i64} {
  func.func @_tc_d2_body(%arg0: i32, %arg1: i32, %arg2: memref<1x1024x3xf32, #tpu.memory_space<vmem>>, %arg3: memref<1x512x3xf32, #tpu.memory_space<vmem>>, %arg4: memref<1x1024x512xf32, #tpu.memory_space<vmem>>) attributes {dimension_semantics = [#tpu.dimension_semantics<arbitrary>, #tpu.dimension_semantics<arbitrary>], iteration_bounds = array<i64: 4, 16>, scalar_prefetch = 0 : i64, scratch_operands = 0 : i64, tpu.core_type = #tpu.core_type<tc>, window_params = [{transform_indices = @transform_0, window_bounds = array<i64: 1, 1024, 3>}, {transform_indices = @transform_1, window_bounds = array<i64: 1, 512, 3>}, {transform_indices = @transform_2, window_bounds = array<i64: 1, 1024, 512>}]} {
    %get3A = arith.constant 0 : index
    %get3A_0 = arith.constant 0 : index
    %get3A_1 = arith.constant 0 : index
    %get3A_2 = vector.load %arg2[%get3A, %get3A_0, %get3A_1] : memref<1x1024x3xf32, #tpu.memory_space<vmem>>, vector<1x1024x3xf32>
    %get3A_3 = vector.shape_cast %get3A_2 : vector<1x1024x3xf32> to vector<1024x3xf32>
    %get3A_4 = arith.constant 0 : index
    %get3A_5 = arith.constant 0 : index
    %get3A_6 = arith.constant 0 : index
    %get3A_7 = vector.load %arg3[%get3A_4, %get3A_5, %get3A_6] : memref<1x512x3xf32, #tpu.memory_space<vmem>>, vector<1x512x3xf32>
    %get3A_8 = vector.shape_cast %get3A_7 : vector<1x512x3xf32> to vector<512x3xf32>
    %mul3A = arith.mulf %get3A_3, %get3A_3 : vector<1024x3xf32>
    %reduce_sum3A = arith.constant dense<0.000000e+00> : vector<1024xf32>
    %reduce_sum3A_9 = vector.multi_reduction <add>, %mul3A, %reduce_sum3A [1] : vector<1024x3xf32> to vector<1024xf32>
    %mul3A_10 = arith.mulf %get3A_8, %get3A_8 : vector<512x3xf32>
    %reduce_sum3A_11 = arith.constant dense<0.000000e+00> : vector<512xf32>
    %reduce_sum3A_12 = vector.multi_reduction <add>, %mul3A_10, %reduce_sum3A_11 [1] : vector<512x3xf32> to vector<512xf32>
    %dot_general3A = arith.constant dense<0.000000e+00> : vector<1024x512xf32>
    %dot_general3A_13 = tpu.matmul %get3A_3, %get3A_8, %dot_general3A {dimension_numbers = #tpu.dot_dimension_numbers<[1], [1], [0], [0], [0, 0, 1, 0], [], []>, transpose_lhs_hint = false} : vector<1024x3xf32>, vector<512x3xf32>, vector<1024x512xf32> -> vector<1024x512xf32>
    %broadcast_in_dim3A = vector.shape_cast %reduce_sum3A_9 : vector<1024xf32> to vector<1024x1xf32>
    %broadcast_in_dim3A_14 = vector.shape_cast %reduce_sum3A_12 : vector<512xf32> to vector<1x512xf32>
    %add3A = vector.broadcast %broadcast_in_dim3A : vector<1024x1xf32> to vector<1024x512xf32>
    %add3A_15 = vector.broadcast %broadcast_in_dim3A_14 : vector<1x512xf32> to vector<1024x512xf32>
    %add3A_16 = arith.addf %add3A, %add3A_15 : vector<1024x512xf32>
    %mul3A_17 = arith.constant 2.000000e+00 : f32
    %mul3A_18 = vector.broadcast %mul3A_17 : f32 to vector<1024x512xf32>
    %mul3A_19 = arith.mulf %mul3A_18, %dot_general3A_13 : vector<1024x512xf32>
    %sub3A = arith.subf %add3A_16, %mul3A_19 : vector<1024x512xf32>
    %swap3A = arith.constant 0 : index
    %swap3A_20 = arith.constant 0 : index
    %swap3A_21 = arith.constant 0 : index
    %swap3A_22 = vector.load %arg4[%swap3A, %swap3A_20, %swap3A_21] : memref<1x1024x512xf32, #tpu.memory_space<vmem>>, vector<1x1024x512xf32>
    %swap3A_23 = vector.shape_cast %swap3A_22 : vector<1x1024x512xf32> to vector<1024x512xf32>
    %swap3A_24 = vector.shape_cast %sub3A : vector<1024x512xf32> to vector<1x1024x512xf32>
    tpu.vector_store %arg4[%swap3A, %swap3A_20, %swap3A_21], %swap3A_24 {strides = array<i32>} : memref<1x1024x512xf32, #tpu.memory_space<vmem>>, vector<1x1024x512xf32>,
    return
  }
  func.func @transform_0(%arg0: i32, %arg1: i32) -> (i32, i32, i32) {
    %c0_i32 = arith.constant 0 : i32
    %c0_i32_0 = arith.constant 0 : i32
    %c0_i32_1 = arith.constant 0 : i32
    return %arg0, %c0_i32, %c0_i32_0 : i32, i32, i32
  }
  func.func @transform_1(%arg0: i32, %arg1: i32) -> (i32, i32, i32) {
    %c0_i32 = arith.constant 0 : i32
    %c0_i32_0 = arith.constant 0 : i32
    return %arg0, %arg1, %c0_i32 : i32, i32, i32
  }
  func.func @transform_2(%arg0: i32, %arg1: i32) -> (i32, i32, i32) {
    %c0_i32 = arith.constant 0 : i32
    %c0_i32_0 = arith.constant 0 : i32
    return %arg0, %c0_i32, %arg1 : i32, i32, i32
  }
}

</mosaic_0001>

<sc_bundles>
// kernel: kernel.4.cloned.1.call-start
scs
__scs_entry_jumppad:
0x0: {  	(pc) =	sbr.rel $0x88, $3  }
0x1: {  	(tag) =	ssettag $0x0;
	lr =	simm.s32 $0x1  }
0x2: {  	[smem:$0x3F9E] =	sst lr;
	_ =	strace $0xD0000000  }
0x3: {  	_ = 	snop  }
0x4: {  	_ = 	snop  }
0x5: {  	_ = 	snop  }
0x6: {  	_ = 	snop  }
0x7: {  	_ = 	snop  }
__scs_overlays_trampoline_lowered:
0x8: {  	[smem:$0x3FAD] =	sst s0  }
0x9: {  	[smem:$0x3FAE] =	sst s1  }
0xa: {  	[smem:$0x3FAF] =	sst s2  }
0xb: {  	[smem:$0x3FB0] =	sst s3  }
0xc: {  	[smem:$0x3FB1] =	sst s4  }
0xd: {  	[smem:$0x3FB2] =	sst s5  }
0xe: {  	[smem:$0x3FB3] =	sst s6  }
0xf: {  	[smem:$0x3FB4] =	sst s7  }
0x10: {  	[smem:$0x3FB5] =	sst s8  }
0x11: {  	[smem:$0x3FB6] =	sst s9;
	s0 =	simm.s32 @!p0 $0x0  }
0x12: {  	s1 =	sld [smem:$0x3F9C];
	s0 =	simm.s32 @p0 $0x1  }
0x13: {  	[smem:$0x3FB7] =	sst s0;
	s0 =	simm.s32 @!p1 $0x0  }
0x14: {  	s2 =	sld [smem:$0x3F9B];
	s0 =	simm.s32 @p1 $0x1  }
0x15: {  	[smem:$0x3FB8] =	sst s0;
	s0 =	simm.s32 @!p2 $0x0  }
0x16: {  	s3 =	sld [smem:$0x3FDB];
	s0 =	simm.s32 @p2 $0x1  }
0x17: {  	s4 =	simm.s32 $0x1BF5;
	[smem:$0x3FBA] =	sst s0  }
0x18: {  	s0 =	sld [smem:$0x3F9D];
	_ =	swait.ge [sflag:s4], $0x0  }
0x19: {  	s7 =	sld [smem:$0x3F9E]  }
0x1a: {  	s8 =	sadd.s32 $0xFFFFE003, lr  }
0x1b: {  	s9 =	sadd.s32 $0xFFFFFEF7, lr;
	s5 =	simm.s32 $0xFFFFFFFF;
	p2 =	slt.u32 s8, $0xFFFFF086  }
0x1c: {  	p1 =	slt.u32 s9, $0xF7A;
	s5 =	simm.s32 @!p2 $0x0  }
0x1d: {  	s5 =	simm.s32 @p1 $0x1;
	p0 =	seq.s32 s7, s2  }
0x1e: {  	s7 =	smul.u32 @!p0 $0xF7A, s2;
	p2 =	seq.s32 @!p0 s5, $0x0  }
0x1f: {  	s9 =	smul.u32 $0xF7A, s1;
	s8 =	simm.s32 @!p0 $0x1BF5;
	p2 =	por !p2, p0  }
0x20: {  	[sflag:s8] =	ssyncset.s32 @!p0 $0xFFFFF086;
	s6 =	sadd.s32 @!p0 s3, s7;
	s7 =	simm.s32 @!p0 $0x108  }
0x21: {  	s3 =	sadd.s32 s3, s9;
	s6 =	sadd.s32 @!p0 $0x88, s6;
	s7 =	simm.s32 @p2 $0x1082  }
0x22: {  	[simem:s7], [sflag:s8] =	dma.local @!p0 [hbm:s6], $0xF7A  }
0x23: {  	s9 =	sor.u32 $0xD0000000, s2;
	s6 =	simm.s32 $0x108;
	_ =	swait.ge @!p0 [sflag:s8], $0x0  }
0x24: {  	s3 =	sadd.s32 $0x88, s3;
	s6 =	simm.s32 @!p1 $0x1082;
	[sflag:s4] =	ssyncset.s32 $0xFFFFF086  }
0x25: {  	[simem:s6], [sflag:s4] =	dma.local [hbm:s3], $0xF7A  }
0x26: {  	[smem:$0x3F9E] =	sst s1;
	(tag) =	ssettag s2;
	_ =	strace s9  }
0x27: {  	s1 =	sld [smem:$0x3FAE]  }
0x28: {  	s2 =	sld [smem:$0x3FAF]  }
0x29: {  	s4 =	sld [smem:$0x3FB1]  }
0x2a: {  	p0 =	seq.s32 s5, $0x0;
	s5 =	sld [smem:$0x3FB2]  }
0x2b: {  	s6 =	sld [smem:$0x3FB3]  }
0x2c: {  	s7 =	sld [smem:$0x3FB4]  }
0x2d: {  	s3 =	simm.s32 $0x108;
	s8 =	sld [smem:$0x3FB5]  }
0x2e: {  	s3 =	simm.s32 @!p0 $0x1082;
	s9 =	sld [smem:$0x3FB6]  }
0x2f: {  	lr =	sadd.s32 s0, s3;
	s0 =	sld [smem:$0x3FAD]  }
0x30: {  	s3 =	sld [smem:$0x3FB0]  }
0x31: {  	[smem:$0x3FB9] =	sst s10  }
0x32: {  	s10 =	sld [smem:$0x3FB7];
	_ =	sdelay $0x3  }
0x33: {  	p0 =	seq.s32 s10, $0x1;
	s10 =	sld [smem:$0x3FB9];
	_ =	sdelay $0x3  }
0x34: {  	[smem:$0x3FB9] =	sst s10  }
0x35: {  	s10 =	sld [smem:$0x3FB8];
	_ =	sdelay $0x3  }
0x36: {  	p1 =	seq.s32 s10, $0x1;
	s10 =	sld [smem:$0x3FB9];
	_ =	sdelay $0x3  }
0x37: {  	[smem:$0x3FB9] =	sst s10  }
0x38: {  	s10 =	sld [smem:$0x3FBA]  }
0x39: {  	_ = 	snop;
	(pc) =	sbr.ind lr, $3  }
0x3a: {  	_ = 	snop  }
0x3b: {  	_ = 	snop  }
0x3c: {  	p2 =	seq.s32 s10, $0x1;
	s10 =	sld [smem:$0x3FB9]  }
0x3d: {  	_ =	shalt  }
0x3e: {  	_ =	shalt  }
0x3f: {  	_ =	shalt  }
0x40: {  	_ =	shalt  }
0x41: {  	_ =	shalt  }
0x42: {  	_ =	shalt  }
0x43: {  	_ =	shalt  }
0x44: {  	_ =	shalt  }
0x45: {  	_ =	shalt  }
0x46: {  	_ =	shalt  }
0x47: {  	_ =	shalt  }
0x48: {  	_ =	shalt  }
0x49: {  	_ =	shalt  }
0x4a: {  	_ =	shalt  }
0x4b: {  	_ =	shalt  }
0x4c: {  	_ =	shalt  }
0x4d: {  	_ =	shalt  }
0x4e: {  	_ =	shalt  }
0x4f: {  	_ =	shalt  }
0x50: {  	_ =	shalt  }
0x51: {  	_ =	shalt  }
0x52: {  	_ =	shalt  }
0x53: {  	_ =	shalt  }
0x54: {  	_ =	shalt  }
0x55: {  	_ =	shalt  }
0x56: {  	_ =	shalt  }
0x57: {  	_ =	shalt  }
0x58: {  	_ =	shalt  }
0x59: {  	_ =	shalt  }
0x5a: {  	_ =	shalt  }
0x5b: {  	_ =	shalt  }
0x5c: {  	_ =	shalt  }
0x5d: {  	_ =	shalt  }
0x5e: {  	_ =	shalt  }
0x5f: {  	_ =	shalt  }
0x60: {  	_ =	shalt  }
0x61: {  	_ =	shalt  }
0x62: {  	_ =	shalt  }
0x63: {  	_ =	shalt  }
0x64: {  	_ =	shalt  }
0x65: {  	_ =	shalt  }
0x66: {  	_ =	shalt  }
0x67: {  	_ =	shalt  }
0x68: {  	_ =	shalt  }
0x69: {  	_ =	shalt  }
0x6a: {  	_ =	shalt  }
0x6b: {  	_ =	shalt  }
0x6c: {  	_ =	shalt  }
0x6d: {  	_ =	shalt  }
0x6e: {  	_ =	shalt  }
0x6f: {  	_ =	shalt  }
0x70: {  	_ =	shalt  }
0x71: {  	_ =	shalt  }
0x72: {  	_ =	shalt  }
0x73: {  	_ =	shalt  }
0x74: {  	_ =	shalt  }
0x75: {  	_ =	shalt  }
0x76: {  	_ =	shalt  }
0x77: {  	_ =	shalt  }
0x78: {  	_ =	shalt  }
0x79: {  	_ =	shalt  }
0x7a: {  	_ =	shalt  }
0x7b: {  	_ =	shalt  }
0x7c: {  	_ =	shalt  }
0x7d: {  	_ =	shalt  }
0x7e: {  	_ =	shalt  }
0x7f: {  	_ =	shalt  }
0x80: {  	_ =	shalt  }
0x81: {  	_ =	shalt  }
0x82: {  	_ =	shalt  }
0x83: {  	_ =	shalt  }
0x84: {  	_ =	shalt  }
0x85: {  	_ =	shalt  }
0x86: {  	_ =	shalt  }
0x87: {  	_ =	shalt  }
.Lfunc_end0:
.L_simem_size_0:
called_computation.1_lowered:
.L_overlay_start_0:
0x88: {  	s2 =	sld [smem:$0x3FD9]  }
0x89: {  	s3 =	sld [smem:$0x3FFE];
	_ =	sdelay $0x1  }
0x8a: {  	s1 =	srdreg.scid  }
0x8b: {  	s0 =	sand.u32 $0x1, s1  }
0x8c: {  	s17 =	sshll.u32 s0, $0xA;
	s2 =	sadd.s32 s3, s2  }
0x8d: {  	s2 =	sadd.s32 s2, s17  }
0x8e: {  	[smem:$0x3FC5] =	sst s2  }
0x8f: {  	_ = 	snop  }
0x90: {  	s2 =	sld [smem:$0x3FD0];
	(tm) =	ssettm $0x1  }
0x91: {  	s18 =	sld [smem:$0x3FFB];
	_ =	sdelay $0x3  }
0x92: {  	_ =	strace s18  }
0x93: {  	s3 =	sld [smem:$0x3FFC];
	_ =	sdelay $0x3  }
0x94: {  	_ =	strace s3  }
0x95: {  	s3 =	sld [smem:$0x3FFD];
	_ =	sdelay $0x3  }
0x96: {  	_ =	strace s3  }
0x97: {  	_ =	strace $0x8FFFFFFF  }
0x98: {  	s19 =	sld [smem:$0x3FDB];
	_ =	sdelay $0x1  }
0x99: {  	s4 =	simm.s32 $_scs_section_size  }
0x9a: {  	s5 =	simm.s32 $_size__tile_overlayer_lowered;
	s6 =	simm.s32 $_tile_overlayer_lowered  }
0x9b: {  	s22 =	simm.s32 $0x1BFF;
	s21 =	sshll.u32 s6, $0x1;
	s3 =	sadd.s32 s4, s19  }
0x9c: {  	s7 =	simm.s32 $0x0;
	s20 =	sshll.u32 s5, $0x1;
	s5 =	sadd.s32 s21, s3  }
0x9d: {  	[timem:s7], [sflag:s22] =	dma.local [hbm:s5], s20  }
0x9e: {  	_ =	swait.ge [sflag:s22], s20  }
0x9f: {  	s4 =	ssub.s32 $0x0, s20;
	[sflag:s22] =	ssyncset.done $0x0  }
0xa0: {  	[sflag:s22] =	ssyncadd.s32 s4;
	_ =	sdelay $0x1  }
0xa1: {  	s23 =	simm.s32 $0x1B8B  }
0xa2: {  	_ =	swait.ge [sflag:s23], $0x1  }
0xa3: {  	[sflag:s23] =	ssyncset.done $0x0  }
0xa4: {  	s25 =	simm.s32 $0x1B8E;
	s24 =	sld [smem:$0x3FFE];
	[sflag:s23] =	ssyncadd.s32 $0xFFFFFFFF  }
0xa5: {  	s26 =	simm.s32 $execute0_lowered;
	[smem:$0x3FD2] =	sst s25  }
0xa6: {  	s5 =	sshll.u32 s26, $0x1;
	_ =	strace $0x80000049;
	[dreg:$0x1] =	wrdreg $0xFFFFFFFF  }
0xa7: {  	s28 =	simm.s32 $_size_execute0_lowered;
	s3 =	sadd.s32 s3, s5;
	[dreg:$0x0] =	wrdreg $0x0  }
0xa8: {  	s5 =	sshll.u32 s28, $0x1;
	[dreg:$0x2] =	wrdreg s3  }
0xa9: {  	[dreg:$0x3] =	wrdreg s5  }
0xaa: {  	[dreg:$0x4] =	wrdreg $0xC0  }
0xab: {  	_ =	task [dreg:s7], $0x5FFFF  }
0xac: {  	[dreg:$0x1] =	wrdreg $0xFFFFFFFF  }
0xad: {  	[dreg:$0x0] =	wrdreg $0x60  }
0xae: {  	[dreg:$0x2] =	wrdreg s24  }
0xaf: {  	[dreg:$0x3] =	wrdreg s2  }
0xb0: {  	[dreg:$0x4] =	wrdreg $0x9  }
0xb1: {  	_ =	task.clear_ibuf [dreg:s7], $0x5FFFF;
	_ =	strace $0x90000049  }
0xb2: {  	s29 =	simm.s32 $0x9;
	_ =	strace $0x8000004B  }
0xb3: {  	_ =	swait.ge [sflag:s29], $0x1  }
0xb4: {  	[sflag:s29] =	ssyncadd.s32 $0xFFFFFFFF  }
0xb5: {  	_ =	strace $0x9000004B  }
0xb6: {  	_ =	sfence  }
0xb7: {  	s30 =	sld [smem:$0x0];
	_ =	sdelay $0x2  }
0xb8: {  	s31 =	sshll.u32 s1, $0xD;
	s1 =	sshrl.u32 s1, $0x2  }
0xb9: {  	s3 =	sand.u32 $0x4000, s31;
	s1 =	sadd.s32 s1, s30  }
0xba: {  	s0 =	sor.u32 s3, s0;
	s1 =	sshll.u32 s1, $0x11  }
0xbb: {  	s0 =	sor.u32 s1, s0  }
0xbc: {  	s0 =	sadd.s32 $0x8F2B, s0  }
0xbd: {  	[sflag:s0] =	ssyncadd.remote.s32 $0x1  }
0xbe: {  	_ =	sfence.sel $0xFFFF  }
0xbf: {  	[dreg:$0x0] =	wrdreg $0xFFFFFFFF;
	(pc) =	sbr.abs _section_cstart, $3  }
0xc0: {  	[dreg:$0x1] =	wrdreg $0xFFFFFFFF  }
0xc1: {  	_ =	task.clear_ibuf [dreg:s7], $0x2FFFF;
	_ =	strace $0x9FFFFFFF  }
0xc2: {  	(tm) =	ssettm $0x7FFFFFFF  }
0xc3: {  	_ =	shalt  }
tec
execute0_lowered:
.L_overlay_start_1:
0x0: {  	(tag) =	ssettag $0x1  }
0x1: {  	v0 =	vimm.s32 $0xEFCDAB89;
	v1 =	vimm.s32 $0x67452301;
	v2 =	vimm.s32 $0xFDEBC9A7  }
0x2: {  	v3 =	vimm.s32 $0x85634120;
	vm0 =	vcmask $0xB08;
	vm1 =	vcmask $0x300  }
0x3: {  	s0 =	srdreg.scid;
	s12 =	rddreg [dreg:$0x0];
	v4 =	vimm.s32 $0xDCFE98BA;
	s3 =	simm.s32 $0x0;
	v2 =	vunpack.c.l.s4.s8 v2;
	v3 =	vunpack.c.l.s4.s8 v3  }
0x4: {  	v6 =	vimm.s32 $0x32107654;
	v7 =	vimm.s32 $0xFEDCBA98;
	s15 =	simm.s32 $0x3;
	s16 =	simm.s32 $0x6000;
	s17 =	simm.s32 $0x8000;
	v0 =	vunpack.c.l.s4.s8 v0  }
0x5: {  	s18 =	simm.s32 $0xA000;
	s19 =	simm.s32 $0x2000;
	s20 =	simm.s32 $0xA190;
	v1 =	vunpack.c.l.s4.s8 v1;
	v2 =	vunpack.c.0.s8.s32 v2;
	v3 =	vunpack.c.0.s8.s32 v3  }
0x6: {  	s21 =	simm.s32 $0xA390;
	s22 =	simm.s32 $0xA590;
	s6 =	sand.u32 $0x1, s0;
	vm0 =	vmor vm1, vm0;
	v6 =	vunpack.c.l.s4.s8 v6;
	vm1 =	vcmask $0x1310  }
0x7: {  	s23 =	simm.s32 $0x2;
	s0 =	stileid.u32;
	s1 =	sshll.u32 s6, $0x4;
	vm0 =	vmor vm0, vm1;
	v5 =	vcombine.low v3, v2;
	v3 =	vimm.s32 $0x54761032  }
0x8: {  	s24 =	simm.s32 $0x0;
	s30 =	sand.u32 $0x7, s0;
	s10 =	sor.u32 s0, s1;
	v2 =	vunpack.c.l.s4.s8 v4;
	v4 =	vimm.s32 $0xBA98FEDC;
	v3 =	vunpack.c.l.s4.s8 v3  }
0x9: {  	[smem:$0x7FF] =	sst s3;
	vm1 =	vcmask $0x1B18;
	p1 =	sne.s32 s30, $0x0;
	v0 =	vunpack.c.0.s8.s32 v0;
	p0 =	seq.s32 s10, $0x0;
	v4 =	vunpack.c.l.s4.s8 v4  }
0xa: {  	s31 =	ssub.s32 $0x2, s6;
	s1 =	simm.s32 $0x1;
	v6 =	vunpack.c.0.s8.s32 v6;
	p0 =	por !p1, !p0;
	v2 =	vunpack.c.0.s8.s32 v2;
	v3 =	vunpack.c.0.s8.s32 v3  }
0xb: {  	s14 =	sshrl.u32 s31, $0x1;
	vm0 =	vmor vm0, vm1;
	vm1 =	vcmask $0x2320;
	s2 =	sshrl.u32 s10, $0x3;
	p0 =	por !p0, !p0;
	v4 =	vunpack.c.0.s8.s32 v4  }
0xc: {  	v1 =	vunpack.c.0.s8.s32 v1;
	s5 =	sshll.u32 s10, $0x11;
	s8 =	smul.u32 $0x30, s10;
	vm0 =	vmor vm0, vm1;
	s1 =	simm.s32 @!p0 $0x0;
	v2 =	vcombine.low v3, v2  }
0xd: {  	s14 =	ssub.s32 s31, s14;
	s10 =	sshll.u32 s10, $0x7;
	s1 =	ssub.s32 s2, s1;
	v3 =	vcombine.low v6, v4;
	v4 =	vimm.s32 $0x76543210;
	v6 =	vunpack.c.l.s4.s8 v7  }
0xe: {  	vm1 =	vcmask $0x2B28;
	v1 =	vcombine.low v1, v0;
	s11 =	sadd.s32 s5, s12;
	s5 =	sadd.s32 $0x804800, s12;
	s4 =	sshll.u32 s1, $0xD;
	v4 =	vunpack.c.l.s4.s8 v4  }
.Ltmp0:
0xf: {  	vm0 =	vmor vm0, vm1;
	vm1 =	vcmask $0x3330;
	s11 =	sadd.s32 $0x401200, s11;
	s7 =	sshrl.u32 s4, $0x3;
	v6 =	vunpack.c.0.s8.s32 v6;
	(pc) =	sbr.rel .LBB2_1-.Ltmp0, $4  }
0x10: {  	vm0 =	vmor vm0, vm1;
	vm1 =	vcmask $0x3B38;
	s2 =	rddreg [dreg:$0x1];
	_ =	strace $0x8000004A;
	s9 =	sadd.s32 s7, s12;
	v4 =	vunpack.c.0.s8.s32 v4  }
0x11: {  	s13 =	sadd.s32 s8, s12;
	v1 =	vand.u32 $0xF, v1;
	vm0 =	vmor vm0, vm1;
	s12 =	sadd.s32 $0x401600, s12;
	s6 =	sadd.s32 $0x801800, s9;
	v6 =	vand.u32 $0xF, v6  }
0x12: {  	v0 =	vmov s4;
	s4 =	simm.s32 $0x1;
	s7 =	sadd.s32 $0x802800, s9;
	s8 =	sadd.s32 $0x803800, s9;
	v4 =	vcombine.low v6, v4;
	v6 =	vlaneseq.u32  }
0x13: {  	v5 =	vand.u32 $0xF, v5;
	vm1 =	vcmask $0x3F3C;
	s9 =	sadd.s32 $0x801200, s13;
	s13 =	smax.u32 s14, $0x1;
	s14 =	simm.s32 $0x4000;
	v6 =	vmul.u32 $0x23, v6  }
.LBB2_23:
0x14: {  	s24 =	sadd.s32 $0x1, s24  }
0x15: {  	p0 =	sne.s32 s24, s13  }
.Ltmp1:
0x16: {  	_ = 	snop;
	(pc) =	sbr.rel @!p0 .LBB2_24-.Ltmp1, $1  }
0x17: {  	_ =	sdelay $0x3  }
.LBB2_1:
0x18: {  	[tilespmem:s14], [sflag:$0x3] =	stream.linear.gather [hbm4b:s6+s3], $0x2000, $0x38;
	[tilespmem:$0xA9F0] =	vst v63  }
0x19: {  	_ =	swait.ge [sflag:s15], $0x2000  }
0x1a: {  	[sflag:s15] =	ssyncset.done $0x0  }
0x1b: {  	[sflag:s15] =	ssyncadd.s32 $0xFFFFE000  }
0x1c: {  	[tilespmem:s16], [sflag:$0x3] =	stream.linear.gather [hbm4b:s7+s3], $0x2000, $0x38;
	[tilespmem:$0xA9F0] =	vst v63  }
0x1d: {  	_ =	swait.ge [sflag:s15], $0x2000  }
0x1e: {  	[sflag:s15] =	ssyncset.done $0x0  }
0x1f: {  	[sflag:s15] =	ssyncadd.s32 $0xFFFFE000  }
0x20: {  	[tilespmem:s17], [sflag:$0x3] =	stream.linear.gather [hbm4b:s8+s3], $0x2000, $0x38;
	[tilespmem:$0xA9F0] =	vst v63  }
0x21: {  	_ =	swait.ge [sflag:s15], $0x2000  }
0x22: {  	[sflag:s15] =	ssyncset.done $0x0  }
0x23: {  	[sflag:s15] =	ssyncadd.s32 $0xFFFFE000  }
0x24: {  	[tilespmem:s18], [sflag:$0x3] =	stream.linear.gather [hbm4b:s9+s3], $0x180, $0x38;
	[tilespmem:$0xA9F0] =	vst v63  }
.Ltmp2:
0x25: {  	_ = 	snop;
	(pc) =	sbr.rel .LBB2_2-.Ltmp2, $4  }
0x26: {  	_ =	swait.ge [sflag:s15], $0x180  }
0x27: {  	[sflag:s15] =	ssyncset.done $0x0  }
0x28: {  	s25 =	simm.s32 $0x0;
	[sflag:s15] =	ssyncadd.s32 $0xFFFFFE80  }
0x29: {  	[tilespmem:s3], [sflag:$0x1] =	stream.linear.gather [hbm4b:s11+s3], $0x2000, $0x38;
	[tilespmem:$0xA9F0] =	vst v63  }
.LBB2_22:
0x2a: {  	v16 =	vmax.f32 v14, $9.999999960e-13  }
0x2b: {  	v17 =	vshra.s32 v16, $0x1  }
0x2c: {  	v17 =	vadd.s32 $0x1FBD1DF5, v17  }
0x2d: {  	(erf) = vrcp.f32 v17;
	_ =	sdelay $0x8  }
0x2e: {  	v18 =	vpop (erf)  }
0x2f: {  	v18 =	vmul.f32 v18, v16;
	_ =	sdelay $0x1  }
0x30: {  	v17 =	vadd.f32 v17, v18;
	_ =	sdelay $0x1  }
0x31: {  	v17 =	vmul.f32 $5.000000000e-01, v17;
	_ =	sdelay $0x1  }
0x32: {  	(erf) = vrcp.f32 v17;
	_ =	sdelay $0x8  }
0x33: {  	v28 =	vpop (erf)  }
0x34: {  	v18 =	vmul.f32 v28, v16;
	_ =	sdelay $0x1  }
0x35: {  	v17 =	vadd.f32 v18, v17;
	_ =	sdelay $0x1  }
0x36: {  	v17 =	vmul.f32 $5.000000000e-01, v17;
	_ =	sdelay $0x1  }
0x37: {  	(erf) = vrcp.f32 v17;
	_ =	sdelay $0x8  }
0x38: {  	v29 =	vpop (erf)  }
0x39: {  	v18 =	vmul.f32 v29, v16;
	_ =	sdelay $0x1  }
0x3a: {  	v17 =	vadd.f32 v18, v17;
	_ =	sdelay $0x1  }
0x3b: {  	v30 =	vmax.f32 v12, $9.999999960e-13;
	v17 =	vmul.f32 $5.000000000e-01, v17  }
0x3c: {  	v19 =	vshra.s32 v30, $0x1  }
0x3d: {  	v19 =	vadd.s32 $0x1FBD1DF5, v19;
	(erf) = vrcp.f32 v17  }
0x3e: {  	(erf) = vrcp.f32 v19;
	_ =	sdelay $0x7  }
0x3f: {  	v20 =	vpop (erf)  }
0x40: {  	v21 =	vpop (erf)  }
0x41: {  	v21 =	vmul.f32 v21, v30;
	_ =	sdelay $0x1  }
0x42: {  	v19 =	vadd.f32 v19, v21;
	_ =	sdelay $0x1  }
0x43: {  	v19 =	vmul.f32 $5.000000000e-01, v19;
	_ =	sdelay $0x1  }
0x44: {  	(erf) = vrcp.f32 v19;
	_ =	sdelay $0x8  }
0x45: {  	v31 =	vpop (erf)  }
0x46: {  	v21 =	vmul.f32 v31, v30;
	_ =	sdelay $0x1  }
0x47: {  	v19 =	vadd.f32 v21, v19;
	_ =	sdelay $0x1  }
0x48: {  	v19 =	vmul.f32 $5.000000000e-01, v19;
	_ =	sdelay $0x1  }
0x49: {  	(erf) = vrcp.f32 v19;
	_ =	sdelay $0x4  }
0x4a: {  	v32 =	vperm.xlane v15, v1  }
0x4b: {  	v22 =	vperm.xlane v14, v1;
	v23 =	vperm.xlane v13, v1  }
0x4c: {  	v34 =	vperm.xlane v12, v1;
	v39 =	vbroadcast v12, $0x0  }
0x4d: {  	v40 =	vperm.xlane v14, v5;
	v26 =	vbroadcast v14, $0xF;
	vm5 =	vlt.s32 v15, v32  }
0x4e: {  	vm4 =	veq.f32 v14, v22;
	vm11 =	vlt.s32 v13, v23;
	vm12 =	veq.f32 v12, v34;
	v24 =	vpop (erf)  }
0x4f: {  	v33 =	vsel vm5, v15, v32;
	v21 =	vsel vm5, v32, v15;
	v37 =	vmul.f32 v24, v30  }
0x50: {  	v36 =	vsel vm11, v13, v23;
	v23 =	vsel vm11, v23, v13;
	v21 =	vsel vm0, v33, v21  }
0x51: {  	v35 =	vsel vm4, v21, v15;
	v21 =	vsel vm0, v36, v23;
	v19 =	vadd.f32 v37, v19  }
0x52: {  	v45 =	vperm.xlane v12, v5;
	v38 =	vsel vm12, v21, v13;
	v25 =	vperm.xlane v35, v5  }
0x53: {  	v41 =	vbroadcast v38, $0x0;
	v19 =	vmul.f32 $5.000000000e-01, v19  }
0x54: {  	v47 =	vsel vm2, v26, v45;
	v43 =	vbroadcast v35, $0xF;
	v44 =	vperm.xlane v38, v5  }
0x55: {  	v21 =	vsel vm1, v39, v40;
	v42 =	vsel vm1, v41, v25;
	(erf) = vrcp.f32 v19  }
0x56: {  	vm13 =	veq.f32 v14, v21;
	v23 =	vsel vm2, v43, v44;
	vm6 =	vgt.s32 v35, v42  }
0x57: {  	vm7 =	vlt.s32 v38, v23;
	v25 =	vsel vm6, v42, v35;
	v22 =	vsel vm6, v35, v42  }
0x58: {  	v48 =	vsel vm7, v38, v23;
	v23 =	vsel vm7, v23, v38;
	v46 =	vsel vm0, v22, v25  }
0x59: {  	vm14 =	veq.f32 v12, v47;
	v49 =	vsel vm0, v23, v48;
	v14 =	vsel vm13, v46, v35  }
0x5a: {  	v12 =	vsel vm14, v49, v38;
	v50 =	vperm.xlane v14, v1  }
0x5b: {  	v16 =	vmul.f32 v20, v16;
	v51 =	vperm.xlane v12, v1  }
0x5c: {  	vm8 =	vlt.s32 v14, v50  }
0x5d: {  	v56 =	vadd.f32 v16, v17;
	vm15 =	vlt.s32 v12, v51;
	v52 =	vsel vm8, v14, v50  }
0x5e: {  	v13 =	vsel vm8, v50, v14;
	v53 =	vsel vm15, v12, v51;
	v15 =	vsel vm15, v51, v12;
	v54 =	vpop (erf)  }
0x5f: {  	v13 =	vsel vm0, v52, v13;
	v55 =	vsel vm0, v53, v15;
	v18 =	vmul.f32 v54, v30  }
0x60: {  	v13 =	vsel vm4, v13, v14;
	v12 =	vsel vm12, v55, v12  }
0x61: {  	v14 =	vmul.f32 $5.000000000e-01, v56;
	v58 =	vbroadcast v12, $0x0;
	v57 =	vadd.f32 v18, v19  }
0x62: {  	v59 =	vperm.xlane v13, v5;
	v60 =	vbroadcast v13, $0xF  }
0x63: {  	v61 =	vperm.xlane v12, v5;
	v15 =	vmul.f32 $5.000000000e-01, v57;
	_ =	sdelay $0x1  }
0x64: {  	v16 =	vsel vm1, v58, v59;
	v17 =	vsel vm2, v60, v61;
	v62 =	vadd.f32 v15, v14  }
0x65: {  	vm4 =	vgt.s32 v13, v16;
	vm2 =	vlt.s32 v12, v17  }
0x66: {  	v63 =	vsel vm4, v16, v13;
	v16 =	vsel vm4, v13, v16;
	v21 =	vperm.xlane v62, v1  }
0x67: {  	v22 =	vsel vm2, v12, v17;
	v16 =	vsel vm0, v16, v63  }
0x68: {  	v17 =	vsel vm2, v17, v12;
	v13 =	vsel vm13, v16, v13;
	v23 =	vadd.f32 v21, v62  }
0x69: {  	v16 =	vsel vm0, v17, v22;
	v24 =	vadd.s32 v0, v13  }
0x6a: {  	v12 =	vsel vm14, v16, v12;
	v25 =	vperm.xlane v23, v2  }
0x6b: {  	v26 =	vadd.s32 v0, v12  }
0x6c: {  	v16 =	vadd.f32 v25, v23  }
0x6d: {  	s1 =	smul.u32 $0xC, s28  }
0x6e: {  	[tilespmem:s20], [sflag:$0x2] =	stream.indirect_vreg.gather [hbm4b:s5+s3], $0x20, v24, vm3, $0xb8;
	v17 =	vperm.xlane v16, v3;
	[tilespmem:$0xA9F0] =	vst v63  }
0x6f: {  	s1 =	sshra.s32 s1, $0x2  }
0x70: {  	[tilespmem:s21], [sflag:$0x2] =	stream.indirect_vreg.gather [hbm4b:s5+s3], $0x20, v26, vm3, $0xb8;
	v16 =	vadd.f32 v17, v16;
	[tilespmem:$0xA9F0] =	vst v63  }
0x71: {  	v27 =	vld [tilespmem:s1+$0xA000]  }
0x72: {  	v28 =	vperm.xlane v16, v4  }
0x73: {  	v19 =	vld.idx.msk [tilespmem:v13+s14+$0x0], $0xffff  }
0x74: {  	v29 =	vld.idx.msk [tilespmem:v13+s16+$0x0], $0xffff;
	v16 =	vadd.f32 v28, v16  }
0x75: {  	v13 =	vld.idx.msk [tilespmem:v13+s17+$0x0], $0xffff  }
0x76: {  	v31 =	vld.idx.msk [tilespmem:v12+s14+$0x0], $0xffff;
	v30 =	vbroadcast v27, $0x0;
	(erf) = vrcp.f32 v16  }
0x77: {  	v33 =	vld.idx.msk [tilespmem:v12+s16+$0x0], $0xffff;
	v32 =	vbroadcast v27, $0x1  }
0x78: {  	v12 =	vld.idx.msk [tilespmem:v12+s17+$0x0], $0xffff;
	v19 =	vsub.f32 v19, v30;
	v17 =	vbroadcast v27, $0x2  }
0x79: {  	v18 =	vsub.f32 v29, v32  }
0x7a: {  	[tilespmem:v6+s22+$0x0] =	vst.idx.msk $0xffff, v19;
	v13 =	vsub.f32 v13, v17  }
0x7b: {  	[tilespmem:v7+s22+$0x0] =	vst.idx.msk $0xffff, v18;
	v16 =	vsub.f32 v31, v30  }
0x7c: {  	v7 =	vsub.f32 v33, v32;
	[tilespmem:v8+s22+$0x0] =	vst.idx.msk $0xffff, v13  }
0x7d: {  	v8 =	vsub.f32 v12, v17;
	[tilespmem:v9+s22+$0x0] =	vst.idx.msk $0xffff, v16  }
0x7e: {  	[tilespmem:v10+s22+$0x0] =	vst.idx.msk $0xffff, v7  }
0x7f: {  	[tilespmem:v11+s22+$0x0] =	vst.idx.msk $0xffff, v8;
	v34 =	vpop (erf)  }
0x80: {  	_ =	swait.ge [sflag:s23], $0x200  }
0x81: {  	[sflag:s23] =	ssyncset.done $0x0  }
0x82: {  	[sflag:s23] =	ssyncadd.s32 $0xFFFFFE00  }
0x83: {  	_ =	swait.ge [sflag:s23], $0x200  }
0x84: {  	[sflag:s23] =	ssyncset.done $0x0  }
0x85: {  	[sflag:s23] =	ssyncadd.s32 $0xFFFFFE00  }
0x86: {  	v35 =	vld [tilespmem:$0xA190]  }
0x87: {  	v36 =	vld [tilespmem:$0xA1A0]  }
0x88: {  	v37 =	vld [tilespmem:$0xA1B0]  }
0x89: {  	v7 =	vmul.f32 v34, v14;
	v38 =	vld [tilespmem:$0xA1C0]  }
0x8a: {  	v8 =	vmul.f32 v34, v15;
	v39 =	vld [tilespmem:$0xA1D0]  }
0x8b: {  	v40 =	vld [tilespmem:$0xA1E0];
	v10 =	vmul.f32 v35, v7  }
0x8c: {  	v41 =	vld [tilespmem:$0xA1F0];
	v11 =	vmul.f32 v36, v8  }
0x8d: {  	v43 =	vld [tilespmem:$0xA200];
	v42 =	vmul.f32 v37, v7;
	[tilespmem:$0xA593] =	vst v10  }
0x8e: {  	v45 =	vld [tilespmem:$0xA210];
	v44 =	vmul.f32 v38, v8;
	[tilespmem:$0xA5A3] =	vst v11  }
0x8f: {  	v48 =	vld [tilespmem:$0xA230];
	v9 =	vmul.f32 v39, v7;
	[tilespmem:$0xA5B6] =	vst v42  }
0x90: {  	v50 =	vld [tilespmem:$0xA240];
	v47 =	vmul.f32 v40, v8;
	[tilespmem:$0xA5C6] =	vst v44  }
0x91: {  	v52 =	vld [tilespmem:$0xA250];
	v49 =	vmul.f32 v41, v7;
	[tilespmem:$0xA5D9] =	vst v9  }
0x92: {  	v54 =	vld [tilespmem:$0xA260];
	v51 =	vmul.f32 v43, v8;
	[tilespmem:$0xA5E9] =	vst v47  }
0x93: {  	v55 =	vld [tilespmem:$0xA270];
	v53 =	vmul.f32 v45, v7;
	[tilespmem:$0xA5FC] =	vst v49  }
0x94: {  	v57 =	vld [tilespmem:$0xA280];
	v56 =	vmul.f32 v48, v7;
	[tilespmem:$0xA60C] =	vst v51  }
0x95: {  	v59 =	vld [tilespmem:$0xA290];
	v58 =	vmul.f32 v50, v8;
	[tilespmem:$0xA61F] =	vst v53  }
0x96: {  	v61 =	vld [tilespmem:$0xA2A0];
	v60 =	vmul.f32 v52, v7;
	[tilespmem:$0xA642] =	vst v56  }
0x97: {  	v63 =	vld [tilespmem:$0xA2B0];
	v62 =	vmul.f32 v54, v8;
	[tilespmem:$0xA652] =	vst v58  }
0x98: {  	v19 =	vld [tilespmem:$0xA2C0];
	v18 =	vmul.f32 v55, v7;
	[tilespmem:$0xA665] =	vst v60  }
0x99: {  	v21 =	vld [tilespmem:$0xA2D0];
	v20 =	vmul.f32 v57, v8;
	[tilespmem:$0xA675] =	vst v62  }
0x9a: {  	v23 =	vld [tilespmem:$0xA2E0];
	v22 =	vmul.f32 v59, v7;
	[tilespmem:$0xA688] =	vst v18  }
0x9b: {  	v25 =	vld [tilespmem:$0xA2F0];
	v24 =	vmul.f32 v61, v8;
	[tilespmem:$0xA698] =	vst v20  }
0x9c: {  	v27 =	vld [tilespmem:$0xA300];
	v26 =	vmul.f32 v63, v7;
	[tilespmem:$0xA6AB] =	vst v22  }
0x9d: {  	v29 =	vld [tilespmem:$0xA310];
	v28 =	vmul.f32 v19, v8;
	[tilespmem:$0xA6BB] =	vst v24  }
0x9e: {  	v31 =	vld [tilespmem:$0xA320];
	v30 =	vmul.f32 v21, v7;
	[tilespmem:$0xA6CE] =	vst v26  }
0x9f: {  	v46 =	vld [tilespmem:$0xA220];
	v32 =	vmul.f32 v23, v8;
	[tilespmem:$0xA6DE] =	vst v28  }
0xa0: {  	v33 =	vld [tilespmem:$0xA330];
	v34 =	vmul.f32 v25, v7;
	[tilespmem:$0xA6F1] =	vst v30  }
0xa1: {  	v35 =	vld [tilespmem:$0xA340];
	v36 =	vmul.f32 v27, v8;
	[tilespmem:$0xA701] =	vst v32  }
0xa2: {  	v37 =	vld [tilespmem:$0xA350];
	v38 =	vmul.f32 v29, v7;
	[tilespmem:$0xA714] =	vst v34  }
0xa3: {  	v39 =	vld [tilespmem:$0xA360];
	v40 =	vmul.f32 v31, v8;
	[tilespmem:$0xA724] =	vst v36  }
0xa4: {  	v41 =	vld [tilespmem:$0xA370];
	v10 =	vmul.f32 v46, v8;
	[tilespmem:$0xA737] =	vst v38  }
0xa5: {  	v43 =	vld [tilespmem:$0xA380];
	v42 =	vmul.f32 v33, v7;
	[tilespmem:$0xA747] =	vst v40  }
0xa6: {  	v45 =	vld [tilespmem:$0xA390];
	[tilespmem:$0xA62F] =	vst v10;
	v44 =	vmul.f32 v35, v8  }
0xa7: {  	v55 =	vld [tilespmem:$0xA3E0];
	[tilespmem:$0xA75A] =	vst v42;
	v46 =	vmul.f32 v37, v7  }
0xa8: {  	v57 =	vld [tilespmem:$0xA3F0];
	v48 =	vmul.f32 v39, v8;
	[tilespmem:$0xA76A] =	vst v44  }
0xa9: {  	v59 =	vld [tilespmem:$0xA400];
	v50 =	vmul.f32 v41, v7;
	[tilespmem:$0xA77D] =	vst v46  }
0xaa: {  	v61 =	vld [tilespmem:$0xA410];
	v52 =	vmul.f32 v43, v8;
	[tilespmem:$0xA78D] =	vst v48  }
0xab: {  	v63 =	vld [tilespmem:$0xA420];
	v54 =	vmul.f32 v45, v7;
	[tilespmem:$0xA7A0] =	vst v50  }
0xac: {  	v47 =	vld [tilespmem:$0xA3A0];
	v17 =	vmul.f32 v55, v8;
	[tilespmem:$0xA7B0] =	vst v52  }
0xad: {  	v49 =	vld [tilespmem:$0xA3B0];
	v19 =	vmul.f32 v57, v7;
	[tilespmem:$0xA7C3] =	vst v54  }
0xae: {  	v51 =	vld [tilespmem:$0xA3C0];
	v21 =	vmul.f32 v59, v8;
	[tilespmem:$0xA819] =	vst v17  }
0xaf: {  	v53 =	vld [tilespmem:$0xA3D0];
	v23 =	vmul.f32 v61, v7;
	[tilespmem:$0xA82C] =	vst v19  }
0xb0: {  	v18 =	vld [tilespmem:$0xA430];
	v25 =	vmul.f32 v63, v8;
	[tilespmem:$0xA83C] =	vst v21  }
0xb1: {  	v20 =	vld [tilespmem:$0xA440];
	v56 =	vmul.f32 v47, v8;
	[tilespmem:$0xA84F] =	vst v23  }
0xb2: {  	v22 =	vld [tilespmem:$0xA450];
	v58 =	vmul.f32 v49, v7;
	[tilespmem:$0xA85F] =	vst v25  }
0xb3: {  	v24 =	vld [tilespmem:$0xA460];
	v60 =	vmul.f32 v51, v8;
	[tilespmem:$0xA7D3] =	vst v56  }
0xb4: {  	v26 =	vld [tilespmem:$0xA470];
	v62 =	vmul.f32 v53, v7;
	[tilespmem:$0xA7E6] =	vst v58  }
0xb5: {  	v28 =	vld [tilespmem:$0xA480];
	v27 =	vmul.f32 v18, v7;
	[tilespmem:$0xA7F6] =	vst v60  }
0xb6: {  	v30 =	vld [tilespmem:$0xA490];
	v29 =	vmul.f32 v20, v8;
	[tilespmem:$0xA809] =	vst v62  }
0xb7: {  	v32 =	vld [tilespmem:$0xA4A0];
	v31 =	vmul.f32 v22, v7;
	[tilespmem:$0xA872] =	vst v27  }
0xb8: {  	v34 =	vld [tilespmem:$0xA4B0];
	v33 =	vmul.f32 v24, v8;
	[tilespmem:$0xA882] =	vst v29  }
0xb9: {  	v36 =	vld [tilespmem:$0xA4C0];
	v35 =	vmul.f32 v26, v7;
	[tilespmem:$0xA895] =	vst v31  }
0xba: {  	v38 =	vld [tilespmem:$0xA4D0];
	v37 =	vmul.f32 v28, v8;
	[tilespmem:$0xA8A5] =	vst v33  }
0xbb: {  	v40 =	vld [tilespmem:$0xA4E0];
	v39 =	vmul.f32 v30, v7;
	[tilespmem:$0xA8B8] =	vst v35  }
0xbc: {  	v42 =	vld [tilespmem:$0xA4F0];
	v41 =	vmul.f32 v32, v8;
	[tilespmem:$0xA8C8] =	vst v37  }
0xbd: {  	v43 =	vmul.f32 v34, v7;
	v44 =	vld [tilespmem:$0xA500];
	[tilespmem:$0xA8DB] =	vst v39  }
0xbe: {  	v45 =	vmul.f32 v36, v8;
	v46 =	vld [tilespmem:$0xA510];
	[tilespmem:$0xA8EB] =	vst v41  }
0xbf: {  	v47 =	vmul.f32 v38, v7;
	v48 =	vld [tilespmem:$0xA520];
	[tilespmem:$0xA8FE] =	vst v43  }
0xc0: {  	v49 =	vmul.f32 v40, v8;
	v50 =	vld [tilespmem:$0xA530];
	[tilespmem:$0xA90E] =	vst v45  }
0xc1: {  	v52 =	vld [tilespmem:$0xA540];
	[tilespmem:$0xA921] =	vst v47;
	v51 =	vmul.f32 v42, v7  }
0xc2: {  	v54 =	vld [tilespmem:$0xA550];
	[tilespmem:$0xA931] =	vst v49;
	v53 =	vmul.f32 v44, v8  }
0xc3: {  	v56 =	vld [tilespmem:$0xA560];
	[tilespmem:$0xA944] =	vst v51;
	v55 =	vmul.f32 v46, v7  }
0xc4: {  	v58 =	vld [tilespmem:$0xA570];
	v57 =	vmul.f32 v48, v8;
	[tilespmem:$0xA954] =	vst v53  }
0xc5: {  	v60 =	vld [tilespmem:$0xA580];
	v59 =	vmul.f32 v50, v7;
	[tilespmem:$0xA967] =	vst v55  }
0xc6: {  	v61 =	vmul.f32 v52, v8;
	[tilespmem:$0xA977] =	vst v57  }
0xc7: {  	v62 =	vmul.f32 v54, v7;
	[tilespmem:$0xA98A] =	vst v59  }
0xc8: {  	[tilespmem:$0xA99A] =	vst v61;
	v63 =	vmul.f32 v56, v8  }
0xc9: {  	[tilespmem:$0xA9AD] =	vst v62;
	v7 =	vmul.f32 v58, v7  }
0xca: {  	s31 =	smul.u32 $0x8C, s26;
	s25 =	sadd.s32 $0x1, s25;
	v8 =	vmul.f32 v60, v8;
	[tilespmem:$0xA9BD] =	vst v63  }
0xcb: {  	p0 =	sne.s32 s25, $0x40;
	[tilespmem:$0xA9D0] =	vst v7  }
.Ltmp3:
0xcc: {  	s1 =	sadd.s32 s2, s31;
	[tilespmem:$0xA9E0] =	vst v8;
	(pc) =	sbr.rel @!p0 .LBB2_23-.Ltmp3, $4  }
0xcd: {  	[hbm4b:s1+s3] =	stream.linear.scatter [tilespmem:s22], [sflag:$0x3], $0x460, $0x38;
	[tilespmem:$0xA9F0] =	vst v63  }
0xce: {  	_ =	swait.ge [sflag:s15], $0x460  }
0xcf: {  	[sflag:s15] =	ssyncset.done $0x0  }
0xd0: {  	[sflag:s15] =	ssyncadd.s32 $0xFFFFFBA0  }
.LBB2_2:
0xd1: {  	s26 =	sshll.u32 s25, $0x1  }
.Ltmp4:
0xd2: {  	_ =	swait.ge [sflag:s4], $0x2000;
	s28 =	sor.u32 s10, s26;
	(pc) =	sbr.rel .LBB2_3-.Ltmp4, $4  }
0xd3: {  	[sflag:s4] =	ssyncset.done $0x0;
	s29 =	sshll.u32 s28, $0xA  }
0xd4: {  	[sflag:s4] =	ssyncadd.s32 $0xFFFFE000;
	s30 =	sadd.s32 s29, s12;
	s29 =	simm.s32 $0x0  }
0xd5: {  	v8 =	vimm.s32 $0x0;
	v11 =	vimm.f32 $+Inf;
	[tilespmem:s19], [sflag:$0x1] =	stream.linear.gather [hbm4b:s30+s29], $0x2000, $0x38;
	[tilespmem:$0xA9F0] =	vst v63  }
0xd6: {  	s31 =	simm.s32 $0x40;
	v10 =	vimm.s32 $0x0;
	v7 =	vimm.f32 $+Inf;
	v9 =	vimm.f32 $+Inf;
	s30 =	simm.s32 $0xFFFFFFFC  }
.LBB2_11:
0xd7: {  	s30 =	sadd.s32 $0x4, s30  }
0xd8: {  	p0 =	slt.u32 s30, $0xFC  }
.Ltmp5:
0xd9: {  	_ = 	snop;
	(pc) =	sbr.rel @!p0 .LBB2_12-.Ltmp5, $2  }
0xda: {  	_ =	sdelay $0x2  }
0xdb: {  	s29 =	sadd.s32 $0x80, s29;
	s31 =	sadd.s32 $0x80, s31  }
.LBB2_3:
0xdc: {  	v13 =	vld [tilespmem:s31+$0xFFFFFFC0]  }
0xdd: {  	v12 =	vld [tilespmem:s31+$0xFFFFFFD0];
	_ =	sdelay $0x4  }
0xde: {  	v14 =	vmin.f32 v13, v12  }
0xdf: {  	vm2 =	vlt.f32 v14, v11  }
0xe0: {  	v14 =	vmpcnt.ones.xlane vm2;
	_ =	sdelay $0x1  }
0xe1: {  	(v2sf) =	vpush v14, $0x0;
	_ =	sdelay $0xe  }
0xe2: {  	s1 =	spop (v2sf)  }
0xe3: {  	p0 =	slt.s32 s1, $0x1  }
.Ltmp6:
0xe4: {  	_ = 	snop;
	(pc) =	sbr.rel @p0 .LBB2_5-.Ltmp6, $1  }
0xe5: {  	_ =	sdelay $0x3  }
0xe6: {  	vm2 =	vlt.f32 v13, v11  }
0xe7: {  	v14 =	vmpcnt.ones.xlane vm2;
	_ =	sdelay $0x1  }
0xe8: {  	(v2sf) =	vpush v14, $0x0;
	_ =	sdelay $0xe  }
0xe9: {  	s1 =	spop (v2sf)  }
0xea: {  	p0 =	slt.s32 s1, $0x1  }
0xeb: {  	v14 =	vlaneseq.u32 @!p0  }
0xec: {  	vm2 =	vlt.f32 @!p0 v13, v11;
	v15 =	vor.u32 @!p0 s29, v14  }
0xed: {  	v13 =	vnsel @!p0 vm2, $0x7F800000, v13;
	v15 =	vnsel @!p0 vm2, $0x0, v15  }
0xee: {  	(xrf1) =	vsort.ascd.msk.f32 @!p0 $0xffff, v13, v15;
	_ =	sdelay $0xb  }
0xef: {  	v13 =	vmul.u32 @!p0 $0xFFFFFFFF, v14;
	_ =	sdelay $0x1  }
0xf0: {  	v13 =	vadd.s32 @!p0 $0xF, v13;
	v14, v15, _ =	vpop @!p0 (xrf1)  }
0xf1: {  	v14 =	vperm.xlane @!p0 v14, v13  }
0xf2: {  	v15 =	vperm.xlane @!p0 v15, v13  }
0xf3: {  	vm2 =	vle.f32 @!p0 v9, v14  }
0xf4: {  	v16 =	vmin.f32 @!p0 v9, v14;
	v17 =	vsel @!p0 vm2, v10, v15  }
0xf5: {  	v14 =	vmax.f32 @!p0 v9, v14;
	v15 =	vsel @!p0 vm2, v15, v10;
	(xrf1) =	vsort.ascd.msk.f32 @!p0 $0xffff, v16, v17  }
0xf6: {  	(xrf1) =	vsort.ascd.msk.f32 @!p0 $0xffff, v14, v15;
	_ =	sdelay $0xc  }
0xf7: {  	v14, v15, _ =	vpop @!p0 (xrf1)  }
0xf8: {  	v16, v17, _ =	vpop @!p0 (xrf1)  }
0xf9: {  	v16 =	vperm.xlane @!p0 v16, v13  }
0xfa: {  	v13 =	vperm.xlane @!p0 v17, v13  }
0xfb: {  	vm2 =	vle.f32 @!p0 v7, v16  }
0xfc: {  	v16 =	vmin.f32 @!p0 v7, v16;
	v13 =	vsel @!p0 vm2, v8, v13  }
0xfd: {  	(xrf1) =	vsort.ascd.msk.f32 @!p0 $0xffff, v16, v13;
	_ =	sdelay $0xd  }
0xfe: {  	v13, v16, _ =	vpop @!p0 (xrf1)  }
0xff: {  	v17 =	vbroadcast @!p0 v13, $0xF;
	_ =	sdelay $0x1  }
0x100: {  	v11 =	vpsel p0, v11, v17  }
0x101: {  	vm2 =	vlt.f32 v12, v11  }
0x102: {  	v63 =	vmpcnt.ones.xlane vm2;
	_ =	sdelay $0x1  }
0x103: {  	(v2sf) =	vpush v63, $0x0;
	_ =	sdelay $0xe  }
0x104: {  	s1 =	spop (v2sf)  }
0x105: {  	p1 =	slt.s32 s1, $0x1  }
0x106: {  	s1 =	sadd.s32 $0x10, s29;
	v17 =	vlaneseq.u32 @!p1  }
0x107: {  	vm2 =	vlt.f32 @!p1 v12, v11;
	v18 =	vor.u32 @!p1 s1, v17  }
0x108: {  	v12 =	vnsel @!p1 vm2, $0x7F800000, v12;
	v18 =	vnsel @!p1 vm2, $0x0, v18  }
0x109: {  	(xrf1) =	vsort.ascd.msk.f32 @!p1 $0xffff, v12, v18;
	_ =	sdelay $0xb  }
0x10a: {  	v12 =	vmul.u32 @!p1 $0xFFFFFFFF, v17;
	_ =	sdelay $0x1  }
0x10b: {  	v12 =	vadd.s32 @!p1 $0xF, v12;
	v17, v18, _ =	vpop @!p1 (xrf1)  }
0x10c: {  	v17 =	vperm.xlane @!p1 v17, v12  }
0x10d: {  	v9 =	vpsel p0, v9, v14;
	v14 =	vperm.xlane @!p1 v18, v12  }
0x10e: {  	v10 =	vpsel p0, v10, v15;
	vm2 =	vle.f32 @!p1 v9, v17  }
0x10f: {  	v15 =	vmin.f32 @!p1 v9, v17;
	v18 =	vsel @!p1 vm2, v10, v14  }
0x110: {  	v17 =	vmax.f32 @!p1 v9, v17;
	v14 =	vsel @!p1 vm2, v14, v10;
	(xrf1) =	vsort.ascd.msk.f32 @!p1 $0xffff, v15, v18  }
0x111: {  	(xrf1) =	vsort.ascd.msk.f32 @!p1 $0xffff, v17, v14;
	_ =	sdelay $0xc  }
0x112: {  	v14, v15, _ =	vpop @!p1 (xrf1)  }
0x113: {  	v17, v18, _ =	vpop @!p1 (xrf1)  }
0x114: {  	v17 =	vperm.xlane @!p1 v17, v12  }
0x115: {  	v7 =	vpsel p0, v7, v13;
	v12 =	vperm.xlane @!p1 v18, v12  }
0x116: {  	v8 =	vpsel p0, v8, v16;
	vm2 =	vle.f32 @!p1 v7, v17  }
0x117: {  	v13 =	vmin.f32 @!p1 v7, v17;
	v12 =	vsel @!p1 vm2, v8, v12  }
0x118: {  	(xrf1) =	vsort.ascd.msk.f32 @!p1 $0xffff, v13, v12;
	_ =	sdelay $0xd  }
0x119: {  	v12, v13, _ =	vpop @!p1 (xrf1)  }
0x11a: {  	v16 =	vbroadcast @!p1 v12, $0xF  }
0x11b: {  	v9 =	vpsel p1, v9, v14;
	v10 =	vpsel p1, v10, v15  }
0x11c: {  	v7 =	vpsel p1, v7, v12;
	v8 =	vpsel p1, v8, v13;
	v11 =	vpsel p1, v11, v16  }
.LBB2_5:
0x11d: {  	v13 =	vld [tilespmem:s31+$0xFFFFFFE0]  }
0x11e: {  	v12 =	vld [tilespmem:s31+$0xFFFFFFF0];
	_ =	sdelay $0x4  }
0x11f: {  	v14 =	vmin.f32 v13, v12  }
0x120: {  	vm2 =	vlt.f32 v14, v11  }
0x121: {  	v14 =	vmpcnt.ones.xlane vm2;
	_ =	sdelay $0x1  }
0x122: {  	(v2sf) =	vpush v14, $0x0;
	_ =	sdelay $0xe  }
0x123: {  	s1 =	spop (v2sf)  }
0x124: {  	p0 =	slt.s32 s1, $0x1  }
.Ltmp7:
0x125: {  	_ = 	snop;
	(pc) =	sbr.rel @p0 .LBB2_7-.Ltmp7, $1  }
0x126: {  	_ =	sdelay $0x3  }
0x127: {  	vm2 =	vlt.f32 v13, v11  }
0x128: {  	v14 =	vmpcnt.ones.xlane vm2;
	_ =	sdelay $0x1  }
0x129: {  	(v2sf) =	vpush v14, $0x0;
	_ =	sdelay $0xe  }
0x12a: {  	s1 =	spop (v2sf)  }
0x12b: {  	p0 =	slt.s32 s1, $0x1  }
0x12c: {  	s1 =	sadd.s32 $0x20, s29;
	v14 =	vlaneseq.u32 @!p0  }
0x12d: {  	vm2 =	vlt.f32 @!p0 v13, v11;
	v15 =	vor.u32 @!p0 s1, v14  }
0x12e: {  	v13 =	vnsel @!p0 vm2, $0x7F800000, v13;
	v15 =	vnsel @!p0 vm2, $0x0, v15  }
0x12f: {  	(xrf1) =	vsort.ascd.msk.f32 @!p0 $0xffff, v13, v15;
	_ =	sdelay $0xb  }
0x130: {  	v13 =	vmul.u32 @!p0 $0xFFFFFFFF, v14;
	_ =	sdelay $0x1  }
0x131: {  	v13 =	vadd.s32 @!p0 $0xF, v13;
	v14, v15, _ =	vpop @!p0 (xrf1)  }
0x132: {  	v14 =	vperm.xlane @!p0 v14, v13  }
0x133: {  	v15 =	vperm.xlane @!p0 v15, v13  }
0x134: {  	vm2 =	vle.f32 @!p0 v9, v14  }
0x135: {  	v16 =	vmin.f32 @!p0 v9, v14;
	v17 =	vsel @!p0 vm2, v10, v15  }
0x136: {  	v14 =	vmax.f32 @!p0 v9, v14;
	v15 =	vsel @!p0 vm2, v15, v10;
	(xrf1) =	vsort.ascd.msk.f32 @!p0 $0xffff, v16, v17  }
0x137: {  	(xrf1) =	vsort.ascd.msk.f32 @!p0 $0xffff, v14, v15;
	_ =	sdelay $0xc  }
0x138: {  	v14, v15, _ =	vpop @!p0 (xrf1)  }
0x139: {  	v16, v17, _ =	vpop @!p0 (xrf1)  }
0x13a: {  	v16 =	vperm.xlane @!p0 v16, v13  }
0x13b: {  	v13 =	vperm.xlane @!p0 v17, v13  }
0x13c: {  	vm2 =	vle.f32 @!p0 v7, v16  }
0x13d: {  	v16 =	vmin.f32 @!p0 v7, v16;
	v13 =	vsel @!p0 vm2, v8, v13  }
0x13e: {  	(xrf1) =	vsort.ascd.msk.f32 @!p0 $0xffff, v16, v13;
	_ =	sdelay $0xd  }
0x13f: {  	v13, v16, _ =	vpop @!p0 (xrf1)  }
0x140: {  	v17 =	vbroadcast @!p0 v13, $0xF;
	_ =	sdelay $0x1  }
0x141: {  	v11 =	vpsel p0, v11, v17  }
0x142: {  	vm2 =	vlt.f32 v12, v11  }
0x143: {  	v63 =	vmpcnt.ones.xlane vm2;
	_ =	sdelay $0x1  }
0x144: {  	(v2sf) =	vpush v63, $0x0;
	_ =	sdelay $0xe  }
0x145: {  	s1 =	spop (v2sf)  }
0x146: {  	p1 =	slt.s32 s1, $0x1  }
0x147: {  	s1 =	sadd.s32 $0x30, s29;
	v17 =	vlaneseq.u32 @!p1  }
0x148: {  	vm2 =	vlt.f32 @!p1 v12, v11;
	v18 =	vor.u32 @!p1 s1, v17  }
0x149: {  	v12 =	vnsel @!p1 vm2, $0x7F800000, v12;
	v18 =	vnsel @!p1 vm2, $0x0, v18  }
0x14a: {  	(xrf1) =	vsort.ascd.msk.f32 @!p1 $0xffff, v12, v18;
	_ =	sdelay $0xb  }
0x14b: {  	v12 =	vmul.u32 @!p1 $0xFFFFFFFF, v17;
	_ =	sdelay $0x1  }
0x14c: {  	v12 =	vadd.s32 @!p1 $0xF, v12;
	v17, v18, _ =	vpop @!p1 (xrf1)  }
0x14d: {  	v17 =	vperm.xlane @!p1 v17, v12  }
0x14e: {  	v9 =	vpsel p0, v9, v14;
	v14 =	vperm.xlane @!p1 v18, v12  }
0x14f: {  	v10 =	vpsel p0, v10, v15;
	vm2 =	vle.f32 @!p1 v9, v17  }
0x150: {  	v15 =	vmin.f32 @!p1 v9, v17;
	v18 =	vsel @!p1 vm2, v10, v14  }
0x151: {  	v17 =	vmax.f32 @!p1 v9, v17;
	v14 =	vsel @!p1 vm2, v14, v10;
	(xrf1) =	vsort.ascd.msk.f32 @!p1 $0xffff, v15, v18  }
0x152: {  	(xrf1) =	vsort.ascd.msk.f32 @!p1 $0xffff, v17, v14;
	_ =	sdelay $0xc  }
0x153: {  	v14, v15, _ =	vpop @!p1 (xrf1)  }
0x154: {  	v17, v18, _ =	vpop @!p1 (xrf1)  }
0x155: {  	v17 =	vperm.xlane @!p1 v17, v12  }
0x156: {  	v7 =	vpsel p0, v7, v13;
	v12 =	vperm.xlane @!p1 v18, v12  }
0x157: {  	v8 =	vpsel p0, v8, v16;
	vm2 =	vle.f32 @!p1 v7, v17  }
0x158: {  	v13 =	vmin.f32 @!p1 v7, v17;
	v12 =	vsel @!p1 vm2, v8, v12  }
0x159: {  	(xrf1) =	vsort.ascd.msk.f32 @!p1 $0xffff, v13, v12;
	_ =	sdelay $0xd  }
0x15a: {  	v12, v13, _ =	vpop @!p1 (xrf1)  }
0x15b: {  	v16 =	vbroadcast @!p1 v12, $0xF  }
0x15c: {  	v9 =	vpsel p1, v9, v14;
	v10 =	vpsel p1, v10, v15  }
0x15d: {  	v7 =	vpsel p1, v7, v12;
	v8 =	vpsel p1, v8, v13;
	v11 =	vpsel p1, v11, v16  }
.LBB2_7:
0x15e: {  	v13 =	vld [tilespmem:s31+$0x0]  }
0x15f: {  	v12 =	vld [tilespmem:s31+$0x10];
	_ =	sdelay $0x4  }
0x160: {  	v14 =	vmin.f32 v13, v12  }
0x161: {  	vm2 =	vlt.f32 v14, v11  }
0x162: {  	v14 =	vmpcnt.ones.xlane vm2;
	_ =	sdelay $0x1  }
0x163: {  	(v2sf) =	vpush v14, $0x0;
	_ =	sdelay $0xe  }
0x164: {  	s1 =	spop (v2sf)  }
0x165: {  	p0 =	slt.s32 s1, $0x1  }
.Ltmp8:
0x166: {  	_ = 	snop;
	(pc) =	sbr.rel @p0 .LBB2_9-.Ltmp8, $1  }
0x167: {  	_ =	sdelay $0x3  }
0x168: {  	vm2 =	vlt.f32 v13, v11  }
0x169: {  	v14 =	vmpcnt.ones.xlane vm2;
	_ =	sdelay $0x1  }
0x16a: {  	(v2sf) =	vpush v14, $0x0;
	_ =	sdelay $0xe  }
0x16b: {  	s1 =	spop (v2sf)  }
0x16c: {  	p0 =	slt.s32 s1, $0x1  }
0x16d: {  	s1 =	sadd.s32 $0x40, s29;
	v14 =	vlaneseq.u32 @!p0  }
0x16e: {  	vm2 =	vlt.f32 @!p0 v13, v11;
	v15 =	vor.u32 @!p0 s1, v14  }
0x16f: {  	v13 =	vnsel @!p0 vm2, $0x7F800000, v13;
	v15 =	vnsel @!p0 vm2, $0x0, v15  }
0x170: {  	(xrf1) =	vsort.ascd.msk.f32 @!p0 $0xffff, v13, v15;
	_ =	sdelay $0xb  }
0x171: {  	v13 =	vmul.u32 @!p0 $0xFFFFFFFF, v14;
	_ =	sdelay $0x1  }
0x172: {  	v13 =	vadd.s32 @!p0 $0xF, v13;
	v14, v15, _ =	vpop @!p0 (xrf1)  }
0x173: {  	v14 =	vperm.xlane @!p0 v14, v13  }
0x174: {  	v15 =	vperm.xlane @!p0 v15, v13  }
0x175: {  	vm2 =	vle.f32 @!p0 v9, v14  }
0x176: {  	v16 =	vmin.f32 @!p0 v9, v14;
	v17 =	vsel @!p0 vm2, v10, v15  }
0x177: {  	v14 =	vmax.f32 @!p0 v9, v14;
	v15 =	vsel @!p0 vm2, v15, v10;
	(xrf1) =	vsort.ascd.msk.f32 @!p0 $0xffff, v16, v17  }
0x178: {  	(xrf1) =	vsort.ascd.msk.f32 @!p0 $0xffff, v14, v15;
	_ =	sdelay $0xc  }
0x179: {  	v14, v15, _ =	vpop @!p0 (xrf1)  }
0x17a: {  	v16, v17, _ =	vpop @!p0 (xrf1)  }
0x17b: {  	v16 =	vperm.xlane @!p0 v16, v13  }
0x17c: {  	v13 =	vperm.xlane @!p0 v17, v13  }
0x17d: {  	vm2 =	vle.f32 @!p0 v7, v16  }
0x17e: {  	v16 =	vmin.f32 @!p0 v7, v16;
	v13 =	vsel @!p0 vm2, v8, v13  }
0x17f: {  	(xrf1) =	vsort.ascd.msk.f32 @!p0 $0xffff, v16, v13;
	_ =	sdelay $0xd  }
0x180: {  	v13, v16, _ =	vpop @!p0 (xrf1)  }
0x181: {  	v17 =	vbroadcast @!p0 v13, $0xF;
	_ =	sdelay $0x1  }
0x182: {  	v11 =	vpsel p0, v11, v17  }
0x183: {  	vm2 =	vlt.f32 v12, v11  }
0x184: {  	v63 =	vmpcnt.ones.xlane vm2;
	_ =	sdelay $0x1  }
0x185: {  	(v2sf) =	vpush v63, $0x0;
	_ =	sdelay $0xe  }
0x186: {  	s1 =	spop (v2sf)  }
0x187: {  	p1 =	slt.s32 s1, $0x1  }
0x188: {  	s1 =	sadd.s32 $0x50, s29;
	v17 =	vlaneseq.u32 @!p1  }
0x189: {  	vm2 =	vlt.f32 @!p1 v12, v11;
	v18 =	vor.u32 @!p1 s1, v17  }
0x18a: {  	v12 =	vnsel @!p1 vm2, $0x7F800000, v12;
	v18 =	vnsel @!p1 vm2, $0x0, v18  }
0x18b: {  	(xrf1) =	vsort.ascd.msk.f32 @!p1 $0xffff, v12, v18;
	_ =	sdelay $0xb  }
0x18c: {  	v12 =	vmul.u32 @!p1 $0xFFFFFFFF, v17;
	_ =	sdelay $0x1  }
0x18d: {  	v12 =	vadd.s32 @!p1 $0xF, v12;
	v17, v18, _ =	vpop @!p1 (xrf1)  }
0x18e: {  	v17 =	vperm.xlane @!p1 v17, v12  }
0x18f: {  	v9 =	vpsel p0, v9, v14;
	v14 =	vperm.xlane @!p1 v18, v12  }
0x190: {  	v10 =	vpsel p0, v10, v15;
	vm2 =	vle.f32 @!p1 v9, v17  }
0x191: {  	v15 =	vmin.f32 @!p1 v9, v17;
	v18 =	vsel @!p1 vm2, v10, v14  }
0x192: {  	v17 =	vmax.f32 @!p1 v9, v17;
	v14 =	vsel @!p1 vm2, v14, v10;
	(xrf1) =	vsort.ascd.msk.f32 @!p1 $0xffff, v15, v18  }
0x193: {  	(xrf1) =	vsort.ascd.msk.f32 @!p1 $0xffff, v17, v14;
	_ =	sdelay $0xc  }
0x194: {  	v14, v15, _ =	vpop @!p1 (xrf1)  }
0x195: {  	v17, v18, _ =	vpop @!p1 (xrf1)  }
0x196: {  	v17 =	vperm.xlane @!p1 v17, v12  }
0x197: {  	v7 =	vpsel p0, v7, v13;
	v12 =	vperm.xlane @!p1 v18, v12  }
0x198: {  	v8 =	vpsel p0, v8, v16;
	vm2 =	vle.f32 @!p1 v7, v17  }
0x199: {  	v13 =	vmin.f32 @!p1 v7, v17;
	v12 =	vsel @!p1 vm2, v8, v12  }
0x19a: {  	(xrf1) =	vsort.ascd.msk.f32 @!p1 $0xffff, v13, v12;
	_ =	sdelay $0xd  }
0x19b: {  	v12, v13, _ =	vpop @!p1 (xrf1)  }
0x19c: {  	v16 =	vbroadcast @!p1 v12, $0xF  }
0x19d: {  	v9 =	vpsel p1, v9, v14;
	v10 =	vpsel p1, v10, v15  }
0x19e: {  	v7 =	vpsel p1, v7, v12;
	v8 =	vpsel p1, v8, v13;
	v11 =	vpsel p1, v11, v16  }
.LBB2_9:
0x19f: {  	v13 =	vld [tilespmem:s31+$0x20]  }
0x1a0: {  	v12 =	vld [tilespmem:s31+$0x30];
	_ =	sdelay $0x4  }
0x1a1: {  	v14 =	vmin.f32 v13, v12  }
0x1a2: {  	vm2 =	vlt.f32 v14, v11  }
0x1a3: {  	v14 =	vmpcnt.ones.xlane vm2;
	_ =	sdelay $0x1  }
0x1a4: {  	(v2sf) =	vpush v14, $0x0;
	_ =	sdelay $0xe  }
0x1a5: {  	s1 =	spop (v2sf)  }
0x1a6: {  	p0 =	slt.s32 s1, $0x1  }
.Ltmp9:
0x1a7: {  	_ = 	snop;
	(pc) =	sbr.rel @p0 .LBB2_11-.Ltmp9, $1  }
0x1a8: {  	_ =	sdelay $0x3  }
0x1a9: {  	vm2 =	vlt.f32 v13, v11  }
0x1aa: {  	v14 =	vmpcnt.ones.xlane vm2;
	_ =	sdelay $0x1  }
0x1ab: {  	(v2sf) =	vpush v14, $0x0;
	_ =	sdelay $0xe  }
0x1ac: {  	s1 =	spop (v2sf)  }
0x1ad: {  	p0 =	slt.s32 s1, $0x1  }
0x1ae: {  	s1 =	sadd.s32 $0x60, s29;
	v14 =	vlaneseq.u32 @!p0  }
0x1af: {  	vm2 =	vlt.f32 @!p0 v13, v11;
	v15 =	vor.u32 @!p0 s1, v14  }
0x1b0: {  	v13 =	vnsel @!p0 vm2, $0x7F800000, v13;
	v15 =	vnsel @!p0 vm2, $0x0, v15  }
0x1b1: {  	(xrf1) =	vsort.ascd.msk.f32 @!p0 $0xffff, v13, v15;
	_ =	sdelay $0xb  }
0x1b2: {  	v13 =	vmul.u32 @!p0 $0xFFFFFFFF, v14;
	_ =	sdelay $0x1  }
0x1b3: {  	v13 =	vadd.s32 @!p0 $0xF, v13;
	v14, v15, _ =	vpop @!p0 (xrf1)  }
0x1b4: {  	v14 =	vperm.xlane @!p0 v14, v13  }
0x1b5: {  	v15 =	vperm.xlane @!p0 v15, v13  }
0x1b6: {  	vm2 =	vle.f32 @!p0 v9, v14  }
0x1b7: {  	v16 =	vmin.f32 @!p0 v9, v14;
	v17 =	vsel @!p0 vm2, v10, v15  }
0x1b8: {  	v14 =	vmax.f32 @!p0 v9, v14;
	v15 =	vsel @!p0 vm2, v15, v10;
	(xrf1) =	vsort.ascd.msk.f32 @!p0 $0xffff, v16, v17  }
0x1b9: {  	(xrf1) =	vsort.ascd.msk.f32 @!p0 $0xffff, v14, v15;
	_ =	sdelay $0xc  }
0x1ba: {  	v14, v15, _ =	vpop @!p0 (xrf1)  }
0x1bb: {  	v16, v17, _ =	vpop @!p0 (xrf1)  }
0x1bc: {  	v16 =	vperm.xlane @!p0 v16, v13  }
0x1bd: {  	v13 =	vperm.xlane @!p0 v17, v13  }
0x1be: {  	vm2 =	vle.f32 @!p0 v7, v16  }
0x1bf: {  	v16 =	vmin.f32 @!p0 v7, v16;
	v13 =	vsel @!p0 vm2, v8, v13  }
0x1c0: {  	(xrf1) =	vsort.ascd.msk.f32 @!p0 $0xffff, v16, v13;
	_ =	sdelay $0xd  }
0x1c1: {  	v13, v16, _ =	vpop @!p0 (xrf1)  }
0x1c2: {  	v17 =	vbroadcast @!p0 v13, $0xF;
	_ =	sdelay $0x1  }
0x1c3: {  	v11 =	vpsel p0, v11, v17  }
0x1c4: {  	vm2 =	vlt.f32 v12, v11  }
0x1c5: {  	v63 =	vmpcnt.ones.xlane vm2;
	_ =	sdelay $0x1  }
0x1c6: {  	(v2sf) =	vpush v63, $0x0;
	_ =	sdelay $0xe  }
0x1c7: {  	s1 =	spop (v2sf)  }
0x1c8: {  	p1 =	slt.s32 s1, $0x1  }
0x1c9: {  	s1 =	sadd.s32 $0x70, s29;
	v17 =	vlaneseq.u32 @!p1  }
0x1ca: {  	vm2 =	vlt.f32 @!p1 v12, v11;
	v18 =	vor.u32 @!p1 s1, v17  }
0x1cb: {  	v12 =	vnsel @!p1 vm2, $0x7F800000, v12;
	v18 =	vnsel @!p1 vm2, $0x0, v18  }
0x1cc: {  	(xrf1) =	vsort.ascd.msk.f32 @!p1 $0xffff, v12, v18;
	_ =	sdelay $0xb  }
0x1cd: {  	v12 =	vmul.u32 @!p1 $0xFFFFFFFF, v17;
	_ =	sdelay $0x1  }
0x1ce: {  	v12 =	vadd.s32 @!p1 $0xF, v12;
	v17, v18, _ =	vpop @!p1 (xrf1)  }
0x1cf: {  	v17 =	vperm.xlane @!p1 v17, v12  }
0x1d0: {  	v9 =	vpsel p0, v9, v14;
	v14 =	vperm.xlane @!p1 v18, v12  }
0x1d1: {  	v10 =	vpsel p0, v10, v15;
	vm2 =	vle.f32 @!p1 v9, v17  }
0x1d2: {  	v15 =	vmin.f32 @!p1 v9, v17;
	v18 =	vsel @!p1 vm2, v10, v14  }
0x1d3: {  	v17 =	vmax.f32 @!p1 v9, v17;
	v14 =	vsel @!p1 vm2, v14, v10;
	(xrf1) =	vsort.ascd.msk.f32 @!p1 $0xffff, v15, v18  }
0x1d4: {  	(xrf1) =	vsort.ascd.msk.f32 @!p1 $0xffff, v17, v14;
	_ =	sdelay $0xc  }
0x1d5: {  	v14, v15, _ =	vpop @!p1 (xrf1)  }
0x1d6: {  	v17, v18, _ =	vpop @!p1 (xrf1)  }
0x1d7: {  	v17 =	vperm.xlane @!p1 v17, v12  }
0x1d8: {  	v7 =	vpsel p0, v7, v13;
	v12 =	vperm.xlane @!p1 v18, v12  }
0x1d9: {  	v8 =	vpsel p0, v8, v16;
	vm2 =	vle.f32 @!p1 v7, v17  }
0x1da: {  	v13 =	vmin.f32 @!p1 v7, v17;
	v12 =	vsel @!p1 vm2, v8, v12  }
0x1db: {  	(xrf1) =	vsort.ascd.msk.f32 @!p1 $0xffff, v13, v12;
	_ =	sdelay $0xc  }
.Ltmp10:
0x1dc: {  	_ = 	snop;
	(pc) =	sbr.rel .LBB2_11-.Ltmp10, $4  }
0x1dd: {  	v12, v13, _ =	vpop @!p1 (xrf1)  }
0x1de: {  	v16 =	vbroadcast @!p1 v12, $0xF  }
0x1df: {  	v9 =	vpsel p1, v9, v14;
	v10 =	vpsel p1, v10, v15  }
0x1e0: {  	v7 =	vpsel p1, v7, v12;
	v8 =	vpsel p1, v8, v13;
	v11 =	vpsel p1, v11, v16  }
.LBB2_12:
0x1e1: {  	v11 =	vmax.f32 v9, $9.999999960e-13  }
0x1e2: {  	v12 =	vshra.s32 v11, $0x1  }
0x1e3: {  	v12 =	vadd.s32 $0x1FBD1DF5, v12  }
0x1e4: {  	(erf) = vrcp.f32 v12;
	_ =	sdelay $0x8  }
0x1e5: {  	v13 =	vpop (erf)  }
0x1e6: {  	v13 =	vmul.f32 v13, v11;
	_ =	sdelay $0x1  }
0x1e7: {  	v12 =	vadd.f32 v12, v13;
	_ =	sdelay $0x1  }
0x1e8: {  	v12 =	vmul.f32 $5.000000000e-01, v12;
	_ =	sdelay $0x1  }
0x1e9: {  	(erf) = vrcp.f32 v12;
	_ =	sdelay $0x8  }
0x1ea: {  	v13 =	vpop (erf)  }
0x1eb: {  	v13 =	vmul.f32 v13, v11;
	_ =	sdelay $0x1  }
0x1ec: {  	v12 =	vadd.f32 v13, v12;
	_ =	sdelay $0x1  }
0x1ed: {  	v12 =	vmul.f32 $5.000000000e-01, v12;
	_ =	sdelay $0x1  }
0x1ee: {  	(erf) = vrcp.f32 v12;
	_ =	sdelay $0x8  }
0x1ef: {  	v13 =	vpop (erf)  }
0x1f0: {  	v13 =	vmul.f32 v13, v11;
	_ =	sdelay $0x1  }
0x1f1: {  	v12 =	vadd.f32 v13, v12;
	_ =	sdelay $0x1  }
0x1f2: {  	v13 =	vmax.f32 v7, $9.999999960e-13;
	v12 =	vmul.f32 $5.000000000e-01, v12  }
0x1f3: {  	v14 =	vshra.s32 v13, $0x1  }
0x1f4: {  	v14 =	vadd.s32 $0x1FBD1DF5, v14;
	(erf) = vrcp.f32 v12  }
0x1f5: {  	(erf) = vrcp.f32 v14;
	_ =	sdelay $0x7  }
0x1f6: {  	v15 =	vpop (erf)  }
0x1f7: {  	v16 =	vpop (erf)  }
0x1f8: {  	v16 =	vmul.f32 v16, v13;
	_ =	sdelay $0x1  }
0x1f9: {  	v14 =	vadd.f32 v14, v16;
	_ =	sdelay $0x1  }
0x1fa: {  	v14 =	vmul.f32 $5.000000000e-01, v14;
	_ =	sdelay $0x1  }
0x1fb: {  	(erf) = vrcp.f32 v14;
	_ =	sdelay $0x8  }
0x1fc: {  	v16 =	vpop (erf)  }
0x1fd: {  	v16 =	vmul.f32 v16, v13;
	_ =	sdelay $0x1  }
0x1fe: {  	v14 =	vadd.f32 v16, v14;
	_ =	sdelay $0x1  }
0x1ff: {  	v14 =	vmul.f32 $5.000000000e-01, v14;
	_ =	sdelay $0x1  }
0x200: {  	(erf) = vrcp.f32 v14;
	_ =	sdelay $0x2  }
0x201: {  	v18 =	vperm.xlane v8, v1;
	_ =	sdelay $0x1  }
0x202: {  	v17 =	vperm.xlane v10, v1;
	vm4 =	vlt.s32 v8, v18  }
0x203: {  	v20 =	vsel vm4, v8, v18;
	v18 =	vsel vm4, v18, v8;
	v16 =	vperm.xlane v9, v1  }
0x204: {  	v19 =	vperm.xlane v7, v1;
	vm2 =	vlt.s32 v10, v17  }
0x205: {  	vm3 =	veq.f32 v9, v16;
	v16 =	vsel vm2, v10, v17;
	v17 =	vsel vm2, v17, v10  }
0x206: {  	vm4 =	veq.f32 v7, v19;
	v16 =	vsel vm0, v16, v17;
	v17 =	vsel vm0, v20, v18;
	v18 =	vpop (erf)  }
0x207: {  	v10 =	vsel vm3, v16, v10;
	v8 =	vsel vm4, v17, v8;
	v16 =	vmul.f32 v18, v13  }
0x208: {  	v17 =	vbroadcast v8, $0x0;
	v18 =	vperm.xlane v10, v5  }
0x209: {  	v14 =	vadd.f32 v16, v14  }
0x20a: {  	v47 =	vperm.xlane v9, v5;
	v19 =	vbroadcast v7, $0x0;
	v16 =	vsel vm1, v17, v18  }
0x20b: {  	v48 =	vperm.xlane v8, v5;
	vm2 =	vgt.s32 v10, v16;
	v14 =	vmul.f32 $5.000000000e-01, v14  }
0x20c: {  	v17 =	vsel vm1, v19, v47;
	v19 =	vbroadcast v10, $0xF;
	v18 =	vsel vm2, v16, v10  }
0x20d: {  	v16 =	vsel vm2, v10, v16;
	vm2 =	vmmov $0x1;
	(erf) = vrcp.f32 v14  }
0x20e: {  	v21 =	vbroadcast v9, $0xF;
	v49 =	vperm.xlane v7, v5;
	v19 =	vsel vm2, v19, v48  }
0x20f: {  	vm5 =	veq.f32 v9, v17;
	v9 =	vsel vm0, v16, v18;
	vm6 =	vlt.s32 v8, v19  }
0x210: {  	v16 =	vsel vm2, v21, v49;
	v17 =	vsel vm6, v8, v19;
	v18 =	vsel vm6, v19, v8  }
0x211: {  	v9 =	vsel vm5, v9, v10;
	vm14 =	veq.f32 v7, v16;
	v7 =	vsel vm0, v18, v17  }
0x212: {  	v7 =	vsel vm14, v7, v8;
	v8 =	vperm.xlane v9, v1;
	_ =	sdelay $0x1  }
0x213: {  	v10 =	vperm.xlane v7, v1;
	vm7 =	vlt.s32 v9, v8  }
0x214: {  	v16 =	vsel vm7, v9, v8;
	v8 =	vsel vm7, v8, v9  }
0x215: {  	v11 =	vmul.f32 v15, v11;
	vm15 =	vlt.s32 v7, v10;
	v8 =	vsel vm0, v16, v8;
	v17 =	vpop (erf)  }
0x216: {  	v16 =	vsel vm15, v7, v10;
	v10 =	vsel vm15, v10, v7;
	v13 =	vmul.f32 v17, v13  }
0x217: {  	v8 =	vsel vm3, v8, v9;
	v9 =	vsel vm0, v16, v10  }
0x218: {  	v7 =	vsel vm4, v9, v7;
	v9 =	vadd.f32 v11, v12;
	v10 =	vadd.f32 v13, v14  }
0x219: {  	v12 =	vperm.xlane v8, v5;
	v11 =	vbroadcast v7, $0x0  }
0x21a: {  	v13 =	vmul.f32 $5.000000000e-01, v9;
	v14 =	vmul.f32 $5.000000000e-01, v10  }
0x21b: {  	v9 =	vsel vm1, v11, v12;
	v11 =	vperm.xlane v7, v5;
	v10 =	vbroadcast v8, $0xF  }
0x21c: {  	vm3 =	vgt.s32 v8, v9;
	v12 =	vadd.f32 v14, v13  }
0x21d: {  	v15 =	vsel vm3, v9, v8;
	v9 =	vsel vm3, v8, v9;
	v10 =	vsel vm2, v10, v11  }
0x21e: {  	v9 =	vsel vm0, v9, v15;
	vm3 =	vlt.s32 v7, v10;
	v11 =	vperm.xlane v12, v1  }
0x21f: {  	v8 =	vsel vm5, v9, v8;
	v9 =	vsel vm3, v7, v10;
	v10 =	vsel vm3, v10, v7  }
0x220: {  	v9 =	vsel vm0, v10, v9;
	v10 =	vadd.f32 v11, v12  }
0x221: {  	v11 =	vadd.s32 v0, v8  }
0x222: {  	v9 =	vsel vm14, v9, v7;
	v7 =	vperm.xlane v10, v2  }
0x223: {  	v12 =	vadd.s32 v0, v9  }
0x224: {  	v7 =	vadd.f32 v7, v10  }
0x225: {  	s1 =	smul.u32 $0x18, s25;
	vm3 =	vmmov $0xffff  }
0x226: {  	[tilespmem:s20], [sflag:$0x2] =	stream.indirect_vreg.gather [hbm4b:s5+s3], $0x20, v11, vm3, $0xb8;
	v10 =	vperm.xlane v7, v3;
	[tilespmem:$0xA9F0] =	vst v63  }
0x227: {  	s1 =	sshra.s32 s1, $0x2  }
0x228: {  	[tilespmem:s21], [sflag:$0x2] =	stream.indirect_vreg.gather [hbm4b:s5+s3], $0x20, v12, vm3, $0xb8;
	v7 =	vadd.f32 v10, v7;
	[tilespmem:$0xA9F0] =	vst v63  }
0x229: {  	v10 =	vld [tilespmem:s1+$0xA000]  }
0x22a: {  	v12 =	vld.idx.msk [tilespmem:v8+s14+$0x0], $0xffff;
	v11 =	vperm.xlane v7, v4  }
0x22b: {  	v15 =	vld.idx.msk [tilespmem:v8+s17+$0x0], $0xffff  }
0x22c: {  	v7 =	vadd.f32 v11, v7;
	v11 =	vld.idx.msk [tilespmem:v8+s16+$0x0], $0xffff  }
0x22d: {  	v17 =	vld.idx.msk [tilespmem:v9+s14+$0x0], $0xffff  }
0x22e: {  	v19 =	vld.idx.msk [tilespmem:v9+s16+$0x0], $0xffff;
	v16 =	vbroadcast v10, $0x0;
	(erf) = vrcp.f32 v7;
	v7 =	vadd.s32 $0x1, v6  }
0x22f: {  	v8 =	vadd.s32 $0x2, v6;
	v18 =	vbroadcast v10, $0x1  }
0x230: {  	v51 =	vld.idx.msk [tilespmem:v9+s17+$0x0], $0xffff;
	v9 =	vadd.s32 $0x230, v6;
	v50 =	vbroadcast v10, $0x2;
	v12 =	vsub.f32 v12, v16  }
0x231: {  	v10 =	vadd.s32 $0x231, v6;
	v22 =	vsub.f32 v11, v18  }
0x232: {  	v15 =	vsub.f32 v15, v50;
	[tilespmem:v6+s22+$0x0] =	vst.idx.msk $0xffff, v12;
	v11 =	vadd.s32 $0x232, v6  }
0x233: {  	v12 =	vsub.f32 v17, v16;
	v16 =	vsub.f32 v19, v18;
	[tilespmem:v7+s22+$0x0] =	vst.idx.msk $0xffff, v22  }
0x234: {  	[tilespmem:v8+s22+$0x0] =	vst.idx.msk $0xffff, v15  }
0x235: {  	v15 =	vsub.f32 v51, v50;
	[tilespmem:v9+s22+$0x0] =	vst.idx.msk $0xffff, v12  }
0x236: {  	[tilespmem:v10+s22+$0x0] =	vst.idx.msk $0xffff, v16  }
0x237: {  	v16 =	vpop (erf);
	[tilespmem:v11+s22+$0x0] =	vst.idx.msk $0xffff, v15  }
0x238: {  	_ =	swait.ge [sflag:s23], $0x200  }
0x239: {  	[sflag:s23] =	ssyncset.done $0x0  }
0x23a: {  	[sflag:s23] =	ssyncadd.s32 $0xFFFFFE00  }
0x23b: {  	_ =	swait.ge [sflag:s23], $0x200  }
0x23c: {  	[sflag:s23] =	ssyncset.done $0x0  }
0x23d: {  	[sflag:s23] =	ssyncadd.s32 $0xFFFFFE00  }
0x23e: {  	v15 =	vld [tilespmem:$0xA190]  }
0x23f: {  	v17 =	vld [tilespmem:$0xA1A0]  }
0x240: {  	v18 =	vld [tilespmem:$0xA1B0]  }
0x241: {  	v12 =	vmul.f32 v16, v13;
	v19 =	vld [tilespmem:$0xA1C0]  }
0x242: {  	v13 =	vmul.f32 v16, v14;
	v14 =	vld [tilespmem:$0xA1D0]  }
0x243: {  	v16 =	vld [tilespmem:$0xA1E0];
	v15 =	vmul.f32 v15, v12  }
0x244: {  	v52 =	vld [tilespmem:$0xA1F0];
	v17 =	vmul.f32 v17, v13  }
0x245: {  	[tilespmem:$0xA593] =	vst v15;
	v15 =	vmul.f32 v18, v12;
	v18 =	vld [tilespmem:$0xA200]  }
0x246: {  	[tilespmem:$0xA5A3] =	vst v17;
	v17 =	vmul.f32 v19, v13;
	v19 =	vld [tilespmem:$0xA210]  }
0x247: {  	v14 =	vmul.f32 v14, v12;
	[tilespmem:$0xA5B6] =	vst v15;
	v15 =	vld [tilespmem:$0xA220]  }
0x248: {  	v16 =	vmul.f32 v16, v13;
	[tilespmem:$0xA5C6] =	vst v17;
	v17 =	vld [tilespmem:$0xA230]  }
0x249: {  	v53 =	vld [tilespmem:$0xA240];
	[tilespmem:$0xA5D9] =	vst v14;
	v14 =	vmul.f32 v52, v12  }
0x24a: {  	[tilespmem:$0xA5E9] =	vst v16;
	v16 =	vmul.f32 v18, v13;
	v18 =	vld [tilespmem:$0xA250]  }
0x24b: {  	[tilespmem:$0xA5FC] =	vst v14;
	v14 =	vmul.f32 v19, v12;
	v19 =	vld [tilespmem:$0xA260]  }
0x24c: {  	[tilespmem:$0xA60C] =	vst v16;
	v15 =	vmul.f32 v15, v13;
	v16 =	vld [tilespmem:$0xA270]  }
0x24d: {  	[tilespmem:$0xA61F] =	vst v14;
	v14 =	vmul.f32 v17, v12;
	v17 =	vld [tilespmem:$0xA280]  }
0x24e: {  	v54 =	vld [tilespmem:$0xA290];
	[tilespmem:$0xA62F] =	vst v15;
	v15 =	vmul.f32 v53, v13  }
0x24f: {  	[tilespmem:$0xA642] =	vst v14;
	v14 =	vmul.f32 v18, v12;
	v18 =	vld [tilespmem:$0xA2A0]  }
0x250: {  	[tilespmem:$0xA652] =	vst v15;
	v15 =	vmul.f32 v19, v13;
	v19 =	vld [tilespmem:$0xA2B0]  }
0x251: {  	[tilespmem:$0xA665] =	vst v14;
	v14 =	vmul.f32 v16, v12;
	v16 =	vld [tilespmem:$0xA2C0]  }
0x252: {  	[tilespmem:$0xA675] =	vst v15;
	v15 =	vmul.f32 v17, v13;
	v17 =	vld [tilespmem:$0xA2D0]  }
0x253: {  	v55 =	vld [tilespmem:$0xA2E0];
	[tilespmem:$0xA688] =	vst v14;
	v14 =	vmul.f32 v54, v12  }
0x254: {  	[tilespmem:$0xA698] =	vst v15;
	v15 =	vmul.f32 v18, v13;
	v18 =	vld [tilespmem:$0xA2F0]  }
0x255: {  	[tilespmem:$0xA6AB] =	vst v14;
	v14 =	vmul.f32 v19, v12;
	v19 =	vld [tilespmem:$0xA300]  }
0x256: {  	[tilespmem:$0xA6BB] =	vst v15;
	v15 =	vmul.f32 v16, v13;
	v16 =	vld [tilespmem:$0xA310]  }
0x257: {  	[tilespmem:$0xA6CE] =	vst v14;
	v14 =	vmul.f32 v17, v12;
	v17 =	vld [tilespmem:$0xA320]  }
0x258: {  	v56 =	vld [tilespmem:$0xA330];
	[tilespmem:$0xA6DE] =	vst v15;
	v15 =	vmul.f32 v55, v13  }
0x259: {  	[tilespmem:$0xA6F1] =	vst v14;
	v14 =	vmul.f32 v18, v12;
	v18 =	vld [tilespmem:$0xA340]  }
0x25a: {  	[tilespmem:$0xA701] =	vst v15;
	v15 =	vmul.f32 v19, v13;
	v19 =	vld [tilespmem:$0xA350]  }
0x25b: {  	[tilespmem:$0xA714] =	vst v14;
	v14 =	vmul.f32 v16, v12;
	v16 =	vld [tilespmem:$0xA360]  }
0x25c: {  	[tilespmem:$0xA724] =	vst v15;
	v15 =	vmul.f32 v17, v13;
	v17 =	vld [tilespmem:$0xA370]  }
0x25d: {  	v57 =	vld [tilespmem:$0xA380];
	[tilespmem:$0xA737] =	vst v14;
	v14 =	vmul.f32 v56, v12  }
0x25e: {  	[tilespmem:$0xA747] =	vst v15;
	v15 =	vmul.f32 v18, v13;
	v18 =	vld [tilespmem:$0xA390]  }
0x25f: {  	[tilespmem:$0xA75A] =	vst v14;
	v14 =	vmul.f32 v19, v12;
	v19 =	vld [tilespmem:$0xA3A0]  }
0x260: {  	[tilespmem:$0xA76A] =	vst v15;
	v15 =	vmul.f32 v16, v13;
	v16 =	vld [tilespmem:$0xA3B0]  }
0x261: {  	[tilespmem:$0xA77D] =	vst v14;
	v14 =	vmul.f32 v17, v12;
	v17 =	vld [tilespmem:$0xA3C0]  }
0x262: {  	v58 =	vld [tilespmem:$0xA3D0];
	[tilespmem:$0xA78D] =	vst v15;
	v15 =	vmul.f32 v57, v13  }
0x263: {  	[tilespmem:$0xA7A0] =	vst v14;
	v14 =	vmul.f32 v18, v12;
	v18 =	vld [tilespmem:$0xA3E0]  }
0x264: {  	[tilespmem:$0xA7B0] =	vst v15;
	v15 =	vmul.f32 v19, v13;
	v19 =	vld [tilespmem:$0xA3F0]  }
0x265: {  	[tilespmem:$0xA7C3] =	vst v14;
	v14 =	vmul.f32 v16, v12;
	v16 =	vld [tilespmem:$0xA400]  }
0x266: {  	[tilespmem:$0xA7D3] =	vst v15;
	v15 =	vmul.f32 v17, v13;
	v17 =	vld [tilespmem:$0xA410]  }
0x267: {  	v59 =	vld [tilespmem:$0xA420];
	[tilespmem:$0xA7E6] =	vst v14;
	v14 =	vmul.f32 v58, v12  }
0x268: {  	[tilespmem:$0xA7F6] =	vst v15;
	v15 =	vmul.f32 v18, v13;
	v18 =	vld [tilespmem:$0xA430]  }
0x269: {  	[tilespmem:$0xA809] =	vst v14;
	v14 =	vmul.f32 v19, v12;
	v19 =	vld [tilespmem:$0xA440]  }
0x26a: {  	[tilespmem:$0xA819] =	vst v15;
	v15 =	vmul.f32 v16, v13;
	v16 =	vld [tilespmem:$0xA450]  }
0x26b: {  	[tilespmem:$0xA82C] =	vst v14;
	v14 =	vmul.f32 v17, v12;
	v17 =	vld [tilespmem:$0xA460]  }
0x26c: {  	v60 =	vld [tilespmem:$0xA470];
	[tilespmem:$0xA83C] =	vst v15;
	v15 =	vmul.f32 v59, v13  }
0x26d: {  	[tilespmem:$0xA84F] =	vst v14;
	v14 =	vmul.f32 v18, v12;
	v18 =	vld [tilespmem:$0xA480]  }
0x26e: {  	[tilespmem:$0xA85F] =	vst v15;
	v15 =	vmul.f32 v19, v13;
	v19 =	vld [tilespmem:$0xA490]  }
0x26f: {  	[tilespmem:$0xA872] =	vst v14;
	v14 =	vmul.f32 v16, v12;
	v16 =	vld [tilespmem:$0xA4A0]  }
0x270: {  	[tilespmem:$0xA882] =	vst v15;
	v15 =	vmul.f32 v17, v13;
	v17 =	vld [tilespmem:$0xA4B0]  }
0x271: {  	v61 =	vld [tilespmem:$0xA4C0];
	[tilespmem:$0xA895] =	vst v14;
	v14 =	vmul.f32 v60, v12  }
0x272: {  	[tilespmem:$0xA8A5] =	vst v15;
	v15 =	vmul.f32 v18, v13;
	v18 =	vld [tilespmem:$0xA4D0]  }
0x273: {  	[tilespmem:$0xA8B8] =	vst v14;
	v14 =	vmul.f32 v19, v12;
	v19 =	vld [tilespmem:$0xA4E0]  }
0x274: {  	[tilespmem:$0xA8C8] =	vst v15;
	v15 =	vmul.f32 v16, v13;
	v16 =	vld [tilespmem:$0xA4F0]  }
0x275: {  	[tilespmem:$0xA8DB] =	vst v14;
	v14 =	vmul.f32 v17, v12;
	v17 =	vld [tilespmem:$0xA500]  }
0x276: {  	v62 =	vld [tilespmem:$0xA510];
	[tilespmem:$0xA8EB] =	vst v15;
	v15 =	vmul.f32 v61, v13  }
0x277: {  	[tilespmem:$0xA8FE] =	vst v14;
	v14 =	vmul.f32 v18, v12;
	v18 =	vld [tilespmem:$0xA520]  }
0x278: {  	[tilespmem:$0xA90E] =	vst v15;
	v15 =	vmul.f32 v19, v13;
	v19 =	vld [tilespmem:$0xA530]  }
0x279: {  	[tilespmem:$0xA921] =	vst v14;
	v14 =	vmul.f32 v16, v12;
	v16 =	vld [tilespmem:$0xA540]  }
0x27a: {  	[tilespmem:$0xA931] =	vst v15;
	v15 =	vmul.f32 v17, v13;
	v17 =	vld [tilespmem:$0xA550]  }
0x27b: {  	v63 =	vld [tilespmem:$0xA560];
	[tilespmem:$0xA944] =	vst v14;
	v14 =	vmul.f32 v62, v12  }
0x27c: {  	[tilespmem:$0xA954] =	vst v15;
	v15 =	vmul.f32 v18, v13;
	v18 =	vld [tilespmem:$0xA570]  }
0x27d: {  	[tilespmem:$0xA967] =	vst v14;
	v14 =	vmul.f32 v19, v12;
	v19 =	vld [tilespmem:$0xA580]  }
0x27e: {  	[tilespmem:$0xA977] =	vst v15;
	v15 =	vmul.f32 v16, v13  }
0x27f: {  	[tilespmem:$0xA98A] =	vst v14;
	v14 =	vmul.f32 v17, v12  }
0x280: {  	[tilespmem:$0xA99A] =	vst v15;
	v15 =	vmul.f32 v63, v13  }
0x281: {  	[tilespmem:$0xA9AD] =	vst v14;
	v12 =	vmul.f32 v18, v12  }
0x282: {  	s1 =	smul.u32 $0x8C, s28;
	[tilespmem:$0xA9BD] =	vst v15;
	v13 =	vmul.f32 v19, v13  }
0x283: {  	[tilespmem:$0xA9D0] =	vst v12  }
0x284: {  	s1 =	sadd.s32 s2, s1;
	[tilespmem:$0xA9E0] =	vst v13  }
0x285: {  	[hbm4b:s1+s3] =	stream.linear.scatter [tilespmem:s22], [sflag:$0x3], $0x460, $0x38;
	[tilespmem:$0xA9F0] =	vst v63  }
0x286: {  	_ =	swait.ge [sflag:s15], $0x460  }
0x287: {  	s28 =	sor.u32 $0x1, s26;
	[sflag:s15] =	ssyncset.done $0x0  }
0x288: {  	s26 =	sor.u32 s10, s28;
	[sflag:s15] =	ssyncadd.s32 $0xFFFFFBA0  }
.Ltmp11:
0x289: {  	p0 =	sgt.u32 s28, $0x7E;
	_ =	swait.ge [sflag:s4], $0x2000;
	(pc) =	sbr.rel .LBB2_13-.Ltmp11, $4  }
0x28a: {  	s1 =	sshll.u32 @!p0 s26, $0xA;
	[sflag:s4] =	ssyncset.done $0x0  }
0x28b: {  	s29 =	simm.s32 @!p0 $0x0;
	s1 =	sadd.s32 @!p0 s1, s12;
	[sflag:s4] =	ssyncadd.s32 $0xFFFFE000  }
0x28c: {  	v16 =	vimm.f32 $+Inf;
	v14 =	vimm.f32 $+Inf;
	[tilespmem:s29], [sflag:$0x1] =	stream.linear.gather @!p0 [hbm4b:s1+s29], $0x2000, $0x38;
	[tilespmem:$0xA9F0] =	vst v63  }
0x28d: {  	s30 =	simm.s32 $0x0;
	s31 =	simm.s32 $0x2040;
	v15 =	vimm.s32 $0x0;
	v12 =	vimm.f32 $+Inf;
	v13 =	vimm.s32 $0x0;
	s29 =	simm.s32 $0xFFFFFFFC  }
.LBB2_21:
0x28e: {  	s29 =	sadd.s32 $0x4, s29  }
0x28f: {  	p0 =	slt.u32 s29, $0xFC  }
.Ltmp12:
0x290: {  	_ = 	snop;
	(pc) =	sbr.rel @!p0 .LBB2_22-.Ltmp12, $2  }
0x291: {  	_ =	sdelay $0x2  }
0x292: {  	s30 =	sadd.s32 $0x80, s30;
	s31 =	sadd.s32 $0x80, s31  }
.LBB2_13:
0x293: {  	v18 =	vld [tilespmem:s31+$0xFFFFFFC0]  }
0x294: {  	v17 =	vld [tilespmem:s31+$0xFFFFFFD0];
	_ =	sdelay $0x4  }
0x295: {  	v19 =	vmin.f32 v18, v17  }
0x296: {  	vm4 =	vlt.f32 v19, v16  }
0x297: {  	v19 =	vmpcnt.ones.xlane vm4;
	_ =	sdelay $0x1  }
0x298: {  	(v2sf) =	vpush v19, $0x0;
	_ =	sdelay $0xe  }
0x299: {  	s1 =	spop (v2sf)  }
0x29a: {  	p0 =	slt.s32 s1, $0x1  }
.Ltmp13:
0x29b: {  	_ = 	snop;
	(pc) =	sbr.rel @p0 .LBB2_15-.Ltmp13, $1  }
0x29c: {  	_ =	sdelay $0x3  }
0x29d: {  	vm4 =	vlt.f32 v18, v16  }
0x29e: {  	v19 =	vmpcnt.ones.xlane vm4;
	_ =	sdelay $0x1  }
0x29f: {  	(v2sf) =	vpush v19, $0x0;
	_ =	sdelay $0xe  }
0x2a0: {  	s1 =	spop (v2sf)  }
0x2a1: {  	p0 =	slt.s32 s1, $0x1  }
0x2a2: {  	v19 =	vlaneseq.u32 @!p0  }
0x2a3: {  	vm4 =	vlt.f32 @!p0 v18, v16;
	v20 =	vor.u32 @!p0 s30, v19  }
0x2a4: {  	v18 =	vnsel @!p0 vm4, $0x7F800000, v18;
	v20 =	vnsel @!p0 vm4, $0x0, v20  }
0x2a5: {  	(xrf1) =	vsort.ascd.msk.f32 @!p0 $0xffff, v18, v20;
	_ =	sdelay $0xb  }
0x2a6: {  	v18 =	vmul.u32 @!p0 $0xFFFFFFFF, v19;
	_ =	sdelay $0x1  }
0x2a7: {  	v18 =	vadd.s32 @!p0 $0xF, v18;
	v19, v20, _ =	vpop @!p0 (xrf1)  }
0x2a8: {  	v19 =	vperm.xlane @!p0 v19, v18  }
0x2a9: {  	v20 =	vperm.xlane @!p0 v20, v18  }
0x2aa: {  	vm4 =	vle.f32 @!p0 v14, v19  }
0x2ab: {  	v21 =	vmin.f32 @!p0 v14, v19;
	v22 =	vsel @!p0 vm4, v15, v20  }
0x2ac: {  	v19 =	vmax.f32 @!p0 v14, v19;
	v20 =	vsel @!p0 vm4, v20, v15;
	(xrf1) =	vsort.ascd.msk.f32 @!p0 $0xffff, v21, v22  }
0x2ad: {  	(xrf1) =	vsort.ascd.msk.f32 @!p0 $0xffff, v19, v20;
	_ =	sdelay $0xc  }
0x2ae: {  	v19, v20, _ =	vpop @!p0 (xrf1)  }
0x2af: {  	v21, v22, _ =	vpop @!p0 (xrf1)  }
0x2b0: {  	v21 =	vperm.xlane @!p0 v21, v18  }
0x2b1: {  	v18 =	vperm.xlane @!p0 v22, v18  }
0x2b2: {  	vm4 =	vle.f32 @!p0 v12, v21  }
0x2b3: {  	v21 =	vmin.f32 @!p0 v12, v21;
	v18 =	vsel @!p0 vm4, v13, v18  }
0x2b4: {  	(xrf1) =	vsort.ascd.msk.f32 @!p0 $0xffff, v21, v18;
	_ =	sdelay $0xd  }
0x2b5: {  	v18, v21, _ =	vpop @!p0 (xrf1)  }
0x2b6: {  	v22 =	vbroadcast @!p0 v18, $0xF;
	_ =	sdelay $0x1  }
0x2b7: {  	v16 =	vpsel p0, v16, v22  }
0x2b8: {  	vm4 =	vlt.f32 v17, v16  }
0x2b9: {  	v63 =	vmpcnt.ones.xlane vm4;
	_ =	sdelay $0x1  }
0x2ba: {  	(v2sf) =	vpush v63, $0x0;
	_ =	sdelay $0xe  }
0x2bb: {  	s1 =	spop (v2sf)  }
0x2bc: {  	p1 =	slt.s32 s1, $0x1  }
0x2bd: {  	s1 =	sadd.s32 $0x10, s30;
	v22 =	vlaneseq.u32 @!p1  }
0x2be: {  	vm4 =	vlt.f32 @!p1 v17, v16;
	v23 =	vor.u32 @!p1 s1, v22  }
0x2bf: {  	v17 =	vnsel @!p1 vm4, $0x7F800000, v17;
	v23 =	vnsel @!p1 vm4, $0x0, v23  }
0x2c0: {  	(xrf1) =	vsort.ascd.msk.f32 @!p1 $0xffff, v17, v23;
	_ =	sdelay $0xb  }
0x2c1: {  	v17 =	vmul.u32 @!p1 $0xFFFFFFFF, v22;
	_ =	sdelay $0x1  }
0x2c2: {  	v17 =	vadd.s32 @!p1 $0xF, v17;
	v22, v23, _ =	vpop @!p1 (xrf1)  }
0x2c3: {  	v22 =	vperm.xlane @!p1 v22, v17  }
0x2c4: {  	v14 =	vpsel p0, v14, v19;
	v19 =	vperm.xlane @!p1 v23, v17  }
0x2c5: {  	v15 =	vpsel p0, v15, v20;
	vm4 =	vle.f32 @!p1 v14, v22  }
0x2c6: {  	v20 =	vmin.f32 @!p1 v14, v22;
	v23 =	vsel @!p1 vm4, v15, v19  }
0x2c7: {  	v22 =	vmax.f32 @!p1 v14, v22;
	v19 =	vsel @!p1 vm4, v19, v15;
	(xrf1) =	vsort.ascd.msk.f32 @!p1 $0xffff, v20, v23  }
0x2c8: {  	(xrf1) =	vsort.ascd.msk.f32 @!p1 $0xffff, v22, v19;
	_ =	sdelay $0xc  }
0x2c9: {  	v19, v20, _ =	vpop @!p1 (xrf1)  }
0x2ca: {  	v22, v23, _ =	vpop @!p1 (xrf1)  }
0x2cb: {  	v22 =	vperm.xlane @!p1 v22, v17  }
0x2cc: {  	v12 =	vpsel p0, v12, v18;
	v17 =	vperm.xlane @!p1 v23, v17  }
0x2cd: {  	v13 =	vpsel p0, v13, v21;
	vm4 =	vle.f32 @!p1 v12, v22  }
0x2ce: {  	v18 =	vmin.f32 @!p1 v12, v22;
	v17 =	vsel @!p1 vm4, v13, v17  }
0x2cf: {  	(xrf1) =	vsort.ascd.msk.f32 @!p1 $0xffff, v18, v17;
	_ =	sdelay $0xd  }
0x2d0: {  	v17, v18, _ =	vpop @!p1 (xrf1)  }
0x2d1: {  	v21 =	vbroadcast @!p1 v17, $0xF  }
0x2d2: {  	v14 =	vpsel p1, v14, v19;
	v15 =	vpsel p1, v15, v20  }
0x2d3: {  	v12 =	vpsel p1, v12, v17;
	v13 =	vpsel p1, v13, v18;
	v16 =	vpsel p1, v16, v21  }
.LBB2_15:
0x2d4: {  	v18 =	vld [tilespmem:s31+$0xFFFFFFE0]  }
0x2d5: {  	v17 =	vld [tilespmem:s31+$0xFFFFFFF0];
	_ =	sdelay $0x4  }
0x2d6: {  	v19 =	vmin.f32 v18, v17  }
0x2d7: {  	vm4 =	vlt.f32 v19, v16  }
0x2d8: {  	v19 =	vmpcnt.ones.xlane vm4;
	_ =	sdelay $0x1  }
0x2d9: {  	(v2sf) =	vpush v19, $0x0;
	_ =	sdelay $0xe  }
0x2da: {  	s1 =	spop (v2sf)  }
0x2db: {  	p0 =	slt.s32 s1, $0x1  }
.Ltmp14:
0x2dc: {  	_ = 	snop;
	(pc) =	sbr.rel @p0 .LBB2_17-.Ltmp14, $1  }
0x2dd: {  	_ =	sdelay $0x3  }
0x2de: {  	vm4 =	vlt.f32 v18, v16  }
0x2df: {  	v19 =	vmpcnt.ones.xlane vm4;
	_ =	sdelay $0x1  }
0x2e0: {  	(v2sf) =	vpush v19, $0x0;
	_ =	sdelay $0xe  }
0x2e1: {  	s1 =	spop (v2sf)  }
0x2e2: {  	p0 =	slt.s32 s1, $0x1  }
0x2e3: {  	s1 =	sadd.s32 $0x20, s30;
	v19 =	vlaneseq.u32 @!p0  }
0x2e4: {  	vm4 =	vlt.f32 @!p0 v18, v16;
	v20 =	vor.u32 @!p0 s1, v19  }
0x2e5: {  	v18 =	vnsel @!p0 vm4, $0x7F800000, v18;
	v20 =	vnsel @!p0 vm4, $0x0, v20  }
0x2e6: {  	(xrf1) =	vsort.ascd.msk.f32 @!p0 $0xffff, v18, v20;
	_ =	sdelay $0xb  }
0x2e7: {  	v18 =	vmul.u32 @!p0 $0xFFFFFFFF, v19;
	_ =	sdelay $0x1  }
0x2e8: {  	v18 =	vadd.s32 @!p0 $0xF, v18;
	v19, v20, _ =	vpop @!p0 (xrf1)  }
0x2e9: {  	v19 =	vperm.xlane @!p0 v19, v18  }
0x2ea: {  	v20 =	vperm.xlane @!p0 v20, v18  }
0x2eb: {  	vm4 =	vle.f32 @!p0 v14, v19  }
0x2ec: {  	v21 =	vmin.f32 @!p0 v14, v19;
	v22 =	vsel @!p0 vm4, v15, v20  }
0x2ed: {  	v19 =	vmax.f32 @!p0 v14, v19;
	v20 =	vsel @!p0 vm4, v20, v15;
	(xrf1) =	vsort.ascd.msk.f32 @!p0 $0xffff, v21, v22  }
0x2ee: {  	(xrf1) =	vsort.ascd.msk.f32 @!p0 $0xffff, v19, v20;
	_ =	sdelay $0xc  }
0x2ef: {  	v19, v20, _ =	vpop @!p0 (xrf1)  }
0x2f0: {  	v21, v22, _ =	vpop @!p0 (xrf1)  }
0x2f1: {  	v21 =	vperm.xlane @!p0 v21, v18  }
0x2f2: {  	v18 =	vperm.xlane @!p0 v22, v18  }
0x2f3: {  	vm4 =	vle.f32 @!p0 v12, v21  }
0x2f4: {  	v21 =	vmin.f32 @!p0 v12, v21;
	v18 =	vsel @!p0 vm4, v13, v18  }
0x2f5: {  	(xrf1) =	vsort.ascd.msk.f32 @!p0 $0xffff, v21, v18;
	_ =	sdelay $0xd  }
0x2f6: {  	v18, v21, _ =	vpop @!p0 (xrf1)  }
0x2f7: {  	v22 =	vbroadcast @!p0 v18, $0xF;
	_ =	sdelay $0x1  }
0x2f8: {  	v16 =	vpsel p0, v16, v22  }
0x2f9: {  	vm4 =	vlt.f32 v17, v16  }
0x2fa: {  	v63 =	vmpcnt.ones.xlane vm4;
	_ =	sdelay $0x1  }
0x2fb: {  	(v2sf) =	vpush v63, $0x0;
	_ =	sdelay $0xe  }
0x2fc: {  	s1 =	spop (v2sf)  }
0x2fd: {  	p1 =	slt.s32 s1, $0x1  }
0x2fe: {  	s1 =	sadd.s32 $0x30, s30;
	v22 =	vlaneseq.u32 @!p1  }
0x2ff: {  	vm4 =	vlt.f32 @!p1 v17, v16;
	v23 =	vor.u32 @!p1 s1, v22  }
0x300: {  	v17 =	vnsel @!p1 vm4, $0x7F800000, v17;
	v23 =	vnsel @!p1 vm4, $0x0, v23  }
0x301: {  	(xrf1) =	vsort.ascd.msk.f32 @!p1 $0xffff, v17, v23;
	_ =	sdelay $0xb  }
0x302: {  	v17 =	vmul.u32 @!p1 $0xFFFFFFFF, v22;
	_ =	sdelay $0x1  }
0x303: {  	v17 =	vadd.s32 @!p1 $0xF, v17;
	v22, v23, _ =	vpop @!p1 (xrf1)  }
0x304: {  	v22 =	vperm.xlane @!p1 v22, v17  }
0x305: {  	v14 =	vpsel p0, v14, v19;
	v19 =	vperm.xlane @!p1 v23, v17  }
0x306: {  	v15 =	vpsel p0, v15, v20;
	vm4 =	vle.f32 @!p1 v14, v22  }
0x307: {  	v20 =	vmin.f32 @!p1 v14, v22;
	v23 =	vsel @!p1 vm4, v15, v19  }
0x308: {  	v22 =	vmax.f32 @!p1 v14, v22;
	v19 =	vsel @!p1 vm4, v19, v15;
	(xrf1) =	vsort.ascd.msk.f32 @!p1 $0xffff, v20, v23  }
0x309: {  	(xrf1) =	vsort.ascd.msk.f32 @!p1 $0xffff, v22, v19;
	_ =	sdelay $0xc  }
0x30a: {  	v19, v20, _ =	vpop @!p1 (xrf1)  }
0x30b: {  	v22, v23, _ =	vpop @!p1 (xrf1)  }
0x30c: {  	v22 =	vperm.xlane @!p1 v22, v17  }
0x30d: {  	v12 =	vpsel p0, v12, v18;
	v17 =	vperm.xlane @!p1 v23, v17  }
0x30e: {  	v13 =	vpsel p0, v13, v21;
	vm4 =	vle.f32 @!p1 v12, v22  }
0x30f: {  	v18 =	vmin.f32 @!p1 v12, v22;
	v17 =	vsel @!p1 vm4, v13, v17  }
0x310: {  	(xrf1) =	vsort.ascd.msk.f32 @!p1 $0xffff, v18, v17;
	_ =	sdelay $0xd  }
0x311: {  	v17, v18, _ =	vpop @!p1 (xrf1)  }
0x312: {  	v21 =	vbroadcast @!p1 v17, $0xF  }
0x313: {  	v14 =	vpsel p1, v14, v19;
	v15 =	vpsel p1, v15, v20  }
0x314: {  	v12 =	vpsel p1, v12, v17;
	v13 =	vpsel p1, v13, v18;
	v16 =	vpsel p1, v16, v21  }
.LBB2_17:
0x315: {  	v18 =	vld [tilespmem:s31+$0x0]  }
0x316: {  	v17 =	vld [tilespmem:s31+$0x10];
	_ =	sdelay $0x4  }
0x317: {  	v19 =	vmin.f32 v18, v17  }
0x318: {  	vm4 =	vlt.f32 v19, v16  }
0x319: {  	v19 =	vmpcnt.ones.xlane vm4;
	_ =	sdelay $0x1  }
0x31a: {  	(v2sf) =	vpush v19, $0x0;
	_ =	sdelay $0xe  }
0x31b: {  	s1 =	spop (v2sf)  }
0x31c: {  	p0 =	slt.s32 s1, $0x1  }
.Ltmp15:
0x31d: {  	_ = 	snop;
	(pc) =	sbr.rel @p0 .LBB2_19-.Ltmp15, $1  }
0x31e: {  	_ =	sdelay $0x3  }
0x31f: {  	vm4 =	vlt.f32 v18, v16  }
0x320: {  	v19 =	vmpcnt.ones.xlane vm4;
	_ =	sdelay $0x1  }
0x321: {  	(v2sf) =	vpush v19, $0x0;
	_ =	sdelay $0xe  }
0x322: {  	s1 =	spop (v2sf)  }
0x323: {  	p0 =	slt.s32 s1, $0x1  }
0x324: {  	s1 =	sadd.s32 $0x40, s30;
	v19 =	vlaneseq.u32 @!p0  }
0x325: {  	vm4 =	vlt.f32 @!p0 v18, v16;
	v20 =	vor.u32 @!p0 s1, v19  }
0x326: {  	v18 =	vnsel @!p0 vm4, $0x7F800000, v18;
	v20 =	vnsel @!p0 vm4, $0x0, v20  }
0x327: {  	(xrf1) =	vsort.ascd.msk.f32 @!p0 $0xffff, v18, v20;
	_ =	sdelay $0xb  }
0x328: {  	v18 =	vmul.u32 @!p0 $0xFFFFFFFF, v19;
	_ =	sdelay $0x1  }
0x329: {  	v18 =	vadd.s32 @!p0 $0xF, v18;
	v19, v20, _ =	vpop @!p0 (xrf1)  }
0x32a: {  	v19 =	vperm.xlane @!p0 v19, v18  }
0x32b: {  	v20 =	vperm.xlane @!p0 v20, v18  }
0x32c: {  	vm4 =	vle.f32 @!p0 v14, v19  }
0x32d: {  	v21 =	vmin.f32 @!p0 v14, v19;
	v22 =	vsel @!p0 vm4, v15, v20  }
0x32e: {  	v19 =	vmax.f32 @!p0 v14, v19;
	v20 =	vsel @!p0 vm4, v20, v15;
	(xrf1) =	vsort.ascd.msk.f32 @!p0 $0xffff, v21, v22  }
0x32f: {  	(xrf1) =	vsort.ascd.msk.f32 @!p0 $0xffff, v19, v20;
	_ =	sdelay $0xc  }
0x330: {  	v19, v20, _ =	vpop @!p0 (xrf1)  }
0x331: {  	v21, v22, _ =	vpop @!p0 (xrf1)  }
0x332: {  	v21 =	vperm.xlane @!p0 v21, v18  }
0x333: {  	v18 =	vperm.xlane @!p0 v22, v18  }
0x334: {  	vm4 =	vle.f32 @!p0 v12, v21  }
0x335: {  	v21 =	vmin.f32 @!p0 v12, v21;
	v18 =	vsel @!p0 vm4, v13, v18  }
0x336: {  	(xrf1) =	vsort.ascd.msk.f32 @!p0 $0xffff, v21, v18;
	_ =	sdelay $0xd  }
0x337: {  	v18, v21, _ =	vpop @!p0 (xrf1)  }
0x338: {  	v22 =	vbroadcast @!p0 v18, $0xF;
	_ =	sdelay $0x1  }
0x339: {  	v16 =	vpsel p0, v16, v22  }
0x33a: {  	vm4 =	vlt.f32 v17, v16  }
0x33b: {  	v63 =	vmpcnt.ones.xlane vm4;
	_ =	sdelay $0x1  }
0x33c: {  	(v2sf) =	vpush v63, $0x0;
	_ =	sdelay $0xe  }
0x33d: {  	s1 =	spop (v2sf)  }
0x33e: {  	p1 =	slt.s32 s1, $0x1  }
0x33f: {  	s1 =	sadd.s32 $0x50, s30;
	v22 =	vlaneseq.u32 @!p1  }
0x340: {  	vm4 =	vlt.f32 @!p1 v17, v16;
	v23 =	vor.u32 @!p1 s1, v22  }
0x341: {  	v17 =	vnsel @!p1 vm4, $0x7F800000, v17;
	v23 =	vnsel @!p1 vm4, $0x0, v23  }
0x342: {  	(xrf1) =	vsort.ascd.msk.f32 @!p1 $0xffff, v17, v23;
	_ =	sdelay $0xb  }
0x343: {  	v17 =	vmul.u32 @!p1 $0xFFFFFFFF, v22;
	_ =	sdelay $0x1  }
0x344: {  	v17 =	vadd.s32 @!p1 $0xF, v17;
	v22, v23, _ =	vpop @!p1 (xrf1)  }
0x345: {  	v22 =	vperm.xlane @!p1 v22, v17  }
0x346: {  	v14 =	vpsel p0, v14, v19;
	v19 =	vperm.xlane @!p1 v23, v17  }
0x347: {  	v15 =	vpsel p0, v15, v20;
	vm4 =	vle.f32 @!p1 v14, v22  }
0x348: {  	v20 =	vmin.f32 @!p1 v14, v22;
	v23 =	vsel @!p1 vm4, v15, v19  }
0x349: {  	v22 =	vmax.f32 @!p1 v14, v22;
	v19 =	vsel @!p1 vm4, v19, v15;
	(xrf1) =	vsort.ascd.msk.f32 @!p1 $0xffff, v20, v23  }
0x34a: {  	(xrf1) =	vsort.ascd.msk.f32 @!p1 $0xffff, v22, v19;
	_ =	sdelay $0xc  }
0x34b: {  	v19, v20, _ =	vpop @!p1 (xrf1)  }
0x34c: {  	v22, v23, _ =	vpop @!p1 (xrf1)  }
0x34d: {  	v22 =	vperm.xlane @!p1 v22, v17  }
0x34e: {  	v12 =	vpsel p0, v12, v18;
	v17 =	vperm.xlane @!p1 v23, v17  }
0x34f: {  	v13 =	vpsel p0, v13, v21;
	vm4 =	vle.f32 @!p1 v12, v22  }
0x350: {  	v18 =	vmin.f32 @!p1 v12, v22;
	v17 =	vsel @!p1 vm4, v13, v17  }
0x351: {  	(xrf1) =	vsort.ascd.msk.f32 @!p1 $0xffff, v18, v17;
	_ =	sdelay $0xd  }
0x352: {  	v17, v18, _ =	vpop @!p1 (xrf1)  }
0x353: {  	v21 =	vbroadcast @!p1 v17, $0xF  }
0x354: {  	v14 =	vpsel p1, v14, v19;
	v15 =	vpsel p1, v15, v20  }
0x355: {  	v12 =	vpsel p1, v12, v17;
	v13 =	vpsel p1, v13, v18;
	v16 =	vpsel p1, v16, v21  }
.LBB2_19:
0x356: {  	v18 =	vld [tilespmem:s31+$0x20]  }
0x357: {  	v17 =	vld [tilespmem:s31+$0x30];
	_ =	sdelay $0x4  }
0x358: {  	v19 =	vmin.f32 v18, v17  }
0x359: {  	vm4 =	vlt.f32 v19, v16  }
0x35a: {  	v19 =	vmpcnt.ones.xlane vm4;
	_ =	sdelay $0x1  }
0x35b: {  	(v2sf) =	vpush v19, $0x0;
	_ =	sdelay $0xe  }
0x35c: {  	s1 =	spop (v2sf)  }
0x35d: {  	p0 =	slt.s32 s1, $0x1  }
.Ltmp16:
0x35e: {  	_ = 	snop;
	(pc) =	sbr.rel @p0 .LBB2_21-.Ltmp16, $1  }
0x35f: {  	_ =	sdelay $0x3  }
0x360: {  	vm4 =	vlt.f32 v18, v16  }
0x361: {  	v19 =	vmpcnt.ones.xlane vm4;
	_ =	sdelay $0x1  }
0x362: {  	(v2sf) =	vpush v19, $0x0;
	_ =	sdelay $0xe  }
0x363: {  	s1 =	spop (v2sf)  }
0x364: {  	p0 =	slt.s32 s1, $0x1  }
0x365: {  	s1 =	sadd.s32 $0x60, s30;
	v19 =	vlaneseq.u32 @!p0  }
0x366: {  	vm4 =	vlt.f32 @!p0 v18, v16;
	v20 =	vor.u32 @!p0 s1, v19  }
0x367: {  	v18 =	vnsel @!p0 vm4, $0x7F800000, v18;
	v20 =	vnsel @!p0 vm4, $0x0, v20  }
0x368: {  	(xrf1) =	vsort.ascd.msk.f32 @!p0 $0xffff, v18, v20;
	_ =	sdelay $0xb  }
0x369: {  	v18 =	vmul.u32 @!p0 $0xFFFFFFFF, v19;
	_ =	sdelay $0x1  }
0x36a: {  	v18 =	vadd.s32 @!p0 $0xF, v18;
	v19, v20, _ =	vpop @!p0 (xrf1)  }
0x36b: {  	v19 =	vperm.xlane @!p0 v19, v18  }
0x36c: {  	v20 =	vperm.xlane @!p0 v20, v18  }
0x36d: {  	vm4 =	vle.f32 @!p0 v14, v19  }
0x36e: {  	v21 =	vmin.f32 @!p0 v14, v19;
	v22 =	vsel @!p0 vm4, v15, v20  }
0x36f: {  	v19 =	vmax.f32 @!p0 v14, v19;
	v20 =	vsel @!p0 vm4, v20, v15;
	(xrf1) =	vsort.ascd.msk.f32 @!p0 $0xffff, v21, v22  }
0x370: {  	(xrf1) =	vsort.ascd.msk.f32 @!p0 $0xffff, v19, v20;
	_ =	sdelay $0xc  }
0x371: {  	v19, v20, _ =	vpop @!p0 (xrf1)  }
0x372: {  	v21, v22, _ =	vpop @!p0 (xrf1)  }
0x373: {  	v21 =	vperm.xlane @!p0 v21, v18  }
0x374: {  	v18 =	vperm.xlane @!p0 v22, v18  }
0x375: {  	vm4 =	vle.f32 @!p0 v12, v21  }
0x376: {  	v21 =	vmin.f32 @!p0 v12, v21;
	v18 =	vsel @!p0 vm4, v13, v18  }
0x377: {  	(xrf1) =	vsort.ascd.msk.f32 @!p0 $0xffff, v21, v18;
	_ =	sdelay $0xd  }
0x378: {  	v18, v21, _ =	vpop @!p0 (xrf1)  }
0x379: {  	v22 =	vbroadcast @!p0 v18, $0xF;
	_ =	sdelay $0x1  }
0x37a: {  	v16 =	vpsel p0, v16, v22  }
0x37b: {  	vm4 =	vlt.f32 v17, v16  }
0x37c: {  	v63 =	vmpcnt.ones.xlane vm4;
	_ =	sdelay $0x1  }
0x37d: {  	(v2sf) =	vpush v63, $0x0;
	_ =	sdelay $0xe  }
0x37e: {  	s1 =	spop (v2sf)  }
0x37f: {  	p1 =	slt.s32 s1, $0x1  }
0x380: {  	s1 =	sadd.s32 $0x70, s30;
	v22 =	vlaneseq.u32 @!p1  }
0x381: {  	vm4 =	vlt.f32 @!p1 v17, v16;
	v23 =	vor.u32 @!p1 s1, v22  }
0x382: {  	v17 =	vnsel @!p1 vm4, $0x7F800000, v17;
	v23 =	vnsel @!p1 vm4, $0x0, v23  }
0x383: {  	(xrf1) =	vsort.ascd.msk.f32 @!p1 $0xffff, v17, v23;
	_ =	sdelay $0xb  }
0x384: {  	v17 =	vmul.u32 @!p1 $0xFFFFFFFF, v22;
	_ =	sdelay $0x1  }
0x385: {  	v17 =	vadd.s32 @!p1 $0xF, v17;
	v22, v23, _ =	vpop @!p1 (xrf1)  }
0x386: {  	v22 =	vperm.xlane @!p1 v22, v17  }
0x387: {  	v14 =	vpsel p0, v14, v19;
	v19 =	vperm.xlane @!p1 v23, v17  }
0x388: {  	v15 =	vpsel p0, v15, v20;
	vm4 =	vle.f32 @!p1 v14, v22  }
0x389: {  	v20 =	vmin.f32 @!p1 v14, v22;
	v23 =	vsel @!p1 vm4, v15, v19  }
0x38a: {  	v22 =	vmax.f32 @!p1 v14, v22;
	v19 =	vsel @!p1 vm4, v19, v15;
	(xrf1) =	vsort.ascd.msk.f32 @!p1 $0xffff, v20, v23  }
0x38b: {  	(xrf1) =	vsort.ascd.msk.f32 @!p1 $0xffff, v22, v19;
	_ =	sdelay $0xc  }
0x38c: {  	v19, v20, _ =	vpop @!p1 (xrf1)  }
0x38d: {  	v22, v23, _ =	vpop @!p1 (xrf1)  }
0x38e: {  	v22 =	vperm.xlane @!p1 v22, v17  }
0x38f: {  	v12 =	vpsel p0, v12, v18;
	v17 =	vperm.xlane @!p1 v23, v17  }
0x390: {  	v13 =	vpsel p0, v13, v21;
	vm4 =	vle.f32 @!p1 v12, v22  }
0x391: {  	v18 =	vmin.f32 @!p1 v12, v22;
	v17 =	vsel @!p1 vm4, v13, v17  }
0x392: {  	(xrf1) =	vsort.ascd.msk.f32 @!p1 $0xffff, v18, v17;
	_ =	sdelay $0xc  }
.Ltmp17:
0x393: {  	_ = 	snop;
	(pc) =	sbr.rel .LBB2_21-.Ltmp17, $4  }
0x394: {  	v17, v18, _ =	vpop @!p1 (xrf1)  }
0x395: {  	v21 =	vbroadcast @!p1 v17, $0xF  }
0x396: {  	v14 =	vpsel p1, v14, v19;
	v15 =	vpsel p1, v15, v20  }
0x397: {  	v12 =	vpsel p1, v12, v17;
	v13 =	vpsel p1, v13, v18;
	v16 =	vpsel p1, v16, v21  }
.LBB2_24:
0x398: {  	_ =	sfence.sel $0x180000  }
0x399: {  	[bflag:$0x0] =	sbarrier.arrive $0xFFFF  }
0x39a: {  	_ =	strace $0x9000004A  }
0x39b: {  	[bflag:$0x2] =	sbarrier.arrive $0xFFFF  }
0x39c: {  	p0 =	sne.s32 s0, $0x0;
	s0 =	rddreg [dreg:$0x2]  }
0x39d: {  	s0 =	sadd.s32 @!p0 $0x100000, s0  }
0x39e: {  	[sflag:s0] =	ssyncadd.tile.s32 @!p0 $0x1;
	_ =	shalt  }
.Lfunc_end2:
_tile_overlayer_lowered:
.L_overlay_start_2:
0x39f: {  	(tag) =	ssettag $0x2  }
0x3a0: {  	s0 =	rddreg [dreg:$0x0];
	s2 =	stileid.u32  }
0x3a1: {  	s1 =	rddreg [dreg:$0x1];
	p0 =	sne.s32 s2, $0x0  }
0x3a2: {  	s3 =	rddreg [dreg:$0x2];
	[bflag:$0x3] =	sbarrier.arrive $0xFFFF;
	s2 =	simm.s32 @!p0 $0x1C03  }
0x3a3: {  	[timem:s3], [sflag:s2] =	dma.local @!p0 [hbm:s0], s1  }
0x3a4: {  	s0 =	simm.s32 @!p0 $0x3  }
0x3a5: {  	_ =	swait.ge @!p0 [sflag:s0], s1  }
0x3a6: {  	s1 =	ssub.s32 @!p0 $0x0, s1;
	[sflag:s0] =	ssyncset.done @!p0 $0x0  }
0x3a7: {  	[sflag:s0] =	ssyncadd.s32 @!p0 s1  }
0x3a8: {  	[bflag:$0x3] =	sbarrier.arrive $0xFFFF  }
0x3a9: {  	_ =	shalt  }

// kernel: sparse-core-data-format-call.cloned.1.call-start
scs
called_computation_lowered:
.L_overlay_start_0:
0x0: {  	s1 =	sld [smem:$0x3FD9]  }
0x1: {  	s2 =	sld [smem:$0x3FFE];
	_ =	sdelay $0x1  }
0x2: {  	s3 =	srdreg.scid  }
0x3: {  	s0 =	sand.u32 $0x1, s3  }
0x4: {  	s17 =	sshll.u32 s0, $0xA;
	s1 =	sadd.s32 s2, s1  }
0x5: {  	s1 =	sadd.s32 s1, s17  }
0x6: {  	[smem:$0x3FC5] =	sst s1  }
0x7: {  	_ = 	snop  }
0x8: {  	(tm) =	ssettm $0x1  }
0x9: {  	s18 =	sld [smem:$0x3FFB];
	_ =	sdelay $0x3  }
0xa: {  	_ =	strace s18  }
0xb: {  	s1 =	sld [smem:$0x3FFC];
	_ =	sdelay $0x3  }
0xc: {  	_ =	strace s1  }
0xd: {  	s1 =	sld [smem:$0x3FFD];
	_ =	sdelay $0x3  }
0xe: {  	_ =	strace s1  }
0xf: {  	_ =	strace $0x8FFFFFFF  }
0x10: {  	s19 =	sld [smem:$0x3FDB];
	_ =	sdelay $0x1  }
0x11: {  	s20 =	simm.s32 $_scs_section_size  }
0x12: {  	s4 =	simm.s32 $_size__tile_overlayer_lowered;
	s5 =	simm.s32 $_tile_overlayer_lowered  }
0x13: {  	s23 =	simm.s32 $0x1BFF;
	s22 =	sshll.u32 s5, $0x1;
	s1 =	sadd.s32 s20, s19  }
0x14: {  	s6 =	simm.s32 $0x0;
	s21 =	sshll.u32 s4, $0x1;
	s4 =	sadd.s32 s22, s1  }
0x15: {  	[timem:s6], [sflag:s23] =	dma.local [hbm:s4], s21  }
0x16: {  	_ =	swait.ge [sflag:s23], s21  }
0x17: {  	s2 =	ssub.s32 $0x0, s21;
	[sflag:s23] =	ssyncset.done $0x0  }
0x18: {  	[sflag:s23] =	ssyncadd.s32 s2;
	_ =	sdelay $0x1  }
0x19: {  	s24 =	simm.s32 $0x1B8B  }
0x1a: {  	_ =	swait.ge [sflag:s24], $0x1  }
0x1b: {  	[sflag:s24] =	ssyncset.done $0x0  }
0x1c: {  	s26 =	simm.s32 $0x1B8E;
	s25 =	sld [smem:$0x3FFE];
	[sflag:s24] =	ssyncadd.s32 $0xFFFFFFFF  }
0x1d: {  	s27 =	simm.s32 $execute0_lowered;
	[smem:$0x3FD2] =	sst s26  }
0x1e: {  	s4 =	sshll.u32 s27, $0x1;
	_ =	strace $0x80000046;
	[dreg:$0x1] =	wrdreg $0xFFFFFFFF  }
0x1f: {  	s28 =	simm.s32 $_size_execute0_lowered;
	s1 =	sadd.s32 s1, s4;
	[dreg:$0x0] =	wrdreg $0x0  }
0x20: {  	s4 =	sshll.u32 s28, $0x1;
	[dreg:$0x2] =	wrdreg s1  }
0x21: {  	[dreg:$0x3] =	wrdreg s4  }
0x22: {  	[dreg:$0x4] =	wrdreg $0xC0  }
0x23: {  	_ =	task [dreg:s6], $0x5FFFF  }
0x24: {  	[dreg:$0x1] =	wrdreg $0xFFFFFFFF  }
0x25: {  	[dreg:$0x0] =	wrdreg $0x60  }
0x26: {  	[dreg:$0x2] =	wrdreg s25  }
0x27: {  	[dreg:$0x3] =	wrdreg $0x9  }
0x28: {  	_ =	task.clear_ibuf [dreg:s6], $0x4FFFF;
	_ =	strace $0x90000046  }
0x29: {  	s29 =	simm.s32 $0x9;
	_ =	strace $0x80000048  }
0x2a: {  	_ =	swait.ge [sflag:s29], $0x1  }
0x2b: {  	[sflag:s29] =	ssyncadd.s32 $0xFFFFFFFF  }
0x2c: {  	_ =	strace $0x90000048  }
0x2d: {  	_ =	sfence  }
0x2e: {  	s30 =	sld [smem:$0x0];
	_ =	sdelay $0x2  }
0x2f: {  	s31 =	sshll.u32 s3, $0xD;
	s3 =	sshrl.u32 s3, $0x2  }
0x30: {  	s2 =	sand.u32 $0x4000, s31;
	s1 =	sadd.s32 s3, s30  }
0x31: {  	s0 =	sor.u32 s2, s0;
	s1 =	sshll.u32 s1, $0x11  }
0x32: {  	s0 =	sor.u32 s1, s0  }
0x33: {  	s0 =	sadd.s32 $0x8F2B, s0  }
0x34: {  	[sflag:s0] =	ssyncadd.remote.s32 $0x1  }
0x35: {  	_ =	sfence.sel $0xFFFF  }
0x36: {  	[dreg:$0x0] =	wrdreg $0xFFFFFFFF;
	(pc) =	sbr.abs _section_cstart, $3  }
0x37: {  	[dreg:$0x1] =	wrdreg $0xFFFFFFFF  }
0x38: {  	_ =	task.clear_ibuf [dreg:s6], $0x2FFFF;
	_ =	strace $0x9FFFFFFF  }
0x39: {  	(tm) =	ssettm $0x7FFFFFFF  }
tec
execute0_lowered:
.L_overlay_start_1:
0x0: {  	(tag) =	ssettag $0x1  }
0x1: {  	s1 =	rddreg [dreg:$0x0]  }
0x2: {  	s0 =	rddreg [dreg:$0x1]  }
0x3: {  	_ =	strace $0x80000047;
	s4 =	srdreg.scid;
	s6 =	simm.s32 $0x2  }
0x4: {  	s11 =	simm.s32 $0x0;
	p0 =	por $0x0, $0x0;
	s7 =	simm.s32 $0x2000  }
.Ltmp0:
0x5: {  	s12 =	simm.s32 $0x0;
	s9 =	simm.s32 $0x0;
	(pc) =	sbr.rel .LBB1_1-.Ltmp0, $4  }
0x6: {  	s2 =	sadd.s32 $0x1200, s1;
	s3 =	sadd.s32 $0x401200, s1;
	s5 =	sshll.u32 s4, $0x4  }
0x7: {  	s1 =	stileid.u32;
	s4 =	simm.s32 $0x1;
	s5 =	sand.u32 $0x10, s5  }
0x8: {  	s8 =	simm.s32 $0x0;
	[sflag:s4] =	ssyncpa.u1 $0x0;
	s5 =	sor.u32 s1, s5  }
0x9: {  	[sflag:s6] =	ssyncpa.u1 $0x0;
	s6 =	simm.s32 $0x800;
	s10 =	smov.u32 s5  }
.LBB1_7:
0xa: {  	s13 =	sadd.s32 $0x10, s9  }
0xb: {  	s11 =	sadd.s32 $0x20, s10;
	s15 =	smov.u32 s10;
	p2 =	sgt.s32 s13, $0x3F  }
0xc: {  	p1 =	slt.u32 s8, $0x2;
	s15 =	smov.u32 @p2 s11  }
0xd: {  	s8 =	sadd.s32 $0x1, s8;
	s13 =	simm.s32 @p2 $0x0;
	p2 =	sgt.s32 s15, $0x1FF  }
0xe: {  	s15 =	smov.u32 @p2 s5;
	p2 =	sne.s32 s8, $0x42  }
.Ltmp1:
0xf: {  	_ = 	snop;
	(pc) =	sbr.rel @!p2 .LBB1_8-.Ltmp1, $4  }
0x10: {  	s14 =	simm.s32 @!p1 $0x2  }
0x11: {  	s12 =	smov.u32 s10;
	_ =	swait.ge @!p1 [sflag:s14], $0x4000  }
0x12: {  	p0 =	por !p0, !p0;
	s11 =	smov.u32 s9;
	[sflag:s14] =	ssyncset.done @!p1 $0x0  }
0x13: {  	s9 =	smov.u32 s13;
	[sflag:s14] =	ssyncadd.s32 @!p1 $0xFFFFC000;
	s10 =	smov.u32 s15  }
.LBB1_1:
0x14: {  	p1 =	sgt.u32 s8, $0x3F  }
0x15: {  	s13 =	sxor.u32 @!p1 $0xFFFFFFFF, s8;
	s14 =	sshll.u32 @!p1 s10, $0xD  }
0x16: {  	s15 =	sshll.u32 @!p1 s9, $0x7;
	s13 =	sshll.u32 @!p1 s13, $0xE;
	s14 =	sadd.s32 @!p1 s2, s14  }
0x17: {  	s13 =	sand.u32 @!p1 $0x4000, s13;
	s14 =	sadd.s32 @!p1 s15, s14;
	s15 =	simm.s32 @!p1 $0x0  }
0x18: {  	[tilespmem:s13], [sflag:$0x1] =	stream.linear.gather @!p1 [hbm4b:s14+s15], $0x4000, $0x38;
	[tilespmem:$0x10000] =	vst v63  }
0x19: {  	p1 =	seq.s32 s8, $0x0  }
0x1a: {  	p2 =	seq.s32 @!p1 s8, $0x41  }
0x1b: {  	p1 =	por p1, p2  }
.Ltmp2:
0x1c: {  	_ = 	snop;
	(pc) =	sbr.rel @p1 .LBB1_7-.Ltmp2, $1  }
0x1d: {  	_ =	sdelay $0x3  }
0x1e: {  	s13 =	simm.s32 $0x1;
	_ =	swait.ge [sflag:s4], $0x4000;
	s16 =	sshll.u32 s8, $0xE  }
0x1f: {  	s13 =	simm.s32 @!p0 $0x0;
	[sflag:s4] =	ssyncset.done $0x0;
	s31 =	sand.u32 $0x4000, s16  }
0x20: {  	s16 =	simm.s32 $0x0;
	s14 =	sshll.u32 s13, $0xE;
	[sflag:s4] =	ssyncadd.s32 $0xFFFFC000  }
0x21: {  	s13 =	sor.u32 $0x8040, s14;
	s15 =	sor.u32 $0x40, s14;
	s14 =	sor.u32 $0x8000, s31  }
.LBB1_3:
0x22: {  	v0 =	vmov s15;
	_ =	sdelay $0x3  }
0x23: {  	s18 =	simm.s32 $0x0  }
0x24: {  	v6 =	vld.idx.msk [tilespmem:v0+s18+$0x30 ss:$0x1], $0xffff  }
0x25: {  	v7 =	vld.idx.msk [tilespmem:v0+s18+$0xFFFFFFC0 ss:$0x1], $0xffff  }
0x26: {  	v5 =	vld.idx.msk [tilespmem:v0+s18+$0xFFFFFFD0 ss:$0x1], $0xffff  }
0x27: {  	v4 =	vld.idx.msk [tilespmem:v0+s18+$0xFFFFFFE0 ss:$0x1], $0xffff  }
0x28: {  	v3 =	vld.idx.msk [tilespmem:v0+s18+$0xFFFFFFF0 ss:$0x1], $0xffff  }
0x29: {  	v1 =	vld.idx.msk [tilespmem:v0+s18+$0x0 ss:$0x1], $0xffff  }
0x2a: {  	v2 =	vld.idx.msk [tilespmem:v0+s18+$0x10 ss:$0x1], $0xffff;
	[tilespmem:s13+$0x30] =	vst v6  }
0x2b: {  	s17 =	simm.s32 $0x80;
	s19 =	simm.s32 $0x400;
	[tilespmem:s13+$0xFFFFFFC0] =	vst v7;
	v6 =	vld.idx.msk [tilespmem:v0+s18+$0x20 ss:$0x1], $0xffff;
	s18 =	smov.u32 s13  }
.LBB1_4:
0x2c: {  	p1 =	sne.s32 s19, $0xE00;
	v7 =	vld.idx.msk [tilespmem:v0+s17+$0x30 ss:$0x1], $0xffff;
	[tilespmem:s18+$0xFFFFFFD0] =	vst v5  }
0x2d: {  	v8 =	vld.idx.msk [tilespmem:v0+s17+$0xFFFFFFC0 ss:$0x1], $0xffff;
	[tilespmem:s18+$0xFFFFFFE0] =	vst v4  }
0x2e: {  	v5 =	vld.idx.msk [tilespmem:v0+s17+$0xFFFFFFD0 ss:$0x1], $0xffff;
	[tilespmem:s18+$0xFFFFFFF0] =	vst v3  }
.Ltmp3:
0x2f: {  	v4 =	vld.idx.msk [tilespmem:v0+s17+$0xFFFFFFE0 ss:$0x1], $0xffff;
	[tilespmem:s18+$0x0] =	vst v1;
	(pc) =	sbr.rel @p1 .LBB1_4-.Ltmp3, $4  }
0x30: {  	v3 =	vld.idx.msk [tilespmem:v0+s17+$0xFFFFFFF0 ss:$0x1], $0xffff;
	[tilespmem:s18+$0x10] =	vst v2  }
0x31: {  	v1 =	vld.idx.msk [tilespmem:v0+s17+$0x0 ss:$0x1], $0xffff;
	[tilespmem:s18+$0x20] =	vst v6;
	s18 =	sadd.s32 $0x800, s18  }
0x32: {  	v2 =	vld.idx.msk [tilespmem:v0+s17+$0x10 ss:$0x1], $0xffff;
	[tilespmem:s18+$0x30] =	vst v7  }
0x33: {  	[tilespmem:s18+$0xFFFFFFC0] =	vst v8;
	v6 =	vld.idx.msk [tilespmem:v0+s17+$0x20 ss:$0x1], $0xffff;
	s17 =	sshra.s32 s19, $0x2;
	s19 =	sadd.s32 $0x200, s19  }
0x34: {  	_ =	sdelay $0x2  }
0x35: {  	[tilespmem:s18+$0xFFFFFFD0] =	vst v5  }
0x36: {  	v56 =	vld.idx.msk [tilespmem:v0+s17+$0x30 ss:$0x1], $0xffff;
	[tilespmem:s18+$0xFFFFFFE0] =	vst v4  }
0x37: {  	v57 =	vld.idx.msk [tilespmem:v0+s17+$0xFFFFFFC0 ss:$0x1], $0xffff;
	[tilespmem:s18+$0xFFFFFFF0] =	vst v3  }
0x38: {  	v58 =	vld.idx.msk [tilespmem:v0+s17+$0xFFFFFFD0 ss:$0x1], $0xffff;
	[tilespmem:s18+$0x0] =	vst v1  }
0x39: {  	v59 =	vld.idx.msk [tilespmem:v0+s17+$0xFFFFFFE0 ss:$0x1], $0xffff;
	[tilespmem:s18+$0x10] =	vst v2  }
0x3a: {  	v60 =	vld.idx.msk [tilespmem:v0+s17+$0xFFFFFFF0 ss:$0x1], $0xffff;
	s31 =	sadd.s32 $0x800, s18;
	[tilespmem:s18+$0x20] =	vst v6  }
0x3b: {  	v61 =	vld.idx.msk [tilespmem:v0+s17+$0x0 ss:$0x1], $0xffff;
	[tilespmem:s31+$0x30] =	vst v56  }
0x3c: {  	v62 =	vld.idx.msk [tilespmem:v0+s17+$0x10 ss:$0x1], $0xffff;
	s16 =	sadd.s32 $0x1, s16;
	[tilespmem:s31+$0xFFFFFFC0] =	vst v57  }
0x3d: {  	v63 =	vld.idx.msk [tilespmem:v0+s17+$0x20 ss:$0x1], $0xffff;
	p1 =	sne.s32 s16, $0x10;
	[tilespmem:s31+$0xFFFFFFD0] =	vst v58  }
.Ltmp4:
0x3e: {  	[tilespmem:s31+$0xFFFFFFE0] =	vst v59;
	(pc) =	sbr.rel @p1 .LBB1_3-.Ltmp4, $4  }
0x3f: {  	[tilespmem:s31+$0xFFFFFFF0] =	vst v60  }
0x40: {  	[tilespmem:s31+$0x0] =	vst v61  }
0x41: {  	[tilespmem:s31+$0x10] =	vst v62  }
0x42: {  	s13 =	sadd.s32 $0x80, s13;
	s15 =	sadd.s32 $0x400, s15;
	[tilespmem:s31+$0x20] =	vst v63  }
.Ltmp5:
0x43: {  	(pc) =	sbr.rel .LBB1_7-.Ltmp5, $4  }
0x44: {  	s12 =	sshll.u32 s12, $0xD;
	s11 =	sshll.u32 s11, $0x4  }
0x45: {  	s11 =	sand.u32 $0x3F0, s11;
	s12 =	sadd.s32 s3, s12  }
0x46: {  	s11 =	sadd.s32 s11, s12  }
0x47: {  	[hbm4b:s11+s6] =	stream.strided.scatter [tilespmem:s14], [sflag:$0x2], $0x4000, s7, s6, $0x38;
	[tilespmem:$0x10000] =	vst v63  }
.LBB1_8:
0x48: {  	_ =	sfence.sel $0x180000  }
0x49: {  	s2 =	simm.s32 $0x1;
	[bflag:$0x0] =	sbarrier.arrive $0xFFFF  }
0x4a: {  	s31 =	simm.s32 $0x2;
	[sflag:s2] =	ssyncpa.u1 $0x1  }
0x4b: {  	[sflag:s31] =	ssyncpa.u1 $0x1  }
0x4c: {  	p0 =	sne.s32 s1, $0x0;
	_ =	strace $0x90000047  }
0x4d: {  	s0 =	sadd.s32 @!p0 $0x100000, s0;
	[bflag:$0x2] =	sbarrier.arrive $0xFFFF  }
0x4e: {  	[sflag:s0] =	ssyncadd.tile.s32 @!p0 $0x1;
	_ =	shalt  }
.Lfunc_end1:
_tile_overlayer_lowered:
.L_overlay_start_2:
0x4f: {  	(tag) =	ssettag $0x2  }
0x50: {  	s0 =	rddreg [dreg:$0x0];
	s2 =	stileid.u32  }
0x51: {  	s1 =	rddreg [dreg:$0x1];
	p0 =	sne.s32 s2, $0x0  }
0x52: {  	s3 =	rddreg [dreg:$0x2];
	[bflag:$0x3] =	sbarrier.arrive $0xFFFF;
	s2 =	simm.s32 @!p0 $0x1C01  }
0x53: {  	[timem:s3], [sflag:s2] =	dma.local @!p0 [hbm:s0], s1  }
0x54: {  	s0 =	simm.s32 @!p0 $0x1  }
0x55: {  	_ =	swait.ge @!p0 [sflag:s0], s1  }
0x56: {  	s1 =	ssub.s32 @!p0 $0x0, s1;
	[sflag:s0] =	ssyncset.done @!p0 $0x0  }
0x57: {  	[sflag:s0] =	ssyncadd.s32 @!p0 s1  }
0x58: {  	[bflag:$0x3] =	sbarrier.arrive $0xFFFF  }
0x59: {  	_ =	shalt  }

</sc_bundles>
